<compile_context>
chip_gen: v7x
topology: tpu7x:2x2x1
jax: 0.10.2.dev20260603
libtpu: 0.0.44.dev20260713+nightly
codegen_flags: <defaults>
</compile_context>

<pallas_src>
import functools

import jax
import jax.numpy as jnp
from jax import lax
from jax.experimental import pallas as pl
from jax.experimental.pallas import tpu as pltpu
from jax.experimental.pallas import tpu_sc as plsc

VOCAB = 68
D = 1024
L = 2048
B = 32
B_SC = 4
B_TC = B - B_SC
NC = 2
NS = 16
NW = NC * NS
CL = 32
NRANGE = L // CL // NW
DV = D // 16
VP = 128
TB = 2048


def _positional_encoding():
    pos = jnp.arange(L, dtype=jnp.float32)[:, None]
    i = jnp.arange(0, D, 2, dtype=jnp.float32)
    denom = jnp.power(10000.0, i / D)
    ang = pos / denom[None, :]
    return jnp.stack([jnp.sin(ang), jnp.cos(ang)], axis=2).reshape(L, D)


def _sc_call(x_flat, pe, table):
    mesh = plsc.VectorSubcoreMesh(core_axis_name="c", subcore_axis_name="s")

    @functools.partial(
        pl.kernel,
        mesh=mesh,
        out_type=jax.ShapeDtypeStruct((B_SC * L, D), jnp.float32),
        scratch_types=[
            pltpu.VMEM((B_SC, CL), jnp.int32),
            pltpu.VMEM((CL, D), jnp.float32),
            pltpu.VMEM((CL, D), jnp.float32),
            pltpu.VMEM((CL, D), jnp.float32),
            pltpu.SemaphoreType.DMA,
            pltpu.SemaphoreType.DMA,
            pltpu.SemaphoreType.DMA,
            pltpu.SemaphoreType.DMA,
            pltpu.SemaphoreType.DMA,
        ],
    )
    def emb_kernel(x_hbm, pe_hbm, table_hbm, out_hbm,
                   idx_v, rows_a, rows_b, pe_v,
                   gsem_a, gsem_b, wsem_a, wsem_b, isem):
        cid = lax.axis_index("c")
        sid = lax.axis_index("s")
        wid = sid * NC + cid

        def gather(b, rows, gsem):
            pltpu.async_copy(table_hbm.at[idx_v.at[b]], rows, gsem)

        def gather_wait(rows, gsem):
            pltpu.make_async_copy(table_hbm.at[idx_v.at[0]], rows, gsem).wait()

        def add_pe(rows):
            def row_body(r, c2):
                for k in range(DV):
                    v = pe_v[r, pl.ds(16 * k, 16)]
                    plsc.addupdate(rows.at[r, pl.ds(16 * k, 16)], v)
                return c2
            lax.fori_loop(0, CL, row_body, 0)

        def writeout(b, l0, rows, wsem):
            pltpu.async_copy(rows, out_hbm.at[pl.ds(b * L + l0, CL)], wsem)

        def writeout_wait(rows, wsem):
            pltpu.make_async_copy(rows, out_hbm.at[pl.ds(0, CL)], wsem).wait()

        for rng in range(NRANGE):
            l0 = (rng * NW + wid) * CL
            for b in range(B_SC):
                pltpu.async_copy(x_hbm.at[pl.ds((B_TC + b) * L + l0, CL)],
                                 idx_v.at[b], isem)
            pltpu.sync_copy(pe_hbm.at[pl.ds(l0, CL)], pe_v)
            for b in range(B_SC):
                pltpu.make_async_copy(x_hbm.at[pl.ds((B_TC + b) * L + l0, CL)],
                                      idx_v.at[b], isem).wait()
            gather(0, rows_a, gsem_a)

            def pair_body(j, carry):
                b0 = 2 * j
                @pl.when(j > 0)
                def _wb():
                    writeout_wait(rows_b, wsem_b)
                gather(b0 + 1, rows_b, gsem_b)
                gather_wait(rows_a, gsem_a)
                add_pe(rows_a)
                writeout(b0, l0, rows_a, wsem_a)
                writeout_wait(rows_a, wsem_a)
                @pl.when(j < B_SC // 2 - 1)
                def _g():
                    gather(b0 + 2, rows_a, gsem_a)
                gather_wait(rows_b, gsem_b)
                add_pe(rows_b)
                writeout(b0 + 1, l0, rows_b, wsem_b)
                return carry

            lax.fori_loop(0, B_SC // 2, pair_body, 0)
            writeout_wait(rows_b, wsem_b)

    return emb_kernel(x_flat, pe, table)


def _tc_body(x_ref, tab_ref, pe_ref, o_ref):
    xv = x_ref[...]
    iot = lax.broadcasted_iota(jnp.int32, (TB, VP), 1)
    onehot = (iot == xv).astype(jnp.float32)
    emb = jnp.dot(onehot, tab_ref[...], preferred_element_type=jnp.float32)
    o_ref[...] = emb + pe_ref[...]


def _tc_call(x_col, tab_pad, pe):
    return pl.pallas_call(
        _tc_body,
        grid=(B_TC * L // TB,),
        in_specs=[
            pl.BlockSpec((TB, 1), lambda j: (j, 0)),
            pl.BlockSpec((VP, D), lambda j: (0, 0)),
            pl.BlockSpec((TB, D), lambda j: (0, 0)),
        ],
        out_specs=pl.BlockSpec((TB, D), lambda j: (j, 0)),
        out_shape=jax.ShapeDtypeStruct((B_TC * L, D), jnp.float32),
    )(x_col, tab_pad, pe)


def kernel(x, table):
    pe = _positional_encoding()
    x_flat = x.reshape(B * L).astype(jnp.int32)
    x_col = x.reshape(B * L, 1).astype(jnp.int32)
    tab_pad = jnp.zeros((VP, D), jnp.float32).at[:VOCAB].set(table)

    out_sc = _sc_call(x_flat, pe, table)
    out_tc = _tc_call(x_col, tab_pad, pe)
    out = jnp.concatenate([out_tc, out_sc], axis=0)
    return out.reshape(B, L, D)

# --- scband reference (transcript-rebuilt; emitter-appended) ---
"""Pipeline reference for scband-sentence-embedding-28509992911350 (READ-ONLY COPY).

The authoritative reference and input builder live on the scoring server;
editing this copy changes nothing except your own understanding.
"""

import jax, jax.numpy as jnp
import numpy as np

VOCAB = 68
D_MODEL = 1024
MAX_LEN = 2048
BATCH = 32


def positional_encoding(max_len, d_model):
    pos = jnp.arange(max_len, dtype=jnp.float32)[:, None]
    i = jnp.arange(0, d_model, 2, dtype=jnp.float32)
    denom = jnp.power(10000.0, i / d_model)
    ang = pos / denom[None, :]
    # interleave sin/cos: pe[:, 0::2] = sin, pe[:, 1::2] = cos
    pe = jnp.stack([jnp.sin(ang), jnp.cos(ang)], axis=2).reshape(max_len, d_model)
    return pe


def setup_inputs(seed: int = 0) -> dict:
    key = jax.random.key(seed)
    k1, k2 = jax.random.split(key)
    # pre-tokenized character indices (batch_tokenize output); values < vocab_size=68
    x = jax.random.randint(k1, (BATCH, MAX_LEN), 0, VOCAB)
    # learned embedding table per init_kwargs: nn.Embedding(vocab_size=68, d_model=1024)
    table = jax.random.normal(k2, (VOCAB, D_MODEL), dtype=jnp.float32)
    return {"x": x, "table": table}


def reference(x, table):
    # embedding lookup (gather)
    emb = jnp.take(table, x, axis=0)  # [B, L, D]
    # add positional encoding
    pe = positional_encoding(MAX_LEN, D_MODEL)  # [L, D]
    out = emb + pe[None, :, :]
    # dropout(p=0.1) is identity in eval mode
    return out

if __name__ == "__main__":
    import jax
    _d = setup_inputs()
    print(jax.jit(kernel)(*tuple(_d.values())))

</pallas_src>

<mosaic_0001>
#map = affine_map<(d0, d1) -> (0)>
#map1 = affine_map<(d0, d1) -> (0, 0)>
module attributes {stable_mosaic.version = 14 : i64} {
  func.func @emb_kernel(%arg0: i32, %arg1: i32, %arg2: memref<65536xi32, #tpu.memory_space<hbm>>, %arg3: memref<2048x1024xf32, #tpu.memory_space<hbm>>, %arg4: memref<68x1024xf32, #tpu.memory_space<hbm>>, %arg5: memref<8192x1024xf32, #tpu.memory_space<hbm>>, %arg6: memref<4x32xi32, #tpu.memory_space<vmem>>, %arg7: memref<32x1024xf32, #tpu.memory_space<vmem>>, %arg8: memref<32x1024xf32, #tpu.memory_space<vmem>>, %arg9: memref<32x1024xf32, #tpu.memory_space<vmem>>, %arg10: memref<!tpu.dma_semaphore, #tpu.memory_space<semaphore_mem>>, %arg11: memref<!tpu.dma_semaphore, #tpu.memory_space<semaphore_mem>>, %arg12: memref<!tpu.dma_semaphore, #tpu.memory_space<semaphore_mem>>, %arg13: memref<!tpu.dma_semaphore, #tpu.memory_space<semaphore_mem>>, %arg14: memref<!tpu.dma_semaphore, #tpu.memory_space<semaphore_mem>>) attributes {dimension_semantics = [#tpu.dimension_semantics<core_parallel>, #tpu.dimension_semantics<subcore_parallel>], iteration_bounds = array<i64: 2, 16>, scalar_prefetch = 0 : i64, scratch_operands = 9 : i64, tpu.core_type = #tpu.core_type<sc_vector_subcore>, window_params = [{transform_indices = #map}, {transform_indices = #map1}, {transform_indices = #map1}, {transform_indices = #map1}]} {
    %mul3A = arith.constant 2 : i32
    %mul3A_0 = arith.muli %arg1, %mul3A : i32
    %add3A = arith.addi %mul3A_0, %arg0 : i32
    %add3A_1 = arith.constant 0 : i32
    %add3A_2 = arith.addi %add3A_1, %add3A : i32
    %mul3A_3 = arith.constant 32 : i32
    %mul3A_4 = arith.muli %add3A_2, %mul3A_3 : i32
    %add3A_5 = arith.constant 57344 : i32
    %add3A_6 = arith.addi %add3A_5, %mul3A_4 : i32
    %dma_start3A = arith.constant 0 : i32
    %dma_start3A_7 = arith.constant 0 : i32
    %dma_start3A_8 = tpu.memref_slice %arg6[%dma_start3A, %dma_start3A_7] : memref<4x32xi32, #tpu.memory_space<vmem>> -> memref<1x32xi32, #tpu.memory_space<vmem>>
    %dma_start3A_9 = tpu.memref_squeeze %dma_start3A_8 : memref<1x32xi32, #tpu.memory_space<vmem>> -> memref<32xi32, #tpu.memory_space<vmem>>
    %dma_start3A_10 = tpu.memref_slice %arg2[%add3A_6] : memref<65536xi32, #tpu.memory_space<hbm>> -> memref<32xi32, #tpu.memory_space<hbm>>
    %dma_start3A_11 = arith.constant 0 : i32
    %dma_start3A_12 = tpu.memref_slice %arg6[%dma_start3A, %dma_start3A_11] : memref<4x32xi32, #tpu.memory_space<vmem>> -> memref<1x32xi32, #tpu.memory_space<vmem>>
    %dma_start3A_13 = tpu.memref_squeeze %dma_start3A_12 : memref<1x32xi32, #tpu.memory_space<vmem>> -> memref<32xi32, #tpu.memory_space<vmem>>
    %dma_start3A_14 = tpu.memref_slice %arg2[%add3A_6] : memref<65536xi32, #tpu.memory_space<hbm>> -> memref<32xi32, #tpu.memory_space<hbm>>
    tpu.enqueue_dma source(%dma_start3A_14 : memref<32xi32, #tpu.memory_space<hbm>>) target(%dma_start3A_13 : memref<32xi32, #tpu.memory_space<vmem>>) target_semaphore(%arg14 : memref<!tpu.dma_semaphore, #tpu.memory_space<semaphore_mem>>)
    %add3A_15 = arith.constant 59392 : i32
    %add3A_16 = arith.addi %add3A_15, %mul3A_4 : i32
    %dma_start3A_17 = arith.constant 1 : i32
    %dma_start3A_18 = arith.constant 0 : i32
    %dma_start3A_19 = tpu.memref_slice %arg6[%dma_start3A_17, %dma_start3A_18] : memref<4x32xi32, #tpu.memory_space<vmem>> -> memref<1x32xi32, #tpu.memory_space<vmem>>
    %dma_start3A_20 = tpu.memref_squeeze %dma_start3A_19 : memref<1x32xi32, #tpu.memory_space<vmem>> -> memref<32xi32, #tpu.memory_space<vmem>>
    %dma_start3A_21 = tpu.memref_slice %arg2[%add3A_16] : memref<65536xi32, #tpu.memory_space<hbm>> -> memref<32xi32, #tpu.memory_space<hbm>>
    %dma_start3A_22 = arith.constant 0 : i32
    %dma_start3A_23 = tpu.memref_slice %arg6[%dma_start3A_17, %dma_start3A_22] : memref<4x32xi32, #tpu.memory_space<vmem>> -> memref<1x32xi32, #tpu.memory_space<vmem>>
    %dma_start3A_24 = tpu.memref_squeeze %dma_start3A_23 : memref<1x32xi32, #tpu.memory_space<vmem>> -> memref<32xi32, #tpu.memory_space<vmem>>
    %dma_start3A_25 = tpu.memref_slice %arg2[%add3A_16] : memref<65536xi32, #tpu.memory_space<hbm>> -> memref<32xi32, #tpu.memory_space<hbm>>
    tpu.enqueue_dma source(%dma_start3A_25 : memref<32xi32, #tpu.memory_space<hbm>>) target(%dma_start3A_24 : memref<32xi32, #tpu.memory_space<vmem>>) target_semaphore(%arg14 : memref<!tpu.dma_semaphore, #tpu.memory_space<semaphore_mem>>)
    %add3A_26 = arith.constant 61440 : i32
    %add3A_27 = arith.addi %add3A_26, %mul3A_4 : i32
    %dma_start3A_28 = arith.constant 2 : i32
    %dma_start3A_29 = arith.constant 0 : i32
    %dma_start3A_30 = tpu.memref_slice %arg6[%dma_start3A_28, %dma_start3A_29] : memref<4x32xi32, #tpu.memory_space<vmem>> -> memref<1x32xi32, #tpu.memory_space<vmem>>
    %dma_start3A_31 = tpu.memref_squeeze %dma_start3A_30 : memref<1x32xi32, #tpu.memory_space<vmem>> -> memref<32xi32, #tpu.memory_space<vmem>>
    %dma_start3A_32 = tpu.memref_slice %arg2[%add3A_27] : memref<65536xi32, #tpu.memory_space<hbm>> -> memref<32xi32, #tpu.memory_space<hbm>>
    %dma_start3A_33 = arith.constant 0 : i32
    %dma_start3A_34 = tpu.memref_slice %arg6[%dma_start3A_28, %dma_start3A_33] : memref<4x32xi32, #tpu.memory_space<vmem>> -> memref<1x32xi32, #tpu.memory_space<vmem>>
    %dma_start3A_35 = tpu.memref_squeeze %dma_start3A_34 : memref<1x32xi32, #tpu.memory_space<vmem>> -> memref<32xi32, #tpu.memory_space<vmem>>
    %dma_start3A_36 = tpu.memref_slice %arg2[%add3A_27] : memref<65536xi32, #tpu.memory_space<hbm>> -> memref<32xi32, #tpu.memory_space<hbm>>
    tpu.enqueue_dma source(%dma_start3A_36 : memref<32xi32, #tpu.memory_space<hbm>>) target(%dma_start3A_35 : memref<32xi32, #tpu.memory_space<vmem>>) target_semaphore(%arg14 : memref<!tpu.dma_semaphore, #tpu.memory_space<semaphore_mem>>)
    %add3A_37 = arith.constant 63488 : i32
    %add3A_38 = arith.addi %add3A_37, %mul3A_4 : i32
    %dma_start3A_39 = arith.constant 3 : i32
    %dma_start3A_40 = arith.constant 0 : i32
    %dma_start3A_41 = tpu.memref_slice %arg6[%dma_start3A_39, %dma_start3A_40] : memref<4x32xi32, #tpu.memory_space<vmem>> -> memref<1x32xi32, #tpu.memory_space<vmem>>
    %dma_start3A_42 = tpu.memref_squeeze %dma_start3A_41 : memref<1x32xi32, #tpu.memory_space<vmem>> -> memref<32xi32, #tpu.memory_space<vmem>>
    %dma_start3A_43 = tpu.memref_slice %arg2[%add3A_38] : memref<65536xi32, #tpu.memory_space<hbm>> -> memref<32xi32, #tpu.memory_space<hbm>>
    %dma_start3A_44 = arith.constant 0 : i32
    %dma_start3A_45 = tpu.memref_slice %arg6[%dma_start3A_39, %dma_start3A_44] : memref<4x32xi32, #tpu.memory_space<vmem>> -> memref<1x32xi32, #tpu.memory_space<vmem>>
    %dma_start3A_46 = tpu.memref_squeeze %dma_start3A_45 : memref<1x32xi32, #tpu.memory_space<vmem>> -> memref<32xi32, #tpu.memory_space<vmem>>
    %dma_start3A_47 = tpu.memref_slice %arg2[%add3A_38] : memref<65536xi32, #tpu.memory_space<hbm>> -> memref<32xi32, #tpu.memory_space<hbm>>
    tpu.enqueue_dma source(%dma_start3A_47 : memref<32xi32, #tpu.memory_space<hbm>>) target(%dma_start3A_46 : memref<32xi32, #tpu.memory_space<vmem>>) target_semaphore(%arg14 : memref<!tpu.dma_semaphore, #tpu.memory_space<semaphore_mem>>)
    "tpu.region"() ({
      %run_scoped3A = tpu.sem_alloc : memref<!tpu.dma_semaphore, #tpu.memory_space<semaphore_mem>>
      %dma_start3A_220 = arith.constant 0 : i32
      %dma_start3A_221 = tpu.memref_slice %arg3[%mul3A_4, %dma_start3A_220] : memref<2048x1024xf32, #tpu.memory_space<hbm>> -> memref<32x1024xf32, #tpu.memory_space<hbm>>
      %dma_start3A_222 = arith.constant 0 : i32
      %dma_start3A_223 = tpu.memref_slice %arg3[%mul3A_4, %dma_start3A_222] : memref<2048x1024xf32, #tpu.memory_space<hbm>> -> memref<32x1024xf32, #tpu.memory_space<hbm>>
      tpu.enqueue_dma source(%dma_start3A_223 : memref<32x1024xf32, #tpu.memory_space<hbm>>) target(%arg9 : memref<32x1024xf32, #tpu.memory_space<vmem>>) target_semaphore(%run_scoped3A : memref<!tpu.dma_semaphore, #tpu.memory_space<semaphore_mem>>)
      %dma_wait3A_224 = arith.constant 0 : i32
      %dma_wait3A_225 = tpu.memref_slice %arg3[%mul3A_4, %dma_wait3A_224] : memref<2048x1024xf32, #tpu.memory_space<hbm>> -> memref<32x1024xf32, #tpu.memory_space<hbm>>
      %dma_wait3A_226 = arith.constant 0 : i32
      %dma_wait3A_227 = tpu.memref_slice %arg3[%mul3A_4, %dma_wait3A_226] : memref<2048x1024xf32, #tpu.memory_space<hbm>> -> memref<32x1024xf32, #tpu.memory_space<hbm>>
      tpu.wait_dma2 semaphore(%run_scoped3A : memref<!tpu.dma_semaphore, #tpu.memory_space<semaphore_mem>>) src(%dma_wait3A_227 : memref<32x1024xf32, #tpu.memory_space<hbm>>) dst(%arg9 : memref<32x1024xf32, #tpu.memory_space<vmem>>)
      tpu.yield
    }) : () -> ()
    %add3A_48 = arith.constant 57344 : i32
    %add3A_49 = arith.addi %add3A_48, %mul3A_4 : i32
    %dma_wait3A = arith.constant 0 : i32
    %dma_wait3A_50 = arith.constant 0 : i32
    %dma_wait3A_51 = tpu.memref_slice %arg6[%dma_wait3A, %dma_wait3A_50] : memref<4x32xi32, #tpu.memory_space<vmem>> -> memref<1x32xi32, #tpu.memory_space<vmem>>
    %dma_wait3A_52 = tpu.memref_squeeze %dma_wait3A_51 : memref<1x32xi32, #tpu.memory_space<vmem>> -> memref<32xi32, #tpu.memory_space<vmem>>
    %dma_wait3A_53 = tpu.memref_slice %arg2[%add3A_49] : memref<65536xi32, #tpu.memory_space<hbm>> -> memref<32xi32, #tpu.memory_space<hbm>>
    %dma_wait3A_54 = arith.constant 0 : i32
    %dma_wait3A_55 = tpu.memref_slice %arg6[%dma_wait3A, %dma_wait3A_54] : memref<4x32xi32, #tpu.memory_space<vmem>> -> memref<1x32xi32, #tpu.memory_space<vmem>>
    %dma_wait3A_56 = tpu.memref_squeeze %dma_wait3A_55 : memref<1x32xi32, #tpu.memory_space<vmem>> -> memref<32xi32, #tpu.memory_space<vmem>>
    %dma_wait3A_57 = tpu.memref_slice %arg2[%add3A_49] : memref<65536xi32, #tpu.memory_space<hbm>> -> memref<32xi32, #tpu.memory_space<hbm>>
    tpu.wait_dma2 semaphore(%arg14 : memref<!tpu.dma_semaphore, #tpu.memory_space<semaphore_mem>>) src(%dma_wait3A_57 : memref<32xi32, #tpu.memory_space<hbm>>) dst(%dma_wait3A_56 : memref<32xi32, #tpu.memory_space<vmem>>)
    %add3A_58 = arith.constant 59392 : i32
    %add3A_59 = arith.addi %add3A_58, %mul3A_4 : i32
    %dma_wait3A_60 = arith.constant 1 : i32
    %dma_wait3A_61 = arith.constant 0 : i32
    %dma_wait3A_62 = tpu.memref_slice %arg6[%dma_wait3A_60, %dma_wait3A_61] : memref<4x32xi32, #tpu.memory_space<vmem>> -> memref<1x32xi32, #tpu.memory_space<vmem>>
    %dma_wait3A_63 = tpu.memref_squeeze %dma_wait3A_62 : memref<1x32xi32, #tpu.memory_space<vmem>> -> memref<32xi32, #tpu.memory_space<vmem>>
    %dma_wait3A_64 = tpu.memref_slice %arg2[%add3A_59] : memref<65536xi32, #tpu.memory_space<hbm>> -> memref<32xi32, #tpu.memory_space<hbm>>
    %dma_wait3A_65 = arith.constant 0 : i32
    %dma_wait3A_66 = tpu.memref_slice %arg6[%dma_wait3A_60, %dma_wait3A_65] : memref<4x32xi32, #tpu.memory_space<vmem>> -> memref<1x32xi32, #tpu.memory_space<vmem>>
    %dma_wait3A_67 = tpu.memref_squeeze %dma_wait3A_66 : memref<1x32xi32, #tpu.memory_space<vmem>> -> memref<32xi32, #tpu.memory_space<vmem>>
    %dma_wait3A_68 = tpu.memref_slice %arg2[%add3A_59] : memref<65536xi32, #tpu.memory_space<hbm>> -> memref<32xi32, #tpu.memory_space<hbm>>
    tpu.wait_dma2 semaphore(%arg14 : memref<!tpu.dma_semaphore, #tpu.memory_space<semaphore_mem>>) src(%dma_wait3A_68 : memref<32xi32, #tpu.memory_space<hbm>>) dst(%dma_wait3A_67 : memref<32xi32, #tpu.memory_space<vmem>>)
    %add3A_69 = arith.constant 61440 : i32
    %add3A_70 = arith.addi %add3A_69, %mul3A_4 : i32
    %dma_wait3A_71 = arith.constant 2 : i32
    %dma_wait3A_72 = arith.constant 0 : i32
    %dma_wait3A_73 = tpu.memref_slice %arg6[%dma_wait3A_71, %dma_wait3A_72] : memref<4x32xi32, #tpu.memory_space<vmem>> -> memref<1x32xi32, #tpu.memory_space<vmem>>
    %dma_wait3A_74 = tpu.memref_squeeze %dma_wait3A_73 : memref<1x32xi32, #tpu.memory_space<vmem>> -> memref<32xi32, #tpu.memory_space<vmem>>
    %dma_wait3A_75 = tpu.memref_slice %arg2[%add3A_70] : memref<65536xi32, #tpu.memory_space<hbm>> -> memref<32xi32, #tpu.memory_space<hbm>>
    %dma_wait3A_76 = arith.constant 0 : i32
    %dma_wait3A_77 = tpu.memref_slice %arg6[%dma_wait3A_71, %dma_wait3A_76] : memref<4x32xi32, #tpu.memory_space<vmem>> -> memref<1x32xi32, #tpu.memory_space<vmem>>
    %dma_wait3A_78 = tpu.memref_squeeze %dma_wait3A_77 : memref<1x32xi32, #tpu.memory_space<vmem>> -> memref<32xi32, #tpu.memory_space<vmem>>
    %dma_wait3A_79 = tpu.memref_slice %arg2[%add3A_70] : memref<65536xi32, #tpu.memory_space<hbm>> -> memref<32xi32, #tpu.memory_space<hbm>>
    tpu.wait_dma2 semaphore(%arg14 : memref<!tpu.dma_semaphore, #tpu.memory_space<semaphore_mem>>) src(%dma_wait3A_79 : memref<32xi32, #tpu.memory_space<hbm>>) dst(%dma_wait3A_78 : memref<32xi32, #tpu.memory_space<vmem>>)
    %add3A_80 = arith.constant 63488 : i32
    %add3A_81 = arith.addi %add3A_80, %mul3A_4 : i32
    %dma_wait3A_82 = arith.constant 3 : i32
    %dma_wait3A_83 = arith.constant 0 : i32
    %dma_wait3A_84 = tpu.memref_slice %arg6[%dma_wait3A_82, %dma_wait3A_83] : memref<4x32xi32, #tpu.memory_space<vmem>> -> memref<1x32xi32, #tpu.memory_space<vmem>>
    %dma_wait3A_85 = tpu.memref_squeeze %dma_wait3A_84 : memref<1x32xi32, #tpu.memory_space<vmem>> -> memref<32xi32, #tpu.memory_space<vmem>>
    %dma_wait3A_86 = tpu.memref_slice %arg2[%add3A_81] : memref<65536xi32, #tpu.memory_space<hbm>> -> memref<32xi32, #tpu.memory_space<hbm>>
    %dma_wait3A_87 = arith.constant 0 : i32
    %dma_wait3A_88 = tpu.memref_slice %arg6[%dma_wait3A_82, %dma_wait3A_87] : memref<4x32xi32, #tpu.memory_space<vmem>> -> memref<1x32xi32, #tpu.memory_space<vmem>>
    %dma_wait3A_89 = tpu.memref_squeeze %dma_wait3A_88 : memref<1x32xi32, #tpu.memory_space<vmem>> -> memref<32xi32, #tpu.memory_space<vmem>>
    %dma_wait3A_90 = tpu.memref_slice %arg2[%add3A_81] : memref<65536xi32, #tpu.memory_space<hbm>> -> memref<32xi32, #tpu.memory_space<hbm>>
    tpu.wait_dma2 semaphore(%arg14 : memref<!tpu.dma_semaphore, #tpu.memory_space<semaphore_mem>>) src(%dma_wait3A_90 : memref<32xi32, #tpu.memory_space<hbm>>) dst(%dma_wait3A_89 : memref<32xi32, #tpu.memory_space<vmem>>)
    %dma_start3A_91 = arith.constant 0 : i32
    %dma_start3A_92 = arith.constant 0 : i32
    %dma_start3A_93 = tpu.memref_slice %arg6[%dma_start3A_91, %dma_start3A_92] : memref<4x32xi32, #tpu.memory_space<vmem>> -> memref<1x32xi32, #tpu.memory_space<vmem>>
    %dma_start3A_94 = tpu.memref_squeeze %dma_start3A_93 : memref<1x32xi32, #tpu.memory_space<vmem>> -> memref<32xi32, #tpu.memory_space<vmem>>
    %dma_start3A_95 = arith.constant 0 : i32
    %dma_start3A_96 = arith.constant 0 : i32
    %dma_start3A_97 = tpu.memref_slice %arg4[%dma_start3A_95, %dma_start3A_96] : memref<68x1024xf32, #tpu.memory_space<hbm>> -> memref<68x1024xf32, #tpu.memory_space<hbm>>
    tpu.enqueue_indirect_dma source(%dma_start3A_97 : memref<68x1024xf32, #tpu.memory_space<hbm>>) target(%arg7 : memref<32x1024xf32, #tpu.memory_space<vmem>>) offsets(%dma_start3A_94 : memref<32xi32, #tpu.memory_space<vmem>>) semaphore(%arg10 : memref<!tpu.dma_semaphore, #tpu.memory_space<semaphore_mem>>)
    %scan3A = arith.constant 0 : i32
    %scan3A_98 = arith.constant 0 : i32
    %scan3A_99 = arith.constant 2 : i32
    %scan3A_100 = arith.addi %scan3A_98, %scan3A_99 : i32
    %scan3A_101 = arith.constant 1 : i32
    scf.for %scan3A_220 = %scan3A_98 to %scan3A_100 step %scan3A_101  : i32 {
      %mul3A_221 = arith.constant 2 : i32
      %mul3A_222 = arith.muli %mul3A_221, %scan3A_220 : i32
      %gt3A = arith.constant 0 : i32
      %gt3A_223 = arith.cmpi sgt, %scan3A_220, %gt3A : i32
      %convert_element_type3A = arith.extui %gt3A_223 : i1 to i32
      %cond3A = arith.constant 0 : i32
      %cond3A_224 = arith.cmpi ne, %convert_element_type3A, %cond3A : i32
      scf.if %cond3A_224 {
        %dma_wait3A_285 = arith.constant 0 : i32
        %dma_wait3A_286 = arith.constant 0 : i32
        %dma_wait3A_287 = tpu.memref_slice %arg5[%dma_wait3A_285, %dma_wait3A_286] : memref<8192x1024xf32, #tpu.memory_space<hbm>> -> memref<32x1024xf32, #tpu.memory_space<hbm>>
        %dma_wait3A_288 = arith.constant 0 : i32
        %dma_wait3A_289 = arith.constant 0 : i32
        %dma_wait3A_290 = tpu.memref_slice %arg5[%dma_wait3A_288, %dma_wait3A_289] : memref<8192x1024xf32, #tpu.memory_space<hbm>> -> memref<32x1024xf32, #tpu.memory_space<hbm>>
        tpu.wait_dma2 semaphore(%arg13 : memref<!tpu.dma_semaphore, #tpu.memory_space<semaphore_mem>>) src(%arg8 : memref<32x1024xf32, #tpu.memory_space<vmem>>) dst(%dma_wait3A_290 : memref<32x1024xf32, #tpu.memory_space<hbm>>)
      } else {
      }
      %add3A_225 = arith.constant 1 : i32
      %add3A_226 = arith.addi %mul3A_222, %add3A_225 : i32
      %dma_start3A_227 = arith.constant 0 : i32
      %dma_start3A_228 = tpu.memref_slice %arg6[%add3A_226, %dma_start3A_227] : memref<4x32xi32, #tpu.memory_space<vmem>> -> memref<1x32xi32, #tpu.memory_space<vmem>>
      %dma_start3A_229 = tpu.memref_squeeze %dma_start3A_228 : memref<1x32xi32, #tpu.memory_space<vmem>> -> memref<32xi32, #tpu.memory_space<vmem>>
      %dma_start3A_230 = arith.constant 0 : i32
      %dma_start3A_231 = arith.constant 0 : i32
      %dma_start3A_232 = tpu.memref_slice %arg4[%dma_start3A_230, %dma_start3A_231] : memref<68x1024xf32, #tpu.memory_space<hbm>> -> memref<68x1024xf32, #tpu.memory_space<hbm>>
      tpu.enqueue_indirect_dma source(%dma_start3A_232 : memref<68x1024xf32, #tpu.memory_space<hbm>>) target(%arg8 : memref<32x1024xf32, #tpu.memory_space<vmem>>) offsets(%dma_start3A_229 : memref<32xi32, #tpu.memory_space<vmem>>) semaphore(%arg11 : memref<!tpu.dma_semaphore, #tpu.memory_space<semaphore_mem>>)
      %dma_wait3A_233 = arith.constant 0 : i32
      %dma_wait3A_234 = arith.constant 0 : i32
      %dma_wait3A_235 = tpu.memref_slice %arg6[%dma_wait3A_233, %dma_wait3A_234] : memref<4x32xi32, #tpu.memory_space<vmem>> -> memref<1x32xi32, #tpu.memory_space<vmem>>
      %dma_wait3A_236 = tpu.memref_squeeze %dma_wait3A_235 : memref<1x32xi32, #tpu.memory_space<vmem>> -> memref<32xi32, #tpu.memory_space<vmem>>
      %dma_wait3A_237 = arith.constant 0 : i32
      %dma_wait3A_238 = arith.constant 0 : i32
      %dma_wait3A_239 = tpu.memref_slice %arg4[%dma_wait3A_237, %dma_wait3A_238] : memref<68x1024xf32, #tpu.memory_space<hbm>> -> memref<68x1024xf32, #tpu.memory_space<hbm>>
      tpu.wait_indirect_dma semaphore(%arg10 : memref<!tpu.dma_semaphore, #tpu.memory_space<semaphore_mem>>) src(%dma_wait3A_239 : memref<68x1024xf32, #tpu.memory_space<hbm>>) dst(%arg7 : memref<32x1024xf32, #tpu.memory_space<vmem>>)
      %scan3A_240 = arith.constant 0 : i32
      %scan3A_241 = arith.constant 0 : i32
      %scan3A_242 = arith.constant 32 : i32
      %scan3A_243 = arith.addi %scan3A_241, %scan3A_242 : i32
      %scan3A_244 = arith.constant 1 : i32
      scf.for %scan3A_285 = %scan3A_241 to %scan3A_243 step %scan3A_244  : i32 {
        %get3A = arith.index_cast %scan3A_285 : i32 to index
        %get3A_286 = arith.constant 0 : index
        %get3A_287 = tpu.vector_load %arg9[%get3A, %get3A_286] {strides = array<i32>} : memref<32x1024xf32, #tpu.memory_space<vmem>>, vector<1x16xf32>,
        %get3A_288 = vector.shape_cast %get3A_287 : vector<1x16xf32> to vector<16xf32>
        %swap3A = arith.index_cast %scan3A_285 : i32 to index
        %swap3A_289 = arith.constant 0 : index
        %swap3A_290 = tpu.vector_load %arg7[%swap3A, %swap3A_289] {strides = array<i32>} : memref<32x1024xf32, #tpu.memory_space<vmem>>, vector<1x16xf32>,
        %swap3A_291 = vector.shape_cast %swap3A_290 : vector<1x16xf32> to vector<16xf32>
        %swap3A_292 = vector.shape_cast %get3A_288 : vector<16xf32> to vector<1x16xf32>
        tpu.vector_store %arg7[%swap3A, %swap3A_289], %swap3A_292 {add = true, strides = array<i32>} : memref<32x1024xf32, #tpu.memory_space<vmem>>, vector<1x16xf32>,
        %get3A_293 = arith.index_cast %scan3A_285 : i32 to index
        %get3A_294 = arith.constant 16 : index
        %get3A_295 = tpu.vector_load %arg9[%get3A_293, %get3A_294] {strides = array<i32>} : memref<32x1024xf32, #tpu.memory_space<vmem>>, vector<1x16xf32>,
        %get3A_296 = vector.shape_cast %get3A_295 : vector<1x16xf32> to vector<16xf32>
        %swap3A_297 = arith.index_cast %scan3A_285 : i32 to index
        %swap3A_298 = arith.constant 16 : index
        %swap3A_299 = tpu.vector_load %arg7[%swap3A_297, %swap3A_298] {strides = array<i32>} : memref<32x1024xf32, #tpu.memory_space<vmem>>, vector<1x16xf32>,
        %swap3A_300 = vector.shape_cast %swap3A_299 : vector<1x16xf32> to vector<16xf32>
        %swap3A_301 = vector.shape_cast %get3A_296 : vector<16xf32> to vector<1x16xf32>
        tpu.vector_store %arg7[%swap3A_297, %swap3A_298], %swap3A_301 {add = true, strides = array<i32>} : memref<32x1024xf32, #tpu.memory_space<vmem>>, vector<1x16xf32>,
        %get3A_302 = arith.index_cast %scan3A_285 : i32 to index
        %get3A_303 = arith.constant 32 : index
        %get3A_304 = tpu.vector_load %arg9[%get3A_302, %get3A_303] {strides = array<i32>} : memref<32x1024xf32, #tpu.memory_space<vmem>>, vector<1x16xf32>,
        %get3A_305 = vector.shape_cast %get3A_304 : vector<1x16xf32> to vector<16xf32>
        %swap3A_306 = arith.index_cast %scan3A_285 : i32 to index
        %swap3A_307 = arith.constant 32 : index
        %swap3A_308 = tpu.vector_load %arg7[%swap3A_306, %swap3A_307] {strides = array<i32>} : memref<32x1024xf32, #tpu.memory_space<vmem>>, vector<1x16xf32>,
        %swap3A_309 = vector.shape_cast %swap3A_308 : vector<1x16xf32> to vector<16xf32>
        %swap3A_310 = vector.shape_cast %get3A_305 : vector<16xf32> to vector<1x16xf32>
        tpu.vector_store %arg7[%swap3A_306, %swap3A_307], %swap3A_310 {add = true, strides = array<i32>} : memref<32x1024xf32, #tpu.memory_space<vmem>>, vector<1x16xf32>,
        %get3A_311 = arith.index_cast %scan3A_285 : i32 to index
        %get3A_312 = arith.constant 48 : index
        %get3A_313 = tpu.vector_load %arg9[%get3A_311, %get3A_312] {strides = array<i32>} : memref<32x1024xf32, #tpu.memory_space<vmem>>, vector<1x16xf32>,
        %get3A_314 = vector.shape_cast %get3A_313 : vector<1x16xf32> to vector<16xf32>
        %swap3A_315 = arith.index_cast %scan3A_285 : i32 to index
        %swap3A_316 = arith.constant 48 : index
        %swap3A_317 = tpu.vector_load %arg7[%swap3A_315, %swap3A_316] {strides = array<i32>} : memref<32x1024xf32, #tpu.memory_space<vmem>>, vector<1x16xf32>,
        %swap3A_318 = vector.shape_cast %swap3A_317 : vector<1x16xf32> to vector<16xf32>
        %swap3A_319 = vector.shape_cast %get3A_314 : vector<16xf32> to vector<1x16xf32>
        tpu.vector_store %arg7[%swap3A_315, %swap3A_316], %swap3A_319 {add = true, strides = array<i32>} : memref<32x1024xf32, #tpu.memory_space<vmem>>, vector<1x16xf32>,
        %get3A_320 = arith.index_cast %scan3A_285 : i32 to index
        %get3A_321 = arith.constant 64 : index
        %get3A_322 = tpu.vector_load %arg9[%get3A_320, %get3A_321] {strides = array<i32>} : memref<32x1024xf32, #tpu.memory_space<vmem>>, vector<1x16xf32>,
        %get3A_323 = vector.shape_cast %get3A_322 : vector<1x16xf32> to vector<16xf32>
        %swap3A_324 = arith.index_cast %scan3A_285 : i32 to index
        %swap3A_325 = arith.constant 64 : index
        %swap3A_326 = tpu.vector_load %arg7[%swap3A_324, %swap3A_325] {strides = array<i32>} : memref<32x1024xf32, #tpu.memory_space<vmem>>, vector<1x16xf32>,
        %swap3A_327 = vector.shape_cast %swap3A_326 : vector<1x16xf32> to vector<16xf32>
        %swap3A_328 = vector.shape_cast %get3A_323 : vector<16xf32> to vector<1x16xf32>
        tpu.vector_store %arg7[%swap3A_324, %swap3A_325], %swap3A_328 {add = true, strides = array<i32>} : memref<32x1024xf32, #tpu.memory_space<vmem>>, vector<1x16xf32>,
        %get3A_329 = arith.index_cast %scan3A_285 : i32 to index
        %get3A_330 = arith.constant 80 : index
        %get3A_331 = tpu.vector_load %arg9[%get3A_329, %get3A_330] {strides = array<i32>} : memref<32x1024xf32, #tpu.memory_space<vmem>>, vector<1x16xf32>,
        %get3A_332 = vector.shape_cast %get3A_331 : vector<1x16xf32> to vector<16xf32>
        %swap3A_333 = arith.index_cast %scan3A_285 : i32 to index
        %swap3A_334 = arith.constant 80 : index
        %swap3A_335 = tpu.vector_load %arg7[%swap3A_333, %swap3A_334] {strides = array<i32>} : memref<32x1024xf32, #tpu.memory_space<vmem>>, vector<1x16xf32>,
        %swap3A_336 = vector.shape_cast %swap3A_335 : vector<1x16xf32> to vector<16xf32>
        %swap3A_337 = vector.shape_cast %get3A_332 : vector<16xf32> to vector<1x16xf32>
        tpu.vector_store %arg7[%swap3A_333, %swap3A_334], %swap3A_337 {add = true, strides = array<i32>} : memref<32x1024xf32, #tpu.memory_space<vmem>>, vector<1x16xf32>,
        %get3A_338 = arith.index_cast %scan3A_285 : i32 to index
        %get3A_339 = arith.constant 96 : index
        %get3A_340 = tpu.vector_load %arg9[%get3A_338, %get3A_339] {strides = array<i32>} : memref<32x1024xf32, #tpu.memory_space<vmem>>, vector<1x16xf32>,
        %get3A_341 = vector.shape_cast %get3A_340 : vector<1x16xf32> to vector<16xf32>
        %swap3A_342 = arith.index_cast %scan3A_285 : i32 to index
        %swap3A_343 = arith.constant 96 : index
        %swap3A_344 = tpu.vector_load %arg7[%swap3A_342, %swap3A_343] {strides = array<i32>} : memref<32x1024xf32, #tpu.memory_space<vmem>>, vector<1x16xf32>,
        %swap3A_345 = vector.shape_cast %swap3A_344 : vector<1x16xf32> to vector<16xf32>
        %swap3A_346 = vector.shape_cast %get3A_341 : vector<16xf32> to vector<1x16xf32>
        tpu.vector_store %arg7[%swap3A_342, %swap3A_343], %swap3A_346 {add = true, strides = array<i32>} : memref<32x1024xf32, #tpu.memory_space<vmem>>, vector<1x16xf32>,
        %get3A_347 = arith.index_cast %scan3A_285 : i32 to index
        %get3A_348 = arith.constant 112 : index
        %get3A_349 = tpu.vector_load %arg9[%get3A_347, %get3A_348] {strides = array<i32>} : memref<32x1024xf32, #tpu.memory_space<vmem>>, vector<1x16xf32>,
        %get3A_350 = vector.shape_cast %get3A_349 : vector<1x16xf32> to vector<16xf32>
        %swap3A_351 = arith.index_cast %scan3A_285 : i32 to index
        %swap3A_352 = arith.constant 112 : index
        %swap3A_353 = tpu.vector_load %arg7[%swap3A_351, %swap3A_352] {strides = array<i32>} : memref<32x1024xf32, #tpu.memory_space<vmem>>, vector<1x16xf32>,
        %swap3A_354 = vector.shape_cast %swap3A_353 : vector<1x16xf32> to vector<16xf32>
        %swap3A_355 = vector.shape_cast %get3A_350 : vector<16xf32> to vector<1x16xf32>
        tpu.vector_store %arg7[%swap3A_351, %swap3A_352], %swap3A_355 {add = true, strides = array<i32>} : memref<32x1024xf32, #tpu.memory_space<vmem>>, vector<1x16xf32>,
        %get3A_356 = arith.index_cast %scan3A_285 : i32 to index
        %get3A_357 = arith.constant 128 : index
        %get3A_358 = tpu.vector_load %arg9[%get3A_356, %get3A_357] {strides = array<i32>} : memref<32x1024xf32, #tpu.memory_space<vmem>>, vector<1x16xf32>,
        %get3A_359 = vector.shape_cast %get3A_358 : vector<1x16xf32> to vector<16xf32>
        %swap3A_360 = arith.index_cast %scan3A_285 : i32 to index
        %swap3A_361 = arith.constant 128 : index
        %swap3A_362 = tpu.vector_load %arg7[%swap3A_360, %swap3A_361] {strides = array<i32>} : memref<32x1024xf32, #tpu.memory_space<vmem>>, vector<1x16xf32>,
        %swap3A_363 = vector.shape_cast %swap3A_362 : vector<1x16xf32> to vector<16xf32>
        %swap3A_364 = vector.shape_cast %get3A_359 : vector<16xf32> to vector<1x16xf32>
        tpu.vector_store %arg7[%swap3A_360, %swap3A_361], %swap3A_364 {add = true, strides = array<i32>} : memref<32x1024xf32, #tpu.memory_space<vmem>>, vector<1x16xf32>,
        %get3A_365 = arith.index_cast %scan3A_285 : i32 to index
        %get3A_366 = arith.constant 144 : index
        %get3A_367 = tpu.vector_load %arg9[%get3A_365, %get3A_366] {strides = array<i32>} : memref<32x1024xf32, #tpu.memory_space<vmem>>, vector<1x16xf32>,
        %get3A_368 = vector.shape_cast %get3A_367 : vector<1x16xf32> to vector<16xf32>
        %swap3A_369 = arith.index_cast %scan3A_285 : i32 to index
        %swap3A_370 = arith.constant 144 : index
        %swap3A_371 = tpu.vector_load %arg7[%swap3A_369, %swap3A_370] {strides = array<i32>} : memref<32x1024xf32, #tpu.memory_space<vmem>>, vector<1x16xf32>,
        %swap3A_372 = vector.shape_cast %swap3A_371 : vector<1x16xf32> to vector<16xf32>
        %swap3A_373 = vector.shape_cast %get3A_368 : vector<16xf32> to vector<1x16xf32>
        tpu.vector_store %arg7[%swap3A_369, %swap3A_370], %swap3A_373 {add = true, strides = array<i32>} : memref<32x1024xf32, #tpu.memory_space<vmem>>, vector<1x16xf32>,
        %get3A_374 = arith.index_cast %scan3A_285 : i32 to index
        %get3A_375 = arith.constant 160 : index
        %get3A_376 = tpu.vector_load %arg9[%get3A_374, %get3A_375] {strides = array<i32>} : memref<32x1024xf32, #tpu.memory_space<vmem>>, vector<1x16xf32>,
        %get3A_377 = vector.shape_cast %get3A_376 : vector<1x16xf32> to vector<16xf32>
        %swap3A_378 = arith.index_cast %scan3A_285 : i32 to index
        %swap3A_379 = arith.constant 160 : index
        %swap3A_380 = tpu.vector_load %arg7[%swap3A_378, %swap3A_379] {strides = array<i32>} : memref<32x1024xf32, #tpu.memory_space<vmem>>, vector<1x16xf32>,
        %swap3A_381 = vector.shape_cast %swap3A_380 : vector<1x16xf32> to vector<16xf32>
        %swap3A_382 = vector.shape_cast %get3A_377 : vector<16xf32> to vector<1x16xf32>
        tpu.vector_store %arg7[%swap3A_378, %swap3A_379], %swap3A_382 {add = true, strides = array<i32>} : memref<32x1024xf32, #tpu.memory_space<vmem>>, vector<1x16xf32>,
        %get3A_383 = arith.index_cast %scan3A_285 : i32 to index
        %get3A_384 = arith.constant 176 : index
        %get3A_385 = tpu.vector_load %arg9[%get3A_383, %get3A_384] {strides = array<i32>} : memref<32x1024xf32, #tpu.memory_space<vmem>>, vector<1x16xf32>,
        %get3A_386 = vector.shape_cast %get3A_385 : vector<1x16xf32> to vector<16xf32>
        %swap3A_387 = arith.index_cast %scan3A_285 : i32 to index
        %swap3A_388 = arith.constant 176 : index
        %swap3A_389 = tpu.vector_load %arg7[%swap3A_387, %swap3A_388] {strides = array<i32>} : memref<32x1024xf32, #tpu.memory_space<vmem>>, vector<1x16xf32>,
        %swap3A_390 = vector.shape_cast %swap3A_389 : vector<1x16xf32> to vector<16xf32>
        %swap3A_391 = vector.shape_cast %get3A_386 : vector<16xf32> to vector<1x16xf32>
        tpu.vector_store %arg7[%swap3A_387, %swap3A_388], %swap3A_391 {add = true, strides = array<i32>} : memref<32x1024xf32, #tpu.memory_space<vmem>>, vector<1x16xf32>,
        %get3A_392 = arith.index_cast %scan3A_285 : i32 to index
        %get3A_393 = arith.constant 192 : index
        %get3A_394 = tpu.vector_load %arg9[%get3A_392, %get3A_393] {strides = array<i32>} : memref<32x1024xf32, #tpu.memory_space<vmem>>, vector<1x16xf32>,
        %get3A_395 = vector.shape_cast %get3A_394 : vector<1x16xf32> to vector<16xf32>
        %swap3A_396 = arith.index_cast %scan3A_285 : i32 to index
        %swap3A_397 = arith.constant 192 : index
        %swap3A_398 = tpu.vector_load %arg7[%swap3A_396, %swap3A_397] {strides = array<i32>} : memref<32x1024xf32, #tpu.memory_space<vmem>>, vector<1x16xf32>,
        %swap3A_399 = vector.shape_cast %swap3A_398 : vector<1x16xf32> to vector<16xf32>
        %swap3A_400 = vector.shape_cast %get3A_395 : vector<16xf32> to vector<1x16xf32>
        tpu.vector_store %arg7[%swap3A_396, %swap3A_397], %swap3A_400 {add = true, strides = array<i32>} : memref<32x1024xf32, #tpu.memory_space<vmem>>, vector<1x16xf32>,
        %get3A_401 = arith.index_cast %scan3A_285 : i32 to index
        %get3A_402 = arith.constant 208 : index
        %get3A_403 = tpu.vector_load %arg9[%get3A_401, %get3A_402] {strides = array<i32>} : memref<32x1024xf32, #tpu.memory_space<vmem>>, vector<1x16xf32>,
        %get3A_404 = vector.shape_cast %get3A_403 : vector<1x16xf32> to vector<16xf32>
        %swap3A_405 = arith.index_cast %scan3A_285 : i32 to index
        %swap3A_406 = arith.constant 208 : index
        %swap3A_407 = tpu.vector_load %arg7[%swap3A_405, %swap3A_406] {strides = array<i32>} : memref<32x1024xf32, #tpu.memory_space<vmem>>, vector<1x16xf32>,
        %swap3A_408 = vector.shape_cast %swap3A_407 : vector<1x16xf32> to vector<16xf32>
        %swap3A_409 = vector.shape_cast %get3A_404 : vector<16xf32> to vector<1x16xf32>
        tpu.vector_store %arg7[%swap3A_405, %swap3A_406], %swap3A_409 {add = true, strides = array<i32>} : memref<32x1024xf32, #tpu.memory_space<vmem>>, vector<1x16xf32>,
        %get3A_410 = arith.index_cast %scan3A_285 : i32 to index
        %get3A_411 = arith.constant 224 : index
        %get3A_412 = tpu.vector_load %arg9[%get3A_410, %get3A_411] {strides = array<i32>} : memref<32x1024xf32, #tpu.memory_space<vmem>>, vector<1x16xf32>,
        %get3A_413 = vector.shape_cast %get3A_412 : vector<1x16xf32> to vector<16xf32>
        %swap3A_414 = arith.index_cast %scan3A_285 : i32 to index
        %swap3A_415 = arith.constant 224 : index
        %swap3A_416 = tpu.vector_load %arg7[%swap3A_414, %swap3A_415] {strides = array<i32>} : memref<32x1024xf32, #tpu.memory_space<vmem>>, vector<1x16xf32>,
        %swap3A_417 = vector.shape_cast %swap3A_416 : vector<1x16xf32> to vector<16xf32>
        %swap3A_418 = vector.shape_cast %get3A_413 : vector<16xf32> to vector<1x16xf32>
        tpu.vector_store %arg7[%swap3A_414, %swap3A_415], %swap3A_418 {add = true, strides = array<i32>} : memref<32x1024xf32, #tpu.memory_space<vmem>>, vector<1x16xf32>,
        %get3A_419 = arith.index_cast %scan3A_285 : i32 to index
        %get3A_420 = arith.constant 240 : index
        %get3A_421 = tpu.vector_load %arg9[%get3A_419, %get3A_420] {strides = array<i32>} : memref<32x1024xf32, #tpu.memory_space<vmem>>, vector<1x16xf32>,
        %get3A_422 = vector.shape_cast %get3A_421 : vector<1x16xf32> to vector<16xf32>
        %swap3A_423 = arith.index_cast %scan3A_285 : i32 to index
        %swap3A_424 = arith.constant 240 : index
        %swap3A_425 = tpu.vector_load %arg7[%swap3A_423, %swap3A_424] {strides = array<i32>} : memref<32x1024xf32, #tpu.memory_space<vmem>>, vector<1x16xf32>,
        %swap3A_426 = vector.shape_cast %swap3A_425 : vector<1x16xf32> to vector<16xf32>
        %swap3A_427 = vector.shape_cast %get3A_422 : vector<16xf32> to vector<1x16xf32>
        tpu.vector_store %arg7[%swap3A_423, %swap3A_424], %swap3A_427 {add = true, strides = array<i32>} : memref<32x1024xf32, #tpu.memory_space<vmem>>, vector<1x16xf32>,
        %get3A_428 = arith.index_cast %scan3A_285 : i32 to index
        %get3A_429 = arith.constant 256 : index
        %get3A_430 = tpu.vector_load %arg9[%get3A_428, %get3A_429] {strides = array<i32>} : memref<32x1024xf32, #tpu.memory_space<vmem>>, vector<1x16xf32>,
        %get3A_431 = vector.shape_cast %get3A_430 : vector<1x16xf32> to vector<16xf32>
        %swap3A_432 = arith.index_cast %scan3A_285 : i32 to index
        %swap3A_433 = arith.constant 256 : index
        %swap3A_434 = tpu.vector_load %arg7[%swap3A_432, %swap3A_433] {strides = array<i32>} : memref<32x1024xf32, #tpu.memory_space<vmem>>, vector<1x16xf32>,
        %swap3A_435 = vector.shape_cast %swap3A_434 : vector<1x16xf32> to vector<16xf32>
        %swap3A_436 = vector.shape_cast %get3A_431 : vector<16xf32> to vector<1x16xf32>
        tpu.vector_store %arg7[%swap3A_432, %swap3A_433], %swap3A_436 {add = true, strides = array<i32>} : memref<32x1024xf32, #tpu.memory_space<vmem>>, vector<1x16xf32>,
        %get3A_437 = arith.index_cast %scan3A_285 : i32 to index
        %get3A_438 = arith.constant 272 : index
        %get3A_439 = tpu.vector_load %arg9[%get3A_437, %get3A_438] {strides = array<i32>} : memref<32x1024xf32, #tpu.memory_space<vmem>>, vector<1x16xf32>,
        %get3A_440 = vector.shape_cast %get3A_439 : vector<1x16xf32> to vector<16xf32>
        %swap3A_441 = arith.index_cast %scan3A_285 : i32 to index
        %swap3A_442 = arith.constant 272 : index
        %swap3A_443 = tpu.vector_load %arg7[%swap3A_441, %swap3A_442] {strides = array<i32>} : memref<32x1024xf32, #tpu.memory_space<vmem>>, vector<1x16xf32>,
        %swap3A_444 = vector.shape_cast %swap3A_443 : vector<1x16xf32> to vector<16xf32>
        %swap3A_445 = vector.shape_cast %get3A_440 : vector<16xf32> to vector<1x16xf32>
        tpu.vector_store %arg7[%swap3A_441, %swap3A_442], %swap3A_445 {add = true, strides = array<i32>} : memref<32x1024xf32, #tpu.memory_space<vmem>>, vector<1x16xf32>,
        %get3A_446 = arith.index_cast %scan3A_285 : i32 to index
        %get3A_447 = arith.constant 288 : index
        %get3A_448 = tpu.vector_load %arg9[%get3A_446, %get3A_447] {strides = array<i32>} : memref<32x1024xf32, #tpu.memory_space<vmem>>, vector<1x16xf32>,
        %get3A_449 = vector.shape_cast %get3A_448 : vector<1x16xf32> to vector<16xf32>
        %swap3A_450 = arith.index_cast %scan3A_285 : i32 to index
        %swap3A_451 = arith.constant 288 : index
        %swap3A_452 = tpu.vector_load %arg7[%swap3A_450, %swap3A_451] {strides = array<i32>} : memref<32x1024xf32, #tpu.memory_space<vmem>>, vector<1x16xf32>,
        %swap3A_453 = vector.shape_cast %swap3A_452 : vector<1x16xf32> to vector<16xf32>
        %swap3A_454 = vector.shape_cast %get3A_449 : vector<16xf32> to vector<1x16xf32>
        tpu.vector_store %arg7[%swap3A_450, %swap3A_451], %swap3A_454 {add = true, strides = array<i32>} : memref<32x1024xf32, #tpu.memory_space<vmem>>, vector<1x16xf32>,
        %get3A_455 = arith.index_cast %scan3A_285 : i32 to index
        %get3A_456 = arith.constant 304 : index
        %get3A_457 = tpu.vector_load %arg9[%get3A_455, %get3A_456] {strides = array<i32>} : memref<32x1024xf32, #tpu.memory_space<vmem>>, vector<1x16xf32>,
        %get3A_458 = vector.shape_cast %get3A_457 : vector<1x16xf32> to vector<16xf32>
        %swap3A_459 = arith.index_cast %scan3A_285 : i32 to index
        %swap3A_460 = arith.constant 304 : index
        %swap3A_461 = tpu.vector_load %arg7[%swap3A_459, %swap3A_460] {strides = array<i32>} : memref<32x1024xf32, #tpu.memory_space<vmem>>, vector<1x16xf32>,
        %swap3A_462 = vector.shape_cast %swap3A_461 : vector<1x16xf32> to vector<16xf32>
        %swap3A_463 = vector.shape_cast %get3A_458 : vector<16xf32> to vector<1x16xf32>
        tpu.vector_store %arg7[%swap3A_459, %swap3A_460], %swap3A_463 {add = true, strides = array<i32>} : memref<32x1024xf32, #tpu.memory_space<vmem>>, vector<1x16xf32>,
        %get3A_464 = arith.index_cast %scan3A_285 : i32 to index
        %get3A_465 = arith.constant 320 : index
        %get3A_466 = tpu.vector_load %arg9[%get3A_464, %get3A_465] {strides = array<i32>} : memref<32x1024xf32, #tpu.memory_space<vmem>>, vector<1x16xf32>,
        %get3A_467 = vector.shape_cast %get3A_466 : vector<1x16xf32> to vector<16xf32>
        %swap3A_468 = arith.index_cast %scan3A_285 : i32 to index
        %swap3A_469 = arith.constant 320 : index
        %swap3A_470 = tpu.vector_load %arg7[%swap3A_468, %swap3A_469] {strides = array<i32>} : memref<32x1024xf32, #tpu.memory_space<vmem>>, vector<1x16xf32>,
        %swap3A_471 = vector.shape_cast %swap3A_470 : vector<1x16xf32> to vector<16xf32>
        %swap3A_472 = vector.shape_cast %get3A_467 : vector<16xf32> to vector<1x16xf32>
        tpu.vector_store %arg7[%swap3A_468, %swap3A_469], %swap3A_472 {add = true, strides = array<i32>} : memref<32x1024xf32, #tpu.memory_space<vmem>>, vector<1x16xf32>,
        %get3A_473 = arith.index_cast %scan3A_285 : i32 to index
        %get3A_474 = arith.constant 336 : index
        %get3A_475 = tpu.vector_load %arg9[%get3A_473, %get3A_474] {strides = array<i32>} : memref<32x1024xf32, #tpu.memory_space<vmem>>, vector<1x16xf32>,
        %get3A_476 = vector.shape_cast %get3A_475 : vector<1x16xf32> to vector<16xf32>
        %swap3A_477 = arith.index_cast %scan3A_285 : i32 to index
        %swap3A_478 = arith.constant 336 : index
        %swap3A_479 = tpu.vector_load %arg7[%swap3A_477, %swap3A_478] {strides = array<i32>} : memref<32x1024xf32, #tpu.memory_space<vmem>>, vector<1x16xf32>,
        %swap3A_480 = vector.shape_cast %swap3A_479 : vector<1x16xf32> to vector<16xf32>
        %swap3A_481 = vector.shape_cast %get3A_476 : vector<16xf32> to vector<1x16xf32>
        tpu.vector_store %arg7[%swap3A_477, %swap3A_478], %swap3A_481 {add = true, strides = array<i32>} : memref<32x1024xf32, #tpu.memory_space<vmem>>, vector<1x16xf32>,
        %get3A_482 = arith.index_cast %scan3A_285 : i32 to index
        %get3A_483 = arith.constant 352 : index
        %get3A_484 = tpu.vector_load %arg9[%get3A_482, %get3A_483] {strides = array<i32>} : memref<32x1024xf32, #tpu.memory_space<vmem>>, vector<1x16xf32>,
        %get3A_485 = vector.shape_cast %get3A_484 : vector<1x16xf32> to vector<16xf32>
        %swap3A_486 = arith.index_cast %scan3A_285 : i32 to index
        %swap3A_487 = arith.constant 352 : index
        %swap3A_488 = tpu.vector_load %arg7[%swap3A_486, %swap3A_487] {strides = array<i32>} : memref<32x1024xf32, #tpu.memory_space<vmem>>, vector<1x16xf32>,
        %swap3A_489 = vector.shape_cast %swap3A_488 : vector<1x16xf32> to vector<16xf32>
        %swap3A_490 = vector.shape_cast %get3A_485 : vector<16xf32> to vector<1x16xf32>
        tpu.vector_store %arg7[%swap3A_486, %swap3A_487], %swap3A_490 {add = true, strides = array<i32>} : memref<32x1024xf32, #tpu.memory_space<vmem>>, vector<1x16xf32>,
        %get3A_491 = arith.index_cast %scan3A_285 : i32 to index
        %get3A_492 = arith.constant 368 : index
        %get3A_493 = tpu.vector_load %arg9[%get3A_491, %get3A_492] {strides = array<i32>} : memref<32x1024xf32, #tpu.memory_space<vmem>>, vector<1x16xf32>,
        %get3A_494 = vector.shape_cast %get3A_493 : vector<1x16xf32> to vector<16xf32>
        %swap3A_495 = arith.index_cast %scan3A_285 : i32 to index
        %swap3A_496 = arith.constant 368 : index
        %swap3A_497 = tpu.vector_load %arg7[%swap3A_495, %swap3A_496] {strides = array<i32>} : memref<32x1024xf32, #tpu.memory_space<vmem>>, vector<1x16xf32>,
        %swap3A_498 = vector.shape_cast %swap3A_497 : vector<1x16xf32> to vector<16xf32>
        %swap3A_499 = vector.shape_cast %get3A_494 : vector<16xf32> to vector<1x16xf32>
        tpu.vector_store %arg7[%swap3A_495, %swap3A_496], %swap3A_499 {add = true, strides = array<i32>} : memref<32x1024xf32, #tpu.memory_space<vmem>>, vector<1x16xf32>,
        %get3A_500 = arith.index_cast %scan3A_285 : i32 to index
        %get3A_501 = arith.constant 384 : index
        %get3A_502 = tpu.vector_load %arg9[%get3A_500, %get3A_501] {strides = array<i32>} : memref<32x1024xf32, #tpu.memory_space<vmem>>, vector<1x16xf32>,
        %get3A_503 = vector.shape_cast %get3A_502 : vector<1x16xf32> to vector<16xf32>
        %swap3A_504 = arith.index_cast %scan3A_285 : i32 to index
        %swap3A_505 = arith.constant 384 : index
        %swap3A_506 = tpu.vector_load %arg7[%swap3A_504, %swap3A_505] {strides = array<i32>} : memref<32x1024xf32, #tpu.memory_space<vmem>>, vector<1x16xf32>,
        %swap3A_507 = vector.shape_cast %swap3A_506 : vector<1x16xf32> to vector<16xf32>
        %swap3A_508 = vector.shape_cast %get3A_503 : vector<16xf32> to vector<1x16xf32>
        tpu.vector_store %arg7[%swap3A_504, %swap3A_505], %swap3A_508 {add = true, strides = array<i32>} : memref<32x1024xf32, #tpu.memory_space<vmem>>, vector<1x16xf32>,
        %get3A_509 = arith.index_cast %scan3A_285 : i32 to index
        %get3A_510 = arith.constant 400 : index
        %get3A_511 = tpu.vector_load %arg9[%get3A_509, %get3A_510] {strides = array<i32>} : memref<32x1024xf32, #tpu.memory_space<vmem>>, vector<1x16xf32>,
        %get3A_512 = vector.shape_cast %get3A_511 : vector<1x16xf32> to vector<16xf32>
        %swap3A_513 = arith.index_cast %scan3A_285 : i32 to index
        %swap3A_514 = arith.constant 400 : index
        %swap3A_515 = tpu.vector_load %arg7[%swap3A_513, %swap3A_514] {strides = array<i32>} : memref<32x1024xf32, #tpu.memory_space<vmem>>, vector<1x16xf32>,
        %swap3A_516 = vector.shape_cast %swap3A_515 : vector<1x16xf32> to vector<16xf32>
        %swap3A_517 = vector.shape_cast %get3A_512 : vector<16xf32> to vector<1x16xf32>
        tpu.vector_store %arg7[%swap3A_513, %swap3A_514], %swap3A_517 {add = true, strides = array<i32>} : memref<32x1024xf32, #tpu.memory_space<vmem>>, vector<1x16xf32>,
        %get3A_518 = arith.index_cast %scan3A_285 : i32 to index
        %get3A_519 = arith.constant 416 : index
        %get3A_520 = tpu.vector_load %arg9[%get3A_518, %get3A_519] {strides = array<i32>} : memref<32x1024xf32, #tpu.memory_space<vmem>>, vector<1x16xf32>,
        %get3A_521 = vector.shape_cast %get3A_520 : vector<1x16xf32> to vector<16xf32>
        %swap3A_522 = arith.index_cast %scan3A_285 : i32 to index
        %swap3A_523 = arith.constant 416 : index
        %swap3A_524 = tpu.vector_load %arg7[%swap3A_522, %swap3A_523] {strides = array<i32>} : memref<32x1024xf32, #tpu.memory_space<vmem>>, vector<1x16xf32>,
        %swap3A_525 = vector.shape_cast %swap3A_524 : vector<1x16xf32> to vector<16xf32>
        %swap3A_526 = vector.shape_cast %get3A_521 : vector<16xf32> to vector<1x16xf32>
        tpu.vector_store %arg7[%swap3A_522, %swap3A_523], %swap3A_526 {add = true, strides = array<i32>} : memref<32x1024xf32, #tpu.memory_space<vmem>>, vector<1x16xf32>,
        %get3A_527 = arith.index_cast %scan3A_285 : i32 to index
        %get3A_528 = arith.constant 432 : index
        %get3A_529 = tpu.vector_load %arg9[%get3A_527, %get3A_528] {strides = array<i32>} : memref<32x1024xf32, #tpu.memory_space<vmem>>, vector<1x16xf32>,
        %get3A_530 = vector.shape_cast %get3A_529 : vector<1x16xf32> to vector<16xf32>
        %swap3A_531 = arith.index_cast %scan3A_285 : i32 to index
        %swap3A_532 = arith.constant 432 : index
        %swap3A_533 = tpu.vector_load %arg7[%swap3A_531, %swap3A_532] {strides = array<i32>} : memref<32x1024xf32, #tpu.memory_space<vmem>>, vector<1x16xf32>,
        %swap3A_534 = vector.shape_cast %swap3A_533 : vector<1x16xf32> to vector<16xf32>
        %swap3A_535 = vector.shape_cast %get3A_530 : vector<16xf32> to vector<1x16xf32>
        tpu.vector_store %arg7[%swap3A_531, %swap3A_532], %swap3A_535 {add = true, strides = array<i32>} : memref<32x1024xf32, #tpu.memory_space<vmem>>, vector<1x16xf32>,
        %get3A_536 = arith.index_cast %scan3A_285 : i32 to index
        %get3A_537 = arith.constant 448 : index
        %get3A_538 = tpu.vector_load %arg9[%get3A_536, %get3A_537] {strides = array<i32>} : memref<32x1024xf32, #tpu.memory_space<vmem>>, vector<1x16xf32>,
        %get3A_539 = vector.shape_cast %get3A_538 : vector<1x16xf32> to vector<16xf32>
        %swap3A_540 = arith.index_cast %scan3A_285 : i32 to index
        %swap3A_541 = arith.constant 448 : index
        %swap3A_542 = tpu.vector_load %arg7[%swap3A_540, %swap3A_541] {strides = array<i32>} : memref<32x1024xf32, #tpu.memory_space<vmem>>, vector<1x16xf32>,
        %swap3A_543 = vector.shape_cast %swap3A_542 : vector<1x16xf32> to vector<16xf32>
        %swap3A_544 = vector.shape_cast %get3A_539 : vector<16xf32> to vector<1x16xf32>
        tpu.vector_store %arg7[%swap3A_540, %swap3A_541], %swap3A_544 {add = true, strides = array<i32>} : memref<32x1024xf32, #tpu.memory_space<vmem>>, vector<1x16xf32>,
        %get3A_545 = arith.index_cast %scan3A_285 : i32 to index
        %get3A_546 = arith.constant 464 : index
        %get3A_547 = tpu.vector_load %arg9[%get3A_545, %get3A_546] {strides = array<i32>} : memref<32x1024xf32, #tpu.memory_space<vmem>>, vector<1x16xf32>,
        %get3A_548 = vector.shape_cast %get3A_547 : vector<1x16xf32> to vector<16xf32>
        %swap3A_549 = arith.index_cast %scan3A_285 : i32 to index
        %swap3A_550 = arith.constant 464 : index
        %swap3A_551 = tpu.vector_load %arg7[%swap3A_549, %swap3A_550] {strides = array<i32>} : memref<32x1024xf32, #tpu.memory_space<vmem>>, vector<1x16xf32>,
        %swap3A_552 = vector.shape_cast %swap3A_551 : vector<1x16xf32> to vector<16xf32>
        %swap3A_553 = vector.shape_cast %get3A_548 : vector<16xf32> to vector<1x16xf32>
        tpu.vector_store %arg7[%swap3A_549, %swap3A_550], %swap3A_553 {add = true, strides = array<i32>} : memref<32x1024xf32, #tpu.memory_space<vmem>>, vector<1x16xf32>,
        %get3A_554 = arith.index_cast %scan3A_285 : i32 to index
        %get3A_555 = arith.constant 480 : index
        %get3A_556 = tpu.vector_load %arg9[%get3A_554, %get3A_555] {strides = array<i32>} : memref<32x1024xf32, #tpu.memory_space<vmem>>, vector<1x16xf32>,
        %get3A_557 = vector.shape_cast %get3A_556 : vector<1x16xf32> to vector<16xf32>
        %swap3A_558 = arith.index_cast %scan3A_285 : i32 to index
        %swap3A_559 = arith.constant 480 : index
        %swap3A_560 = tpu.vector_load %arg7[%swap3A_558, %swap3A_559] {strides = array<i32>} : memref<32x1024xf32, #tpu.memory_space<vmem>>, vector<1x16xf32>,
        %swap3A_561 = vector.shape_cast %swap3A_560 : vector<1x16xf32> to vector<16xf32>
        %swap3A_562 = vector.shape_cast %get3A_557 : vector<16xf32> to vector<1x16xf32>
        tpu.vector_store %arg7[%swap3A_558, %swap3A_559], %swap3A_562 {add = true, strides = array<i32>} : memref<32x1024xf32, #tpu.memory_space<vmem>>, vector<1x16xf32>,
        %get3A_563 = arith.index_cast %scan3A_285 : i32 to index
        %get3A_564 = arith.constant 496 : index
        %get3A_565 = tpu.vector_load %arg9[%get3A_563, %get3A_564] {strides = array<i32>} : memref<32x1024xf32, #tpu.memory_space<vmem>>, vector<1x16xf32>,
        %get3A_566 = vector.shape_cast %get3A_565 : vector<1x16xf32> to vector<16xf32>
        %swap3A_567 = arith.index_cast %scan3A_285 : i32 to index
        %swap3A_568 = arith.constant 496 : index
        %swap3A_569 = tpu.vector_load %arg7[%swap3A_567, %swap3A_568] {strides = array<i32>} : memref<32x1024xf32, #tpu.memory_space<vmem>>, vector<1x16xf32>,
        %swap3A_570 = vector.shape_cast %swap3A_569 : vector<1x16xf32> to vector<16xf32>
        %swap3A_571 = vector.shape_cast %get3A_566 : vector<16xf32> to vector<1x16xf32>
        tpu.vector_store %arg7[%swap3A_567, %swap3A_568], %swap3A_571 {add = true, strides = array<i32>} : memref<32x1024xf32, #tpu.memory_space<vmem>>, vector<1x16xf32>,
        %get3A_572 = arith.index_cast %scan3A_285 : i32 to index
        %get3A_573 = arith.constant 512 : index
        %get3A_574 = tpu.vector_load %arg9[%get3A_572, %get3A_573] {strides = array<i32>} : memref<32x1024xf32, #tpu.memory_space<vmem>>, vector<1x16xf32>,
        %get3A_575 = vector.shape_cast %get3A_574 : vector<1x16xf32> to vector<16xf32>
        %swap3A_576 = arith.index_cast %scan3A_285 : i32 to index
        %swap3A_577 = arith.constant 512 : index
        %swap3A_578 = tpu.vector_load %arg7[%swap3A_576, %swap3A_577] {strides = array<i32>} : memref<32x1024xf32, #tpu.memory_space<vmem>>, vector<1x16xf32>,
        %swap3A_579 = vector.shape_cast %swap3A_578 : vector<1x16xf32> to vector<16xf32>
        %swap3A_580 = vector.shape_cast %get3A_575 : vector<16xf32> to vector<1x16xf32>
        tpu.vector_store %arg7[%swap3A_576, %swap3A_577], %swap3A_580 {add = true, strides = array<i32>} : memref<32x1024xf32, #tpu.memory_space<vmem>>, vector<1x16xf32>,
        %get3A_581 = arith.index_cast %scan3A_285 : i32 to index
        %get3A_582 = arith.constant 528 : index
        %get3A_583 = tpu.vector_load %arg9[%get3A_581, %get3A_582] {strides = array<i32>} : memref<32x1024xf32, #tpu.memory_space<vmem>>, vector<1x16xf32>,
        %get3A_584 = vector.shape_cast %get3A_583 : vector<1x16xf32> to vector<16xf32>
        %swap3A_585 = arith.index_cast %scan3A_285 : i32 to index
        %swap3A_586 = arith.constant 528 : index
        %swap3A_587 = tpu.vector_load %arg7[%swap3A_585, %swap3A_586] {strides = array<i32>} : memref<32x1024xf32, #tpu.memory_space<vmem>>, vector<1x16xf32>,
        %swap3A_588 = vector.shape_cast %swap3A_587 : vector<1x16xf32> to vector<16xf32>
        %swap3A_589 = vector.shape_cast %get3A_584 : vector<16xf32> to vector<1x16xf32>
        tpu.vector_store %arg7[%swap3A_585, %swap3A_586], %swap3A_589 {add = true, strides = array<i32>} : memref<32x1024xf32, #tpu.memory_space<vmem>>, vector<1x16xf32>,
        %get3A_590 = arith.index_cast %scan3A_285 : i32 to index
        %get3A_591 = arith.constant 544 : index
        %get3A_592 = tpu.vector_load %arg9[%get3A_590, %get3A_591] {strides = array<i32>} : memref<32x1024xf32, #tpu.memory_space<vmem>>, vector<1x16xf32>,
        %get3A_593 = vector.shape_cast %get3A_592 : vector<1x16xf32> to vector<16xf32>
        %swap3A_594 = arith.index_cast %scan3A_285 : i32 to index
        %swap3A_595 = arith.constant 544 : index
        %swap3A_596 = tpu.vector_load %arg7[%swap3A_594, %swap3A_595] {strides = array<i32>} : memref<32x1024xf32, #tpu.memory_space<vmem>>, vector<1x16xf32>,
        %swap3A_597 = vector.shape_cast %swap3A_596 : vector<1x16xf32> to vector<16xf32>
        %swap3A_598 = vector.shape_cast %get3A_593 : vector<16xf32> to vector<1x16xf32>
        tpu.vector_store %arg7[%swap3A_594, %swap3A_595], %swap3A_598 {add = true, strides = array<i32>} : memref<32x1024xf32, #tpu.memory_space<vmem>>, vector<1x16xf32>,
        %get3A_599 = arith.index_cast %scan3A_285 : i32 to index
        %get3A_600 = arith.constant 560 : index
        %get3A_601 = tpu.vector_load %arg9[%get3A_599, %get3A_600] {strides = array<i32>} : memref<32x1024xf32, #tpu.memory_space<vmem>>, vector<1x16xf32>,
        %get3A_602 = vector.shape_cast %get3A_601 : vector<1x16xf32> to vector<16xf32>
        %swap3A_603 = arith.index_cast %scan3A_285 : i32 to index
        %swap3A_604 = arith.constant 560 : index
        %swap3A_605 = tpu.vector_load %arg7[%swap3A_603, %swap3A_604] {strides = array<i32>} : memref<32x1024xf32, #tpu.memory_space<vmem>>, vector<1x16xf32>,
        %swap3A_606 = vector.shape_cast %swap3A_605 : vector<1x16xf32> to vector<16xf32>
        %swap3A_607 = vector.shape_cast %get3A_602 : vector<16xf32> to vector<1x16xf32>
        tpu.vector_store %arg7[%swap3A_603, %swap3A_604], %swap3A_607 {add = true, strides = array<i32>} : memref<32x1024xf32, #tpu.memory_space<vmem>>, vector<1x16xf32>,
        %get3A_608 = arith.index_cast %scan3A_285 : i32 to index
        %get3A_609 = arith.constant 576 : index
        %get3A_610 = tpu.vector_load %arg9[%get3A_608, %get3A_609] {strides = array<i32>} : memref<32x1024xf32, #tpu.memory_space<vmem>>, vector<1x16xf32>,
        %get3A_611 = vector.shape_cast %get3A_610 : vector<1x16xf32> to vector<16xf32>
        %swap3A_612 = arith.index_cast %scan3A_285 : i32 to index
        %swap3A_613 = arith.constant 576 : index
        %swap3A_614 = tpu.vector_load %arg7[%swap3A_612, %swap3A_613] {strides = array<i32>} : memref<32x1024xf32, #tpu.memory_space<vmem>>, vector<1x16xf32>,
        %swap3A_615 = vector.shape_cast %swap3A_614 : vector<1x16xf32> to vector<16xf32>
        %swap3A_616 = vector.shape_cast %get3A_611 : vector<16xf32> to vector<1x16xf32>
        tpu.vector_store %arg7[%swap3A_612, %swap3A_613], %swap3A_616 {add = true, strides = array<i32>} : memref<32x1024xf32, #tpu.memory_space<vmem>>, vector<1x16xf32>,
        %get3A_617 = arith.index_cast %scan3A_285 : i32 to index
        %get3A_618 = arith.constant 592 : index
        %get3A_619 = tpu.vector_load %arg9[%get3A_617, %get3A_618] {strides = array<i32>} : memref<32x1024xf32, #tpu.memory_space<vmem>>, vector<1x16xf32>,
        %get3A_620 = vector.shape_cast %get3A_619 : vector<1x16xf32> to vector<16xf32>
        %swap3A_621 = arith.index_cast %scan3A_285 : i32 to index
        %swap3A_622 = arith.constant 592 : index
        %swap3A_623 = tpu.vector_load %arg7[%swap3A_621, %swap3A_622] {strides = array<i32>} : memref<32x1024xf32, #tpu.memory_space<vmem>>, vector<1x16xf32>,
        %swap3A_624 = vector.shape_cast %swap3A_623 : vector<1x16xf32> to vector<16xf32>
        %swap3A_625 = vector.shape_cast %get3A_620 : vector<16xf32> to vector<1x16xf32>
        tpu.vector_store %arg7[%swap3A_621, %swap3A_622], %swap3A_625 {add = true, strides = array<i32>} : memref<32x1024xf32, #tpu.memory_space<vmem>>, vector<1x16xf32>,
        %get3A_626 = arith.index_cast %scan3A_285 : i32 to index
        %get3A_627 = arith.constant 608 : index
        %get3A_628 = tpu.vector_load %arg9[%get3A_626, %get3A_627] {strides = array<i32>} : memref<32x1024xf32, #tpu.memory_space<vmem>>, vector<1x16xf32>,
        %get3A_629 = vector.shape_cast %get3A_628 : vector<1x16xf32> to vector<16xf32>
        %swap3A_630 = arith.index_cast %scan3A_285 : i32 to index
        %swap3A_631 = arith.constant 608 : index
        %swap3A_632 = tpu.vector_load %arg7[%swap3A_630, %swap3A_631] {strides = array<i32>} : memref<32x1024xf32, #tpu.memory_space<vmem>>, vector<1x16xf32>,
        %swap3A_633 = vector.shape_cast %swap3A_632 : vector<1x16xf32> to vector<16xf32>
        %swap3A_634 = vector.shape_cast %get3A_629 : vector<16xf32> to vector<1x16xf32>
        tpu.vector_store %arg7[%swap3A_630, %swap3A_631], %swap3A_634 {add = true, strides = array<i32>} : memref<32x1024xf32, #tpu.memory_space<vmem>>, vector<1x16xf32>,
        %get3A_635 = arith.index_cast %scan3A_285 : i32 to index
        %get3A_636 = arith.constant 624 : index
        %get3A_637 = tpu.vector_load %arg9[%get3A_635, %get3A_636] {strides = array<i32>} : memref<32x1024xf32, #tpu.memory_space<vmem>>, vector<1x16xf32>,
        %get3A_638 = vector.shape_cast %get3A_637 : vector<1x16xf32> to vector<16xf32>
        %swap3A_639 = arith.index_cast %scan3A_285 : i32 to index
        %swap3A_640 = arith.constant 624 : index
        %swap3A_641 = tpu.vector_load %arg7[%swap3A_639, %swap3A_640] {strides = array<i32>} : memref<32x1024xf32, #tpu.memory_space<vmem>>, vector<1x16xf32>,
        %swap3A_642 = vector.shape_cast %swap3A_641 : vector<1x16xf32> to vector<16xf32>
        %swap3A_643 = vector.shape_cast %get3A_638 : vector<16xf32> to vector<1x16xf32>
        tpu.vector_store %arg7[%swap3A_639, %swap3A_640], %swap3A_643 {add = true, strides = array<i32>} : memref<32x1024xf32, #tpu.memory_space<vmem>>, vector<1x16xf32>,
        %get3A_644 = arith.index_cast %scan3A_285 : i32 to index
        %get3A_645 = arith.constant 640 : index
        %get3A_646 = tpu.vector_load %arg9[%get3A_644, %get3A_645] {strides = array<i32>} : memref<32x1024xf32, #tpu.memory_space<vmem>>, vector<1x16xf32>,
        %get3A_647 = vector.shape_cast %get3A_646 : vector<1x16xf32> to vector<16xf32>
        %swap3A_648 = arith.index_cast %scan3A_285 : i32 to index
        %swap3A_649 = arith.constant 640 : index
        %swap3A_650 = tpu.vector_load %arg7[%swap3A_648, %swap3A_649] {strides = array<i32>} : memref<32x1024xf32, #tpu.memory_space<vmem>>, vector<1x16xf32>,
        %swap3A_651 = vector.shape_cast %swap3A_650 : vector<1x16xf32> to vector<16xf32>
        %swap3A_652 = vector.shape_cast %get3A_647 : vector<16xf32> to vector<1x16xf32>
        tpu.vector_store %arg7[%swap3A_648, %swap3A_649], %swap3A_652 {add = true, strides = array<i32>} : memref<32x1024xf32, #tpu.memory_space<vmem>>, vector<1x16xf32>,
        %get3A_653 = arith.index_cast %scan3A_285 : i32 to index
        %get3A_654 = arith.constant 656 : index
        %get3A_655 = tpu.vector_load %arg9[%get3A_653, %get3A_654] {strides = array<i32>} : memref<32x1024xf32, #tpu.memory_space<vmem>>, vector<1x16xf32>,
        %get3A_656 = vector.shape_cast %get3A_655 : vector<1x16xf32> to vector<16xf32>
        %swap3A_657 = arith.index_cast %scan3A_285 : i32 to index
        %swap3A_658 = arith.constant 656 : index
        %swap3A_659 = tpu.vector_load %arg7[%swap3A_657, %swap3A_658] {strides = array<i32>} : memref<32x1024xf32, #tpu.memory_space<vmem>>, vector<1x16xf32>,
        %swap3A_660 = vector.shape_cast %swap3A_659 : vector<1x16xf32> to vector<16xf32>
        %swap3A_661 = vector.shape_cast %get3A_656 : vector<16xf32> to vector<1x16xf32>
        tpu.vector_store %arg7[%swap3A_657, %swap3A_658], %swap3A_661 {add = true, strides = array<i32>} : memref<32x1024xf32, #tpu.memory_space<vmem>>, vector<1x16xf32>,
        %get3A_662 = arith.index_cast %scan3A_285 : i32 to index
        %get3A_663 = arith.constant 672 : index
        %get3A_664 = tpu.vector_load %arg9[%get3A_662, %get3A_663] {strides = array<i32>} : memref<32x1024xf32, #tpu.memory_space<vmem>>, vector<1x16xf32>,
        %get3A_665 = vector.shape_cast %get3A_664 : vector<1x16xf32> to vector<16xf32>
        %swap3A_666 = arith.index_cast %scan3A_285 : i32 to index
        %swap3A_667 = arith.constant 672 : index
        %swap3A_668 = tpu.vector_load %arg7[%swap3A_666, %swap3A_667] {strides = array<i32>} : memref<32x1024xf32, #tpu.memory_space<vmem>>, vector<1x16xf32>,
        %swap3A_669 = vector.shape_cast %swap3A_668 : vector<1x16xf32> to vector<16xf32>
        %swap3A_670 = vector.shape_cast %get3A_665 : vector<16xf32> to vector<1x16xf32>
        tpu.vector_store %arg7[%swap3A_666, %swap3A_667], %swap3A_670 {add = true, strides = array<i32>} : memref<32x1024xf32, #tpu.memory_space<vmem>>, vector<1x16xf32>,
        %get3A_671 = arith.index_cast %scan3A_285 : i32 to index
        %get3A_672 = arith.constant 688 : index
        %get3A_673 = tpu.vector_load %arg9[%get3A_671, %get3A_672] {strides = array<i32>} : memref<32x1024xf32, #tpu.memory_space<vmem>>, vector<1x16xf32>,
        %get3A_674 = vector.shape_cast %get3A_673 : vector<1x16xf32> to vector<16xf32>
        %swap3A_675 = arith.index_cast %scan3A_285 : i32 to index
        %swap3A_676 = arith.constant 688 : index
        %swap3A_677 = tpu.vector_load %arg7[%swap3A_675, %swap3A_676] {strides = array<i32>} : memref<32x1024xf32, #tpu.memory_space<vmem>>, vector<1x16xf32>,
        %swap3A_678 = vector.shape_cast %swap3A_677 : vector<1x16xf32> to vector<16xf32>
        %swap3A_679 = vector.shape_cast %get3A_674 : vector<16xf32> to vector<1x16xf32>
        tpu.vector_store %arg7[%swap3A_675, %swap3A_676], %swap3A_679 {add = true, strides = array<i32>} : memref<32x1024xf32, #tpu.memory_space<vmem>>, vector<1x16xf32>,
        %get3A_680 = arith.index_cast %scan3A_285 : i32 to index
        %get3A_681 = arith.constant 704 : index
        %get3A_682 = tpu.vector_load %arg9[%get3A_680, %get3A_681] {strides = array<i32>} : memref<32x1024xf32, #tpu.memory_space<vmem>>, vector<1x16xf32>,
        %get3A_683 = vector.shape_cast %get3A_682 : vector<1x16xf32> to vector<16xf32>
        %swap3A_684 = arith.index_cast %scan3A_285 : i32 to index
        %swap3A_685 = arith.constant 704 : index
        %swap3A_686 = tpu.vector_load %arg7[%swap3A_684, %swap3A_685] {strides = array<i32>} : memref<32x1024xf32, #tpu.memory_space<vmem>>, vector<1x16xf32>,
        %swap3A_687 = vector.shape_cast %swap3A_686 : vector<1x16xf32> to vector<16xf32>
        %swap3A_688 = vector.shape_cast %get3A_683 : vector<16xf32> to vector<1x16xf32>
        tpu.vector_store %arg7[%swap3A_684, %swap3A_685], %swap3A_688 {add = true, strides = array<i32>} : memref<32x1024xf32, #tpu.memory_space<vmem>>, vector<1x16xf32>,
        %get3A_689 = arith.index_cast %scan3A_285 : i32 to index
        %get3A_690 = arith.constant 720 : index
        %get3A_691 = tpu.vector_load %arg9[%get3A_689, %get3A_690] {strides = array<i32>} : memref<32x1024xf32, #tpu.memory_space<vmem>>, vector<1x16xf32>,
        %get3A_692 = vector.shape_cast %get3A_691 : vector<1x16xf32> to vector<16xf32>
        %swap3A_693 = arith.index_cast %scan3A_285 : i32 to index
        %swap3A_694 = arith.constant 720 : index
        %swap3A_695 = tpu.vector_load %arg7[%swap3A_693, %swap3A_694] {strides = array<i32>} : memref<32x1024xf32, #tpu.memory_space<vmem>>, vector<1x16xf32>,
        %swap3A_696 = vector.shape_cast %swap3A_695 : vector<1x16xf32> to vector<16xf32>
        %swap3A_697 = vector.shape_cast %get3A_692 : vector<16xf32> to vector<1x16xf32>
        tpu.vector_store %arg7[%swap3A_693, %swap3A_694], %swap3A_697 {add = true, strides = array<i32>} : memref<32x1024xf32, #tpu.memory_space<vmem>>, vector<1x16xf32>,
        %get3A_698 = arith.index_cast %scan3A_285 : i32 to index
        %get3A_699 = arith.constant 736 : index
        %get3A_700 = tpu.vector_load %arg9[%get3A_698, %get3A_699] {strides = array<i32>} : memref<32x1024xf32, #tpu.memory_space<vmem>>, vector<1x16xf32>,
        %get3A_701 = vector.shape_cast %get3A_700 : vector<1x16xf32> to vector<16xf32>
        %swap3A_702 = arith.index_cast %scan3A_285 : i32 to index
        %swap3A_703 = arith.constant 736 : index
        %swap3A_704 = tpu.vector_load %arg7[%swap3A_702, %swap3A_703] {strides = array<i32>} : memref<32x1024xf32, #tpu.memory_space<vmem>>, vector<1x16xf32>,
        %swap3A_705 = vector.shape_cast %swap3A_704 : vector<1x16xf32> to vector<16xf32>
        %swap3A_706 = vector.shape_cast %get3A_701 : vector<16xf32> to vector<1x16xf32>
        tpu.vector_store %arg7[%swap3A_702, %swap3A_703], %swap3A_706 {add = true, strides = array<i32>} : memref<32x1024xf32, #tpu.memory_space<vmem>>, vector<1x16xf32>,
        %get3A_707 = arith.index_cast %scan3A_285 : i32 to index
        %get3A_708 = arith.constant 752 : index
        %get3A_709 = tpu.vector_load %arg9[%get3A_707, %get3A_708] {strides = array<i32>} : memref<32x1024xf32, #tpu.memory_space<vmem>>, vector<1x16xf32>,
        %get3A_710 = vector.shape_cast %get3A_709 : vector<1x16xf32> to vector<16xf32>
        %swap3A_711 = arith.index_cast %scan3A_285 : i32 to index
        %swap3A_712 = arith.constant 752 : index
        %swap3A_713 = tpu.vector_load %arg7[%swap3A_711, %swap3A_712] {strides = array<i32>} : memref<32x1024xf32, #tpu.memory_space<vmem>>, vector<1x16xf32>,
        %swap3A_714 = vector.shape_cast %swap3A_713 : vector<1x16xf32> to vector<16xf32>
        %swap3A_715 = vector.shape_cast %get3A_710 : vector<16xf32> to vector<1x16xf32>
        tpu.vector_store %arg7[%swap3A_711, %swap3A_712], %swap3A_715 {add = true, strides = array<i32>} : memref<32x1024xf32, #tpu.memory_space<vmem>>, vector<1x16xf32>,
        %get3A_716 = arith.index_cast %scan3A_285 : i32 to index
        %get3A_717 = arith.constant 768 : index
        %get3A_718 = tpu.vector_load %arg9[%get3A_716, %get3A_717] {strides = array<i32>} : memref<32x1024xf32, #tpu.memory_space<vmem>>, vector<1x16xf32>,
        %get3A_719 = vector.shape_cast %get3A_718 : vector<1x16xf32> to vector<16xf32>
        %swap3A_720 = arith.index_cast %scan3A_285 : i32 to index
        %swap3A_721 = arith.constant 768 : index
        %swap3A_722 = tpu.vector_load %arg7[%swap3A_720, %swap3A_721] {strides = array<i32>} : memref<32x1024xf32, #tpu.memory_space<vmem>>, vector<1x16xf32>,
        %swap3A_723 = vector.shape_cast %swap3A_722 : vector<1x16xf32> to vector<16xf32>
        %swap3A_724 = vector.shape_cast %get3A_719 : vector<16xf32> to vector<1x16xf32>
        tpu.vector_store %arg7[%swap3A_720, %swap3A_721], %swap3A_724 {add = true, strides = array<i32>} : memref<32x1024xf32, #tpu.memory_space<vmem>>, vector<1x16xf32>,
        %get3A_725 = arith.index_cast %scan3A_285 : i32 to index
        %get3A_726 = arith.constant 784 : index
        %get3A_727 = tpu.vector_load %arg9[%get3A_725, %get3A_726] {strides = array<i32>} : memref<32x1024xf32, #tpu.memory_space<vmem>>, vector<1x16xf32>,
        %get3A_728 = vector.shape_cast %get3A_727 : vector<1x16xf32> to vector<16xf32>
        %swap3A_729 = arith.index_cast %scan3A_285 : i32 to index
        %swap3A_730 = arith.constant 784 : index
        %swap3A_731 = tpu.vector_load %arg7[%swap3A_729, %swap3A_730] {strides = array<i32>} : memref<32x1024xf32, #tpu.memory_space<vmem>>, vector<1x16xf32>,
        %swap3A_732 = vector.shape_cast %swap3A_731 : vector<1x16xf32> to vector<16xf32>
        %swap3A_733 = vector.shape_cast %get3A_728 : vector<16xf32> to vector<1x16xf32>
        tpu.vector_store %arg7[%swap3A_729, %swap3A_730], %swap3A_733 {add = true, strides = array<i32>} : memref<32x1024xf32, #tpu.memory_space<vmem>>, vector<1x16xf32>,
        %get3A_734 = arith.index_cast %scan3A_285 : i32 to index
        %get3A_735 = arith.constant 800 : index
        %get3A_736 = tpu.vector_load %arg9[%get3A_734, %get3A_735] {strides = array<i32>} : memref<32x1024xf32, #tpu.memory_space<vmem>>, vector<1x16xf32>,
        %get3A_737 = vector.shape_cast %get3A_736 : vector<1x16xf32> to vector<16xf32>
        %swap3A_738 = arith.index_cast %scan3A_285 : i32 to index
        %swap3A_739 = arith.constant 800 : index
        %swap3A_740 = tpu.vector_load %arg7[%swap3A_738, %swap3A_739] {strides = array<i32>} : memref<32x1024xf32, #tpu.memory_space<vmem>>, vector<1x16xf32>,
        %swap3A_741 = vector.shape_cast %swap3A_740 : vector<1x16xf32> to vector<16xf32>
        %swap3A_742 = vector.shape_cast %get3A_737 : vector<16xf32> to vector<1x16xf32>
        tpu.vector_store %arg7[%swap3A_738, %swap3A_739], %swap3A_742 {add = true, strides = array<i32>} : memref<32x1024xf32, #tpu.memory_space<vmem>>, vector<1x16xf32>,
        %get3A_743 = arith.index_cast %scan3A_285 : i32 to index
        %get3A_744 = arith.constant 816 : index
        %get3A_745 = tpu.vector_load %arg9[%get3A_743, %get3A_744] {strides = array<i32>} : memref<32x1024xf32, #tpu.memory_space<vmem>>, vector<1x16xf32>,
        %get3A_746 = vector.shape_cast %get3A_745 : vector<1x16xf32> to vector<16xf32>
        %swap3A_747 = arith.index_cast %scan3A_285 : i32 to index
        %swap3A_748 = arith.constant 816 : index
        %swap3A_749 = tpu.vector_load %arg7[%swap3A_747, %swap3A_748] {strides = array<i32>} : memref<32x1024xf32, #tpu.memory_space<vmem>>, vector<1x16xf32>,
        %swap3A_750 = vector.shape_cast %swap3A_749 : vector<1x16xf32> to vector<16xf32>
        %swap3A_751 = vector.shape_cast %get3A_746 : vector<16xf32> to vector<1x16xf32>
        tpu.vector_store %arg7[%swap3A_747, %swap3A_748], %swap3A_751 {add = true, strides = array<i32>} : memref<32x1024xf32, #tpu.memory_space<vmem>>, vector<1x16xf32>,
        %get3A_752 = arith.index_cast %scan3A_285 : i32 to index
        %get3A_753 = arith.constant 832 : index
        %get3A_754 = tpu.vector_load %arg9[%get3A_752, %get3A_753] {strides = array<i32>} : memref<32x1024xf32, #tpu.memory_space<vmem>>, vector<1x16xf32>,
        %get3A_755 = vector.shape_cast %get3A_754 : vector<1x16xf32> to vector<16xf32>
        %swap3A_756 = arith.index_cast %scan3A_285 : i32 to index
        %swap3A_757 = arith.constant 832 : index
        %swap3A_758 = tpu.vector_load %arg7[%swap3A_756, %swap3A_757] {strides = array<i32>} : memref<32x1024xf32, #tpu.memory_space<vmem>>, vector<1x16xf32>,
        %swap3A_759 = vector.shape_cast %swap3A_758 : vector<1x16xf32> to vector<16xf32>
        %swap3A_760 = vector.shape_cast %get3A_755 : vector<16xf32> to vector<1x16xf32>
        tpu.vector_store %arg7[%swap3A_756, %swap3A_757], %swap3A_760 {add = true, strides = array<i32>} : memref<32x1024xf32, #tpu.memory_space<vmem>>, vector<1x16xf32>,
        %get3A_761 = arith.index_cast %scan3A_285 : i32 to index
        %get3A_762 = arith.constant 848 : index
        %get3A_763 = tpu.vector_load %arg9[%get3A_761, %get3A_762] {strides = array<i32>} : memref<32x1024xf32, #tpu.memory_space<vmem>>, vector<1x16xf32>,
        %get3A_764 = vector.shape_cast %get3A_763 : vector<1x16xf32> to vector<16xf32>
        %swap3A_765 = arith.index_cast %scan3A_285 : i32 to index
        %swap3A_766 = arith.constant 848 : index
        %swap3A_767 = tpu.vector_load %arg7[%swap3A_765, %swap3A_766] {strides = array<i32>} : memref<32x1024xf32, #tpu.memory_space<vmem>>, vector<1x16xf32>,
        %swap3A_768 = vector.shape_cast %swap3A_767 : vector<1x16xf32> to vector<16xf32>
        %swap3A_769 = vector.shape_cast %get3A_764 : vector<16xf32> to vector<1x16xf32>
        tpu.vector_store %arg7[%swap3A_765, %swap3A_766], %swap3A_769 {add = true, strides = array<i32>} : memref<32x1024xf32, #tpu.memory_space<vmem>>, vector<1x16xf32>,
        %get3A_770 = arith.index_cast %scan3A_285 : i32 to index
        %get3A_771 = arith.constant 864 : index
        %get3A_772 = tpu.vector_load %arg9[%get3A_770, %get3A_771] {strides = array<i32>} : memref<32x1024xf32, #tpu.memory_space<vmem>>, vector<1x16xf32>,
        %get3A_773 = vector.shape_cast %get3A_772 : vector<1x16xf32> to vector<16xf32>
        %swap3A_774 = arith.index_cast %scan3A_285 : i32 to index
        %swap3A_775 = arith.constant 864 : index
        %swap3A_776 = tpu.vector_load %arg7[%swap3A_774, %swap3A_775] {strides = array<i32>} : memref<32x1024xf32, #tpu.memory_space<vmem>>, vector<1x16xf32>,
        %swap3A_777 = vector.shape_cast %swap3A_776 : vector<1x16xf32> to vector<16xf32>
        %swap3A_778 = vector.shape_cast %get3A_773 : vector<16xf32> to vector<1x16xf32>
        tpu.vector_store %arg7[%swap3A_774, %swap3A_775], %swap3A_778 {add = true, strides = array<i32>} : memref<32x1024xf32, #tpu.memory_space<vmem>>, vector<1x16xf32>,
        %get3A_779 = arith.index_cast %scan3A_285 : i32 to index
        %get3A_780 = arith.constant 880 : index
        %get3A_781 = tpu.vector_load %arg9[%get3A_779, %get3A_780] {strides = array<i32>} : memref<32x1024xf32, #tpu.memory_space<vmem>>, vector<1x16xf32>,
        %get3A_782 = vector.shape_cast %get3A_781 : vector<1x16xf32> to vector<16xf32>
        %swap3A_783 = arith.index_cast %scan3A_285 : i32 to index
        %swap3A_784 = arith.constant 880 : index
        %swap3A_785 = tpu.vector_load %arg7[%swap3A_783, %swap3A_784] {strides = array<i32>} : memref<32x1024xf32, #tpu.memory_space<vmem>>, vector<1x16xf32>,
        %swap3A_786 = vector.shape_cast %swap3A_785 : vector<1x16xf32> to vector<16xf32>
        %swap3A_787 = vector.shape_cast %get3A_782 : vector<16xf32> to vector<1x16xf32>
        tpu.vector_store %arg7[%swap3A_783, %swap3A_784], %swap3A_787 {add = true, strides = array<i32>} : memref<32x1024xf32, #tpu.memory_space<vmem>>, vector<1x16xf32>,
        %get3A_788 = arith.index_cast %scan3A_285 : i32 to index
        %get3A_789 = arith.constant 896 : index
        %get3A_790 = tpu.vector_load %arg9[%get3A_788, %get3A_789] {strides = array<i32>} : memref<32x1024xf32, #tpu.memory_space<vmem>>, vector<1x16xf32>,
        %get3A_791 = vector.shape_cast %get3A_790 : vector<1x16xf32> to vector<16xf32>
        %swap3A_792 = arith.index_cast %scan3A_285 : i32 to index
        %swap3A_793 = arith.constant 896 : index
        %swap3A_794 = tpu.vector_load %arg7[%swap3A_792, %swap3A_793] {strides = array<i32>} : memref<32x1024xf32, #tpu.memory_space<vmem>>, vector<1x16xf32>,
        %swap3A_795 = vector.shape_cast %swap3A_794 : vector<1x16xf32> to vector<16xf32>
        %swap3A_796 = vector.shape_cast %get3A_791 : vector<16xf32> to vector<1x16xf32>
        tpu.vector_store %arg7[%swap3A_792, %swap3A_793], %swap3A_796 {add = true, strides = array<i32>} : memref<32x1024xf32, #tpu.memory_space<vmem>>, vector<1x16xf32>,
        %get3A_797 = arith.index_cast %scan3A_285 : i32 to index
        %get3A_798 = arith.constant 912 : index
        %get3A_799 = tpu.vector_load %arg9[%get3A_797, %get3A_798] {strides = array<i32>} : memref<32x1024xf32, #tpu.memory_space<vmem>>, vector<1x16xf32>,
        %get3A_800 = vector.shape_cast %get3A_799 : vector<1x16xf32> to vector<16xf32>
        %swap3A_801 = arith.index_cast %scan3A_285 : i32 to index
        %swap3A_802 = arith.constant 912 : index
        %swap3A_803 = tpu.vector_load %arg7[%swap3A_801, %swap3A_802] {strides = array<i32>} : memref<32x1024xf32, #tpu.memory_space<vmem>>, vector<1x16xf32>,
        %swap3A_804 = vector.shape_cast %swap3A_803 : vector<1x16xf32> to vector<16xf32>
        %swap3A_805 = vector.shape_cast %get3A_800 : vector<16xf32> to vector<1x16xf32>
        tpu.vector_store %arg7[%swap3A_801, %swap3A_802], %swap3A_805 {add = true, strides = array<i32>} : memref<32x1024xf32, #tpu.memory_space<vmem>>, vector<1x16xf32>,
        %get3A_806 = arith.index_cast %scan3A_285 : i32 to index
        %get3A_807 = arith.constant 928 : index
        %get3A_808 = tpu.vector_load %arg9[%get3A_806, %get3A_807] {strides = array<i32>} : memref<32x1024xf32, #tpu.memory_space<vmem>>, vector<1x16xf32>,
        %get3A_809 = vector.shape_cast %get3A_808 : vector<1x16xf32> to vector<16xf32>
        %swap3A_810 = arith.index_cast %scan3A_285 : i32 to index
        %swap3A_811 = arith.constant 928 : index
        %swap3A_812 = tpu.vector_load %arg7[%swap3A_810, %swap3A_811] {strides = array<i32>} : memref<32x1024xf32, #tpu.memory_space<vmem>>, vector<1x16xf32>,
        %swap3A_813 = vector.shape_cast %swap3A_812 : vector<1x16xf32> to vector<16xf32>
        %swap3A_814 = vector.shape_cast %get3A_809 : vector<16xf32> to vector<1x16xf32>
        tpu.vector_store %arg7[%swap3A_810, %swap3A_811], %swap3A_814 {add = true, strides = array<i32>} : memref<32x1024xf32, #tpu.memory_space<vmem>>, vector<1x16xf32>,
        %get3A_815 = arith.index_cast %scan3A_285 : i32 to index
        %get3A_816 = arith.constant 944 : index
        %get3A_817 = tpu.vector_load %arg9[%get3A_815, %get3A_816] {strides = array<i32>} : memref<32x1024xf32, #tpu.memory_space<vmem>>, vector<1x16xf32>,
        %get3A_818 = vector.shape_cast %get3A_817 : vector<1x16xf32> to vector<16xf32>
        %swap3A_819 = arith.index_cast %scan3A_285 : i32 to index
        %swap3A_820 = arith.constant 944 : index
        %swap3A_821 = tpu.vector_load %arg7[%swap3A_819, %swap3A_820] {strides = array<i32>} : memref<32x1024xf32, #tpu.memory_space<vmem>>, vector<1x16xf32>,
        %swap3A_822 = vector.shape_cast %swap3A_821 : vector<1x16xf32> to vector<16xf32>
        %swap3A_823 = vector.shape_cast %get3A_818 : vector<16xf32> to vector<1x16xf32>
        tpu.vector_store %arg7[%swap3A_819, %swap3A_820], %swap3A_823 {add = true, strides = array<i32>} : memref<32x1024xf32, #tpu.memory_space<vmem>>, vector<1x16xf32>,
        %get3A_824 = arith.index_cast %scan3A_285 : i32 to index
        %get3A_825 = arith.constant 960 : index
        %get3A_826 = tpu.vector_load %arg9[%get3A_824, %get3A_825] {strides = array<i32>} : memref<32x1024xf32, #tpu.memory_space<vmem>>, vector<1x16xf32>,
        %get3A_827 = vector.shape_cast %get3A_826 : vector<1x16xf32> to vector<16xf32>
        %swap3A_828 = arith.index_cast %scan3A_285 : i32 to index
        %swap3A_829 = arith.constant 960 : index
        %swap3A_830 = tpu.vector_load %arg7[%swap3A_828, %swap3A_829] {strides = array<i32>} : memref<32x1024xf32, #tpu.memory_space<vmem>>, vector<1x16xf32>,
        %swap3A_831 = vector.shape_cast %swap3A_830 : vector<1x16xf32> to vector<16xf32>
        %swap3A_832 = vector.shape_cast %get3A_827 : vector<16xf32> to vector<1x16xf32>
        tpu.vector_store %arg7[%swap3A_828, %swap3A_829], %swap3A_832 {add = true, strides = array<i32>} : memref<32x1024xf32, #tpu.memory_space<vmem>>, vector<1x16xf32>,
        %get3A_833 = arith.index_cast %scan3A_285 : i32 to index
        %get3A_834 = arith.constant 976 : index
        %get3A_835 = tpu.vector_load %arg9[%get3A_833, %get3A_834] {strides = array<i32>} : memref<32x1024xf32, #tpu.memory_space<vmem>>, vector<1x16xf32>,
        %get3A_836 = vector.shape_cast %get3A_835 : vector<1x16xf32> to vector<16xf32>
        %swap3A_837 = arith.index_cast %scan3A_285 : i32 to index
        %swap3A_838 = arith.constant 976 : index
        %swap3A_839 = tpu.vector_load %arg7[%swap3A_837, %swap3A_838] {strides = array<i32>} : memref<32x1024xf32, #tpu.memory_space<vmem>>, vector<1x16xf32>,
        %swap3A_840 = vector.shape_cast %swap3A_839 : vector<1x16xf32> to vector<16xf32>
        %swap3A_841 = vector.shape_cast %get3A_836 : vector<16xf32> to vector<1x16xf32>
        tpu.vector_store %arg7[%swap3A_837, %swap3A_838], %swap3A_841 {add = true, strides = array<i32>} : memref<32x1024xf32, #tpu.memory_space<vmem>>, vector<1x16xf32>,
        %get3A_842 = arith.index_cast %scan3A_285 : i32 to index
        %get3A_843 = arith.constant 992 : index
        %get3A_844 = tpu.vector_load %arg9[%get3A_842, %get3A_843] {strides = array<i32>} : memref<32x1024xf32, #tpu.memory_space<vmem>>, vector<1x16xf32>,
        %get3A_845 = vector.shape_cast %get3A_844 : vector<1x16xf32> to vector<16xf32>
        %swap3A_846 = arith.index_cast %scan3A_285 : i32 to index
        %swap3A_847 = arith.constant 992 : index
        %swap3A_848 = tpu.vector_load %arg7[%swap3A_846, %swap3A_847] {strides = array<i32>} : memref<32x1024xf32, #tpu.memory_space<vmem>>, vector<1x16xf32>,
        %swap3A_849 = vector.shape_cast %swap3A_848 : vector<1x16xf32> to vector<16xf32>
        %swap3A_850 = vector.shape_cast %get3A_845 : vector<16xf32> to vector<1x16xf32>
        tpu.vector_store %arg7[%swap3A_846, %swap3A_847], %swap3A_850 {add = true, strides = array<i32>} : memref<32x1024xf32, #tpu.memory_space<vmem>>, vector<1x16xf32>,
        %get3A_851 = arith.index_cast %scan3A_285 : i32 to index
        %get3A_852 = arith.constant 1008 : index
        %get3A_853 = tpu.vector_load %arg9[%get3A_851, %get3A_852] {strides = array<i32>} : memref<32x1024xf32, #tpu.memory_space<vmem>>, vector<1x16xf32>,
        %get3A_854 = vector.shape_cast %get3A_853 : vector<1x16xf32> to vector<16xf32>
        %swap3A_855 = arith.index_cast %scan3A_285 : i32 to index
        %swap3A_856 = arith.constant 1008 : index
        %swap3A_857 = tpu.vector_load %arg7[%swap3A_855, %swap3A_856] {strides = array<i32>} : memref<32x1024xf32, #tpu.memory_space<vmem>>, vector<1x16xf32>,
        %swap3A_858 = vector.shape_cast %swap3A_857 : vector<1x16xf32> to vector<16xf32>
        %swap3A_859 = vector.shape_cast %get3A_854 : vector<16xf32> to vector<1x16xf32>
        tpu.vector_store %arg7[%swap3A_855, %swap3A_856], %swap3A_859 {add = true, strides = array<i32>} : memref<32x1024xf32, #tpu.memory_space<vmem>>, vector<1x16xf32>,
      }
      %scan3A_245 = arith.constant 32 : i32
      %mul3A_246 = arith.constant 2048 : i32
      %mul3A_247 = arith.muli %mul3A_222, %mul3A_246 : i32
      %add3A_248 = arith.addi %mul3A_247, %mul3A_4 : i32
      %dma_start3A_249 = arith.constant 0 : i32
      %dma_start3A_250 = tpu.memref_slice %arg5[%add3A_248, %dma_start3A_249] : memref<8192x1024xf32, #tpu.memory_space<hbm>> -> memref<32x1024xf32, #tpu.memory_space<hbm>>
      %dma_start3A_251 = arith.constant 0 : i32
      %dma_start3A_252 = tpu.memref_slice %arg5[%add3A_248, %dma_start3A_251] : memref<8192x1024xf32, #tpu.memory_space<hbm>> -> memref<32x1024xf32, #tpu.memory_space<hbm>>
      tpu.enqueue_dma source(%arg7 : memref<32x1024xf32, #tpu.memory_space<vmem>>) target(%dma_start3A_252 : memref<32x1024xf32, #tpu.memory_space<hbm>>) target_semaphore(%arg12 : memref<!tpu.dma_semaphore, #tpu.memory_space<semaphore_mem>>)
      %dma_wait3A_253 = arith.constant 0 : i32
      %dma_wait3A_254 = arith.constant 0 : i32
      %dma_wait3A_255 = tpu.memref_slice %arg5[%dma_wait3A_253, %dma_wait3A_254] : memref<8192x1024xf32, #tpu.memory_space<hbm>> -> memref<32x1024xf32, #tpu.memory_space<hbm>>
      %dma_wait3A_256 = arith.constant 0 : i32
      %dma_wait3A_257 = arith.constant 0 : i32
      %dma_wait3A_258 = tpu.memref_slice %arg5[%dma_wait3A_256, %dma_wait3A_257] : memref<8192x1024xf32, #tpu.memory_space<hbm>> -> memref<32x1024xf32, #tpu.memory_space<hbm>>
      tpu.wait_dma2 semaphore(%arg12 : memref<!tpu.dma_semaphore, #tpu.memory_space<semaphore_mem>>) src(%arg7 : memref<32x1024xf32, #tpu.memory_space<vmem>>) dst(%dma_wait3A_258 : memref<32x1024xf32, #tpu.memory_space<hbm>>)
      %lt3A = arith.constant 1 : i32
      %lt3A_259 = arith.cmpi slt, %scan3A_220, %lt3A : i32
      %convert_element_type3A_260 = arith.extui %lt3A_259 : i1 to i32
      %cond3A_261 = arith.constant 0 : i32
      %cond3A_262 = arith.cmpi ne, %convert_element_type3A_260, %cond3A_261 : i32
      scf.if %cond3A_262 {
        %add3A_285 = arith.constant 2 : i32
        %add3A_286 = arith.addi %mul3A_222, %add3A_285 : i32
        %dma_start3A_287 = arith.constant 0 : i32
        %dma_start3A_288 = tpu.memref_slice %arg6[%add3A_286, %dma_start3A_287] : memref<4x32xi32, #tpu.memory_space<vmem>> -> memref<1x32xi32, #tpu.memory_space<vmem>>
        %dma_start3A_289 = tpu.memref_squeeze %dma_start3A_288 : memref<1x32xi32, #tpu.memory_space<vmem>> -> memref<32xi32, #tpu.memory_space<vmem>>
        %dma_start3A_290 = arith.constant 0 : i32
        %dma_start3A_291 = arith.constant 0 : i32
        %dma_start3A_292 = tpu.memref_slice %arg4[%dma_start3A_290, %dma_start3A_291] : memref<68x1024xf32, #tpu.memory_space<hbm>> -> memref<68x1024xf32, #tpu.memory_space<hbm>>
        tpu.enqueue_indirect_dma source(%dma_start3A_292 : memref<68x1024xf32, #tpu.memory_space<hbm>>) target(%arg7 : memref<32x1024xf32, #tpu.memory_space<vmem>>) offsets(%dma_start3A_289 : memref<32xi32, #tpu.memory_space<vmem>>) semaphore(%arg10 : memref<!tpu.dma_semaphore, #tpu.memory_space<semaphore_mem>>)
      } else {
      }
      %dma_wait3A_263 = arith.constant 0 : i32
      %dma_wait3A_264 = arith.constant 0 : i32
      %dma_wait3A_265 = tpu.memref_slice %arg6[%dma_wait3A_263, %dma_wait3A_264] : memref<4x32xi32, #tpu.memory_space<vmem>> -> memref<1x32xi32, #tpu.memory_space<vmem>>
      %dma_wait3A_266 = tpu.memref_squeeze %dma_wait3A_265 : memref<1x32xi32, #tpu.memory_space<vmem>> -> memref<32xi32, #tpu.memory_space<vmem>>
      %dma_wait3A_267 = arith.constant 0 : i32
      %dma_wait3A_268 = arith.constant 0 : i32
      %dma_wait3A_269 = tpu.memref_slice %arg4[%dma_wait3A_267, %dma_wait3A_268] : memref<68x1024xf32, #tpu.memory_space<hbm>> -> memref<68x1024xf32, #tpu.memory_space<hbm>>
      tpu.wait_indirect_dma semaphore(%arg11 : memref<!tpu.dma_semaphore, #tpu.memory_space<semaphore_mem>>) src(%dma_wait3A_269 : memref<68x1024xf32, #tpu.memory_space<hbm>>) dst(%arg8 : memref<32x1024xf32, #tpu.memory_space<vmem>>)
      %scan3A_270 = arith.constant 0 : i32
      %scan3A_271 = arith.constant 0 : i32
      %scan3A_272 = arith.constant 32 : i32
      %scan3A_273 = arith.addi %scan3A_271, %scan3A_272 : i32
      %scan3A_274 = arith.constant 1 : i32
      scf.for %scan3A_285 = %scan3A_271 to %scan3A_273 step %scan3A_274  : i32 {
        %get3A = arith.index_cast %scan3A_285 : i32 to index
        %get3A_286 = arith.constant 0 : index
        %get3A_287 = tpu.vector_load %arg9[%get3A, %get3A_286] {strides = array<i32>} : memref<32x1024xf32, #tpu.memory_space<vmem>>, vector<1x16xf32>,
        %get3A_288 = vector.shape_cast %get3A_287 : vector<1x16xf32> to vector<16xf32>
        %swap3A = arith.index_cast %scan3A_285 : i32 to index
        %swap3A_289 = arith.constant 0 : index
        %swap3A_290 = tpu.vector_load %arg8[%swap3A, %swap3A_289] {strides = array<i32>} : memref<32x1024xf32, #tpu.memory_space<vmem>>, vector<1x16xf32>,
        %swap3A_291 = vector.shape_cast %swap3A_290 : vector<1x16xf32> to vector<16xf32>
        %swap3A_292 = vector.shape_cast %get3A_288 : vector<16xf32> to vector<1x16xf32>
        tpu.vector_store %arg8[%swap3A, %swap3A_289], %swap3A_292 {add = true, strides = array<i32>} : memref<32x1024xf32, #tpu.memory_space<vmem>>, vector<1x16xf32>,
        %get3A_293 = arith.index_cast %scan3A_285 : i32 to index
        %get3A_294 = arith.constant 16 : index
        %get3A_295 = tpu.vector_load %arg9[%get3A_293, %get3A_294] {strides = array<i32>} : memref<32x1024xf32, #tpu.memory_space<vmem>>, vector<1x16xf32>,
        %get3A_296 = vector.shape_cast %get3A_295 : vector<1x16xf32> to vector<16xf32>
        %swap3A_297 = arith.index_cast %scan3A_285 : i32 to index
        %swap3A_298 = arith.constant 16 : index
        %swap3A_299 = tpu.vector_load %arg8[%swap3A_297, %swap3A_298] {strides = array<i32>} : memref<32x1024xf32, #tpu.memory_space<vmem>>, vector<1x16xf32>,
        %swap3A_300 = vector.shape_cast %swap3A_299 : vector<1x16xf32> to vector<16xf32>
        %swap3A_301 = vector.shape_cast %get3A_296 : vector<16xf32> to vector<1x16xf32>
        tpu.vector_store %arg8[%swap3A_297, %swap3A_298], %swap3A_301 {add = true, strides = array<i32>} : memref<32x1024xf32, #tpu.memory_space<vmem>>, vector<1x16xf32>,
        %get3A_302 = arith.index_cast %scan3A_285 : i32 to index
        %get3A_303 = arith.constant 32 : index
        %get3A_304 = tpu.vector_load %arg9[%get3A_302, %get3A_303] {strides = array<i32>} : memref<32x1024xf32, #tpu.memory_space<vmem>>, vector<1x16xf32>,
        %get3A_305 = vector.shape_cast %get3A_304 : vector<1x16xf32> to vector<16xf32>
        %swap3A_306 = arith.index_cast %scan3A_285 : i32 to index
        %swap3A_307 = arith.constant 32 : index
        %swap3A_308 = tpu.vector_load %arg8[%swap3A_306, %swap3A_307] {strides = array<i32>} : memref<32x1024xf32, #tpu.memory_space<vmem>>, vector<1x16xf32>,
        %swap3A_309 = vector.shape_cast %swap3A_308 : vector<1x16xf32> to vector<16xf32>
        %swap3A_310 = vector.shape_cast %get3A_305 : vector<16xf32> to vector<1x16xf32>
        tpu.vector_store %arg8[%swap3A_306, %swap3A_307], %swap3A_310 {add = true, strides = array<i32>} : memref<32x1024xf32, #tpu.memory_space<vmem>>, vector<1x16xf32>,
        %get3A_311 = arith.index_cast %scan3A_285 : i32 to index
        %get3A_312 = arith.constant 48 : index
        %get3A_313 = tpu.vector_load %arg9[%get3A_311, %get3A_312] {strides = array<i32>} : memref<32x1024xf32, #tpu.memory_space<vmem>>, vector<1x16xf32>,
        %get3A_314 = vector.shape_cast %get3A_313 : vector<1x16xf32> to vector<16xf32>
        %swap3A_315 = arith.index_cast %scan3A_285 : i32 to index
        %swap3A_316 = arith.constant 48 : index
        %swap3A_317 = tpu.vector_load %arg8[%swap3A_315, %swap3A_316] {strides = array<i32>} : memref<32x1024xf32, #tpu.memory_space<vmem>>, vector<1x16xf32>,
        %swap3A_318 = vector.shape_cast %swap3A_317 : vector<1x16xf32> to vector<16xf32>
        %swap3A_319 = vector.shape_cast %get3A_314 : vector<16xf32> to vector<1x16xf32>
        tpu.vector_store %arg8[%swap3A_315, %swap3A_316], %swap3A_319 {add = true, strides = array<i32>} : memref<32x1024xf32, #tpu.memory_space<vmem>>, vector<1x16xf32>,
        %get3A_320 = arith.index_cast %scan3A_285 : i32 to index
        %get3A_321 = arith.constant 64 : index
        %get3A_322 = tpu.vector_load %arg9[%get3A_320, %get3A_321] {strides = array<i32>} : memref<32x1024xf32, #tpu.memory_space<vmem>>, vector<1x16xf32>,
        %get3A_323 = vector.shape_cast %get3A_322 : vector<1x16xf32> to vector<16xf32>
        %swap3A_324 = arith.index_cast %scan3A_285 : i32 to index
        %swap3A_325 = arith.constant 64 : index
        %swap3A_326 = tpu.vector_load %arg8[%swap3A_324, %swap3A_325] {strides = array<i32>} : memref<32x1024xf32, #tpu.memory_space<vmem>>, vector<1x16xf32>,
        %swap3A_327 = vector.shape_cast %swap3A_326 : vector<1x16xf32> to vector<16xf32>
        %swap3A_328 = vector.shape_cast %get3A_323 : vector<16xf32> to vector<1x16xf32>
        tpu.vector_store %arg8[%swap3A_324, %swap3A_325], %swap3A_328 {add = true, strides = array<i32>} : memref<32x1024xf32, #tpu.memory_space<vmem>>, vector<1x16xf32>,
        %get3A_329 = arith.index_cast %scan3A_285 : i32 to index
        %get3A_330 = arith.constant 80 : index
        %get3A_331 = tpu.vector_load %arg9[%get3A_329, %get3A_330] {strides = array<i32>} : memref<32x1024xf32, #tpu.memory_space<vmem>>, vector<1x16xf32>,
        %get3A_332 = vector.shape_cast %get3A_331 : vector<1x16xf32> to vector<16xf32>
        %swap3A_333 = arith.index_cast %scan3A_285 : i32 to index
        %swap3A_334 = arith.constant 80 : index
        %swap3A_335 = tpu.vector_load %arg8[%swap3A_333, %swap3A_334] {strides = array<i32>} : memref<32x1024xf32, #tpu.memory_space<vmem>>, vector<1x16xf32>,
        %swap3A_336 = vector.shape_cast %swap3A_335 : vector<1x16xf32> to vector<16xf32>
        %swap3A_337 = vector.shape_cast %get3A_332 : vector<16xf32> to vector<1x16xf32>
        tpu.vector_store %arg8[%swap3A_333, %swap3A_334], %swap3A_337 {add = true, strides = array<i32>} : memref<32x1024xf32, #tpu.memory_space<vmem>>, vector<1x16xf32>,
        %get3A_338 = arith.index_cast %scan3A_285 : i32 to index
        %get3A_339 = arith.constant 96 : index
        %get3A_340 = tpu.vector_load %arg9[%get3A_338, %get3A_339] {strides = array<i32>} : memref<32x1024xf32, #tpu.memory_space<vmem>>, vector<1x16xf32>,
        %get3A_341 = vector.shape_cast %get3A_340 : vector<1x16xf32> to vector<16xf32>
        %swap3A_342 = arith.index_cast %scan3A_285 : i32 to index
        %swap3A_343 = arith.constant 96 : index
        %swap3A_344 = tpu.vector_load %arg8[%swap3A_342, %swap3A_343] {strides = array<i32>} : memref<32x1024xf32, #tpu.memory_space<vmem>>, vector<1x16xf32>,
        %swap3A_345 = vector.shape_cast %swap3A_344 : vector<1x16xf32> to vector<16xf32>
        %swap3A_346 = vector.shape_cast %get3A_341 : vector<16xf32> to vector<1x16xf32>
        tpu.vector_store %arg8[%swap3A_342, %swap3A_343], %swap3A_346 {add = true, strides = array<i32>} : memref<32x1024xf32, #tpu.memory_space<vmem>>, vector<1x16xf32>,
        %get3A_347 = arith.index_cast %scan3A_285 : i32 to index
        %get3A_348 = arith.constant 112 : index
        %get3A_349 = tpu.vector_load %arg9[%get3A_347, %get3A_348] {strides = array<i32>} : memref<32x1024xf32, #tpu.memory_space<vmem>>, vector<1x16xf32>,
        %get3A_350 = vector.shape_cast %get3A_349 : vector<1x16xf32> to vector<16xf32>
        %swap3A_351 = arith.index_cast %scan3A_285 : i32 to index
        %swap3A_352 = arith.constant 112 : index
        %swap3A_353 = tpu.vector_load %arg8[%swap3A_351, %swap3A_352] {strides = array<i32>} : memref<32x1024xf32, #tpu.memory_space<vmem>>, vector<1x16xf32>,
        %swap3A_354 = vector.shape_cast %swap3A_353 : vector<1x16xf32> to vector<16xf32>
        %swap3A_355 = vector.shape_cast %get3A_350 : vector<16xf32> to vector<1x16xf32>
        tpu.vector_store %arg8[%swap3A_351, %swap3A_352], %swap3A_355 {add = true, strides = array<i32>} : memref<32x1024xf32, #tpu.memory_space<vmem>>, vector<1x16xf32>,
        %get3A_356 = arith.index_cast %scan3A_285 : i32 to index
        %get3A_357 = arith.constant 128 : index
        %get3A_358 = tpu.vector_load %arg9[%get3A_356, %get3A_357] {strides = array<i32>} : memref<32x1024xf32, #tpu.memory_space<vmem>>, vector<1x16xf32>,
        %get3A_359 = vector.shape_cast %get3A_358 : vector<1x16xf32> to vector<16xf32>
        %swap3A_360 = arith.index_cast %scan3A_285 : i32 to index
        %swap3A_361 = arith.constant 128 : index
        %swap3A_362 = tpu.vector_load %arg8[%swap3A_360, %swap3A_361] {strides = array<i32>} : memref<32x1024xf32, #tpu.memory_space<vmem>>, vector<1x16xf32>,
        %swap3A_363 = vector.shape_cast %swap3A_362 : vector<1x16xf32> to vector<16xf32>
        %swap3A_364 = vector.shape_cast %get3A_359 : vector<16xf32> to vector<1x16xf32>
        tpu.vector_store %arg8[%swap3A_360, %swap3A_361], %swap3A_364 {add = true, strides = array<i32>} : memref<32x1024xf32, #tpu.memory_space<vmem>>, vector<1x16xf32>,
        %get3A_365 = arith.index_cast %scan3A_285 : i32 to index
        %get3A_366 = arith.constant 144 : index
        %get3A_367 = tpu.vector_load %arg9[%get3A_365, %get3A_366] {strides = array<i32>} : memref<32x1024xf32, #tpu.memory_space<vmem>>, vector<1x16xf32>,
        %get3A_368 = vector.shape_cast %get3A_367 : vector<1x16xf32> to vector<16xf32>
        %swap3A_369 = arith.index_cast %scan3A_285 : i32 to index
        %swap3A_370 = arith.constant 144 : index
        %swap3A_371 = tpu.vector_load %arg8[%swap3A_369, %swap3A_370] {strides = array<i32>} : memref<32x1024xf32, #tpu.memory_space<vmem>>, vector<1x16xf32>,
        %swap3A_372 = vector.shape_cast %swap3A_371 : vector<1x16xf32> to vector<16xf32>
        %swap3A_373 = vector.shape_cast %get3A_368 : vector<16xf32> to vector<1x16xf32>
        tpu.vector_store %arg8[%swap3A_369, %swap3A_370], %swap3A_373 {add = true, strides = array<i32>} : memref<32x1024xf32, #tpu.memory_space<vmem>>, vector<1x16xf32>,
        %get3A_374 = arith.index_cast %scan3A_285 : i32 to index
        %get3A_375 = arith.constant 160 : index
        %get3A_376 = tpu.vector_load %arg9[%get3A_374, %get3A_375] {strides = array<i32>} : memref<32x1024xf32, #tpu.memory_space<vmem>>, vector<1x16xf32>,
        %get3A_377 = vector.shape_cast %get3A_376 : vector<1x16xf32> to vector<16xf32>
        %swap3A_378 = arith.index_cast %scan3A_285 : i32 to index
        %swap3A_379 = arith.constant 160 : index
        %swap3A_380 = tpu.vector_load %arg8[%swap3A_378, %swap3A_379] {strides = array<i32>} : memref<32x1024xf32, #tpu.memory_space<vmem>>, vector<1x16xf32>,
        %swap3A_381 = vector.shape_cast %swap3A_380 : vector<1x16xf32> to vector<16xf32>
        %swap3A_382 = vector.shape_cast %get3A_377 : vector<16xf32> to vector<1x16xf32>
        tpu.vector_store %arg8[%swap3A_378, %swap3A_379], %swap3A_382 {add = true, strides = array<i32>} : memref<32x1024xf32, #tpu.memory_space<vmem>>, vector<1x16xf32>,
        %get3A_383 = arith.index_cast %scan3A_285 : i32 to index
        %get3A_384 = arith.constant 176 : index
        %get3A_385 = tpu.vector_load %arg9[%get3A_383, %get3A_384] {strides = array<i32>} : memref<32x1024xf32, #tpu.memory_space<vmem>>, vector<1x16xf32>,
        %get3A_386 = vector.shape_cast %get3A_385 : vector<1x16xf32> to vector<16xf32>
        %swap3A_387 = arith.index_cast %scan3A_285 : i32 to index
        %swap3A_388 = arith.constant 176 : index
        %swap3A_389 = tpu.vector_load %arg8[%swap3A_387, %swap3A_388] {strides = array<i32>} : memref<32x1024xf32, #tpu.memory_space<vmem>>, vector<1x16xf32>,
        %swap3A_390 = vector.shape_cast %swap3A_389 : vector<1x16xf32> to vector<16xf32>
        %swap3A_391 = vector.shape_cast %get3A_386 : vector<16xf32> to vector<1x16xf32>
        tpu.vector_store %arg8[%swap3A_387, %swap3A_388], %swap3A_391 {add = true, strides = array<i32>} : memref<32x1024xf32, #tpu.memory_space<vmem>>, vector<1x16xf32>,
        %get3A_392 = arith.index_cast %scan3A_285 : i32 to index
        %get3A_393 = arith.constant 192 : index
        %get3A_394 = tpu.vector_load %arg9[%get3A_392, %get3A_393] {strides = array<i32>} : memref<32x1024xf32, #tpu.memory_space<vmem>>, vector<1x16xf32>,
        %get3A_395 = vector.shape_cast %get3A_394 : vector<1x16xf32> to vector<16xf32>
        %swap3A_396 = arith.index_cast %scan3A_285 : i32 to index
        %swap3A_397 = arith.constant 192 : index
        %swap3A_398 = tpu.vector_load %arg8[%swap3A_396, %swap3A_397] {strides = array<i32>} : memref<32x1024xf32, #tpu.memory_space<vmem>>, vector<1x16xf32>,
        %swap3A_399 = vector.shape_cast %swap3A_398 : vector<1x16xf32> to vector<16xf32>
        %swap3A_400 = vector.shape_cast %get3A_395 : vector<16xf32> to vector<1x16xf32>
        tpu.vector_store %arg8[%swap3A_396, %swap3A_397], %swap3A_400 {add = true, strides = array<i32>} : memref<32x1024xf32, #tpu.memory_space<vmem>>, vector<1x16xf32>,
        %get3A_401 = arith.index_cast %scan3A_285 : i32 to index
        %get3A_402 = arith.constant 208 : index
        %get3A_403 = tpu.vector_load %arg9[%get3A_401, %get3A_402] {strides = array<i32>} : memref<32x1024xf32, #tpu.memory_space<vmem>>, vector<1x16xf32>,
        %get3A_404 = vector.shape_cast %get3A_403 : vector<1x16xf32> to vector<16xf32>
        %swap3A_405 = arith.index_cast %scan3A_285 : i32 to index
        %swap3A_406 = arith.constant 208 : index
        %swap3A_407 = tpu.vector_load %arg8[%swap3A_405, %swap3A_406] {strides = array<i32>} : memref<32x1024xf32, #tpu.memory_space<vmem>>, vector<1x16xf32>,
        %swap3A_408 = vector.shape_cast %swap3A_407 : vector<1x16xf32> to vector<16xf32>
        %swap3A_409 = vector.shape_cast %get3A_404 : vector<16xf32> to vector<1x16xf32>
        tpu.vector_store %arg8[%swap3A_405, %swap3A_406], %swap3A_409 {add = true, strides = array<i32>} : memref<32x1024xf32, #tpu.memory_space<vmem>>, vector<1x16xf32>,
        %get3A_410 = arith.index_cast %scan3A_285 : i32 to index
        %get3A_411 = arith.constant 224 : index
        %get3A_412 = tpu.vector_load %arg9[%get3A_410, %get3A_411] {strides = array<i32>} : memref<32x1024xf32, #tpu.memory_space<vmem>>, vector<1x16xf32>,
        %get3A_413 = vector.shape_cast %get3A_412 : vector<1x16xf32> to vector<16xf32>
        %swap3A_414 = arith.index_cast %scan3A_285 : i32 to index
        %swap3A_415 = arith.constant 224 : index
        %swap3A_416 = tpu.vector_load %arg8[%swap3A_414, %swap3A_415] {strides = array<i32>} : memref<32x1024xf32, #tpu.memory_space<vmem>>, vector<1x16xf32>,
        %swap3A_417 = vector.shape_cast %swap3A_416 : vector<1x16xf32> to vector<16xf32>
        %swap3A_418 = vector.shape_cast %get3A_413 : vector<16xf32> to vector<1x16xf32>
        tpu.vector_store %arg8[%swap3A_414, %swap3A_415], %swap3A_418 {add = true, strides = array<i32>} : memref<32x1024xf32, #tpu.memory_space<vmem>>, vector<1x16xf32>,
        %get3A_419 = arith.index_cast %scan3A_285 : i32 to index
        %get3A_420 = arith.constant 240 : index
        %get3A_421 = tpu.vector_load %arg9[%get3A_419, %get3A_420] {strides = array<i32>} : memref<32x1024xf32, #tpu.memory_space<vmem>>, vector<1x16xf32>,
        %get3A_422 = vector.shape_cast %get3A_421 : vector<1x16xf32> to vector<16xf32>
        %swap3A_423 = arith.index_cast %scan3A_285 : i32 to index
        %swap3A_424 = arith.constant 240 : index
        %swap3A_425 = tpu.vector_load %arg8[%swap3A_423, %swap3A_424] {strides = array<i32>} : memref<32x1024xf32, #tpu.memory_space<vmem>>, vector<1x16xf32>,
        %swap3A_426 = vector.shape_cast %swap3A_425 : vector<1x16xf32> to vector<16xf32>
        %swap3A_427 = vector.shape_cast %get3A_422 : vector<16xf32> to vector<1x16xf32>
        tpu.vector_store %arg8[%swap3A_423, %swap3A_424], %swap3A_427 {add = true, strides = array<i32>} : memref<32x1024xf32, #tpu.memory_space<vmem>>, vector<1x16xf32>,
        %get3A_428 = arith.index_cast %scan3A_285 : i32 to index
        %get3A_429 = arith.constant 256 : index
        %get3A_430 = tpu.vector_load %arg9[%get3A_428, %get3A_429] {strides = array<i32>} : memref<32x1024xf32, #tpu.memory_space<vmem>>, vector<1x16xf32>,
        %get3A_431 = vector.shape_cast %get3A_430 : vector<1x16xf32> to vector<16xf32>
        %swap3A_432 = arith.index_cast %scan3A_285 : i32 to index
        %swap3A_433 = arith.constant 256 : index
        %swap3A_434 = tpu.vector_load %arg8[%swap3A_432, %swap3A_433] {strides = array<i32>} : memref<32x1024xf32, #tpu.memory_space<vmem>>, vector<1x16xf32>,
        %swap3A_435 = vector.shape_cast %swap3A_434 : vector<1x16xf32> to vector<16xf32>
        %swap3A_436 = vector.shape_cast %get3A_431 : vector<16xf32> to vector<1x16xf32>
        tpu.vector_store %arg8[%swap3A_432, %swap3A_433], %swap3A_436 {add = true, strides = array<i32>} : memref<32x1024xf32, #tpu.memory_space<vmem>>, vector<1x16xf32>,
        %get3A_437 = arith.index_cast %scan3A_285 : i32 to index
        %get3A_438 = arith.constant 272 : index
        %get3A_439 = tpu.vector_load %arg9[%get3A_437, %get3A_438] {strides = array<i32>} : memref<32x1024xf32, #tpu.memory_space<vmem>>, vector<1x16xf32>,
        %get3A_440 = vector.shape_cast %get3A_439 : vector<1x16xf32> to vector<16xf32>
        %swap3A_441 = arith.index_cast %scan3A_285 : i32 to index
        %swap3A_442 = arith.constant 272 : index
        %swap3A_443 = tpu.vector_load %arg8[%swap3A_441, %swap3A_442] {strides = array<i32>} : memref<32x1024xf32, #tpu.memory_space<vmem>>, vector<1x16xf32>,
        %swap3A_444 = vector.shape_cast %swap3A_443 : vector<1x16xf32> to vector<16xf32>
        %swap3A_445 = vector.shape_cast %get3A_440 : vector<16xf32> to vector<1x16xf32>
        tpu.vector_store %arg8[%swap3A_441, %swap3A_442], %swap3A_445 {add = true, strides = array<i32>} : memref<32x1024xf32, #tpu.memory_space<vmem>>, vector<1x16xf32>,
        %get3A_446 = arith.index_cast %scan3A_285 : i32 to index
        %get3A_447 = arith.constant 288 : index
        %get3A_448 = tpu.vector_load %arg9[%get3A_446, %get3A_447] {strides = array<i32>} : memref<32x1024xf32, #tpu.memory_space<vmem>>, vector<1x16xf32>,
        %get3A_449 = vector.shape_cast %get3A_448 : vector<1x16xf32> to vector<16xf32>
        %swap3A_450 = arith.index_cast %scan3A_285 : i32 to index
        %swap3A_451 = arith.constant 288 : index
        %swap3A_452 = tpu.vector_load %arg8[%swap3A_450, %swap3A_451] {strides = array<i32>} : memref<32x1024xf32, #tpu.memory_space<vmem>>, vector<1x16xf32>,
        %swap3A_453 = vector.shape_cast %swap3A_452 : vector<1x16xf32> to vector<16xf32>
        %swap3A_454 = vector.shape_cast %get3A_449 : vector<16xf32> to vector<1x16xf32>
        tpu.vector_store %arg8[%swap3A_450, %swap3A_451], %swap3A_454 {add = true, strides = array<i32>} : memref<32x1024xf32, #tpu.memory_space<vmem>>, vector<1x16xf32>,
        %get3A_455 = arith.index_cast %scan3A_285 : i32 to index
        %get3A_456 = arith.constant 304 : index
        %get3A_457 = tpu.vector_load %arg9[%get3A_455, %get3A_456] {strides = array<i32>} : memref<32x1024xf32, #tpu.memory_space<vmem>>, vector<1x16xf32>,
        %get3A_458 = vector.shape_cast %get3A_457 : vector<1x16xf32> to vector<16xf32>
        %swap3A_459 = arith.index_cast %scan3A_285 : i32 to index
        %swap3A_460 = arith.constant 304 : index
        %swap3A_461 = tpu.vector_load %arg8[%swap3A_459, %swap3A_460] {strides = array<i32>} : memref<32x1024xf32, #tpu.memory_space<vmem>>, vector<1x16xf32>,
        %swap3A_462 = vector.shape_cast %swap3A_461 : vector<1x16xf32> to vector<16xf32>
        %swap3A_463 = vector.shape_cast %get3A_458 : vector<16xf32> to vector<1x16xf32>
        tpu.vector_store %arg8[%swap3A_459, %swap3A_460], %swap3A_463 {add = true, strides = array<i32>} : memref<32x1024xf32, #tpu.memory_space<vmem>>, vector<1x16xf32>,
        %get3A_464 = arith.index_cast %scan3A_285 : i32 to index
        %get3A_465 = arith.constant 320 : index
        %get3A_466 = tpu.vector_load %arg9[%get3A_464, %get3A_465] {strides = array<i32>} : memref<32x1024xf32, #tpu.memory_space<vmem>>, vector<1x16xf32>,
        %get3A_467 = vector.shape_cast %get3A_466 : vector<1x16xf32> to vector<16xf32>
        %swap3A_468 = arith.index_cast %scan3A_285 : i32 to index
        %swap3A_469 = arith.constant 320 : index
        %swap3A_470 = tpu.vector_load %arg8[%swap3A_468, %swap3A_469] {strides = array<i32>} : memref<32x1024xf32, #tpu.memory_space<vmem>>, vector<1x16xf32>,
        %swap3A_471 = vector.shape_cast %swap3A_470 : vector<1x16xf32> to vector<16xf32>
        %swap3A_472 = vector.shape_cast %get3A_467 : vector<16xf32> to vector<1x16xf32>
        tpu.vector_store %arg8[%swap3A_468, %swap3A_469], %swap3A_472 {add = true, strides = array<i32>} : memref<32x1024xf32, #tpu.memory_space<vmem>>, vector<1x16xf32>,
        %get3A_473 = arith.index_cast %scan3A_285 : i32 to index
        %get3A_474 = arith.constant 336 : index
        %get3A_475 = tpu.vector_load %arg9[%get3A_473, %get3A_474] {strides = array<i32>} : memref<32x1024xf32, #tpu.memory_space<vmem>>, vector<1x16xf32>,
        %get3A_476 = vector.shape_cast %get3A_475 : vector<1x16xf32> to vector<16xf32>
        %swap3A_477 = arith.index_cast %scan3A_285 : i32 to index
        %swap3A_478 = arith.constant 336 : index
        %swap3A_479 = tpu.vector_load %arg8[%swap3A_477, %swap3A_478] {strides = array<i32>} : memref<32x1024xf32, #tpu.memory_space<vmem>>, vector<1x16xf32>,
        %swap3A_480 = vector.shape_cast %swap3A_479 : vector<1x16xf32> to vector<16xf32>
        %swap3A_481 = vector.shape_cast %get3A_476 : vector<16xf32> to vector<1x16xf32>
        tpu.vector_store %arg8[%swap3A_477, %swap3A_478], %swap3A_481 {add = true, strides = array<i32>} : memref<32x1024xf32, #tpu.memory_space<vmem>>, vector<1x16xf32>,
        %get3A_482 = arith.index_cast %scan3A_285 : i32 to index
        %get3A_483 = arith.constant 352 : index
        %get3A_484 = tpu.vector_load %arg9[%get3A_482, %get3A_483] {strides = array<i32>} : memref<32x1024xf32, #tpu.memory_space<vmem>>, vector<1x16xf32>,
        %get3A_485 = vector.shape_cast %get3A_484 : vector<1x16xf32> to vector<16xf32>
        %swap3A_486 = arith.index_cast %scan3A_285 : i32 to index
        %swap3A_487 = arith.constant 352 : index
        %swap3A_488 = tpu.vector_load %arg8[%swap3A_486, %swap3A_487] {strides = array<i32>} : memref<32x1024xf32, #tpu.memory_space<vmem>>, vector<1x16xf32>,
        %swap3A_489 = vector.shape_cast %swap3A_488 : vector<1x16xf32> to vector<16xf32>
        %swap3A_490 = vector.shape_cast %get3A_485 : vector<16xf32> to vector<1x16xf32>
        tpu.vector_store %arg8[%swap3A_486, %swap3A_487], %swap3A_490 {add = true, strides = array<i32>} : memref<32x1024xf32, #tpu.memory_space<vmem>>, vector<1x16xf32>,
        %get3A_491 = arith.index_cast %scan3A_285 : i32 to index
        %get3A_492 = arith.constant 368 : index
        %get3A_493 = tpu.vector_load %arg9[%get3A_491, %get3A_492] {strides = array<i32>} : memref<32x1024xf32, #tpu.memory_space<vmem>>, vector<1x16xf32>,
        %get3A_494 = vector.shape_cast %get3A_493 : vector<1x16xf32> to vector<16xf32>
        %swap3A_495 = arith.index_cast %scan3A_285 : i32 to index
        %swap3A_496 = arith.constant 368 : index
        %swap3A_497 = tpu.vector_load %arg8[%swap3A_495, %swap3A_496] {strides = array<i32>} : memref<32x1024xf32, #tpu.memory_space<vmem>>, vector<1x16xf32>,
        %swap3A_498 = vector.shape_cast %swap3A_497 : vector<1x16xf32> to vector<16xf32>
        %swap3A_499 = vector.shape_cast %get3A_494 : vector<16xf32> to vector<1x16xf32>
        tpu.vector_store %arg8[%swap3A_495, %swap3A_496], %swap3A_499 {add = true, strides = array<i32>} : memref<32x1024xf32, #tpu.memory_space<vmem>>, vector<1x16xf32>,
        %get3A_500 = arith.index_cast %scan3A_285 : i32 to index
        %get3A_501 = arith.constant 384 : index
        %get3A_502 = tpu.vector_load %arg9[%get3A_500, %get3A_501] {strides = array<i32>} : memref<32x1024xf32, #tpu.memory_space<vmem>>, vector<1x16xf32>,
        %get3A_503 = vector.shape_cast %get3A_502 : vector<1x16xf32> to vector<16xf32>
        %swap3A_504 = arith.index_cast %scan3A_285 : i32 to index
        %swap3A_505 = arith.constant 384 : index
        %swap3A_506 = tpu.vector_load %arg8[%swap3A_504, %swap3A_505] {strides = array<i32>} : memref<32x1024xf32, #tpu.memory_space<vmem>>, vector<1x16xf32>,
        %swap3A_507 = vector.shape_cast %swap3A_506 : vector<1x16xf32> to vector<16xf32>
        %swap3A_508 = vector.shape_cast %get3A_503 : vector<16xf32> to vector<1x16xf32>
        tpu.vector_store %arg8[%swap3A_504, %swap3A_505], %swap3A_508 {add = true, strides = array<i32>} : memref<32x1024xf32, #tpu.memory_space<vmem>>, vector<1x16xf32>,
        %get3A_509 = arith.index_cast %scan3A_285 : i32 to index
        %get3A_510 = arith.constant 400 : index
        %get3A_511 = tpu.vector_load %arg9[%get3A_509, %get3A_510] {strides = array<i32>} : memref<32x1024xf32, #tpu.memory_space<vmem>>, vector<1x16xf32>,
        %get3A_512 = vector.shape_cast %get3A_511 : vector<1x16xf32> to vector<16xf32>
        %swap3A_513 = arith.index_cast %scan3A_285 : i32 to index
        %swap3A_514 = arith.constant 400 : index
        %swap3A_515 = tpu.vector_load %arg8[%swap3A_513, %swap3A_514] {strides = array<i32>} : memref<32x1024xf32, #tpu.memory_space<vmem>>, vector<1x16xf32>,
        %swap3A_516 = vector.shape_cast %swap3A_515 : vector<1x16xf32> to vector<16xf32>
        %swap3A_517 = vector.shape_cast %get3A_512 : vector<16xf32> to vector<1x16xf32>
        tpu.vector_store %arg8[%swap3A_513, %swap3A_514], %swap3A_517 {add = true, strides = array<i32>} : memref<32x1024xf32, #tpu.memory_space<vmem>>, vector<1x16xf32>,
        %get3A_518 = arith.index_cast %scan3A_285 : i32 to index
        %get3A_519 = arith.constant 416 : index
        %get3A_520 = tpu.vector_load %arg9[%get3A_518, %get3A_519] {strides = array<i32>} : memref<32x1024xf32, #tpu.memory_space<vmem>>, vector<1x16xf32>,
        %get3A_521 = vector.shape_cast %get3A_520 : vector<1x16xf32> to vector<16xf32>
        %swap3A_522 = arith.index_cast %scan3A_285 : i32 to index
        %swap3A_523 = arith.constant 416 : index
        %swap3A_524 = tpu.vector_load %arg8[%swap3A_522, %swap3A_523] {strides = array<i32>} : memref<32x1024xf32, #tpu.memory_space<vmem>>, vector<1x16xf32>,
        %swap3A_525 = vector.shape_cast %swap3A_524 : vector<1x16xf32> to vector<16xf32>
        %swap3A_526 = vector.shape_cast %get3A_521 : vector<16xf32> to vector<1x16xf32>
        tpu.vector_store %arg8[%swap3A_522, %swap3A_523], %swap3A_526 {add = true, strides = array<i32>} : memref<32x1024xf32, #tpu.memory_space<vmem>>, vector<1x16xf32>,
        %get3A_527 = arith.index_cast %scan3A_285 : i32 to index
        %get3A_528 = arith.constant 432 : index
        %get3A_529 = tpu.vector_load %arg9[%get3A_527, %get3A_528] {strides = array<i32>} : memref<32x1024xf32, #tpu.memory_space<vmem>>, vector<1x16xf32>,
        %get3A_530 = vector.shape_cast %get3A_529 : vector<1x16xf32> to vector<16xf32>
        %swap3A_531 = arith.index_cast %scan3A_285 : i32 to index
        %swap3A_532 = arith.constant 432 : index
        %swap3A_533 = tpu.vector_load %arg8[%swap3A_531, %swap3A_532] {strides = array<i32>} : memref<32x1024xf32, #tpu.memory_space<vmem>>, vector<1x16xf32>,
        %swap3A_534 = vector.shape_cast %swap3A_533 : vector<1x16xf32> to vector<16xf32>
        %swap3A_535 = vector.shape_cast %get3A_530 : vector<16xf32> to vector<1x16xf32>
        tpu.vector_store %arg8[%swap3A_531, %swap3A_532], %swap3A_535 {add = true, strides = array<i32>} : memref<32x1024xf32, #tpu.memory_space<vmem>>, vector<1x16xf32>,
        %get3A_536 = arith.index_cast %scan3A_285 : i32 to index
        %get3A_537 = arith.constant 448 : index
        %get3A_538 = tpu.vector_load %arg9[%get3A_536, %get3A_537] {strides = array<i32>} : memref<32x1024xf32, #tpu.memory_space<vmem>>, vector<1x16xf32>,
        %get3A_539 = vector.shape_cast %get3A_538 : vector<1x16xf32> to vector<16xf32>
        %swap3A_540 = arith.index_cast %scan3A_285 : i32 to index
        %swap3A_541 = arith.constant 448 : index
        %swap3A_542 = tpu.vector_load %arg8[%swap3A_540, %swap3A_541] {strides = array<i32>} : memref<32x1024xf32, #tpu.memory_space<vmem>>, vector<1x16xf32>,
        %swap3A_543 = vector.shape_cast %swap3A_542 : vector<1x16xf32> to vector<16xf32>
        %swap3A_544 = vector.shape_cast %get3A_539 : vector<16xf32> to vector<1x16xf32>
        tpu.vector_store %arg8[%swap3A_540, %swap3A_541], %swap3A_544 {add = true, strides = array<i32>} : memref<32x1024xf32, #tpu.memory_space<vmem>>, vector<1x16xf32>,
        %get3A_545 = arith.index_cast %scan3A_285 : i32 to index
        %get3A_546 = arith.constant 464 : index
        %get3A_547 = tpu.vector_load %arg9[%get3A_545, %get3A_546] {strides = array<i32>} : memref<32x1024xf32, #tpu.memory_space<vmem>>, vector<1x16xf32>,
        %get3A_548 = vector.shape_cast %get3A_547 : vector<1x16xf32> to vector<16xf32>
        %swap3A_549 = arith.index_cast %scan3A_285 : i32 to index
        %swap3A_550 = arith.constant 464 : index
        %swap3A_551 = tpu.vector_load %arg8[%swap3A_549, %swap3A_550] {strides = array<i32>} : memref<32x1024xf32, #tpu.memory_space<vmem>>, vector<1x16xf32>,
        %swap3A_552 = vector.shape_cast %swap3A_551 : vector<1x16xf32> to vector<16xf32>
        %swap3A_553 = vector.shape_cast %get3A_548 : vector<16xf32> to vector<1x16xf32>
        tpu.vector_store %arg8[%swap3A_549, %swap3A_550], %swap3A_553 {add = true, strides = array<i32>} : memref<32x1024xf32, #tpu.memory_space<vmem>>, vector<1x16xf32>,
        %get3A_554 = arith.index_cast %scan3A_285 : i32 to index
        %get3A_555 = arith.constant 480 : index
        %get3A_556 = tpu.vector_load %arg9[%get3A_554, %get3A_555] {strides = array<i32>} : memref<32x1024xf32, #tpu.memory_space<vmem>>, vector<1x16xf32>,
        %get3A_557 = vector.shape_cast %get3A_556 : vector<1x16xf32> to vector<16xf32>
        %swap3A_558 = arith.index_cast %scan3A_285 : i32 to index
        %swap3A_559 = arith.constant 480 : index
        %swap3A_560 = tpu.vector_load %arg8[%swap3A_558, %swap3A_559] {strides = array<i32>} : memref<32x1024xf32, #tpu.memory_space<vmem>>, vector<1x16xf32>,
        %swap3A_561 = vector.shape_cast %swap3A_560 : vector<1x16xf32> to vector<16xf32>
        %swap3A_562 = vector.shape_cast %get3A_557 : vector<16xf32> to vector<1x16xf32>
        tpu.vector_store %arg8[%swap3A_558, %swap3A_559], %swap3A_562 {add = true, strides = array<i32>} : memref<32x1024xf32, #tpu.memory_space<vmem>>, vector<1x16xf32>,
        %get3A_563 = arith.index_cast %scan3A_285 : i32 to index
        %get3A_564 = arith.constant 496 : index
        %get3A_565 = tpu.vector_load %arg9[%get3A_563, %get3A_564] {strides = array<i32>} : memref<32x1024xf32, #tpu.memory_space<vmem>>, vector<1x16xf32>,
        %get3A_566 = vector.shape_cast %get3A_565 : vector<1x16xf32> to vector<16xf32>
        %swap3A_567 = arith.index_cast %scan3A_285 : i32 to index
        %swap3A_568 = arith.constant 496 : index
        %swap3A_569 = tpu.vector_load %arg8[%swap3A_567, %swap3A_568] {strides = array<i32>} : memref<32x1024xf32, #tpu.memory_space<vmem>>, vector<1x16xf32>,
        %swap3A_570 = vector.shape_cast %swap3A_569 : vector<1x16xf32> to vector<16xf32>
        %swap3A_571 = vector.shape_cast %get3A_566 : vector<16xf32> to vector<1x16xf32>
        tpu.vector_store %arg8[%swap3A_567, %swap3A_568], %swap3A_571 {add = true, strides = array<i32>} : memref<32x1024xf32, #tpu.memory_space<vmem>>, vector<1x16xf32>,
        %get3A_572 = arith.index_cast %scan3A_285 : i32 to index
        %get3A_573 = arith.constant 512 : index
        %get3A_574 = tpu.vector_load %arg9[%get3A_572, %get3A_573] {strides = array<i32>} : memref<32x1024xf32, #tpu.memory_space<vmem>>, vector<1x16xf32>,
        %get3A_575 = vector.shape_cast %get3A_574 : vector<1x16xf32> to vector<16xf32>
        %swap3A_576 = arith.index_cast %scan3A_285 : i32 to index
        %swap3A_577 = arith.constant 512 : index
        %swap3A_578 = tpu.vector_load %arg8[%swap3A_576, %swap3A_577] {strides = array<i32>} : memref<32x1024xf32, #tpu.memory_space<vmem>>, vector<1x16xf32>,
        %swap3A_579 = vector.shape_cast %swap3A_578 : vector<1x16xf32> to vector<16xf32>
        %swap3A_580 = vector.shape_cast %get3A_575 : vector<16xf32> to vector<1x16xf32>
        tpu.vector_store %arg8[%swap3A_576, %swap3A_577], %swap3A_580 {add = true, strides = array<i32>} : memref<32x1024xf32, #tpu.memory_space<vmem>>, vector<1x16xf32>,
        %get3A_581 = arith.index_cast %scan3A_285 : i32 to index
        %get3A_582 = arith.constant 528 : index
        %get3A_583 = tpu.vector_load %arg9[%get3A_581, %get3A_582] {strides = array<i32>} : memref<32x1024xf32, #tpu.memory_space<vmem>>, vector<1x16xf32>,
        %get3A_584 = vector.shape_cast %get3A_583 : vector<1x16xf32> to vector<16xf32>
        %swap3A_585 = arith.index_cast %scan3A_285 : i32 to index
        %swap3A_586 = arith.constant 528 : index
        %swap3A_587 = tpu.vector_load %arg8[%swap3A_585, %swap3A_586] {strides = array<i32>} : memref<32x1024xf32, #tpu.memory_space<vmem>>, vector<1x16xf32>,
        %swap3A_588 = vector.shape_cast %swap3A_587 : vector<1x16xf32> to vector<16xf32>
        %swap3A_589 = vector.shape_cast %get3A_584 : vector<16xf32> to vector<1x16xf32>
        tpu.vector_store %arg8[%swap3A_585, %swap3A_586], %swap3A_589 {add = true, strides = array<i32>} : memref<32x1024xf32, #tpu.memory_space<vmem>>, vector<1x16xf32>,
        %get3A_590 = arith.index_cast %scan3A_285 : i32 to index
        %get3A_591 = arith.constant 544 : index
        %get3A_592 = tpu.vector_load %arg9[%get3A_590, %get3A_591] {strides = array<i32>} : memref<32x1024xf32, #tpu.memory_space<vmem>>, vector<1x16xf32>,
        %get3A_593 = vector.shape_cast %get3A_592 : vector<1x16xf32> to vector<16xf32>
        %swap3A_594 = arith.index_cast %scan3A_285 : i32 to index
        %swap3A_595 = arith.constant 544 : index
        %swap3A_596 = tpu.vector_load %arg8[%swap3A_594, %swap3A_595] {strides = array<i32>} : memref<32x1024xf32, #tpu.memory_space<vmem>>, vector<1x16xf32>,
        %swap3A_597 = vector.shape_cast %swap3A_596 : vector<1x16xf32> to vector<16xf32>
        %swap3A_598 = vector.shape_cast %get3A_593 : vector<16xf32> to vector<1x16xf32>
        tpu.vector_store %arg8[%swap3A_594, %swap3A_595], %swap3A_598 {add = true, strides = array<i32>} : memref<32x1024xf32, #tpu.memory_space<vmem>>, vector<1x16xf32>,
        %get3A_599 = arith.index_cast %scan3A_285 : i32 to index
        %get3A_600 = arith.constant 560 : index
        %get3A_601 = tpu.vector_load %arg9[%get3A_599, %get3A_600] {strides = array<i32>} : memref<32x1024xf32, #tpu.memory_space<vmem>>, vector<1x16xf32>,
        %get3A_602 = vector.shape_cast %get3A_601 : vector<1x16xf32> to vector<16xf32>
        %swap3A_603 = arith.index_cast %scan3A_285 : i32 to index
        %swap3A_604 = arith.constant 560 : index
        %swap3A_605 = tpu.vector_load %arg8[%swap3A_603, %swap3A_604] {strides = array<i32>} : memref<32x1024xf32, #tpu.memory_space<vmem>>, vector<1x16xf32>,
        %swap3A_606 = vector.shape_cast %swap3A_605 : vector<1x16xf32> to vector<16xf32>
        %swap3A_607 = vector.shape_cast %get3A_602 : vector<16xf32> to vector<1x16xf32>
        tpu.vector_store %arg8[%swap3A_603, %swap3A_604], %swap3A_607 {add = true, strides = array<i32>} : memref<32x1024xf32, #tpu.memory_space<vmem>>, vector<1x16xf32>,
        %get3A_608 = arith.index_cast %scan3A_285 : i32 to index
        %get3A_609 = arith.constant 576 : index
        %get3A_610 = tpu.vector_load %arg9[%get3A_608, %get3A_609] {strides = array<i32>} : memref<32x1024xf32, #tpu.memory_space<vmem>>, vector<1x16xf32>,
        %get3A_611 = vector.shape_cast %get3A_610 : vector<1x16xf32> to vector<16xf32>
        %swap3A_612 = arith.index_cast %scan3A_285 : i32 to index
        %swap3A_613 = arith.constant 576 : index
        %swap3A_614 = tpu.vector_load %arg8[%swap3A_612, %swap3A_613] {strides = array<i32>} : memref<32x1024xf32, #tpu.memory_space<vmem>>, vector<1x16xf32>,
        %swap3A_615 = vector.shape_cast %swap3A_614 : vector<1x16xf32> to vector<16xf32>
        %swap3A_616 = vector.shape_cast %get3A_611 : vector<16xf32> to vector<1x16xf32>
        tpu.vector_store %arg8[%swap3A_612, %swap3A_613], %swap3A_616 {add = true, strides = array<i32>} : memref<32x1024xf32, #tpu.memory_space<vmem>>, vector<1x16xf32>,
        %get3A_617 = arith.index_cast %scan3A_285 : i32 to index
        %get3A_618 = arith.constant 592 : index
        %get3A_619 = tpu.vector_load %arg9[%get3A_617, %get3A_618] {strides = array<i32>} : memref<32x1024xf32, #tpu.memory_space<vmem>>, vector<1x16xf32>,
        %get3A_620 = vector.shape_cast %get3A_619 : vector<1x16xf32> to vector<16xf32>
        %swap3A_621 = arith.index_cast %scan3A_285 : i32 to index
        %swap3A_622 = arith.constant 592 : index
        %swap3A_623 = tpu.vector_load %arg8[%swap3A_621, %swap3A_622] {strides = array<i32>} : memref<32x1024xf32, #tpu.memory_space<vmem>>, vector<1x16xf32>,
        %swap3A_624 = vector.shape_cast %swap3A_623 : vector<1x16xf32> to vector<16xf32>
        %swap3A_625 = vector.shape_cast %get3A_620 : vector<16xf32> to vector<1x16xf32>
        tpu.vector_store %arg8[%swap3A_621, %swap3A_622], %swap3A_625 {add = true, strides = array<i32>} : memref<32x1024xf32, #tpu.memory_space<vmem>>, vector<1x16xf32>,
        %get3A_626 = arith.index_cast %scan3A_285 : i32 to index
        %get3A_627 = arith.constant 608 : index
        %get3A_628 = tpu.vector_load %arg9[%get3A_626, %get3A_627] {strides = array<i32>} : memref<32x1024xf32, #tpu.memory_space<vmem>>, vector<1x16xf32>,
        %get3A_629 = vector.shape_cast %get3A_628 : vector<1x16xf32> to vector<16xf32>
        %swap3A_630 = arith.index_cast %scan3A_285 : i32 to index
        %swap3A_631 = arith.constant 608 : index
        %swap3A_632 = tpu.vector_load %arg8[%swap3A_630, %swap3A_631] {strides = array<i32>} : memref<32x1024xf32, #tpu.memory_space<vmem>>, vector<1x16xf32>,
        %swap3A_633 = vector.shape_cast %swap3A_632 : vector<1x16xf32> to vector<16xf32>
        %swap3A_634 = vector.shape_cast %get3A_629 : vector<16xf32> to vector<1x16xf32>
        tpu.vector_store %arg8[%swap3A_630, %swap3A_631], %swap3A_634 {add = true, strides = array<i32>} : memref<32x1024xf32, #tpu.memory_space<vmem>>, vector<1x16xf32>,
        %get3A_635 = arith.index_cast %scan3A_285 : i32 to index
        %get3A_636 = arith.constant 624 : index
        %get3A_637 = tpu.vector_load %arg9[%get3A_635, %get3A_636] {strides = array<i32>} : memref<32x1024xf32, #tpu.memory_space<vmem>>, vector<1x16xf32>,
        %get3A_638 = vector.shape_cast %get3A_637 : vector<1x16xf32> to vector<16xf32>
        %swap3A_639 = arith.index_cast %scan3A_285 : i32 to index
        %swap3A_640 = arith.constant 624 : index
        %swap3A_641 = tpu.vector_load %arg8[%swap3A_639, %swap3A_640] {strides = array<i32>} : memref<32x1024xf32, #tpu.memory_space<vmem>>, vector<1x16xf32>,
        %swap3A_642 = vector.shape_cast %swap3A_641 : vector<1x16xf32> to vector<16xf32>
        %swap3A_643 = vector.shape_cast %get3A_638 : vector<16xf32> to vector<1x16xf32>
        tpu.vector_store %arg8[%swap3A_639, %swap3A_640], %swap3A_643 {add = true, strides = array<i32>} : memref<32x1024xf32, #tpu.memory_space<vmem>>, vector<1x16xf32>,
        %get3A_644 = arith.index_cast %scan3A_285 : i32 to index
        %get3A_645 = arith.constant 640 : index
        %get3A_646 = tpu.vector_load %arg9[%get3A_644, %get3A_645] {strides = array<i32>} : memref<32x1024xf32, #tpu.memory_space<vmem>>, vector<1x16xf32>,
        %get3A_647 = vector.shape_cast %get3A_646 : vector<1x16xf32> to vector<16xf32>
        %swap3A_648 = arith.index_cast %scan3A_285 : i32 to index
        %swap3A_649 = arith.constant 640 : index
        %swap3A_650 = tpu.vector_load %arg8[%swap3A_648, %swap3A_649] {strides = array<i32>} : memref<32x1024xf32, #tpu.memory_space<vmem>>, vector<1x16xf32>,
        %swap3A_651 = vector.shape_cast %swap3A_650 : vector<1x16xf32> to vector<16xf32>
        %swap3A_652 = vector.shape_cast %get3A_647 : vector<16xf32> to vector<1x16xf32>
        tpu.vector_store %arg8[%swap3A_648, %swap3A_649], %swap3A_652 {add = true, strides = array<i32>} : memref<32x1024xf32, #tpu.memory_space<vmem>>, vector<1x16xf32>,
        %get3A_653 = arith.index_cast %scan3A_285 : i32 to index
        %get3A_654 = arith.constant 656 : index
        %get3A_655 = tpu.vector_load %arg9[%get3A_653, %get3A_654] {strides = array<i32>} : memref<32x1024xf32, #tpu.memory_space<vmem>>, vector<1x16xf32>,
        %get3A_656 = vector.shape_cast %get3A_655 : vector<1x16xf32> to vector<16xf32>
        %swap3A_657 = arith.index_cast %scan3A_285 : i32 to index
        %swap3A_658 = arith.constant 656 : index
        %swap3A_659 = tpu.vector_load %arg8[%swap3A_657, %swap3A_658] {strides = array<i32>} : memref<32x1024xf32, #tpu.memory_space<vmem>>, vector<1x16xf32>,
        %swap3A_660 = vector.shape_cast %swap3A_659 : vector<1x16xf32> to vector<16xf32>
        %swap3A_661 = vector.shape_cast %get3A_656 : vector<16xf32> to vector<1x16xf32>
        tpu.vector_store %arg8[%swap3A_657, %swap3A_658], %swap3A_661 {add = true, strides = array<i32>} : memref<32x1024xf32, #tpu.memory_space<vmem>>, vector<1x16xf32>,
        %get3A_662 = arith.index_cast %scan3A_285 : i32 to index
        %get3A_663 = arith.constant 672 : index
        %get3A_664 = tpu.vector_load %arg9[%get3A_662, %get3A_663] {strides = array<i32>} : memref<32x1024xf32, #tpu.memory_space<vmem>>, vector<1x16xf32>,
        %get3A_665 = vector.shape_cast %get3A_664 : vector<1x16xf32> to vector<16xf32>
        %swap3A_666 = arith.index_cast %scan3A_285 : i32 to index
        %swap3A_667 = arith.constant 672 : index
        %swap3A_668 = tpu.vector_load %arg8[%swap3A_666, %swap3A_667] {strides = array<i32>} : memref<32x1024xf32, #tpu.memory_space<vmem>>, vector<1x16xf32>,
        %swap3A_669 = vector.shape_cast %swap3A_668 : vector<1x16xf32> to vector<16xf32>
        %swap3A_670 = vector.shape_cast %get3A_665 : vector<16xf32> to vector<1x16xf32>
        tpu.vector_store %arg8[%swap3A_666, %swap3A_667], %swap3A_670 {add = true, strides = array<i32>} : memref<32x1024xf32, #tpu.memory_space<vmem>>, vector<1x16xf32>,
        %get3A_671 = arith.index_cast %scan3A_285 : i32 to index
        %get3A_672 = arith.constant 688 : index
        %get3A_673 = tpu.vector_load %arg9[%get3A_671, %get3A_672] {strides = array<i32>} : memref<32x1024xf32, #tpu.memory_space<vmem>>, vector<1x16xf32>,
        %get3A_674 = vector.shape_cast %get3A_673 : vector<1x16xf32> to vector<16xf32>
        %swap3A_675 = arith.index_cast %scan3A_285 : i32 to index
        %swap3A_676 = arith.constant 688 : index
        %swap3A_677 = tpu.vector_load %arg8[%swap3A_675, %swap3A_676] {strides = array<i32>} : memref<32x1024xf32, #tpu.memory_space<vmem>>, vector<1x16xf32>,
        %swap3A_678 = vector.shape_cast %swap3A_677 : vector<1x16xf32> to vector<16xf32>
        %swap3A_679 = vector.shape_cast %get3A_674 : vector<16xf32> to vector<1x16xf32>
        tpu.vector_store %arg8[%swap3A_675, %swap3A_676], %swap3A_679 {add = true, strides = array<i32>} : memref<32x1024xf32, #tpu.memory_space<vmem>>, vector<1x16xf32>,
        %get3A_680 = arith.index_cast %scan3A_285 : i32 to index
        %get3A_681 = arith.constant 704 : index
        %get3A_682 = tpu.vector_load %arg9[%get3A_680, %get3A_681] {strides = array<i32>} : memref<32x1024xf32, #tpu.memory_space<vmem>>, vector<1x16xf32>,
        %get3A_683 = vector.shape_cast %get3A_682 : vector<1x16xf32> to vector<16xf32>
        %swap3A_684 = arith.index_cast %scan3A_285 : i32 to index
        %swap3A_685 = arith.constant 704 : index
        %swap3A_686 = tpu.vector_load %arg8[%swap3A_684, %swap3A_685] {strides = array<i32>} : memref<32x1024xf32, #tpu.memory_space<vmem>>, vector<1x16xf32>,
        %swap3A_687 = vector.shape_cast %swap3A_686 : vector<1x16xf32> to vector<16xf32>
        %swap3A_688 = vector.shape_cast %get3A_683 : vector<16xf32> to vector<1x16xf32>
        tpu.vector_store %arg8[%swap3A_684, %swap3A_685], %swap3A_688 {add = true, strides = array<i32>} : memref<32x1024xf32, #tpu.memory_space<vmem>>, vector<1x16xf32>,
        %get3A_689 = arith.index_cast %scan3A_285 : i32 to index
        %get3A_690 = arith.constant 720 : index
        %get3A_691 = tpu.vector_load %arg9[%get3A_689, %get3A_690] {strides = array<i32>} : memref<32x1024xf32, #tpu.memory_space<vmem>>, vector<1x16xf32>,
        %get3A_692 = vector.shape_cast %get3A_691 : vector<1x16xf32> to vector<16xf32>
        %swap3A_693 = arith.index_cast %scan3A_285 : i32 to index
        %swap3A_694 = arith.constant 720 : index
        %swap3A_695 = tpu.vector_load %arg8[%swap3A_693, %swap3A_694] {strides = array<i32>} : memref<32x1024xf32, #tpu.memory_space<vmem>>, vector<1x16xf32>,
        %swap3A_696 = vector.shape_cast %swap3A_695 : vector<1x16xf32> to vector<16xf32>
        %swap3A_697 = vector.shape_cast %get3A_692 : vector<16xf32> to vector<1x16xf32>
        tpu.vector_store %arg8[%swap3A_693, %swap3A_694], %swap3A_697 {add = true, strides = array<i32>} : memref<32x1024xf32, #tpu.memory_space<vmem>>, vector<1x16xf32>,
        %get3A_698 = arith.index_cast %scan3A_285 : i32 to index
        %get3A_699 = arith.constant 736 : index
        %get3A_700 = tpu.vector_load %arg9[%get3A_698, %get3A_699] {strides = array<i32>} : memref<32x1024xf32, #tpu.memory_space<vmem>>, vector<1x16xf32>,
        %get3A_701 = vector.shape_cast %get3A_700 : vector<1x16xf32> to vector<16xf32>
        %swap3A_702 = arith.index_cast %scan3A_285 : i32 to index
        %swap3A_703 = arith.constant 736 : index
        %swap3A_704 = tpu.vector_load %arg8[%swap3A_702, %swap3A_703] {strides = array<i32>} : memref<32x1024xf32, #tpu.memory_space<vmem>>, vector<1x16xf32>,
        %swap3A_705 = vector.shape_cast %swap3A_704 : vector<1x16xf32> to vector<16xf32>
        %swap3A_706 = vector.shape_cast %get3A_701 : vector<16xf32> to vector<1x16xf32>
        tpu.vector_store %arg8[%swap3A_702, %swap3A_703], %swap3A_706 {add = true, strides = array<i32>} : memref<32x1024xf32, #tpu.memory_space<vmem>>, vector<1x16xf32>,
        %get3A_707 = arith.index_cast %scan3A_285 : i32 to index
        %get3A_708 = arith.constant 752 : index
        %get3A_709 = tpu.vector_load %arg9[%get3A_707, %get3A_708] {strides = array<i32>} : memref<32x1024xf32, #tpu.memory_space<vmem>>, vector<1x16xf32>,
        %get3A_710 = vector.shape_cast %get3A_709 : vector<1x16xf32> to vector<16xf32>
        %swap3A_711 = arith.index_cast %scan3A_285 : i32 to index
        %swap3A_712 = arith.constant 752 : index
        %swap3A_713 = tpu.vector_load %arg8[%swap3A_711, %swap3A_712] {strides = array<i32>} : memref<32x1024xf32, #tpu.memory_space<vmem>>, vector<1x16xf32>,
        %swap3A_714 = vector.shape_cast %swap3A_713 : vector<1x16xf32> to vector<16xf32>
        %swap3A_715 = vector.shape_cast %get3A_710 : vector<16xf32> to vector<1x16xf32>
        tpu.vector_store %arg8[%swap3A_711, %swap3A_712], %swap3A_715 {add = true, strides = array<i32>} : memref<32x1024xf32, #tpu.memory_space<vmem>>, vector<1x16xf32>,
        %get3A_716 = arith.index_cast %scan3A_285 : i32 to index
        %get3A_717 = arith.constant 768 : index
        %get3A_718 = tpu.vector_load %arg9[%get3A_716, %get3A_717] {strides = array<i32>} : memref<32x1024xf32, #tpu.memory_space<vmem>>, vector<1x16xf32>,
        %get3A_719 = vector.shape_cast %get3A_718 : vector<1x16xf32> to vector<16xf32>
        %swap3A_720 = arith.index_cast %scan3A_285 : i32 to index
        %swap3A_721 = arith.constant 768 : index
        %swap3A_722 = tpu.vector_load %arg8[%swap3A_720, %swap3A_721] {strides = array<i32>} : memref<32x1024xf32, #tpu.memory_space<vmem>>, vector<1x16xf32>,
        %swap3A_723 = vector.shape_cast %swap3A_722 : vector<1x16xf32> to vector<16xf32>
        %swap3A_724 = vector.shape_cast %get3A_719 : vector<16xf32> to vector<1x16xf32>
        tpu.vector_store %arg8[%swap3A_720, %swap3A_721], %swap3A_724 {add = true, strides = array<i32>} : memref<32x1024xf32, #tpu.memory_space<vmem>>, vector<1x16xf32>,
        %get3A_725 = arith.index_cast %scan3A_285 : i32 to index
        %get3A_726 = arith.constant 784 : index
        %get3A_727 = tpu.vector_load %arg9[%get3A_725, %get3A_726] {strides = array<i32>} : memref<32x1024xf32, #tpu.memory_space<vmem>>, vector<1x16xf32>,
        %get3A_728 = vector.shape_cast %get3A_727 : vector<1x16xf32> to vector<16xf32>
        %swap3A_729 = arith.index_cast %scan3A_285 : i32 to index
        %swap3A_730 = arith.constant 784 : index
        %swap3A_731 = tpu.vector_load %arg8[%swap3A_729, %swap3A_730] {strides = array<i32>} : memref<32x1024xf32, #tpu.memory_space<vmem>>, vector<1x16xf32>,
        %swap3A_732 = vector.shape_cast %swap3A_731 : vector<1x16xf32> to vector<16xf32>
        %swap3A_733 = vector.shape_cast %get3A_728 : vector<16xf32> to vector<1x16xf32>
        tpu.vector_store %arg8[%swap3A_729, %swap3A_730], %swap3A_733 {add = true, strides = array<i32>} : memref<32x1024xf32, #tpu.memory_space<vmem>>, vector<1x16xf32>,
        %get3A_734 = arith.index_cast %scan3A_285 : i32 to index
        %get3A_735 = arith.constant 800 : index
        %get3A_736 = tpu.vector_load %arg9[%get3A_734, %get3A_735] {strides = array<i32>} : memref<32x1024xf32, #tpu.memory_space<vmem>>, vector<1x16xf32>,
        %get3A_737 = vector.shape_cast %get3A_736 : vector<1x16xf32> to vector<16xf32>
        %swap3A_738 = arith.index_cast %scan3A_285 : i32 to index
        %swap3A_739 = arith.constant 800 : index
        %swap3A_740 = tpu.vector_load %arg8[%swap3A_738, %swap3A_739] {strides = array<i32>} : memref<32x1024xf32, #tpu.memory_space<vmem>>, vector<1x16xf32>,
        %swap3A_741 = vector.shape_cast %swap3A_740 : vector<1x16xf32> to vector<16xf32>
        %swap3A_742 = vector.shape_cast %get3A_737 : vector<16xf32> to vector<1x16xf32>
        tpu.vector_store %arg8[%swap3A_738, %swap3A_739], %swap3A_742 {add = true, strides = array<i32>} : memref<32x1024xf32, #tpu.memory_space<vmem>>, vector<1x16xf32>,
        %get3A_743 = arith.index_cast %scan3A_285 : i32 to index
        %get3A_744 = arith.constant 816 : index
        %get3A_745 = tpu.vector_load %arg9[%get3A_743, %get3A_744] {strides = array<i32>} : memref<32x1024xf32, #tpu.memory_space<vmem>>, vector<1x16xf32>,
        %get3A_746 = vector.shape_cast %get3A_745 : vector<1x16xf32> to vector<16xf32>
        %swap3A_747 = arith.index_cast %scan3A_285 : i32 to index
        %swap3A_748 = arith.constant 816 : index
        %swap3A_749 = tpu.vector_load %arg8[%swap3A_747, %swap3A_748] {strides = array<i32>} : memref<32x1024xf32, #tpu.memory_space<vmem>>, vector<1x16xf32>,
        %swap3A_750 = vector.shape_cast %swap3A_749 : vector<1x16xf32> to vector<16xf32>
        %swap3A_751 = vector.shape_cast %get3A_746 : vector<16xf32> to vector<1x16xf32>
        tpu.vector_store %arg8[%swap3A_747, %swap3A_748], %swap3A_751 {add = true, strides = array<i32>} : memref<32x1024xf32, #tpu.memory_space<vmem>>, vector<1x16xf32>,
        %get3A_752 = arith.index_cast %scan3A_285 : i32 to index
        %get3A_753 = arith.constant 832 : index
        %get3A_754 = tpu.vector_load %arg9[%get3A_752, %get3A_753] {strides = array<i32>} : memref<32x1024xf32, #tpu.memory_space<vmem>>, vector<1x16xf32>,
        %get3A_755 = vector.shape_cast %get3A_754 : vector<1x16xf32> to vector<16xf32>
        %swap3A_756 = arith.index_cast %scan3A_285 : i32 to index
        %swap3A_757 = arith.constant 832 : index
        %swap3A_758 = tpu.vector_load %arg8[%swap3A_756, %swap3A_757] {strides = array<i32>} : memref<32x1024xf32, #tpu.memory_space<vmem>>, vector<1x16xf32>,
        %swap3A_759 = vector.shape_cast %swap3A_758 : vector<1x16xf32> to vector<16xf32>
        %swap3A_760 = vector.shape_cast %get3A_755 : vector<16xf32> to vector<1x16xf32>
        tpu.vector_store %arg8[%swap3A_756, %swap3A_757], %swap3A_760 {add = true, strides = array<i32>} : memref<32x1024xf32, #tpu.memory_space<vmem>>, vector<1x16xf32>,
        %get3A_761 = arith.index_cast %scan3A_285 : i32 to index
        %get3A_762 = arith.constant 848 : index
        %get3A_763 = tpu.vector_load %arg9[%get3A_761, %get3A_762] {strides = array<i32>} : memref<32x1024xf32, #tpu.memory_space<vmem>>, vector<1x16xf32>,
        %get3A_764 = vector.shape_cast %get3A_763 : vector<1x16xf32> to vector<16xf32>
        %swap3A_765 = arith.index_cast %scan3A_285 : i32 to index
        %swap3A_766 = arith.constant 848 : index
        %swap3A_767 = tpu.vector_load %arg8[%swap3A_765, %swap3A_766] {strides = array<i32>} : memref<32x1024xf32, #tpu.memory_space<vmem>>, vector<1x16xf32>,
        %swap3A_768 = vector.shape_cast %swap3A_767 : vector<1x16xf32> to vector<16xf32>
        %swap3A_769 = vector.shape_cast %get3A_764 : vector<16xf32> to vector<1x16xf32>
        tpu.vector_store %arg8[%swap3A_765, %swap3A_766], %swap3A_769 {add = true, strides = array<i32>} : memref<32x1024xf32, #tpu.memory_space<vmem>>, vector<1x16xf32>,
        %get3A_770 = arith.index_cast %scan3A_285 : i32 to index
        %get3A_771 = arith.constant 864 : index
        %get3A_772 = tpu.vector_load %arg9[%get3A_770, %get3A_771] {strides = array<i32>} : memref<32x1024xf32, #tpu.memory_space<vmem>>, vector<1x16xf32>,
        %get3A_773 = vector.shape_cast %get3A_772 : vector<1x16xf32> to vector<16xf32>
        %swap3A_774 = arith.index_cast %scan3A_285 : i32 to index
        %swap3A_775 = arith.constant 864 : index
        %swap3A_776 = tpu.vector_load %arg8[%swap3A_774, %swap3A_775] {strides = array<i32>} : memref<32x1024xf32, #tpu.memory_space<vmem>>, vector<1x16xf32>,
        %swap3A_777 = vector.shape_cast %swap3A_776 : vector<1x16xf32> to vector<16xf32>
        %swap3A_778 = vector.shape_cast %get3A_773 : vector<16xf32> to vector<1x16xf32>
        tpu.vector_store %arg8[%swap3A_774, %swap3A_775], %swap3A_778 {add = true, strides = array<i32>} : memref<32x1024xf32, #tpu.memory_space<vmem>>, vector<1x16xf32>,
        %get3A_779 = arith.index_cast %scan3A_285 : i32 to index
        %get3A_780 = arith.constant 880 : index
        %get3A_781 = tpu.vector_load %arg9[%get3A_779, %get3A_780] {strides = array<i32>} : memref<32x1024xf32, #tpu.memory_space<vmem>>, vector<1x16xf32>,
        %get3A_782 = vector.shape_cast %get3A_781 : vector<1x16xf32> to vector<16xf32>
        %swap3A_783 = arith.index_cast %scan3A_285 : i32 to index
        %swap3A_784 = arith.constant 880 : index
        %swap3A_785 = tpu.vector_load %arg8[%swap3A_783, %swap3A_784] {strides = array<i32>} : memref<32x1024xf32, #tpu.memory_space<vmem>>, vector<1x16xf32>,
        %swap3A_786 = vector.shape_cast %swap3A_785 : vector<1x16xf32> to vector<16xf32>
        %swap3A_787 = vector.shape_cast %get3A_782 : vector<16xf32> to vector<1x16xf32>
        tpu.vector_store %arg8[%swap3A_783, %swap3A_784], %swap3A_787 {add = true, strides = array<i32>} : memref<32x1024xf32, #tpu.memory_space<vmem>>, vector<1x16xf32>,
        %get3A_788 = arith.index_cast %scan3A_285 : i32 to index
        %get3A_789 = arith.constant 896 : index
        %get3A_790 = tpu.vector_load %arg9[%get3A_788, %get3A_789] {strides = array<i32>} : memref<32x1024xf32, #tpu.memory_space<vmem>>, vector<1x16xf32>,
        %get3A_791 = vector.shape_cast %get3A_790 : vector<1x16xf32> to vector<16xf32>
        %swap3A_792 = arith.index_cast %scan3A_285 : i32 to index
        %swap3A_793 = arith.constant 896 : index
        %swap3A_794 = tpu.vector_load %arg8[%swap3A_792, %swap3A_793] {strides = array<i32>} : memref<32x1024xf32, #tpu.memory_space<vmem>>, vector<1x16xf32>,
        %swap3A_795 = vector.shape_cast %swap3A_794 : vector<1x16xf32> to vector<16xf32>
        %swap3A_796 = vector.shape_cast %get3A_791 : vector<16xf32> to vector<1x16xf32>
        tpu.vector_store %arg8[%swap3A_792, %swap3A_793], %swap3A_796 {add = true, strides = array<i32>} : memref<32x1024xf32, #tpu.memory_space<vmem>>, vector<1x16xf32>,
        %get3A_797 = arith.index_cast %scan3A_285 : i32 to index
        %get3A_798 = arith.constant 912 : index
        %get3A_799 = tpu.vector_load %arg9[%get3A_797, %get3A_798] {strides = array<i32>} : memref<32x1024xf32, #tpu.memory_space<vmem>>, vector<1x16xf32>,
        %get3A_800 = vector.shape_cast %get3A_799 : vector<1x16xf32> to vector<16xf32>
        %swap3A_801 = arith.index_cast %scan3A_285 : i32 to index
        %swap3A_802 = arith.constant 912 : index
        %swap3A_803 = tpu.vector_load %arg8[%swap3A_801, %swap3A_802] {strides = array<i32>} : memref<32x1024xf32, #tpu.memory_space<vmem>>, vector<1x16xf32>,
        %swap3A_804 = vector.shape_cast %swap3A_803 : vector<1x16xf32> to vector<16xf32>
        %swap3A_805 = vector.shape_cast %get3A_800 : vector<16xf32> to vector<1x16xf32>
        tpu.vector_store %arg8[%swap3A_801, %swap3A_802], %swap3A_805 {add = true, strides = array<i32>} : memref<32x1024xf32, #tpu.memory_space<vmem>>, vector<1x16xf32>,
        %get3A_806 = arith.index_cast %scan3A_285 : i32 to index
        %get3A_807 = arith.constant 928 : index
        %get3A_808 = tpu.vector_load %arg9[%get3A_806, %get3A_807] {strides = array<i32>} : memref<32x1024xf32, #tpu.memory_space<vmem>>, vector<1x16xf32>,
        %get3A_809 = vector.shape_cast %get3A_808 : vector<1x16xf32> to vector<16xf32>
        %swap3A_810 = arith.index_cast %scan3A_285 : i32 to index
        %swap3A_811 = arith.constant 928 : index
        %swap3A_812 = tpu.vector_load %arg8[%swap3A_810, %swap3A_811] {strides = array<i32>} : memref<32x1024xf32, #tpu.memory_space<vmem>>, vector<1x16xf32>,
        %swap3A_813 = vector.shape_cast %swap3A_812 : vector<1x16xf32> to vector<16xf32>
        %swap3A_814 = vector.shape_cast %get3A_809 : vector<16xf32> to vector<1x16xf32>
        tpu.vector_store %arg8[%swap3A_810, %swap3A_811], %swap3A_814 {add = true, strides = array<i32>} : memref<32x1024xf32, #tpu.memory_space<vmem>>, vector<1x16xf32>,
        %get3A_815 = arith.index_cast %scan3A_285 : i32 to index
        %get3A_816 = arith.constant 944 : index
        %get3A_817 = tpu.vector_load %arg9[%get3A_815, %get3A_816] {strides = array<i32>} : memref<32x1024xf32, #tpu.memory_space<vmem>>, vector<1x16xf32>,
        %get3A_818 = vector.shape_cast %get3A_817 : vector<1x16xf32> to vector<16xf32>
        %swap3A_819 = arith.index_cast %scan3A_285 : i32 to index
        %swap3A_820 = arith.constant 944 : index
        %swap3A_821 = tpu.vector_load %arg8[%swap3A_819, %swap3A_820] {strides = array<i32>} : memref<32x1024xf32, #tpu.memory_space<vmem>>, vector<1x16xf32>,
        %swap3A_822 = vector.shape_cast %swap3A_821 : vector<1x16xf32> to vector<16xf32>
        %swap3A_823 = vector.shape_cast %get3A_818 : vector<16xf32> to vector<1x16xf32>
        tpu.vector_store %arg8[%swap3A_819, %swap3A_820], %swap3A_823 {add = true, strides = array<i32>} : memref<32x1024xf32, #tpu.memory_space<vmem>>, vector<1x16xf32>,
        %get3A_824 = arith.index_cast %scan3A_285 : i32 to index
        %get3A_825 = arith.constant 960 : index
        %get3A_826 = tpu.vector_load %arg9[%get3A_824, %get3A_825] {strides = array<i32>} : memref<32x1024xf32, #tpu.memory_space<vmem>>, vector<1x16xf32>,
        %get3A_827 = vector.shape_cast %get3A_826 : vector<1x16xf32> to vector<16xf32>
        %swap3A_828 = arith.index_cast %scan3A_285 : i32 to index
        %swap3A_829 = arith.constant 960 : index
        %swap3A_830 = tpu.vector_load %arg8[%swap3A_828, %swap3A_829] {strides = array<i32>} : memref<32x1024xf32, #tpu.memory_space<vmem>>, vector<1x16xf32>,
        %swap3A_831 = vector.shape_cast %swap3A_830 : vector<1x16xf32> to vector<16xf32>
        %swap3A_832 = vector.shape_cast %get3A_827 : vector<16xf32> to vector<1x16xf32>
        tpu.vector_store %arg8[%swap3A_828, %swap3A_829], %swap3A_832 {add = true, strides = array<i32>} : memref<32x1024xf32, #tpu.memory_space<vmem>>, vector<1x16xf32>,
        %get3A_833 = arith.index_cast %scan3A_285 : i32 to index
        %get3A_834 = arith.constant 976 : index
        %get3A_835 = tpu.vector_load %arg9[%get3A_833, %get3A_834] {strides = array<i32>} : memref<32x1024xf32, #tpu.memory_space<vmem>>, vector<1x16xf32>,
        %get3A_836 = vector.shape_cast %get3A_835 : vector<1x16xf32> to vector<16xf32>
        %swap3A_837 = arith.index_cast %scan3A_285 : i32 to index
        %swap3A_838 = arith.constant 976 : index
        %swap3A_839 = tpu.vector_load %arg8[%swap3A_837, %swap3A_838] {strides = array<i32>} : memref<32x1024xf32, #tpu.memory_space<vmem>>, vector<1x16xf32>,
        %swap3A_840 = vector.shape_cast %swap3A_839 : vector<1x16xf32> to vector<16xf32>
        %swap3A_841 = vector.shape_cast %get3A_836 : vector<16xf32> to vector<1x16xf32>
        tpu.vector_store %arg8[%swap3A_837, %swap3A_838], %swap3A_841 {add = true, strides = array<i32>} : memref<32x1024xf32, #tpu.memory_space<vmem>>, vector<1x16xf32>,
        %get3A_842 = arith.index_cast %scan3A_285 : i32 to index
        %get3A_843 = arith.constant 992 : index
        %get3A_844 = tpu.vector_load %arg9[%get3A_842, %get3A_843] {strides = array<i32>} : memref<32x1024xf32, #tpu.memory_space<vmem>>, vector<1x16xf32>,
        %get3A_845 = vector.shape_cast %get3A_844 : vector<1x16xf32> to vector<16xf32>
        %swap3A_846 = arith.index_cast %scan3A_285 : i32 to index
        %swap3A_847 = arith.constant 992 : index
        %swap3A_848 = tpu.vector_load %arg8[%swap3A_846, %swap3A_847] {strides = array<i32>} : memref<32x1024xf32, #tpu.memory_space<vmem>>, vector<1x16xf32>,
        %swap3A_849 = vector.shape_cast %swap3A_848 : vector<1x16xf32> to vector<16xf32>
        %swap3A_850 = vector.shape_cast %get3A_845 : vector<16xf32> to vector<1x16xf32>
        tpu.vector_store %arg8[%swap3A_846, %swap3A_847], %swap3A_850 {add = true, strides = array<i32>} : memref<32x1024xf32, #tpu.memory_space<vmem>>, vector<1x16xf32>,
        %get3A_851 = arith.index_cast %scan3A_285 : i32 to index
        %get3A_852 = arith.constant 1008 : index
        %get3A_853 = tpu.vector_load %arg9[%get3A_851, %get3A_852] {strides = array<i32>} : memref<32x1024xf32, #tpu.memory_space<vmem>>, vector<1x16xf32>,
        %get3A_854 = vector.shape_cast %get3A_853 : vector<1x16xf32> to vector<16xf32>
        %swap3A_855 = arith.index_cast %scan3A_285 : i32 to index
        %swap3A_856 = arith.constant 1008 : index
        %swap3A_857 = tpu.vector_load %arg8[%swap3A_855, %swap3A_856] {strides = array<i32>} : memref<32x1024xf32, #tpu.memory_space<vmem>>, vector<1x16xf32>,
        %swap3A_858 = vector.shape_cast %swap3A_857 : vector<1x16xf32> to vector<16xf32>
        %swap3A_859 = vector.shape_cast %get3A_854 : vector<16xf32> to vector<1x16xf32>
        tpu.vector_store %arg8[%swap3A_855, %swap3A_856], %swap3A_859 {add = true, strides = array<i32>} : memref<32x1024xf32, #tpu.memory_space<vmem>>, vector<1x16xf32>,
      }
      %scan3A_275 = arith.constant 32 : i32
      %add3A_276 = arith.constant 1 : i32
      %add3A_277 = arith.addi %mul3A_222, %add3A_276 : i32
      %mul3A_278 = arith.constant 2048 : i32
      %mul3A_279 = arith.muli %add3A_277, %mul3A_278 : i32
      %add3A_280 = arith.addi %mul3A_279, %mul3A_4 : i32
      %dma_start3A_281 = arith.constant 0 : i32
      %dma_start3A_282 = tpu.memref_slice %arg5[%add3A_280, %dma_start3A_281] : memref<8192x1024xf32, #tpu.memory_space<hbm>> -> memref<32x1024xf32, #tpu.memory_space<hbm>>
      %dma_start3A_283 = arith.constant 0 : i32
      %dma_start3A_284 = tpu.memref_slice %arg5[%add3A_280, %dma_start3A_283] : memref<8192x1024xf32, #tpu.memory_space<hbm>> -> memref<32x1024xf32, #tpu.memory_space<hbm>>
      tpu.enqueue_dma source(%arg8 : memref<32x1024xf32, #tpu.memory_space<vmem>>) target(%dma_start3A_284 : memref<32x1024xf32, #tpu.memory_space<hbm>>) target_semaphore(%arg13 : memref<!tpu.dma_semaphore, #tpu.memory_space<semaphore_mem>>)
    }
    %scan3A_102 = arith.constant 2 : i32
    %dma_wait3A_103 = arith.constant 0 : i32
    %dma_wait3A_104 = arith.constant 0 : i32
    %dma_wait3A_105 = tpu.memref_slice %arg5[%dma_wait3A_103, %dma_wait3A_104] : memref<8192x1024xf32, #tpu.memory_space<hbm>> -> memref<32x1024xf32, #tpu.memory_space<hbm>>
    %dma_wait3A_106 = arith.constant 0 : i32
    %dma_wait3A_107 = arith.constant 0 : i32
    %dma_wait3A_108 = tpu.memref_slice %arg5[%dma_wait3A_106, %dma_wait3A_107] : memref<8192x1024xf32, #tpu.memory_space<hbm>> -> memref<32x1024xf32, #tpu.memory_space<hbm>>
    tpu.wait_dma2 semaphore(%arg13 : memref<!tpu.dma_semaphore, #tpu.memory_space<semaphore_mem>>) src(%arg8 : memref<32x1024xf32, #tpu.memory_space<vmem>>) dst(%dma_wait3A_108 : memref<32x1024xf32, #tpu.memory_space<hbm>>)
    %add3A_109 = arith.constant 32 : i32
    %add3A_110 = arith.addi %add3A_109, %add3A : i32
    %mul3A_111 = arith.constant 32 : i32
    %mul3A_112 = arith.muli %add3A_110, %mul3A_111 : i32
    %add3A_113 = arith.constant 57344 : i32
    %add3A_114 = arith.addi %add3A_113, %mul3A_112 : i32
    %dma_start3A_115 = arith.constant 0 : i32
    %dma_start3A_116 = arith.constant 0 : i32
    %dma_start3A_117 = tpu.memref_slice %arg6[%dma_start3A_115, %dma_start3A_116] : memref<4x32xi32, #tpu.memory_space<vmem>> -> memref<1x32xi32, #tpu.memory_space<vmem>>
    %dma_start3A_118 = tpu.memref_squeeze %dma_start3A_117 : memref<1x32xi32, #tpu.memory_space<vmem>> -> memref<32xi32, #tpu.memory_space<vmem>>
    %dma_start3A_119 = tpu.memref_slice %arg2[%add3A_114] : memref<65536xi32, #tpu.memory_space<hbm>> -> memref<32xi32, #tpu.memory_space<hbm>>
    %dma_start3A_120 = arith.constant 0 : i32
    %dma_start3A_121 = tpu.memref_slice %arg6[%dma_start3A_115, %dma_start3A_120] : memref<4x32xi32, #tpu.memory_space<vmem>> -> memref<1x32xi32, #tpu.memory_space<vmem>>
    %dma_start3A_122 = tpu.memref_squeeze %dma_start3A_121 : memref<1x32xi32, #tpu.memory_space<vmem>> -> memref<32xi32, #tpu.memory_space<vmem>>
    %dma_start3A_123 = tpu.memref_slice %arg2[%add3A_114] : memref<65536xi32, #tpu.memory_space<hbm>> -> memref<32xi32, #tpu.memory_space<hbm>>
    tpu.enqueue_dma source(%dma_start3A_123 : memref<32xi32, #tpu.memory_space<hbm>>) target(%dma_start3A_122 : memref<32xi32, #tpu.memory_space<vmem>>) target_semaphore(%arg14 : memref<!tpu.dma_semaphore, #tpu.memory_space<semaphore_mem>>)
    %add3A_124 = arith.constant 59392 : i32
    %add3A_125 = arith.addi %add3A_124, %mul3A_112 : i32
    %dma_start3A_126 = arith.constant 1 : i32
    %dma_start3A_127 = arith.constant 0 : i32
    %dma_start3A_128 = tpu.memref_slice %arg6[%dma_start3A_126, %dma_start3A_127] : memref<4x32xi32, #tpu.memory_space<vmem>> -> memref<1x32xi32, #tpu.memory_space<vmem>>
    %dma_start3A_129 = tpu.memref_squeeze %dma_start3A_128 : memref<1x32xi32, #tpu.memory_space<vmem>> -> memref<32xi32, #tpu.memory_space<vmem>>
    %dma_start3A_130 = tpu.memref_slice %arg2[%add3A_125] : memref<65536xi32, #tpu.memory_space<hbm>> -> memref<32xi32, #tpu.memory_space<hbm>>
    %dma_start3A_131 = arith.constant 0 : i32
    %dma_start3A_132 = tpu.memref_slice %arg6[%dma_start3A_126, %dma_start3A_131] : memref<4x32xi32, #tpu.memory_space<vmem>> -> memref<1x32xi32, #tpu.memory_space<vmem>>
    %dma_start3A_133 = tpu.memref_squeeze %dma_start3A_132 : memref<1x32xi32, #tpu.memory_space<vmem>> -> memref<32xi32, #tpu.memory_space<vmem>>
    %dma_start3A_134 = tpu.memref_slice %arg2[%add3A_125] : memref<65536xi32, #tpu.memory_space<hbm>> -> memref<32xi32, #tpu.memory_space<hbm>>
    tpu.enqueue_dma source(%dma_start3A_134 : memref<32xi32, #tpu.memory_space<hbm>>) target(%dma_start3A_133 : memref<32xi32, #tpu.memory_space<vmem>>) target_semaphore(%arg14 : memref<!tpu.dma_semaphore, #tpu.memory_space<semaphore_mem>>)
    %add3A_135 = arith.constant 61440 : i32
    %add3A_136 = arith.addi %add3A_135, %mul3A_112 : i32
    %dma_start3A_137 = arith.constant 2 : i32
    %dma_start3A_138 = arith.constant 0 : i32
    %dma_start3A_139 = tpu.memref_slice %arg6[%dma_start3A_137, %dma_start3A_138] : memref<4x32xi32, #tpu.memory_space<vmem>> -> memref<1x32xi32, #tpu.memory_space<vmem>>
    %dma_start3A_140 = tpu.memref_squeeze %dma_start3A_139 : memref<1x32xi32, #tpu.memory_space<vmem>> -> memref<32xi32, #tpu.memory_space<vmem>>
    %dma_start3A_141 = tpu.memref_slice %arg2[%add3A_136] : memref<65536xi32, #tpu.memory_space<hbm>> -> memref<32xi32, #tpu.memory_space<hbm>>
    %dma_start3A_142 = arith.constant 0 : i32
    %dma_start3A_143 = tpu.memref_slice %arg6[%dma_start3A_137, %dma_start3A_142] : memref<4x32xi32, #tpu.memory_space<vmem>> -> memref<1x32xi32, #tpu.memory_space<vmem>>
    %dma_start3A_144 = tpu.memref_squeeze %dma_start3A_143 : memref<1x32xi32, #tpu.memory_space<vmem>> -> memref<32xi32, #tpu.memory_space<vmem>>
    %dma_start3A_145 = tpu.memref_slice %arg2[%add3A_136] : memref<65536xi32, #tpu.memory_space<hbm>> -> memref<32xi32, #tpu.memory_space<hbm>>
    tpu.enqueue_dma source(%dma_start3A_145 : memref<32xi32, #tpu.memory_space<hbm>>) target(%dma_start3A_144 : memref<32xi32, #tpu.memory_space<vmem>>) target_semaphore(%arg14 : memref<!tpu.dma_semaphore, #tpu.memory_space<semaphore_mem>>)
    %add3A_146 = arith.constant 63488 : i32
    %add3A_147 = arith.addi %add3A_146, %mul3A_112 : i32
    %dma_start3A_148 = arith.constant 3 : i32
    %dma_start3A_149 = arith.constant 0 : i32
    %dma_start3A_150 = tpu.memref_slice %arg6[%dma_start3A_148, %dma_start3A_149] : memref<4x32xi32, #tpu.memory_space<vmem>> -> memref<1x32xi32, #tpu.memory_space<vmem>>
    %dma_start3A_151 = tpu.memref_squeeze %dma_start3A_150 : memref<1x32xi32, #tpu.memory_space<vmem>> -> memref<32xi32, #tpu.memory_space<vmem>>
    %dma_start3A_152 = tpu.memref_slice %arg2[%add3A_147] : memref<65536xi32, #tpu.memory_space<hbm>> -> memref<32xi32, #tpu.memory_space<hbm>>
    %dma_start3A_153 = arith.constant 0 : i32
    %dma_start3A_154 = tpu.memref_slice %arg6[%dma_start3A_148, %dma_start3A_153] : memref<4x32xi32, #tpu.memory_space<vmem>> -> memref<1x32xi32, #tpu.memory_space<vmem>>
    %dma_start3A_155 = tpu.memref_squeeze %dma_start3A_154 : memref<1x32xi32, #tpu.memory_space<vmem>> -> memref<32xi32, #tpu.memory_space<vmem>>
    %dma_start3A_156 = tpu.memref_slice %arg2[%add3A_147] : memref<65536xi32, #tpu.memory_space<hbm>> -> memref<32xi32, #tpu.memory_space<hbm>>
    tpu.enqueue_dma source(%dma_start3A_156 : memref<32xi32, #tpu.memory_space<hbm>>) target(%dma_start3A_155 : memref<32xi32, #tpu.memory_space<vmem>>) target_semaphore(%arg14 : memref<!tpu.dma_semaphore, #tpu.memory_space<semaphore_mem>>)
    "tpu.region"() ({
      %run_scoped3A = tpu.sem_alloc : memref<!tpu.dma_semaphore, #tpu.memory_space<semaphore_mem>>
      %dma_start3A_220 = arith.constant 0 : i32
      %dma_start3A_221 = tpu.memref_slice %arg3[%mul3A_112, %dma_start3A_220] : memref<2048x1024xf32, #tpu.memory_space<hbm>> -> memref<32x1024xf32, #tpu.memory_space<hbm>>
      %dma_start3A_222 = arith.constant 0 : i32
      %dma_start3A_223 = tpu.memref_slice %arg3[%mul3A_112, %dma_start3A_222] : memref<2048x1024xf32, #tpu.memory_space<hbm>> -> memref<32x1024xf32, #tpu.memory_space<hbm>>
      tpu.enqueue_dma source(%dma_start3A_223 : memref<32x1024xf32, #tpu.memory_space<hbm>>) target(%arg9 : memref<32x1024xf32, #tpu.memory_space<vmem>>) target_semaphore(%run_scoped3A : memref<!tpu.dma_semaphore, #tpu.memory_space<semaphore_mem>>)
      %dma_wait3A_224 = arith.constant 0 : i32
      %dma_wait3A_225 = tpu.memref_slice %arg3[%mul3A_112, %dma_wait3A_224] : memref<2048x1024xf32, #tpu.memory_space<hbm>> -> memref<32x1024xf32, #tpu.memory_space<hbm>>
      %dma_wait3A_226 = arith.constant 0 : i32
      %dma_wait3A_227 = tpu.memref_slice %arg3[%mul3A_112, %dma_wait3A_226] : memref<2048x1024xf32, #tpu.memory_space<hbm>> -> memref<32x1024xf32, #tpu.memory_space<hbm>>
      tpu.wait_dma2 semaphore(%run_scoped3A : memref<!tpu.dma_semaphore, #tpu.memory_space<semaphore_mem>>) src(%dma_wait3A_227 : memref<32x1024xf32, #tpu.memory_space<hbm>>) dst(%arg9 : memref<32x1024xf32, #tpu.memory_space<vmem>>)
      tpu.yield
    }) : () -> ()
    %add3A_157 = arith.constant 57344 : i32
    %add3A_158 = arith.addi %add3A_157, %mul3A_112 : i32
    %dma_wait3A_159 = arith.constant 0 : i32
    %dma_wait3A_160 = arith.constant 0 : i32
    %dma_wait3A_161 = tpu.memref_slice %arg6[%dma_wait3A_159, %dma_wait3A_160] : memref<4x32xi32, #tpu.memory_space<vmem>> -> memref<1x32xi32, #tpu.memory_space<vmem>>
    %dma_wait3A_162 = tpu.memref_squeeze %dma_wait3A_161 : memref<1x32xi32, #tpu.memory_space<vmem>> -> memref<32xi32, #tpu.memory_space<vmem>>
    %dma_wait3A_163 = tpu.memref_slice %arg2[%add3A_158] : memref<65536xi32, #tpu.memory_space<hbm>> -> memref<32xi32, #tpu.memory_space<hbm>>
    %dma_wait3A_164 = arith.constant 0 : i32
    %dma_wait3A_165 = tpu.memref_slice %arg6[%dma_wait3A_159, %dma_wait3A_164] : memref<4x32xi32, #tpu.memory_space<vmem>> -> memref<1x32xi32, #tpu.memory_space<vmem>>
    %dma_wait3A_166 = tpu.memref_squeeze %dma_wait3A_165 : memref<1x32xi32, #tpu.memory_space<vmem>> -> memref<32xi32, #tpu.memory_space<vmem>>
    %dma_wait3A_167 = tpu.memref_slice %arg2[%add3A_158] : memref<65536xi32, #tpu.memory_space<hbm>> -> memref<32xi32, #tpu.memory_space<hbm>>
    tpu.wait_dma2 semaphore(%arg14 : memref<!tpu.dma_semaphore, #tpu.memory_space<semaphore_mem>>) src(%dma_wait3A_167 : memref<32xi32, #tpu.memory_space<hbm>>) dst(%dma_wait3A_166 : memref<32xi32, #tpu.memory_space<vmem>>)
    %add3A_168 = arith.constant 59392 : i32
    %add3A_169 = arith.addi %add3A_168, %mul3A_112 : i32
    %dma_wait3A_170 = arith.constant 1 : i32
    %dma_wait3A_171 = arith.constant 0 : i32
    %dma_wait3A_172 = tpu.memref_slice %arg6[%dma_wait3A_170, %dma_wait3A_171] : memref<4x32xi32, #tpu.memory_space<vmem>> -> memref<1x32xi32, #tpu.memory_space<vmem>>
    %dma_wait3A_173 = tpu.memref_squeeze %dma_wait3A_172 : memref<1x32xi32, #tpu.memory_space<vmem>> -> memref<32xi32, #tpu.memory_space<vmem>>
    %dma_wait3A_174 = tpu.memref_slice %arg2[%add3A_169] : memref<65536xi32, #tpu.memory_space<hbm>> -> memref<32xi32, #tpu.memory_space<hbm>>
    %dma_wait3A_175 = arith.constant 0 : i32
    %dma_wait3A_176 = tpu.memref_slice %arg6[%dma_wait3A_170, %dma_wait3A_175] : memref<4x32xi32, #tpu.memory_space<vmem>> -> memref<1x32xi32, #tpu.memory_space<vmem>>
    %dma_wait3A_177 = tpu.memref_squeeze %dma_wait3A_176 : memref<1x32xi32, #tpu.memory_space<vmem>> -> memref<32xi32, #tpu.memory_space<vmem>>
    %dma_wait3A_178 = tpu.memref_slice %arg2[%add3A_169] : memref<65536xi32, #tpu.memory_space<hbm>> -> memref<32xi32, #tpu.memory_space<hbm>>
    tpu.wait_dma2 semaphore(%arg14 : memref<!tpu.dma_semaphore, #tpu.memory_space<semaphore_mem>>) src(%dma_wait3A_178 : memref<32xi32, #tpu.memory_space<hbm>>) dst(%dma_wait3A_177 : memref<32xi32, #tpu.memory_space<vmem>>)
    %add3A_179 = arith.constant 61440 : i32
    %add3A_180 = arith.addi %add3A_179, %mul3A_112 : i32
    %dma_wait3A_181 = arith.constant 2 : i32
    %dma_wait3A_182 = arith.constant 0 : i32
    %dma_wait3A_183 = tpu.memref_slice %arg6[%dma_wait3A_181, %dma_wait3A_182] : memref<4x32xi32, #tpu.memory_space<vmem>> -> memref<1x32xi32, #tpu.memory_space<vmem>>
    %dma_wait3A_184 = tpu.memref_squeeze %dma_wait3A_183 : memref<1x32xi32, #tpu.memory_space<vmem>> -> memref<32xi32, #tpu.memory_space<vmem>>
    %dma_wait3A_185 = tpu.memref_slice %arg2[%add3A_180] : memref<65536xi32, #tpu.memory_space<hbm>> -> memref<32xi32, #tpu.memory_space<hbm>>
    %dma_wait3A_186 = arith.constant 0 : i32
    %dma_wait3A_187 = tpu.memref_slice %arg6[%dma_wait3A_181, %dma_wait3A_186] : memref<4x32xi32, #tpu.memory_space<vmem>> -> memref<1x32xi32, #tpu.memory_space<vmem>>
    %dma_wait3A_188 = tpu.memref_squeeze %dma_wait3A_187 : memref<1x32xi32, #tpu.memory_space<vmem>> -> memref<32xi32, #tpu.memory_space<vmem>>
    %dma_wait3A_189 = tpu.memref_slice %arg2[%add3A_180] : memref<65536xi32, #tpu.memory_space<hbm>> -> memref<32xi32, #tpu.memory_space<hbm>>
    tpu.wait_dma2 semaphore(%arg14 : memref<!tpu.dma_semaphore, #tpu.memory_space<semaphore_mem>>) src(%dma_wait3A_189 : memref<32xi32, #tpu.memory_space<hbm>>) dst(%dma_wait3A_188 : memref<32xi32, #tpu.memory_space<vmem>>)
    %add3A_190 = arith.constant 63488 : i32
    %add3A_191 = arith.addi %add3A_190, %mul3A_112 : i32
    %dma_wait3A_192 = arith.constant 3 : i32
    %dma_wait3A_193 = arith.constant 0 : i32
    %dma_wait3A_194 = tpu.memref_slice %arg6[%dma_wait3A_192, %dma_wait3A_193] : memref<4x32xi32, #tpu.memory_space<vmem>> -> memref<1x32xi32, #tpu.memory_space<vmem>>
    %dma_wait3A_195 = tpu.memref_squeeze %dma_wait3A_194 : memref<1x32xi32, #tpu.memory_space<vmem>> -> memref<32xi32, #tpu.memory_space<vmem>>
    %dma_wait3A_196 = tpu.memref_slice %arg2[%add3A_191] : memref<65536xi32, #tpu.memory_space<hbm>> -> memref<32xi32, #tpu.memory_space<hbm>>
    %dma_wait3A_197 = arith.constant 0 : i32
    %dma_wait3A_198 = tpu.memref_slice %arg6[%dma_wait3A_192, %dma_wait3A_197] : memref<4x32xi32, #tpu.memory_space<vmem>> -> memref<1x32xi32, #tpu.memory_space<vmem>>
    %dma_wait3A_199 = tpu.memref_squeeze %dma_wait3A_198 : memref<1x32xi32, #tpu.memory_space<vmem>> -> memref<32xi32, #tpu.memory_space<vmem>>
    %dma_wait3A_200 = tpu.memref_slice %arg2[%add3A_191] : memref<65536xi32, #tpu.memory_space<hbm>> -> memref<32xi32, #tpu.memory_space<hbm>>
    tpu.wait_dma2 semaphore(%arg14 : memref<!tpu.dma_semaphore, #tpu.memory_space<semaphore_mem>>) src(%dma_wait3A_200 : memref<32xi32, #tpu.memory_space<hbm>>) dst(%dma_wait3A_199 : memref<32xi32, #tpu.memory_space<vmem>>)
    %dma_start3A_201 = arith.constant 0 : i32
    %dma_start3A_202 = arith.constant 0 : i32
    %dma_start3A_203 = tpu.memref_slice %arg6[%dma_start3A_201, %dma_start3A_202] : memref<4x32xi32, #tpu.memory_space<vmem>> -> memref<1x32xi32, #tpu.memory_space<vmem>>
    %dma_start3A_204 = tpu.memref_squeeze %dma_start3A_203 : memref<1x32xi32, #tpu.memory_space<vmem>> -> memref<32xi32, #tpu.memory_space<vmem>>
    %dma_start3A_205 = arith.constant 0 : i32
    %dma_start3A_206 = arith.constant 0 : i32
    %dma_start3A_207 = tpu.memref_slice %arg4[%dma_start3A_205, %dma_start3A_206] : memref<68x1024xf32, #tpu.memory_space<hbm>> -> memref<68x1024xf32, #tpu.memory_space<hbm>>
    tpu.enqueue_indirect_dma source(%dma_start3A_207 : memref<68x1024xf32, #tpu.memory_space<hbm>>) target(%arg7 : memref<32x1024xf32, #tpu.memory_space<vmem>>) offsets(%dma_start3A_204 : memref<32xi32, #tpu.memory_space<vmem>>) semaphore(%arg10 : memref<!tpu.dma_semaphore, #tpu.memory_space<semaphore_mem>>)
    %scan3A_208 = arith.constant 0 : i32
    %scan3A_209 = arith.constant 0 : i32
    %scan3A_210 = arith.constant 2 : i32
    %scan3A_211 = arith.addi %scan3A_209, %scan3A_210 : i32
    %scan3A_212 = arith.constant 1 : i32
    scf.for %scan3A_220 = %scan3A_209 to %scan3A_211 step %scan3A_212  : i32 {
      %mul3A_221 = arith.constant 2 : i32
      %mul3A_222 = arith.muli %mul3A_221, %scan3A_220 : i32
      %gt3A = arith.constant 0 : i32
      %gt3A_223 = arith.cmpi sgt, %scan3A_220, %gt3A : i32
      %convert_element_type3A = arith.extui %gt3A_223 : i1 to i32
      %cond3A = arith.constant 0 : i32
      %cond3A_224 = arith.cmpi ne, %convert_element_type3A, %cond3A : i32
      scf.if %cond3A_224 {
        %dma_wait3A_285 = arith.constant 0 : i32
        %dma_wait3A_286 = arith.constant 0 : i32
        %dma_wait3A_287 = tpu.memref_slice %arg5[%dma_wait3A_285, %dma_wait3A_286] : memref<8192x1024xf32, #tpu.memory_space<hbm>> -> memref<32x1024xf32, #tpu.memory_space<hbm>>
        %dma_wait3A_288 = arith.constant 0 : i32
        %dma_wait3A_289 = arith.constant 0 : i32
        %dma_wait3A_290 = tpu.memref_slice %arg5[%dma_wait3A_288, %dma_wait3A_289] : memref<8192x1024xf32, #tpu.memory_space<hbm>> -> memref<32x1024xf32, #tpu.memory_space<hbm>>
        tpu.wait_dma2 semaphore(%arg13 : memref<!tpu.dma_semaphore, #tpu.memory_space<semaphore_mem>>) src(%arg8 : memref<32x1024xf32, #tpu.memory_space<vmem>>) dst(%dma_wait3A_290 : memref<32x1024xf32, #tpu.memory_space<hbm>>)
      } else {
      }
      %add3A_225 = arith.constant 1 : i32
      %add3A_226 = arith.addi %mul3A_222, %add3A_225 : i32
      %dma_start3A_227 = arith.constant 0 : i32
      %dma_start3A_228 = tpu.memref_slice %arg6[%add3A_226, %dma_start3A_227] : memref<4x32xi32, #tpu.memory_space<vmem>> -> memref<1x32xi32, #tpu.memory_space<vmem>>
      %dma_start3A_229 = tpu.memref_squeeze %dma_start3A_228 : memref<1x32xi32, #tpu.memory_space<vmem>> -> memref<32xi32, #tpu.memory_space<vmem>>
      %dma_start3A_230 = arith.constant 0 : i32
      %dma_start3A_231 = arith.constant 0 : i32
      %dma_start3A_232 = tpu.memref_slice %arg4[%dma_start3A_230, %dma_start3A_231] : memref<68x1024xf32, #tpu.memory_space<hbm>> -> memref<68x1024xf32, #tpu.memory_space<hbm>>
      tpu.enqueue_indirect_dma source(%dma_start3A_232 : memref<68x1024xf32, #tpu.memory_space<hbm>>) target(%arg8 : memref<32x1024xf32, #tpu.memory_space<vmem>>) offsets(%dma_start3A_229 : memref<32xi32, #tpu.memory_space<vmem>>) semaphore(%arg11 : memref<!tpu.dma_semaphore, #tpu.memory_space<semaphore_mem>>)
      %dma_wait3A_233 = arith.constant 0 : i32
      %dma_wait3A_234 = arith.constant 0 : i32
      %dma_wait3A_235 = tpu.memref_slice %arg6[%dma_wait3A_233, %dma_wait3A_234] : memref<4x32xi32, #tpu.memory_space<vmem>> -> memref<1x32xi32, #tpu.memory_space<vmem>>
      %dma_wait3A_236 = tpu.memref_squeeze %dma_wait3A_235 : memref<1x32xi32, #tpu.memory_space<vmem>> -> memref<32xi32, #tpu.memory_space<vmem>>
      %dma_wait3A_237 = arith.constant 0 : i32
      %dma_wait3A_238 = arith.constant 0 : i32
      %dma_wait3A_239 = tpu.memref_slice %arg4[%dma_wait3A_237, %dma_wait3A_238] : memref<68x1024xf32, #tpu.memory_space<hbm>> -> memref<68x1024xf32, #tpu.memory_space<hbm>>
      tpu.wait_indirect_dma semaphore(%arg10 : memref<!tpu.dma_semaphore, #tpu.memory_space<semaphore_mem>>) src(%dma_wait3A_239 : memref<68x1024xf32, #tpu.memory_space<hbm>>) dst(%arg7 : memref<32x1024xf32, #tpu.memory_space<vmem>>)
      %scan3A_240 = arith.constant 0 : i32
      %scan3A_241 = arith.constant 0 : i32
      %scan3A_242 = arith.constant 32 : i32
      %scan3A_243 = arith.addi %scan3A_241, %scan3A_242 : i32
      %scan3A_244 = arith.constant 1 : i32
      scf.for %scan3A_285 = %scan3A_241 to %scan3A_243 step %scan3A_244  : i32 {
        %get3A = arith.index_cast %scan3A_285 : i32 to index
        %get3A_286 = arith.constant 0 : index
        %get3A_287 = tpu.vector_load %arg9[%get3A, %get3A_286] {strides = array<i32>} : memref<32x1024xf32, #tpu.memory_space<vmem>>, vector<1x16xf32>,
        %get3A_288 = vector.shape_cast %get3A_287 : vector<1x16xf32> to vector<16xf32>
        %swap3A = arith.index_cast %scan3A_285 : i32 to index
        %swap3A_289 = arith.constant 0 : index
        %swap3A_290 = tpu.vector_load %arg7[%swap3A, %swap3A_289] {strides = array<i32>} : memref<32x1024xf32, #tpu.memory_space<vmem>>, vector<1x16xf32>,
        %swap3A_291 = vector.shape_cast %swap3A_290 : vector<1x16xf32> to vector<16xf32>
        %swap3A_292 = vector.shape_cast %get3A_288 : vector<16xf32> to vector<1x16xf32>
        tpu.vector_store %arg7[%swap3A, %swap3A_289], %swap3A_292 {add = true, strides = array<i32>} : memref<32x1024xf32, #tpu.memory_space<vmem>>, vector<1x16xf32>,
        %get3A_293 = arith.index_cast %scan3A_285 : i32 to index
        %get3A_294 = arith.constant 16 : index
        %get3A_295 = tpu.vector_load %arg9[%get3A_293, %get3A_294] {strides = array<i32>} : memref<32x1024xf32, #tpu.memory_space<vmem>>, vector<1x16xf32>,
        %get3A_296 = vector.shape_cast %get3A_295 : vector<1x16xf32> to vector<16xf32>
        %swap3A_297 = arith.index_cast %scan3A_285 : i32 to index
        %swap3A_298 = arith.constant 16 : index
        %swap3A_299 = tpu.vector_load %arg7[%swap3A_297, %swap3A_298] {strides = array<i32>} : memref<32x1024xf32, #tpu.memory_space<vmem>>, vector<1x16xf32>,
        %swap3A_300 = vector.shape_cast %swap3A_299 : vector<1x16xf32> to vector<16xf32>
        %swap3A_301 = vector.shape_cast %get3A_296 : vector<16xf32> to vector<1x16xf32>
        tpu.vector_store %arg7[%swap3A_297, %swap3A_298], %swap3A_301 {add = true, strides = array<i32>} : memref<32x1024xf32, #tpu.memory_space<vmem>>, vector<1x16xf32>,
        %get3A_302 = arith.index_cast %scan3A_285 : i32 to index
        %get3A_303 = arith.constant 32 : index
        %get3A_304 = tpu.vector_load %arg9[%get3A_302, %get3A_303] {strides = array<i32>} : memref<32x1024xf32, #tpu.memory_space<vmem>>, vector<1x16xf32>,
        %get3A_305 = vector.shape_cast %get3A_304 : vector<1x16xf32> to vector<16xf32>
        %swap3A_306 = arith.index_cast %scan3A_285 : i32 to index
        %swap3A_307 = arith.constant 32 : index
        %swap3A_308 = tpu.vector_load %arg7[%swap3A_306, %swap3A_307] {strides = array<i32>} : memref<32x1024xf32, #tpu.memory_space<vmem>>, vector<1x16xf32>,
        %swap3A_309 = vector.shape_cast %swap3A_308 : vector<1x16xf32> to vector<16xf32>
        %swap3A_310 = vector.shape_cast %get3A_305 : vector<16xf32> to vector<1x16xf32>
        tpu.vector_store %arg7[%swap3A_306, %swap3A_307], %swap3A_310 {add = true, strides = array<i32>} : memref<32x1024xf32, #tpu.memory_space<vmem>>, vector<1x16xf32>,
        %get3A_311 = arith.index_cast %scan3A_285 : i32 to index
        %get3A_312 = arith.constant 48 : index
        %get3A_313 = tpu.vector_load %arg9[%get3A_311, %get3A_312] {strides = array<i32>} : memref<32x1024xf32, #tpu.memory_space<vmem>>, vector<1x16xf32>,
        %get3A_314 = vector.shape_cast %get3A_313 : vector<1x16xf32> to vector<16xf32>
        %swap3A_315 = arith.index_cast %scan3A_285 : i32 to index
        %swap3A_316 = arith.constant 48 : index
        %swap3A_317 = tpu.vector_load %arg7[%swap3A_315, %swap3A_316] {strides = array<i32>} : memref<32x1024xf32, #tpu.memory_space<vmem>>, vector<1x16xf32>,
        %swap3A_318 = vector.shape_cast %swap3A_317 : vector<1x16xf32> to vector<16xf32>
        %swap3A_319 = vector.shape_cast %get3A_314 : vector<16xf32> to vector<1x16xf32>
        tpu.vector_store %arg7[%swap3A_315, %swap3A_316], %swap3A_319 {add = true, strides = array<i32>} : memref<32x1024xf32, #tpu.memory_space<vmem>>, vector<1x16xf32>,
        %get3A_320 = arith.index_cast %scan3A_285 : i32 to index
        %get3A_321 = arith.constant 64 : index
        %get3A_322 = tpu.vector_load %arg9[%get3A_320, %get3A_321] {strides = array<i32>} : memref<32x1024xf32, #tpu.memory_space<vmem>>, vector<1x16xf32>,
        %get3A_323 = vector.shape_cast %get3A_322 : vector<1x16xf32> to vector<16xf32>
        %swap3A_324 = arith.index_cast %scan3A_285 : i32 to index
        %swap3A_325 = arith.constant 64 : index
        %swap3A_326 = tpu.vector_load %arg7[%swap3A_324, %swap3A_325] {strides = array<i32>} : memref<32x1024xf32, #tpu.memory_space<vmem>>, vector<1x16xf32>,
        %swap3A_327 = vector.shape_cast %swap3A_326 : vector<1x16xf32> to vector<16xf32>
        %swap3A_328 = vector.shape_cast %get3A_323 : vector<16xf32> to vector<1x16xf32>
        tpu.vector_store %arg7[%swap3A_324, %swap3A_325], %swap3A_328 {add = true, strides = array<i32>} : memref<32x1024xf32, #tpu.memory_space<vmem>>, vector<1x16xf32>,
        %get3A_329 = arith.index_cast %scan3A_285 : i32 to index
        %get3A_330 = arith.constant 80 : index
        %get3A_331 = tpu.vector_load %arg9[%get3A_329, %get3A_330] {strides = array<i32>} : memref<32x1024xf32, #tpu.memory_space<vmem>>, vector<1x16xf32>,
        %get3A_332 = vector.shape_cast %get3A_331 : vector<1x16xf32> to vector<16xf32>
        %swap3A_333 = arith.index_cast %scan3A_285 : i32 to index
        %swap3A_334 = arith.constant 80 : index
        %swap3A_335 = tpu.vector_load %arg7[%swap3A_333, %swap3A_334] {strides = array<i32>} : memref<32x1024xf32, #tpu.memory_space<vmem>>, vector<1x16xf32>,
        %swap3A_336 = vector.shape_cast %swap3A_335 : vector<1x16xf32> to vector<16xf32>
        %swap3A_337 = vector.shape_cast %get3A_332 : vector<16xf32> to vector<1x16xf32>
        tpu.vector_store %arg7[%swap3A_333, %swap3A_334], %swap3A_337 {add = true, strides = array<i32>} : memref<32x1024xf32, #tpu.memory_space<vmem>>, vector<1x16xf32>,
        %get3A_338 = arith.index_cast %scan3A_285 : i32 to index
        %get3A_339 = arith.constant 96 : index
        %get3A_340 = tpu.vector_load %arg9[%get3A_338, %get3A_339] {strides = array<i32>} : memref<32x1024xf32, #tpu.memory_space<vmem>>, vector<1x16xf32>,
        %get3A_341 = vector.shape_cast %get3A_340 : vector<1x16xf32> to vector<16xf32>
        %swap3A_342 = arith.index_cast %scan3A_285 : i32 to index
        %swap3A_343 = arith.constant 96 : index
        %swap3A_344 = tpu.vector_load %arg7[%swap3A_342, %swap3A_343] {strides = array<i32>} : memref<32x1024xf32, #tpu.memory_space<vmem>>, vector<1x16xf32>,
        %swap3A_345 = vector.shape_cast %swap3A_344 : vector<1x16xf32> to vector<16xf32>
        %swap3A_346 = vector.shape_cast %get3A_341 : vector<16xf32> to vector<1x16xf32>
        tpu.vector_store %arg7[%swap3A_342, %swap3A_343], %swap3A_346 {add = true, strides = array<i32>} : memref<32x1024xf32, #tpu.memory_space<vmem>>, vector<1x16xf32>,
        %get3A_347 = arith.index_cast %scan3A_285 : i32 to index
        %get3A_348 = arith.constant 112 : index
        %get3A_349 = tpu.vector_load %arg9[%get3A_347, %get3A_348] {strides = array<i32>} : memref<32x1024xf32, #tpu.memory_space<vmem>>, vector<1x16xf32>,
        %get3A_350 = vector.shape_cast %get3A_349 : vector<1x16xf32> to vector<16xf32>
        %swap3A_351 = arith.index_cast %scan3A_285 : i32 to index
        %swap3A_352 = arith.constant 112 : index
        %swap3A_353 = tpu.vector_load %arg7[%swap3A_351, %swap3A_352] {strides = array<i32>} : memref<32x1024xf32, #tpu.memory_space<vmem>>, vector<1x16xf32>,
        %swap3A_354 = vector.shape_cast %swap3A_353 : vector<1x16xf32> to vector<16xf32>
        %swap3A_355 = vector.shape_cast %get3A_350 : vector<16xf32> to vector<1x16xf32>
        tpu.vector_store %arg7[%swap3A_351, %swap3A_352], %swap3A_355 {add = true, strides = array<i32>} : memref<32x1024xf32, #tpu.memory_space<vmem>>, vector<1x16xf32>,
        %get3A_356 = arith.index_cast %scan3A_285 : i32 to index
        %get3A_357 = arith.constant 128 : index
        %get3A_358 = tpu.vector_load %arg9[%get3A_356, %get3A_357] {strides = array<i32>} : memref<32x1024xf32, #tpu.memory_space<vmem>>, vector<1x16xf32>,
        %get3A_359 = vector.shape_cast %get3A_358 : vector<1x16xf32> to vector<16xf32>
        %swap3A_360 = arith.index_cast %scan3A_285 : i32 to index
        %swap3A_361 = arith.constant 128 : index
        %swap3A_362 = tpu.vector_load %arg7[%swap3A_360, %swap3A_361] {strides = array<i32>} : memref<32x1024xf32, #tpu.memory_space<vmem>>, vector<1x16xf32>,
        %swap3A_363 = vector.shape_cast %swap3A_362 : vector<1x16xf32> to vector<16xf32>
        %swap3A_364 = vector.shape_cast %get3A_359 : vector<16xf32> to vector<1x16xf32>
        tpu.vector_store %arg7[%swap3A_360, %swap3A_361], %swap3A_364 {add = true, strides = array<i32>} : memref<32x1024xf32, #tpu.memory_space<vmem>>, vector<1x16xf32>,
        %get3A_365 = arith.index_cast %scan3A_285 : i32 to index
        %get3A_366 = arith.constant 144 : index
        %get3A_367 = tpu.vector_load %arg9[%get3A_365, %get3A_366] {strides = array<i32>} : memref<32x1024xf32, #tpu.memory_space<vmem>>, vector<1x16xf32>,
        %get3A_368 = vector.shape_cast %get3A_367 : vector<1x16xf32> to vector<16xf32>
        %swap3A_369 = arith.index_cast %scan3A_285 : i32 to index
        %swap3A_370 = arith.constant 144 : index
        %swap3A_371 = tpu.vector_load %arg7[%swap3A_369, %swap3A_370] {strides = array<i32>} : memref<32x1024xf32, #tpu.memory_space<vmem>>, vector<1x16xf32>,
        %swap3A_372 = vector.shape_cast %swap3A_371 : vector<1x16xf32> to vector<16xf32>
        %swap3A_373 = vector.shape_cast %get3A_368 : vector<16xf32> to vector<1x16xf32>
        tpu.vector_store %arg7[%swap3A_369, %swap3A_370], %swap3A_373 {add = true, strides = array<i32>} : memref<32x1024xf32, #tpu.memory_space<vmem>>, vector<1x16xf32>,
        %get3A_374 = arith.index_cast %scan3A_285 : i32 to index
        %get3A_375 = arith.constant 160 : index
        %get3A_376 = tpu.vector_load %arg9[%get3A_374, %get3A_375] {strides = array<i32>} : memref<32x1024xf32, #tpu.memory_space<vmem>>, vector<1x16xf32>,
        %get3A_377 = vector.shape_cast %get3A_376 : vector<1x16xf32> to vector<16xf32>
        %swap3A_378 = arith.index_cast %scan3A_285 : i32 to index
        %swap3A_379 = arith.constant 160 : index
        %swap3A_380 = tpu.vector_load %arg7[%swap3A_378, %swap3A_379] {strides = array<i32>} : memref<32x1024xf32, #tpu.memory_space<vmem>>, vector<1x16xf32>,
        %swap3A_381 = vector.shape_cast %swap3A_380 : vector<1x16xf32> to vector<16xf32>
        %swap3A_382 = vector.shape_cast %get3A_377 : vector<16xf32> to vector<1x16xf32>
        tpu.vector_store %arg7[%swap3A_378, %swap3A_379], %swap3A_382 {add = true, strides = array<i32>} : memref<32x1024xf32, #tpu.memory_space<vmem>>, vector<1x16xf32>,
        %get3A_383 = arith.index_cast %scan3A_285 : i32 to index
        %get3A_384 = arith.constant 176 : index
        %get3A_385 = tpu.vector_load %arg9[%get3A_383, %get3A_384] {strides = array<i32>} : memref<32x1024xf32, #tpu.memory_space<vmem>>, vector<1x16xf32>,
        %get3A_386 = vector.shape_cast %get3A_385 : vector<1x16xf32> to vector<16xf32>
        %swap3A_387 = arith.index_cast %scan3A_285 : i32 to index
        %swap3A_388 = arith.constant 176 : index
        %swap3A_389 = tpu.vector_load %arg7[%swap3A_387, %swap3A_388] {strides = array<i32>} : memref<32x1024xf32, #tpu.memory_space<vmem>>, vector<1x16xf32>,
        %swap3A_390 = vector.shape_cast %swap3A_389 : vector<1x16xf32> to vector<16xf32>
        %swap3A_391 = vector.shape_cast %get3A_386 : vector<16xf32> to vector<1x16xf32>
        tpu.vector_store %arg7[%swap3A_387, %swap3A_388], %swap3A_391 {add = true, strides = array<i32>} : memref<32x1024xf32, #tpu.memory_space<vmem>>, vector<1x16xf32>,
        %get3A_392 = arith.index_cast %scan3A_285 : i32 to index
        %get3A_393 = arith.constant 192 : index
        %get3A_394 = tpu.vector_load %arg9[%get3A_392, %get3A_393] {strides = array<i32>} : memref<32x1024xf32, #tpu.memory_space<vmem>>, vector<1x16xf32>,
        %get3A_395 = vector.shape_cast %get3A_394 : vector<1x16xf32> to vector<16xf32>
        %swap3A_396 = arith.index_cast %scan3A_285 : i32 to index
        %swap3A_397 = arith.constant 192 : index
        %swap3A_398 = tpu.vector_load %arg7[%swap3A_396, %swap3A_397] {strides = array<i32>} : memref<32x1024xf32, #tpu.memory_space<vmem>>, vector<1x16xf32>,
        %swap3A_399 = vector.shape_cast %swap3A_398 : vector<1x16xf32> to vector<16xf32>
        %swap3A_400 = vector.shape_cast %get3A_395 : vector<16xf32> to vector<1x16xf32>
        tpu.vector_store %arg7[%swap3A_396, %swap3A_397], %swap3A_400 {add = true, strides = array<i32>} : memref<32x1024xf32, #tpu.memory_space<vmem>>, vector<1x16xf32>,
        %get3A_401 = arith.index_cast %scan3A_285 : i32 to index
        %get3A_402 = arith.constant 208 : index
        %get3A_403 = tpu.vector_load %arg9[%get3A_401, %get3A_402] {strides = array<i32>} : memref<32x1024xf32, #tpu.memory_space<vmem>>, vector<1x16xf32>,
        %get3A_404 = vector.shape_cast %get3A_403 : vector<1x16xf32> to vector<16xf32>
        %swap3A_405 = arith.index_cast %scan3A_285 : i32 to index
        %swap3A_406 = arith.constant 208 : index
        %swap3A_407 = tpu.vector_load %arg7[%swap3A_405, %swap3A_406] {strides = array<i32>} : memref<32x1024xf32, #tpu.memory_space<vmem>>, vector<1x16xf32>,
        %swap3A_408 = vector.shape_cast %swap3A_407 : vector<1x16xf32> to vector<16xf32>
        %swap3A_409 = vector.shape_cast %get3A_404 : vector<16xf32> to vector<1x16xf32>
        tpu.vector_store %arg7[%swap3A_405, %swap3A_406], %swap3A_409 {add = true, strides = array<i32>} : memref<32x1024xf32, #tpu.memory_space<vmem>>, vector<1x16xf32>,
        %get3A_410 = arith.index_cast %scan3A_285 : i32 to index
        %get3A_411 = arith.constant 224 : index
        %get3A_412 = tpu.vector_load %arg9[%get3A_410, %get3A_411] {strides = array<i32>} : memref<32x1024xf32, #tpu.memory_space<vmem>>, vector<1x16xf32>,
        %get3A_413 = vector.shape_cast %get3A_412 : vector<1x16xf32> to vector<16xf32>
        %swap3A_414 = arith.index_cast %scan3A_285 : i32 to index
        %swap3A_415 = arith.constant 224 : index
        %swap3A_416 = tpu.vector_load %arg7[%swap3A_414, %swap3A_415] {strides = array<i32>} : memref<32x1024xf32, #tpu.memory_space<vmem>>, vector<1x16xf32>,
        %swap3A_417 = vector.shape_cast %swap3A_416 : vector<1x16xf32> to vector<16xf32>
        %swap3A_418 = vector.shape_cast %get3A_413 : vector<16xf32> to vector<1x16xf32>
        tpu.vector_store %arg7[%swap3A_414, %swap3A_415], %swap3A_418 {add = true, strides = array<i32>} : memref<32x1024xf32, #tpu.memory_space<vmem>>, vector<1x16xf32>,
        %get3A_419 = arith.index_cast %scan3A_285 : i32 to index
        %get3A_420 = arith.constant 240 : index
        %get3A_421 = tpu.vector_load %arg9[%get3A_419, %get3A_420] {strides = array<i32>} : memref<32x1024xf32, #tpu.memory_space<vmem>>, vector<1x16xf32>,
        %get3A_422 = vector.shape_cast %get3A_421 : vector<1x16xf32> to vector<16xf32>
        %swap3A_423 = arith.index_cast %scan3A_285 : i32 to index
        %swap3A_424 = arith.constant 240 : index
        %swap3A_425 = tpu.vector_load %arg7[%swap3A_423, %swap3A_424] {strides = array<i32>} : memref<32x1024xf32, #tpu.memory_space<vmem>>, vector<1x16xf32>,
        %swap3A_426 = vector.shape_cast %swap3A_425 : vector<1x16xf32> to vector<16xf32>
        %swap3A_427 = vector.shape_cast %get3A_422 : vector<16xf32> to vector<1x16xf32>
        tpu.vector_store %arg7[%swap3A_423, %swap3A_424], %swap3A_427 {add = true, strides = array<i32>} : memref<32x1024xf32, #tpu.memory_space<vmem>>, vector<1x16xf32>,
        %get3A_428 = arith.index_cast %scan3A_285 : i32 to index
        %get3A_429 = arith.constant 256 : index
        %get3A_430 = tpu.vector_load %arg9[%get3A_428, %get3A_429] {strides = array<i32>} : memref<32x1024xf32, #tpu.memory_space<vmem>>, vector<1x16xf32>,
        %get3A_431 = vector.shape_cast %get3A_430 : vector<1x16xf32> to vector<16xf32>
        %swap3A_432 = arith.index_cast %scan3A_285 : i32 to index
        %swap3A_433 = arith.constant 256 : index
        %swap3A_434 = tpu.vector_load %arg7[%swap3A_432, %swap3A_433] {strides = array<i32>} : memref<32x1024xf32, #tpu.memory_space<vmem>>, vector<1x16xf32>,
        %swap3A_435 = vector.shape_cast %swap3A_434 : vector<1x16xf32> to vector<16xf32>
        %swap3A_436 = vector.shape_cast %get3A_431 : vector<16xf32> to vector<1x16xf32>
        tpu.vector_store %arg7[%swap3A_432, %swap3A_433], %swap3A_436 {add = true, strides = array<i32>} : memref<32x1024xf32, #tpu.memory_space<vmem>>, vector<1x16xf32>,
        %get3A_437 = arith.index_cast %scan3A_285 : i32 to index
        %get3A_438 = arith.constant 272 : index
        %get3A_439 = tpu.vector_load %arg9[%get3A_437, %get3A_438] {strides = array<i32>} : memref<32x1024xf32, #tpu.memory_space<vmem>>, vector<1x16xf32>,
        %get3A_440 = vector.shape_cast %get3A_439 : vector<1x16xf32> to vector<16xf32>
        %swap3A_441 = arith.index_cast %scan3A_285 : i32 to index
        %swap3A_442 = arith.constant 272 : index
        %swap3A_443 = tpu.vector_load %arg7[%swap3A_441, %swap3A_442] {strides = array<i32>} : memref<32x1024xf32, #tpu.memory_space<vmem>>, vector<1x16xf32>,
        %swap3A_444 = vector.shape_cast %swap3A_443 : vector<1x16xf32> to vector<16xf32>
        %swap3A_445 = vector.shape_cast %get3A_440 : vector<16xf32> to vector<1x16xf32>
        tpu.vector_store %arg7[%swap3A_441, %swap3A_442], %swap3A_445 {add = true, strides = array<i32>} : memref<32x1024xf32, #tpu.memory_space<vmem>>, vector<1x16xf32>,
        %get3A_446 = arith.index_cast %scan3A_285 : i32 to index
        %get3A_447 = arith.constant 288 : index
        %get3A_448 = tpu.vector_load %arg9[%get3A_446, %get3A_447] {strides = array<i32>} : memref<32x1024xf32, #tpu.memory_space<vmem>>, vector<1x16xf32>,
        %get3A_449 = vector.shape_cast %get3A_448 : vector<1x16xf32> to vector<16xf32>
        %swap3A_450 = arith.index_cast %scan3A_285 : i32 to index
        %swap3A_451 = arith.constant 288 : index
        %swap3A_452 = tpu.vector_load %arg7[%swap3A_450, %swap3A_451] {strides = array<i32>} : memref<32x1024xf32, #tpu.memory_space<vmem>>, vector<1x16xf32>,
        %swap3A_453 = vector.shape_cast %swap3A_452 : vector<1x16xf32> to vector<16xf32>
        %swap3A_454 = vector.shape_cast %get3A_449 : vector<16xf32> to vector<1x16xf32>
        tpu.vector_store %arg7[%swap3A_450, %swap3A_451], %swap3A_454 {add = true, strides = array<i32>} : memref<32x1024xf32, #tpu.memory_space<vmem>>, vector<1x16xf32>,
        %get3A_455 = arith.index_cast %scan3A_285 : i32 to index
        %get3A_456 = arith.constant 304 : index
        %get3A_457 = tpu.vector_load %arg9[%get3A_455, %get3A_456] {strides = array<i32>} : memref<32x1024xf32, #tpu.memory_space<vmem>>, vector<1x16xf32>,
        %get3A_458 = vector.shape_cast %get3A_457 : vector<1x16xf32> to vector<16xf32>
        %swap3A_459 = arith.index_cast %scan3A_285 : i32 to index
        %swap3A_460 = arith.constant 304 : index
        %swap3A_461 = tpu.vector_load %arg7[%swap3A_459, %swap3A_460] {strides = array<i32>} : memref<32x1024xf32, #tpu.memory_space<vmem>>, vector<1x16xf32>,
        %swap3A_462 = vector.shape_cast %swap3A_461 : vector<1x16xf32> to vector<16xf32>
        %swap3A_463 = vector.shape_cast %get3A_458 : vector<16xf32> to vector<1x16xf32>
        tpu.vector_store %arg7[%swap3A_459, %swap3A_460], %swap3A_463 {add = true, strides = array<i32>} : memref<32x1024xf32, #tpu.memory_space<vmem>>, vector<1x16xf32>,
        %get3A_464 = arith.index_cast %scan3A_285 : i32 to index
        %get3A_465 = arith.constant 320 : index
        %get3A_466 = tpu.vector_load %arg9[%get3A_464, %get3A_465] {strides = array<i32>} : memref<32x1024xf32, #tpu.memory_space<vmem>>, vector<1x16xf32>,
        %get3A_467 = vector.shape_cast %get3A_466 : vector<1x16xf32> to vector<16xf32>
        %swap3A_468 = arith.index_cast %scan3A_285 : i32 to index
        %swap3A_469 = arith.constant 320 : index
        %swap3A_470 = tpu.vector_load %arg7[%swap3A_468, %swap3A_469] {strides = array<i32>} : memref<32x1024xf32, #tpu.memory_space<vmem>>, vector<1x16xf32>,
        %swap3A_471 = vector.shape_cast %swap3A_470 : vector<1x16xf32> to vector<16xf32>
        %swap3A_472 = vector.shape_cast %get3A_467 : vector<16xf32> to vector<1x16xf32>
        tpu.vector_store %arg7[%swap3A_468, %swap3A_469], %swap3A_472 {add = true, strides = array<i32>} : memref<32x1024xf32, #tpu.memory_space<vmem>>, vector<1x16xf32>,
        %get3A_473 = arith.index_cast %scan3A_285 : i32 to index
        %get3A_474 = arith.constant 336 : index
        %get3A_475 = tpu.vector_load %arg9[%get3A_473, %get3A_474] {strides = array<i32>} : memref<32x1024xf32, #tpu.memory_space<vmem>>, vector<1x16xf32>,
        %get3A_476 = vector.shape_cast %get3A_475 : vector<1x16xf32> to vector<16xf32>
        %swap3A_477 = arith.index_cast %scan3A_285 : i32 to index
        %swap3A_478 = arith.constant 336 : index
        %swap3A_479 = tpu.vector_load %arg7[%swap3A_477, %swap3A_478] {strides = array<i32>} : memref<32x1024xf32, #tpu.memory_space<vmem>>, vector<1x16xf32>,
        %swap3A_480 = vector.shape_cast %swap3A_479 : vector<1x16xf32> to vector<16xf32>
        %swap3A_481 = vector.shape_cast %get3A_476 : vector<16xf32> to vector<1x16xf32>
        tpu.vector_store %arg7[%swap3A_477, %swap3A_478], %swap3A_481 {add = true, strides = array<i32>} : memref<32x1024xf32, #tpu.memory_space<vmem>>, vector<1x16xf32>,
        %get3A_482 = arith.index_cast %scan3A_285 : i32 to index
        %get3A_483 = arith.constant 352 : index
        %get3A_484 = tpu.vector_load %arg9[%get3A_482, %get3A_483] {strides = array<i32>} : memref<32x1024xf32, #tpu.memory_space<vmem>>, vector<1x16xf32>,
        %get3A_485 = vector.shape_cast %get3A_484 : vector<1x16xf32> to vector<16xf32>
        %swap3A_486 = arith.index_cast %scan3A_285 : i32 to index
        %swap3A_487 = arith.constant 352 : index
        %swap3A_488 = tpu.vector_load %arg7[%swap3A_486, %swap3A_487] {strides = array<i32>} : memref<32x1024xf32, #tpu.memory_space<vmem>>, vector<1x16xf32>,
        %swap3A_489 = vector.shape_cast %swap3A_488 : vector<1x16xf32> to vector<16xf32>
        %swap3A_490 = vector.shape_cast %get3A_485 : vector<16xf32> to vector<1x16xf32>
        tpu.vector_store %arg7[%swap3A_486, %swap3A_487], %swap3A_490 {add = true, strides = array<i32>} : memref<32x1024xf32, #tpu.memory_space<vmem>>, vector<1x16xf32>,
        %get3A_491 = arith.index_cast %scan3A_285 : i32 to index
        %get3A_492 = arith.constant 368 : index
        %get3A_493 = tpu.vector_load %arg9[%get3A_491, %get3A_492] {strides = array<i32>} : memref<32x1024xf32, #tpu.memory_space<vmem>>, vector<1x16xf32>,
        %get3A_494 = vector.shape_cast %get3A_493 : vector<1x16xf32> to vector<16xf32>
        %swap3A_495 = arith.index_cast %scan3A_285 : i32 to index
        %swap3A_496 = arith.constant 368 : index
        %swap3A_497 = tpu.vector_load %arg7[%swap3A_495, %swap3A_496] {strides = array<i32>} : memref<32x1024xf32, #tpu.memory_space<vmem>>, vector<1x16xf32>,
        %swap3A_498 = vector.shape_cast %swap3A_497 : vector<1x16xf32> to vector<16xf32>
        %swap3A_499 = vector.shape_cast %get3A_494 : vector<16xf32> to vector<1x16xf32>
        tpu.vector_store %arg7[%swap3A_495, %swap3A_496], %swap3A_499 {add = true, strides = array<i32>} : memref<32x1024xf32, #tpu.memory_space<vmem>>, vector<1x16xf32>,
        %get3A_500 = arith.index_cast %scan3A_285 : i32 to index
        %get3A_501 = arith.constant 384 : index
        %get3A_502 = tpu.vector_load %arg9[%get3A_500, %get3A_501] {strides = array<i32>} : memref<32x1024xf32, #tpu.memory_space<vmem>>, vector<1x16xf32>,
        %get3A_503 = vector.shape_cast %get3A_502 : vector<1x16xf32> to vector<16xf32>
        %swap3A_504 = arith.index_cast %scan3A_285 : i32 to index
        %swap3A_505 = arith.constant 384 : index
        %swap3A_506 = tpu.vector_load %arg7[%swap3A_504, %swap3A_505] {strides = array<i32>} : memref<32x1024xf32, #tpu.memory_space<vmem>>, vector<1x16xf32>,
        %swap3A_507 = vector.shape_cast %swap3A_506 : vector<1x16xf32> to vector<16xf32>
        %swap3A_508 = vector.shape_cast %get3A_503 : vector<16xf32> to vector<1x16xf32>
        tpu.vector_store %arg7[%swap3A_504, %swap3A_505], %swap3A_508 {add = true, strides = array<i32>} : memref<32x1024xf32, #tpu.memory_space<vmem>>, vector<1x16xf32>,
        %get3A_509 = arith.index_cast %scan3A_285 : i32 to index
        %get3A_510 = arith.constant 400 : index
        %get3A_511 = tpu.vector_load %arg9[%get3A_509, %get3A_510] {strides = array<i32>} : memref<32x1024xf32, #tpu.memory_space<vmem>>, vector<1x16xf32>,
        %get3A_512 = vector.shape_cast %get3A_511 : vector<1x16xf32> to vector<16xf32>
        %swap3A_513 = arith.index_cast %scan3A_285 : i32 to index
        %swap3A_514 = arith.constant 400 : index
        %swap3A_515 = tpu.vector_load %arg7[%swap3A_513, %swap3A_514] {strides = array<i32>} : memref<32x1024xf32, #tpu.memory_space<vmem>>, vector<1x16xf32>,
        %swap3A_516 = vector.shape_cast %swap3A_515 : vector<1x16xf32> to vector<16xf32>
        %swap3A_517 = vector.shape_cast %get3A_512 : vector<16xf32> to vector<1x16xf32>
        tpu.vector_store %arg7[%swap3A_513, %swap3A_514], %swap3A_517 {add = true, strides = array<i32>} : memref<32x1024xf32, #tpu.memory_space<vmem>>, vector<1x16xf32>,
        %get3A_518 = arith.index_cast %scan3A_285 : i32 to index
        %get3A_519 = arith.constant 416 : index
        %get3A_520 = tpu.vector_load %arg9[%get3A_518, %get3A_519] {strides = array<i32>} : memref<32x1024xf32, #tpu.memory_space<vmem>>, vector<1x16xf32>,
        %get3A_521 = vector.shape_cast %get3A_520 : vector<1x16xf32> to vector<16xf32>
        %swap3A_522 = arith.index_cast %scan3A_285 : i32 to index
        %swap3A_523 = arith.constant 416 : index
        %swap3A_524 = tpu.vector_load %arg7[%swap3A_522, %swap3A_523] {strides = array<i32>} : memref<32x1024xf32, #tpu.memory_space<vmem>>, vector<1x16xf32>,
        %swap3A_525 = vector.shape_cast %swap3A_524 : vector<1x16xf32> to vector<16xf32>
        %swap3A_526 = vector.shape_cast %get3A_521 : vector<16xf32> to vector<1x16xf32>
        tpu.vector_store %arg7[%swap3A_522, %swap3A_523], %swap3A_526 {add = true, strides = array<i32>} : memref<32x1024xf32, #tpu.memory_space<vmem>>, vector<1x16xf32>,
        %get3A_527 = arith.index_cast %scan3A_285 : i32 to index
        %get3A_528 = arith.constant 432 : index
        %get3A_529 = tpu.vector_load %arg9[%get3A_527, %get3A_528] {strides = array<i32>} : memref<32x1024xf32, #tpu.memory_space<vmem>>, vector<1x16xf32>,
        %get3A_530 = vector.shape_cast %get3A_529 : vector<1x16xf32> to vector<16xf32>
        %swap3A_531 = arith.index_cast %scan3A_285 : i32 to index
        %swap3A_532 = arith.constant 432 : index
        %swap3A_533 = tpu.vector_load %arg7[%swap3A_531, %swap3A_532] {strides = array<i32>} : memref<32x1024xf32, #tpu.memory_space<vmem>>, vector<1x16xf32>,
        %swap3A_534 = vector.shape_cast %swap3A_533 : vector<1x16xf32> to vector<16xf32>
        %swap3A_535 = vector.shape_cast %get3A_530 : vector<16xf32> to vector<1x16xf32>
        tpu.vector_store %arg7[%swap3A_531, %swap3A_532], %swap3A_535 {add = true, strides = array<i32>} : memref<32x1024xf32, #tpu.memory_space<vmem>>, vector<1x16xf32>,
        %get3A_536 = arith.index_cast %scan3A_285 : i32 to index
        %get3A_537 = arith.constant 448 : index
        %get3A_538 = tpu.vector_load %arg9[%get3A_536, %get3A_537] {strides = array<i32>} : memref<32x1024xf32, #tpu.memory_space<vmem>>, vector<1x16xf32>,
        %get3A_539 = vector.shape_cast %get3A_538 : vector<1x16xf32> to vector<16xf32>
        %swap3A_540 = arith.index_cast %scan3A_285 : i32 to index
        %swap3A_541 = arith.constant 448 : index
        %swap3A_542 = tpu.vector_load %arg7[%swap3A_540, %swap3A_541] {strides = array<i32>} : memref<32x1024xf32, #tpu.memory_space<vmem>>, vector<1x16xf32>,
        %swap3A_543 = vector.shape_cast %swap3A_542 : vector<1x16xf32> to vector<16xf32>
        %swap3A_544 = vector.shape_cast %get3A_539 : vector<16xf32> to vector<1x16xf32>
        tpu.vector_store %arg7[%swap3A_540, %swap3A_541], %swap3A_544 {add = true, strides = array<i32>} : memref<32x1024xf32, #tpu.memory_space<vmem>>, vector<1x16xf32>,
        %get3A_545 = arith.index_cast %scan3A_285 : i32 to index
        %get3A_546 = arith.constant 464 : index
        %get3A_547 = tpu.vector_load %arg9[%get3A_545, %get3A_546] {strides = array<i32>} : memref<32x1024xf32, #tpu.memory_space<vmem>>, vector<1x16xf32>,
        %get3A_548 = vector.shape_cast %get3A_547 : vector<1x16xf32> to vector<16xf32>
        %swap3A_549 = arith.index_cast %scan3A_285 : i32 to index
        %swap3A_550 = arith.constant 464 : index
        %swap3A_551 = tpu.vector_load %arg7[%swap3A_549, %swap3A_550] {strides = array<i32>} : memref<32x1024xf32, #tpu.memory_space<vmem>>, vector<1x16xf32>,
        %swap3A_552 = vector.shape_cast %swap3A_551 : vector<1x16xf32> to vector<16xf32>
        %swap3A_553 = vector.shape_cast %get3A_548 : vector<16xf32> to vector<1x16xf32>
        tpu.vector_store %arg7[%swap3A_549, %swap3A_550], %swap3A_553 {add = true, strides = array<i32>} : memref<32x1024xf32, #tpu.memory_space<vmem>>, vector<1x16xf32>,
        %get3A_554 = arith.index_cast %scan3A_285 : i32 to index
        %get3A_555 = arith.constant 480 : index
        %get3A_556 = tpu.vector_load %arg9[%get3A_554, %get3A_555] {strides = array<i32>} : memref<32x1024xf32, #tpu.memory_space<vmem>>, vector<1x16xf32>,
        %get3A_557 = vector.shape_cast %get3A_556 : vector<1x16xf32> to vector<16xf32>
        %swap3A_558 = arith.index_cast %scan3A_285 : i32 to index
        %swap3A_559 = arith.constant 480 : index
        %swap3A_560 = tpu.vector_load %arg7[%swap3A_558, %swap3A_559] {strides = array<i32>} : memref<32x1024xf32, #tpu.memory_space<vmem>>, vector<1x16xf32>,
        %swap3A_561 = vector.shape_cast %swap3A_560 : vector<1x16xf32> to vector<16xf32>
        %swap3A_562 = vector.shape_cast %get3A_557 : vector<16xf32> to vector<1x16xf32>
        tpu.vector_store %arg7[%swap3A_558, %swap3A_559], %swap3A_562 {add = true, strides = array<i32>} : memref<32x1024xf32, #tpu.memory_space<vmem>>, vector<1x16xf32>,
        %get3A_563 = arith.index_cast %scan3A_285 : i32 to index
        %get3A_564 = arith.constant 496 : index
        %get3A_565 = tpu.vector_load %arg9[%get3A_563, %get3A_564] {strides = array<i32>} : memref<32x1024xf32, #tpu.memory_space<vmem>>, vector<1x16xf32>,
        %get3A_566 = vector.shape_cast %get3A_565 : vector<1x16xf32> to vector<16xf32>
        %swap3A_567 = arith.index_cast %scan3A_285 : i32 to index
        %swap3A_568 = arith.constant 496 : index
        %swap3A_569 = tpu.vector_load %arg7[%swap3A_567, %swap3A_568] {strides = array<i32>} : memref<32x1024xf32, #tpu.memory_space<vmem>>, vector<1x16xf32>,
        %swap3A_570 = vector.shape_cast %swap3A_569 : vector<1x16xf32> to vector<16xf32>
        %swap3A_571 = vector.shape_cast %get3A_566 : vector<16xf32> to vector<1x16xf32>
        tpu.vector_store %arg7[%swap3A_567, %swap3A_568], %swap3A_571 {add = true, strides = array<i32>} : memref<32x1024xf32, #tpu.memory_space<vmem>>, vector<1x16xf32>,
        %get3A_572 = arith.index_cast %scan3A_285 : i32 to index
        %get3A_573 = arith.constant 512 : index
        %get3A_574 = tpu.vector_load %arg9[%get3A_572, %get3A_573] {strides = array<i32>} : memref<32x1024xf32, #tpu.memory_space<vmem>>, vector<1x16xf32>,
        %get3A_575 = vector.shape_cast %get3A_574 : vector<1x16xf32> to vector<16xf32>
        %swap3A_576 = arith.index_cast %scan3A_285 : i32 to index
        %swap3A_577 = arith.constant 512 : index
        %swap3A_578 = tpu.vector_load %arg7[%swap3A_576, %swap3A_577] {strides = array<i32>} : memref<32x1024xf32, #tpu.memory_space<vmem>>, vector<1x16xf32>,
        %swap3A_579 = vector.shape_cast %swap3A_578 : vector<1x16xf32> to vector<16xf32>
        %swap3A_580 = vector.shape_cast %get3A_575 : vector<16xf32> to vector<1x16xf32>
        tpu.vector_store %arg7[%swap3A_576, %swap3A_577], %swap3A_580 {add = true, strides = array<i32>} : memref<32x1024xf32, #tpu.memory_space<vmem>>, vector<1x16xf32>,
        %get3A_581 = arith.index_cast %scan3A_285 : i32 to index
        %get3A_582 = arith.constant 528 : index
        %get3A_583 = tpu.vector_load %arg9[%get3A_581, %get3A_582] {strides = array<i32>} : memref<32x1024xf32, #tpu.memory_space<vmem>>, vector<1x16xf32>,
        %get3A_584 = vector.shape_cast %get3A_583 : vector<1x16xf32> to vector<16xf32>
        %swap3A_585 = arith.index_cast %scan3A_285 : i32 to index
        %swap3A_586 = arith.constant 528 : index
        %swap3A_587 = tpu.vector_load %arg7[%swap3A_585, %swap3A_586] {strides = array<i32>} : memref<32x1024xf32, #tpu.memory_space<vmem>>, vector<1x16xf32>,
        %swap3A_588 = vector.shape_cast %swap3A_587 : vector<1x16xf32> to vector<16xf32>
        %swap3A_589 = vector.shape_cast %get3A_584 : vector<16xf32> to vector<1x16xf32>
        tpu.vector_store %arg7[%swap3A_585, %swap3A_586], %swap3A_589 {add = true, strides = array<i32>} : memref<32x1024xf32, #tpu.memory_space<vmem>>, vector<1x16xf32>,
        %get3A_590 = arith.index_cast %scan3A_285 : i32 to index
        %get3A_591 = arith.constant 544 : index
        %get3A_592 = tpu.vector_load %arg9[%get3A_590, %get3A_591] {strides = array<i32>} : memref<32x1024xf32, #tpu.memory_space<vmem>>, vector<1x16xf32>,
        %get3A_593 = vector.shape_cast %get3A_592 : vector<1x16xf32> to vector<16xf32>
        %swap3A_594 = arith.index_cast %scan3A_285 : i32 to index
        %swap3A_595 = arith.constant 544 : index
        %swap3A_596 = tpu.vector_load %arg7[%swap3A_594, %swap3A_595] {strides = array<i32>} : memref<32x1024xf32, #tpu.memory_space<vmem>>, vector<1x16xf32>,
        %swap3A_597 = vector.shape_cast %swap3A_596 : vector<1x16xf32> to vector<16xf32>
        %swap3A_598 = vector.shape_cast %get3A_593 : vector<16xf32> to vector<1x16xf32>
        tpu.vector_store %arg7[%swap3A_594, %swap3A_595], %swap3A_598 {add = true, strides = array<i32>} : memref<32x1024xf32, #tpu.memory_space<vmem>>, vector<1x16xf32>,
        %get3A_599 = arith.index_cast %scan3A_285 : i32 to index
        %get3A_600 = arith.constant 560 : index
        %get3A_601 = tpu.vector_load %arg9[%get3A_599, %get3A_600] {strides = array<i32>} : memref<32x1024xf32, #tpu.memory_space<vmem>>, vector<1x16xf32>,
        %get3A_602 = vector.shape_cast %get3A_601 : vector<1x16xf32> to vector<16xf32>
        %swap3A_603 = arith.index_cast %scan3A_285 : i32 to index
        %swap3A_604 = arith.constant 560 : index
        %swap3A_605 = tpu.vector_load %arg7[%swap3A_603, %swap3A_604] {strides = array<i32>} : memref<32x1024xf32, #tpu.memory_space<vmem>>, vector<1x16xf32>,
        %swap3A_606 = vector.shape_cast %swap3A_605 : vector<1x16xf32> to vector<16xf32>
        %swap3A_607 = vector.shape_cast %get3A_602 : vector<16xf32> to vector<1x16xf32>
        tpu.vector_store %arg7[%swap3A_603, %swap3A_604], %swap3A_607 {add = true, strides = array<i32>} : memref<32x1024xf32, #tpu.memory_space<vmem>>, vector<1x16xf32>,
        %get3A_608 = arith.index_cast %scan3A_285 : i32 to index
        %get3A_609 = arith.constant 576 : index
        %get3A_610 = tpu.vector_load %arg9[%get3A_608, %get3A_609] {strides = array<i32>} : memref<32x1024xf32, #tpu.memory_space<vmem>>, vector<1x16xf32>,
        %get3A_611 = vector.shape_cast %get3A_610 : vector<1x16xf32> to vector<16xf32>
        %swap3A_612 = arith.index_cast %scan3A_285 : i32 to index
        %swap3A_613 = arith.constant 576 : index
        %swap3A_614 = tpu.vector_load %arg7[%swap3A_612, %swap3A_613] {strides = array<i32>} : memref<32x1024xf32, #tpu.memory_space<vmem>>, vector<1x16xf32>,
        %swap3A_615 = vector.shape_cast %swap3A_614 : vector<1x16xf32> to vector<16xf32>
        %swap3A_616 = vector.shape_cast %get3A_611 : vector<16xf32> to vector<1x16xf32>
        tpu.vector_store %arg7[%swap3A_612, %swap3A_613], %swap3A_616 {add = true, strides = array<i32>} : memref<32x1024xf32, #tpu.memory_space<vmem>>, vector<1x16xf32>,
        %get3A_617 = arith.index_cast %scan3A_285 : i32 to index
        %get3A_618 = arith.constant 592 : index
        %get3A_619 = tpu.vector_load %arg9[%get3A_617, %get3A_618] {strides = array<i32>} : memref<32x1024xf32, #tpu.memory_space<vmem>>, vector<1x16xf32>,
        %get3A_620 = vector.shape_cast %get3A_619 : vector<1x16xf32> to vector<16xf32>
        %swap3A_621 = arith.index_cast %scan3A_285 : i32 to index
        %swap3A_622 = arith.constant 592 : index
        %swap3A_623 = tpu.vector_load %arg7[%swap3A_621, %swap3A_622] {strides = array<i32>} : memref<32x1024xf32, #tpu.memory_space<vmem>>, vector<1x16xf32>,
        %swap3A_624 = vector.shape_cast %swap3A_623 : vector<1x16xf32> to vector<16xf32>
        %swap3A_625 = vector.shape_cast %get3A_620 : vector<16xf32> to vector<1x16xf32>
        tpu.vector_store %arg7[%swap3A_621, %swap3A_622], %swap3A_625 {add = true, strides = array<i32>} : memref<32x1024xf32, #tpu.memory_space<vmem>>, vector<1x16xf32>,
        %get3A_626 = arith.index_cast %scan3A_285 : i32 to index
        %get3A_627 = arith.constant 608 : index
        %get3A_628 = tpu.vector_load %arg9[%get3A_626, %get3A_627] {strides = array<i32>} : memref<32x1024xf32, #tpu.memory_space<vmem>>, vector<1x16xf32>,
        %get3A_629 = vector.shape_cast %get3A_628 : vector<1x16xf32> to vector<16xf32>
        %swap3A_630 = arith.index_cast %scan3A_285 : i32 to index
        %swap3A_631 = arith.constant 608 : index
        %swap3A_632 = tpu.vector_load %arg7[%swap3A_630, %swap3A_631] {strides = array<i32>} : memref<32x1024xf32, #tpu.memory_space<vmem>>, vector<1x16xf32>,
        %swap3A_633 = vector.shape_cast %swap3A_632 : vector<1x16xf32> to vector<16xf32>
        %swap3A_634 = vector.shape_cast %get3A_629 : vector<16xf32> to vector<1x16xf32>
        tpu.vector_store %arg7[%swap3A_630, %swap3A_631], %swap3A_634 {add = true, strides = array<i32>} : memref<32x1024xf32, #tpu.memory_space<vmem>>, vector<1x16xf32>,
        %get3A_635 = arith.index_cast %scan3A_285 : i32 to index
        %get3A_636 = arith.constant 624 : index
        %get3A_637 = tpu.vector_load %arg9[%get3A_635, %get3A_636] {strides = array<i32>} : memref<32x1024xf32, #tpu.memory_space<vmem>>, vector<1x16xf32>,
        %get3A_638 = vector.shape_cast %get3A_637 : vector<1x16xf32> to vector<16xf32>
        %swap3A_639 = arith.index_cast %scan3A_285 : i32 to index
        %swap3A_640 = arith.constant 624 : index
        %swap3A_641 = tpu.vector_load %arg7[%swap3A_639, %swap3A_640] {strides = array<i32>} : memref<32x1024xf32, #tpu.memory_space<vmem>>, vector<1x16xf32>,
        %swap3A_642 = vector.shape_cast %swap3A_641 : vector<1x16xf32> to vector<16xf32>
        %swap3A_643 = vector.shape_cast %get3A_638 : vector<16xf32> to vector<1x16xf32>
        tpu.vector_store %arg7[%swap3A_639, %swap3A_640], %swap3A_643 {add = true, strides = array<i32>} : memref<32x1024xf32, #tpu.memory_space<vmem>>, vector<1x16xf32>,
        %get3A_644 = arith.index_cast %scan3A_285 : i32 to index
        %get3A_645 = arith.constant 640 : index
        %get3A_646 = tpu.vector_load %arg9[%get3A_644, %get3A_645] {strides = array<i32>} : memref<32x1024xf32, #tpu.memory_space<vmem>>, vector<1x16xf32>,
        %get3A_647 = vector.shape_cast %get3A_646 : vector<1x16xf32> to vector<16xf32>
        %swap3A_648 = arith.index_cast %scan3A_285 : i32 to index
        %swap3A_649 = arith.constant 640 : index
        %swap3A_650 = tpu.vector_load %arg7[%swap3A_648, %swap3A_649] {strides = array<i32>} : memref<32x1024xf32, #tpu.memory_space<vmem>>, vector<1x16xf32>,
        %swap3A_651 = vector.shape_cast %swap3A_650 : vector<1x16xf32> to vector<16xf32>
        %swap3A_652 = vector.shape_cast %get3A_647 : vector<16xf32> to vector<1x16xf32>
        tpu.vector_store %arg7[%swap3A_648, %swap3A_649], %swap3A_652 {add = true, strides = array<i32>} : memref<32x1024xf32, #tpu.memory_space<vmem>>, vector<1x16xf32>,
        %get3A_653 = arith.index_cast %scan3A_285 : i32 to index
        %get3A_654 = arith.constant 656 : index
        %get3A_655 = tpu.vector_load %arg9[%get3A_653, %get3A_654] {strides = array<i32>} : memref<32x1024xf32, #tpu.memory_space<vmem>>, vector<1x16xf32>,
        %get3A_656 = vector.shape_cast %get3A_655 : vector<1x16xf32> to vector<16xf32>
        %swap3A_657 = arith.index_cast %scan3A_285 : i32 to index
        %swap3A_658 = arith.constant 656 : index
        %swap3A_659 = tpu.vector_load %arg7[%swap3A_657, %swap3A_658] {strides = array<i32>} : memref<32x1024xf32, #tpu.memory_space<vmem>>, vector<1x16xf32>,
        %swap3A_660 = vector.shape_cast %swap3A_659 : vector<1x16xf32> to vector<16xf32>
        %swap3A_661 = vector.shape_cast %get3A_656 : vector<16xf32> to vector<1x16xf32>
        tpu.vector_store %arg7[%swap3A_657, %swap3A_658], %swap3A_661 {add = true, strides = array<i32>} : memref<32x1024xf32, #tpu.memory_space<vmem>>, vector<1x16xf32>,
        %get3A_662 = arith.index_cast %scan3A_285 : i32 to index
        %get3A_663 = arith.constant 672 : index
        %get3A_664 = tpu.vector_load %arg9[%get3A_662, %get3A_663] {strides = array<i32>} : memref<32x1024xf32, #tpu.memory_space<vmem>>, vector<1x16xf32>,
        %get3A_665 = vector.shape_cast %get3A_664 : vector<1x16xf32> to vector<16xf32>
        %swap3A_666 = arith.index_cast %scan3A_285 : i32 to index
        %swap3A_667 = arith.constant 672 : index
        %swap3A_668 = tpu.vector_load %arg7[%swap3A_666, %swap3A_667] {strides = array<i32>} : memref<32x1024xf32, #tpu.memory_space<vmem>>, vector<1x16xf32>,
        %swap3A_669 = vector.shape_cast %swap3A_668 : vector<1x16xf32> to vector<16xf32>
        %swap3A_670 = vector.shape_cast %get3A_665 : vector<16xf32> to vector<1x16xf32>
        tpu.vector_store %arg7[%swap3A_666, %swap3A_667], %swap3A_670 {add = true, strides = array<i32>} : memref<32x1024xf32, #tpu.memory_space<vmem>>, vector<1x16xf32>,
        %get3A_671 = arith.index_cast %scan3A_285 : i32 to index
        %get3A_672 = arith.constant 688 : index
        %get3A_673 = tpu.vector_load %arg9[%get3A_671, %get3A_672] {strides = array<i32>} : memref<32x1024xf32, #tpu.memory_space<vmem>>, vector<1x16xf32>,
        %get3A_674 = vector.shape_cast %get3A_673 : vector<1x16xf32> to vector<16xf32>
        %swap3A_675 = arith.index_cast %scan3A_285 : i32 to index
        %swap3A_676 = arith.constant 688 : index
        %swap3A_677 = tpu.vector_load %arg7[%swap3A_675, %swap3A_676] {strides = array<i32>} : memref<32x1024xf32, #tpu.memory_space<vmem>>, vector<1x16xf32>,
        %swap3A_678 = vector.shape_cast %swap3A_677 : vector<1x16xf32> to vector<16xf32>
        %swap3A_679 = vector.shape_cast %get3A_674 : vector<16xf32> to vector<1x16xf32>
        tpu.vector_store %arg7[%swap3A_675, %swap3A_676], %swap3A_679 {add = true, strides = array<i32>} : memref<32x1024xf32, #tpu.memory_space<vmem>>, vector<1x16xf32>,
        %get3A_680 = arith.index_cast %scan3A_285 : i32 to index
        %get3A_681 = arith.constant 704 : index
        %get3A_682 = tpu.vector_load %arg9[%get3A_680, %get3A_681] {strides = array<i32>} : memref<32x1024xf32, #tpu.memory_space<vmem>>, vector<1x16xf32>,
        %get3A_683 = vector.shape_cast %get3A_682 : vector<1x16xf32> to vector<16xf32>
        %swap3A_684 = arith.index_cast %scan3A_285 : i32 to index
        %swap3A_685 = arith.constant 704 : index
        %swap3A_686 = tpu.vector_load %arg7[%swap3A_684, %swap3A_685] {strides = array<i32>} : memref<32x1024xf32, #tpu.memory_space<vmem>>, vector<1x16xf32>,
        %swap3A_687 = vector.shape_cast %swap3A_686 : vector<1x16xf32> to vector<16xf32>
        %swap3A_688 = vector.shape_cast %get3A_683 : vector<16xf32> to vector<1x16xf32>
        tpu.vector_store %arg7[%swap3A_684, %swap3A_685], %swap3A_688 {add = true, strides = array<i32>} : memref<32x1024xf32, #tpu.memory_space<vmem>>, vector<1x16xf32>,
        %get3A_689 = arith.index_cast %scan3A_285 : i32 to index
        %get3A_690 = arith.constant 720 : index
        %get3A_691 = tpu.vector_load %arg9[%get3A_689, %get3A_690] {strides = array<i32>} : memref<32x1024xf32, #tpu.memory_space<vmem>>, vector<1x16xf32>,
        %get3A_692 = vector.shape_cast %get3A_691 : vector<1x16xf32> to vector<16xf32>
        %swap3A_693 = arith.index_cast %scan3A_285 : i32 to index
        %swap3A_694 = arith.constant 720 : index
        %swap3A_695 = tpu.vector_load %arg7[%swap3A_693, %swap3A_694] {strides = array<i32>} : memref<32x1024xf32, #tpu.memory_space<vmem>>, vector<1x16xf32>,
        %swap3A_696 = vector.shape_cast %swap3A_695 : vector<1x16xf32> to vector<16xf32>
        %swap3A_697 = vector.shape_cast %get3A_692 : vector<16xf32> to vector<1x16xf32>
        tpu.vector_store %arg7[%swap3A_693, %swap3A_694], %swap3A_697 {add = true, strides = array<i32>} : memref<32x1024xf32, #tpu.memory_space<vmem>>, vector<1x16xf32>,
        %get3A_698 = arith.index_cast %scan3A_285 : i32 to index
        %get3A_699 = arith.constant 736 : index
        %get3A_700 = tpu.vector_load %arg9[%get3A_698, %get3A_699] {strides = array<i32>} : memref<32x1024xf32, #tpu.memory_space<vmem>>, vector<1x16xf32>,
        %get3A_701 = vector.shape_cast %get3A_700 : vector<1x16xf32> to vector<16xf32>
        %swap3A_702 = arith.index_cast %scan3A_285 : i32 to index
        %swap3A_703 = arith.constant 736 : index
        %swap3A_704 = tpu.vector_load %arg7[%swap3A_702, %swap3A_703] {strides = array<i32>} : memref<32x1024xf32, #tpu.memory_space<vmem>>, vector<1x16xf32>,
        %swap3A_705 = vector.shape_cast %swap3A_704 : vector<1x16xf32> to vector<16xf32>
        %swap3A_706 = vector.shape_cast %get3A_701 : vector<16xf32> to vector<1x16xf32>
        tpu.vector_store %arg7[%swap3A_702, %swap3A_703], %swap3A_706 {add = true, strides = array<i32>} : memref<32x1024xf32, #tpu.memory_space<vmem>>, vector<1x16xf32>,
        %get3A_707 = arith.index_cast %scan3A_285 : i32 to index
        %get3A_708 = arith.constant 752 : index
        %get3A_709 = tpu.vector_load %arg9[%get3A_707, %get3A_708] {strides = array<i32>} : memref<32x1024xf32, #tpu.memory_space<vmem>>, vector<1x16xf32>,
        %get3A_710 = vector.shape_cast %get3A_709 : vector<1x16xf32> to vector<16xf32>
        %swap3A_711 = arith.index_cast %scan3A_285 : i32 to index
        %swap3A_712 = arith.constant 752 : index
        %swap3A_713 = tpu.vector_load %arg7[%swap3A_711, %swap3A_712] {strides = array<i32>} : memref<32x1024xf32, #tpu.memory_space<vmem>>, vector<1x16xf32>,
        %swap3A_714 = vector.shape_cast %swap3A_713 : vector<1x16xf32> to vector<16xf32>
        %swap3A_715 = vector.shape_cast %get3A_710 : vector<16xf32> to vector<1x16xf32>
        tpu.vector_store %arg7[%swap3A_711, %swap3A_712], %swap3A_715 {add = true, strides = array<i32>} : memref<32x1024xf32, #tpu.memory_space<vmem>>, vector<1x16xf32>,
        %get3A_716 = arith.index_cast %scan3A_285 : i32 to index
        %get3A_717 = arith.constant 768 : index
        %get3A_718 = tpu.vector_load %arg9[%get3A_716, %get3A_717] {strides = array<i32>} : memref<32x1024xf32, #tpu.memory_space<vmem>>, vector<1x16xf32>,
        %get3A_719 = vector.shape_cast %get3A_718 : vector<1x16xf32> to vector<16xf32>
        %swap3A_720 = arith.index_cast %scan3A_285 : i32 to index
        %swap3A_721 = arith.constant 768 : index
        %swap3A_722 = tpu.vector_load %arg7[%swap3A_720, %swap3A_721] {strides = array<i32>} : memref<32x1024xf32, #tpu.memory_space<vmem>>, vector<1x16xf32>,
        %swap3A_723 = vector.shape_cast %swap3A_722 : vector<1x16xf32> to vector<16xf32>
        %swap3A_724 = vector.shape_cast %get3A_719 : vector<16xf32> to vector<1x16xf32>
        tpu.vector_store %arg7[%swap3A_720, %swap3A_721], %swap3A_724 {add = true, strides = array<i32>} : memref<32x1024xf32, #tpu.memory_space<vmem>>, vector<1x16xf32>,
        %get3A_725 = arith.index_cast %scan3A_285 : i32 to index
        %get3A_726 = arith.constant 784 : index
        %get3A_727 = tpu.vector_load %arg9[%get3A_725, %get3A_726] {strides = array<i32>} : memref<32x1024xf32, #tpu.memory_space<vmem>>, vector<1x16xf32>,
        %get3A_728 = vector.shape_cast %get3A_727 : vector<1x16xf32> to vector<16xf32>
        %swap3A_729 = arith.index_cast %scan3A_285 : i32 to index
        %swap3A_730 = arith.constant 784 : index
        %swap3A_731 = tpu.vector_load %arg7[%swap3A_729, %swap3A_730] {strides = array<i32>} : memref<32x1024xf32, #tpu.memory_space<vmem>>, vector<1x16xf32>,
        %swap3A_732 = vector.shape_cast %swap3A_731 : vector<1x16xf32> to vector<16xf32>
        %swap3A_733 = vector.shape_cast %get3A_728 : vector<16xf32> to vector<1x16xf32>
        tpu.vector_store %arg7[%swap3A_729, %swap3A_730], %swap3A_733 {add = true, strides = array<i32>} : memref<32x1024xf32, #tpu.memory_space<vmem>>, vector<1x16xf32>,
        %get3A_734 = arith.index_cast %scan3A_285 : i32 to index
        %get3A_735 = arith.constant 800 : index
        %get3A_736 = tpu.vector_load %arg9[%get3A_734, %get3A_735] {strides = array<i32>} : memref<32x1024xf32, #tpu.memory_space<vmem>>, vector<1x16xf32>,
        %get3A_737 = vector.shape_cast %get3A_736 : vector<1x16xf32> to vector<16xf32>
        %swap3A_738 = arith.index_cast %scan3A_285 : i32 to index
        %swap3A_739 = arith.constant 800 : index
        %swap3A_740 = tpu.vector_load %arg7[%swap3A_738, %swap3A_739] {strides = array<i32>} : memref<32x1024xf32, #tpu.memory_space<vmem>>, vector<1x16xf32>,
        %swap3A_741 = vector.shape_cast %swap3A_740 : vector<1x16xf32> to vector<16xf32>
        %swap3A_742 = vector.shape_cast %get3A_737 : vector<16xf32> to vector<1x16xf32>
        tpu.vector_store %arg7[%swap3A_738, %swap3A_739], %swap3A_742 {add = true, strides = array<i32>} : memref<32x1024xf32, #tpu.memory_space<vmem>>, vector<1x16xf32>,
        %get3A_743 = arith.index_cast %scan3A_285 : i32 to index
        %get3A_744 = arith.constant 816 : index
        %get3A_745 = tpu.vector_load %arg9[%get3A_743, %get3A_744] {strides = array<i32>} : memref<32x1024xf32, #tpu.memory_space<vmem>>, vector<1x16xf32>,
        %get3A_746 = vector.shape_cast %get3A_745 : vector<1x16xf32> to vector<16xf32>
        %swap3A_747 = arith.index_cast %scan3A_285 : i32 to index
        %swap3A_748 = arith.constant 816 : index
        %swap3A_749 = tpu.vector_load %arg7[%swap3A_747, %swap3A_748] {strides = array<i32>} : memref<32x1024xf32, #tpu.memory_space<vmem>>, vector<1x16xf32>,
        %swap3A_750 = vector.shape_cast %swap3A_749 : vector<1x16xf32> to vector<16xf32>
        %swap3A_751 = vector.shape_cast %get3A_746 : vector<16xf32> to vector<1x16xf32>
        tpu.vector_store %arg7[%swap3A_747, %swap3A_748], %swap3A_751 {add = true, strides = array<i32>} : memref<32x1024xf32, #tpu.memory_space<vmem>>, vector<1x16xf32>,
        %get3A_752 = arith.index_cast %scan3A_285 : i32 to index
        %get3A_753 = arith.constant 832 : index
        %get3A_754 = tpu.vector_load %arg9[%get3A_752, %get3A_753] {strides = array<i32>} : memref<32x1024xf32, #tpu.memory_space<vmem>>, vector<1x16xf32>,
        %get3A_755 = vector.shape_cast %get3A_754 : vector<1x16xf32> to vector<16xf32>
        %swap3A_756 = arith.index_cast %scan3A_285 : i32 to index
        %swap3A_757 = arith.constant 832 : index
        %swap3A_758 = tpu.vector_load %arg7[%swap3A_756, %swap3A_757] {strides = array<i32>} : memref<32x1024xf32, #tpu.memory_space<vmem>>, vector<1x16xf32>,
        %swap3A_759 = vector.shape_cast %swap3A_758 : vector<1x16xf32> to vector<16xf32>
        %swap3A_760 = vector.shape_cast %get3A_755 : vector<16xf32> to vector<1x16xf32>
        tpu.vector_store %arg7[%swap3A_756, %swap3A_757], %swap3A_760 {add = true, strides = array<i32>} : memref<32x1024xf32, #tpu.memory_space<vmem>>, vector<1x16xf32>,
        %get3A_761 = arith.index_cast %scan3A_285 : i32 to index
        %get3A_762 = arith.constant 848 : index
        %get3A_763 = tpu.vector_load %arg9[%get3A_761, %get3A_762] {strides = array<i32>} : memref<32x1024xf32, #tpu.memory_space<vmem>>, vector<1x16xf32>,
        %get3A_764 = vector.shape_cast %get3A_763 : vector<1x16xf32> to vector<16xf32>
        %swap3A_765 = arith.index_cast %scan3A_285 : i32 to index
        %swap3A_766 = arith.constant 848 : index
        %swap3A_767 = tpu.vector_load %arg7[%swap3A_765, %swap3A_766] {strides = array<i32>} : memref<32x1024xf32, #tpu.memory_space<vmem>>, vector<1x16xf32>,
        %swap3A_768 = vector.shape_cast %swap3A_767 : vector<1x16xf32> to vector<16xf32>
        %swap3A_769 = vector.shape_cast %get3A_764 : vector<16xf32> to vector<1x16xf32>
        tpu.vector_store %arg7[%swap3A_765, %swap3A_766], %swap3A_769 {add = true, strides = array<i32>} : memref<32x1024xf32, #tpu.memory_space<vmem>>, vector<1x16xf32>,
        %get3A_770 = arith.index_cast %scan3A_285 : i32 to index
        %get3A_771 = arith.constant 864 : index
        %get3A_772 = tpu.vector_load %arg9[%get3A_770, %get3A_771] {strides = array<i32>} : memref<32x1024xf32, #tpu.memory_space<vmem>>, vector<1x16xf32>,
        %get3A_773 = vector.shape_cast %get3A_772 : vector<1x16xf32> to vector<16xf32>
        %swap3A_774 = arith.index_cast %scan3A_285 : i32 to index
        %swap3A_775 = arith.constant 864 : index
        %swap3A_776 = tpu.vector_load %arg7[%swap3A_774, %swap3A_775] {strides = array<i32>} : memref<32x1024xf32, #tpu.memory_space<vmem>>, vector<1x16xf32>,
        %swap3A_777 = vector.shape_cast %swap3A_776 : vector<1x16xf32> to vector<16xf32>
        %swap3A_778 = vector.shape_cast %get3A_773 : vector<16xf32> to vector<1x16xf32>
        tpu.vector_store %arg7[%swap3A_774, %swap3A_775], %swap3A_778 {add = true, strides = array<i32>} : memref<32x1024xf32, #tpu.memory_space<vmem>>, vector<1x16xf32>,
        %get3A_779 = arith.index_cast %scan3A_285 : i32 to index
        %get3A_780 = arith.constant 880 : index
        %get3A_781 = tpu.vector_load %arg9[%get3A_779, %get3A_780] {strides = array<i32>} : memref<32x1024xf32, #tpu.memory_space<vmem>>, vector<1x16xf32>,
        %get3A_782 = vector.shape_cast %get3A_781 : vector<1x16xf32> to vector<16xf32>
        %swap3A_783 = arith.index_cast %scan3A_285 : i32 to index
        %swap3A_784 = arith.constant 880 : index
        %swap3A_785 = tpu.vector_load %arg7[%swap3A_783, %swap3A_784] {strides = array<i32>} : memref<32x1024xf32, #tpu.memory_space<vmem>>, vector<1x16xf32>,
        %swap3A_786 = vector.shape_cast %swap3A_785 : vector<1x16xf32> to vector<16xf32>
        %swap3A_787 = vector.shape_cast %get3A_782 : vector<16xf32> to vector<1x16xf32>
        tpu.vector_store %arg7[%swap3A_783, %swap3A_784], %swap3A_787 {add = true, strides = array<i32>} : memref<32x1024xf32, #tpu.memory_space<vmem>>, vector<1x16xf32>,
        %get3A_788 = arith.index_cast %scan3A_285 : i32 to index
        %get3A_789 = arith.constant 896 : index
        %get3A_790 = tpu.vector_load %arg9[%get3A_788, %get3A_789] {strides = array<i32>} : memref<32x1024xf32, #tpu.memory_space<vmem>>, vector<1x16xf32>,
        %get3A_791 = vector.shape_cast %get3A_790 : vector<1x16xf32> to vector<16xf32>
        %swap3A_792 = arith.index_cast %scan3A_285 : i32 to index
        %swap3A_793 = arith.constant 896 : index
        %swap3A_794 = tpu.vector_load %arg7[%swap3A_792, %swap3A_793] {strides = array<i32>} : memref<32x1024xf32, #tpu.memory_space<vmem>>, vector<1x16xf32>,
        %swap3A_795 = vector.shape_cast %swap3A_794 : vector<1x16xf32> to vector<16xf32>
        %swap3A_796 = vector.shape_cast %get3A_791 : vector<16xf32> to vector<1x16xf32>
        tpu.vector_store %arg7[%swap3A_792, %swap3A_793], %swap3A_796 {add = true, strides = array<i32>} : memref<32x1024xf32, #tpu.memory_space<vmem>>, vector<1x16xf32>,
        %get3A_797 = arith.index_cast %scan3A_285 : i32 to index
        %get3A_798 = arith.constant 912 : index
        %get3A_799 = tpu.vector_load %arg9[%get3A_797, %get3A_798] {strides = array<i32>} : memref<32x1024xf32, #tpu.memory_space<vmem>>, vector<1x16xf32>,
        %get3A_800 = vector.shape_cast %get3A_799 : vector<1x16xf32> to vector<16xf32>
        %swap3A_801 = arith.index_cast %scan3A_285 : i32 to index
        %swap3A_802 = arith.constant 912 : index
        %swap3A_803 = tpu.vector_load %arg7[%swap3A_801, %swap3A_802] {strides = array<i32>} : memref<32x1024xf32, #tpu.memory_space<vmem>>, vector<1x16xf32>,
        %swap3A_804 = vector.shape_cast %swap3A_803 : vector<1x16xf32> to vector<16xf32>
        %swap3A_805 = vector.shape_cast %get3A_800 : vector<16xf32> to vector<1x16xf32>
        tpu.vector_store %arg7[%swap3A_801, %swap3A_802], %swap3A_805 {add = true, strides = array<i32>} : memref<32x1024xf32, #tpu.memory_space<vmem>>, vector<1x16xf32>,
        %get3A_806 = arith.index_cast %scan3A_285 : i32 to index
        %get3A_807 = arith.constant 928 : index
        %get3A_808 = tpu.vector_load %arg9[%get3A_806, %get3A_807] {strides = array<i32>} : memref<32x1024xf32, #tpu.memory_space<vmem>>, vector<1x16xf32>,
        %get3A_809 = vector.shape_cast %get3A_808 : vector<1x16xf32> to vector<16xf32>
        %swap3A_810 = arith.index_cast %scan3A_285 : i32 to index
        %swap3A_811 = arith.constant 928 : index
        %swap3A_812 = tpu.vector_load %arg7[%swap3A_810, %swap3A_811] {strides = array<i32>} : memref<32x1024xf32, #tpu.memory_space<vmem>>, vector<1x16xf32>,
        %swap3A_813 = vector.shape_cast %swap3A_812 : vector<1x16xf32> to vector<16xf32>
        %swap3A_814 = vector.shape_cast %get3A_809 : vector<16xf32> to vector<1x16xf32>
        tpu.vector_store %arg7[%swap3A_810, %swap3A_811], %swap3A_814 {add = true, strides = array<i32>} : memref<32x1024xf32, #tpu.memory_space<vmem>>, vector<1x16xf32>,
        %get3A_815 = arith.index_cast %scan3A_285 : i32 to index
        %get3A_816 = arith.constant 944 : index
        %get3A_817 = tpu.vector_load %arg9[%get3A_815, %get3A_816] {strides = array<i32>} : memref<32x1024xf32, #tpu.memory_space<vmem>>, vector<1x16xf32>,
        %get3A_818 = vector.shape_cast %get3A_817 : vector<1x16xf32> to vector<16xf32>
        %swap3A_819 = arith.index_cast %scan3A_285 : i32 to index
        %swap3A_820 = arith.constant 944 : index
        %swap3A_821 = tpu.vector_load %arg7[%swap3A_819, %swap3A_820] {strides = array<i32>} : memref<32x1024xf32, #tpu.memory_space<vmem>>, vector<1x16xf32>,
        %swap3A_822 = vector.shape_cast %swap3A_821 : vector<1x16xf32> to vector<16xf32>
        %swap3A_823 = vector.shape_cast %get3A_818 : vector<16xf32> to vector<1x16xf32>
        tpu.vector_store %arg7[%swap3A_819, %swap3A_820], %swap3A_823 {add = true, strides = array<i32>} : memref<32x1024xf32, #tpu.memory_space<vmem>>, vector<1x16xf32>,
        %get3A_824 = arith.index_cast %scan3A_285 : i32 to index
        %get3A_825 = arith.constant 960 : index
        %get3A_826 = tpu.vector_load %arg9[%get3A_824, %get3A_825] {strides = array<i32>} : memref<32x1024xf32, #tpu.memory_space<vmem>>, vector<1x16xf32>,
        %get3A_827 = vector.shape_cast %get3A_826 : vector<1x16xf32> to vector<16xf32>
        %swap3A_828 = arith.index_cast %scan3A_285 : i32 to index
        %swap3A_829 = arith.constant 960 : index
        %swap3A_830 = tpu.vector_load %arg7[%swap3A_828, %swap3A_829] {strides = array<i32>} : memref<32x1024xf32, #tpu.memory_space<vmem>>, vector<1x16xf32>,
        %swap3A_831 = vector.shape_cast %swap3A_830 : vector<1x16xf32> to vector<16xf32>
        %swap3A_832 = vector.shape_cast %get3A_827 : vector<16xf32> to vector<1x16xf32>
        tpu.vector_store %arg7[%swap3A_828, %swap3A_829], %swap3A_832 {add = true, strides = array<i32>} : memref<32x1024xf32, #tpu.memory_space<vmem>>, vector<1x16xf32>,
        %get3A_833 = arith.index_cast %scan3A_285 : i32 to index
        %get3A_834 = arith.constant 976 : index
        %get3A_835 = tpu.vector_load %arg9[%get3A_833, %get3A_834] {strides = array<i32>} : memref<32x1024xf32, #tpu.memory_space<vmem>>, vector<1x16xf32>,
        %get3A_836 = vector.shape_cast %get3A_835 : vector<1x16xf32> to vector<16xf32>
        %swap3A_837 = arith.index_cast %scan3A_285 : i32 to index
        %swap3A_838 = arith.constant 976 : index
        %swap3A_839 = tpu.vector_load %arg7[%swap3A_837, %swap3A_838] {strides = array<i32>} : memref<32x1024xf32, #tpu.memory_space<vmem>>, vector<1x16xf32>,
        %swap3A_840 = vector.shape_cast %swap3A_839 : vector<1x16xf32> to vector<16xf32>
        %swap3A_841 = vector.shape_cast %get3A_836 : vector<16xf32> to vector<1x16xf32>
        tpu.vector_store %arg7[%swap3A_837, %swap3A_838], %swap3A_841 {add = true, strides = array<i32>} : memref<32x1024xf32, #tpu.memory_space<vmem>>, vector<1x16xf32>,
        %get3A_842 = arith.index_cast %scan3A_285 : i32 to index
        %get3A_843 = arith.constant 992 : index
        %get3A_844 = tpu.vector_load %arg9[%get3A_842, %get3A_843] {strides = array<i32>} : memref<32x1024xf32, #tpu.memory_space<vmem>>, vector<1x16xf32>,
        %get3A_845 = vector.shape_cast %get3A_844 : vector<1x16xf32> to vector<16xf32>
        %swap3A_846 = arith.index_cast %scan3A_285 : i32 to index
        %swap3A_847 = arith.constant 992 : index
        %swap3A_848 = tpu.vector_load %arg7[%swap3A_846, %swap3A_847] {strides = array<i32>} : memref<32x1024xf32, #tpu.memory_space<vmem>>, vector<1x16xf32>,
        %swap3A_849 = vector.shape_cast %swap3A_848 : vector<1x16xf32> to vector<16xf32>
        %swap3A_850 = vector.shape_cast %get3A_845 : vector<16xf32> to vector<1x16xf32>
        tpu.vector_store %arg7[%swap3A_846, %swap3A_847], %swap3A_850 {add = true, strides = array<i32>} : memref<32x1024xf32, #tpu.memory_space<vmem>>, vector<1x16xf32>,
        %get3A_851 = arith.index_cast %scan3A_285 : i32 to index
        %get3A_852 = arith.constant 1008 : index
        %get3A_853 = tpu.vector_load %arg9[%get3A_851, %get3A_852] {strides = array<i32>} : memref<32x1024xf32, #tpu.memory_space<vmem>>, vector<1x16xf32>,
        %get3A_854 = vector.shape_cast %get3A_853 : vector<1x16xf32> to vector<16xf32>
        %swap3A_855 = arith.index_cast %scan3A_285 : i32 to index
        %swap3A_856 = arith.constant 1008 : index
        %swap3A_857 = tpu.vector_load %arg7[%swap3A_855, %swap3A_856] {strides = array<i32>} : memref<32x1024xf32, #tpu.memory_space<vmem>>, vector<1x16xf32>,
        %swap3A_858 = vector.shape_cast %swap3A_857 : vector<1x16xf32> to vector<16xf32>
        %swap3A_859 = vector.shape_cast %get3A_854 : vector<16xf32> to vector<1x16xf32>
        tpu.vector_store %arg7[%swap3A_855, %swap3A_856], %swap3A_859 {add = true, strides = array<i32>} : memref<32x1024xf32, #tpu.memory_space<vmem>>, vector<1x16xf32>,
      }
      %scan3A_245 = arith.constant 32 : i32
      %mul3A_246 = arith.constant 2048 : i32
      %mul3A_247 = arith.muli %mul3A_222, %mul3A_246 : i32
      %add3A_248 = arith.addi %mul3A_247, %mul3A_112 : i32
      %dma_start3A_249 = arith.constant 0 : i32
      %dma_start3A_250 = tpu.memref_slice %arg5[%add3A_248, %dma_start3A_249] : memref<8192x1024xf32, #tpu.memory_space<hbm>> -> memref<32x1024xf32, #tpu.memory_space<hbm>>
      %dma_start3A_251 = arith.constant 0 : i32
      %dma_start3A_252 = tpu.memref_slice %arg5[%add3A_248, %dma_start3A_251] : memref<8192x1024xf32, #tpu.memory_space<hbm>> -> memref<32x1024xf32, #tpu.memory_space<hbm>>
      tpu.enqueue_dma source(%arg7 : memref<32x1024xf32, #tpu.memory_space<vmem>>) target(%dma_start3A_252 : memref<32x1024xf32, #tpu.memory_space<hbm>>) target_semaphore(%arg12 : memref<!tpu.dma_semaphore, #tpu.memory_space<semaphore_mem>>)
      %dma_wait3A_253 = arith.constant 0 : i32
      %dma_wait3A_254 = arith.constant 0 : i32
      %dma_wait3A_255 = tpu.memref_slice %arg5[%dma_wait3A_253, %dma_wait3A_254] : memref<8192x1024xf32, #tpu.memory_space<hbm>> -> memref<32x1024xf32, #tpu.memory_space<hbm>>
      %dma_wait3A_256 = arith.constant 0 : i32
      %dma_wait3A_257 = arith.constant 0 : i32
      %dma_wait3A_258 = tpu.memref_slice %arg5[%dma_wait3A_256, %dma_wait3A_257] : memref<8192x1024xf32, #tpu.memory_space<hbm>> -> memref<32x1024xf32, #tpu.memory_space<hbm>>
      tpu.wait_dma2 semaphore(%arg12 : memref<!tpu.dma_semaphore, #tpu.memory_space<semaphore_mem>>) src(%arg7 : memref<32x1024xf32, #tpu.memory_space<vmem>>) dst(%dma_wait3A_258 : memref<32x1024xf32, #tpu.memory_space<hbm>>)
      %lt3A = arith.constant 1 : i32
      %lt3A_259 = arith.cmpi slt, %scan3A_220, %lt3A : i32
      %convert_element_type3A_260 = arith.extui %lt3A_259 : i1 to i32
      %cond3A_261 = arith.constant 0 : i32
      %cond3A_262 = arith.cmpi ne, %convert_element_type3A_260, %cond3A_261 : i32
      scf.if %cond3A_262 {
        %add3A_285 = arith.constant 2 : i32
        %add3A_286 = arith.addi %mul3A_222, %add3A_285 : i32
        %dma_start3A_287 = arith.constant 0 : i32
        %dma_start3A_288 = tpu.memref_slice %arg6[%add3A_286, %dma_start3A_287] : memref<4x32xi32, #tpu.memory_space<vmem>> -> memref<1x32xi32, #tpu.memory_space<vmem>>
        %dma_start3A_289 = tpu.memref_squeeze %dma_start3A_288 : memref<1x32xi32, #tpu.memory_space<vmem>> -> memref<32xi32, #tpu.memory_space<vmem>>
        %dma_start3A_290 = arith.constant 0 : i32
        %dma_start3A_291 = arith.constant 0 : i32
        %dma_start3A_292 = tpu.memref_slice %arg4[%dma_start3A_290, %dma_start3A_291] : memref<68x1024xf32, #tpu.memory_space<hbm>> -> memref<68x1024xf32, #tpu.memory_space<hbm>>
        tpu.enqueue_indirect_dma source(%dma_start3A_292 : memref<68x1024xf32, #tpu.memory_space<hbm>>) target(%arg7 : memref<32x1024xf32, #tpu.memory_space<vmem>>) offsets(%dma_start3A_289 : memref<32xi32, #tpu.memory_space<vmem>>) semaphore(%arg10 : memref<!tpu.dma_semaphore, #tpu.memory_space<semaphore_mem>>)
      } else {
      }
      %dma_wait3A_263 = arith.constant 0 : i32
      %dma_wait3A_264 = arith.constant 0 : i32
      %dma_wait3A_265 = tpu.memref_slice %arg6[%dma_wait3A_263, %dma_wait3A_264] : memref<4x32xi32, #tpu.memory_space<vmem>> -> memref<1x32xi32, #tpu.memory_space<vmem>>
      %dma_wait3A_266 = tpu.memref_squeeze %dma_wait3A_265 : memref<1x32xi32, #tpu.memory_space<vmem>> -> memref<32xi32, #tpu.memory_space<vmem>>
      %dma_wait3A_267 = arith.constant 0 : i32
      %dma_wait3A_268 = arith.constant 0 : i32
      %dma_wait3A_269 = tpu.memref_slice %arg4[%dma_wait3A_267, %dma_wait3A_268] : memref<68x1024xf32, #tpu.memory_space<hbm>> -> memref<68x1024xf32, #tpu.memory_space<hbm>>
      tpu.wait_indirect_dma semaphore(%arg11 : memref<!tpu.dma_semaphore, #tpu.memory_space<semaphore_mem>>) src(%dma_wait3A_269 : memref<68x1024xf32, #tpu.memory_space<hbm>>) dst(%arg8 : memref<32x1024xf32, #tpu.memory_space<vmem>>)
      %scan3A_270 = arith.constant 0 : i32
      %scan3A_271 = arith.constant 0 : i32
      %scan3A_272 = arith.constant 32 : i32
      %scan3A_273 = arith.addi %scan3A_271, %scan3A_272 : i32
      %scan3A_274 = arith.constant 1 : i32
      scf.for %scan3A_285 = %scan3A_271 to %scan3A_273 step %scan3A_274  : i32 {
        %get3A = arith.index_cast %scan3A_285 : i32 to index
        %get3A_286 = arith.constant 0 : index
        %get3A_287 = tpu.vector_load %arg9[%get3A, %get3A_286] {strides = array<i32>} : memref<32x1024xf32, #tpu.memory_space<vmem>>, vector<1x16xf32>,
        %get3A_288 = vector.shape_cast %get3A_287 : vector<1x16xf32> to vector<16xf32>
        %swap3A = arith.index_cast %scan3A_285 : i32 to index
        %swap3A_289 = arith.constant 0 : index
        %swap3A_290 = tpu.vector_load %arg8[%swap3A, %swap3A_289] {strides = array<i32>} : memref<32x1024xf32, #tpu.memory_space<vmem>>, vector<1x16xf32>,
        %swap3A_291 = vector.shape_cast %swap3A_290 : vector<1x16xf32> to vector<16xf32>
        %swap3A_292 = vector.shape_cast %get3A_288 : vector<16xf32> to vector<1x16xf32>
        tpu.vector_store %arg8[%swap3A, %swap3A_289], %swap3A_292 {add = true, strides = array<i32>} : memref<32x1024xf32, #tpu.memory_space<vmem>>, vector<1x16xf32>,
        %get3A_293 = arith.index_cast %scan3A_285 : i32 to index
        %get3A_294 = arith.constant 16 : index
        %get3A_295 = tpu.vector_load %arg9[%get3A_293, %get3A_294] {strides = array<i32>} : memref<32x1024xf32, #tpu.memory_space<vmem>>, vector<1x16xf32>,
        %get3A_296 = vector.shape_cast %get3A_295 : vector<1x16xf32> to vector<16xf32>
        %swap3A_297 = arith.index_cast %scan3A_285 : i32 to index
        %swap3A_298 = arith.constant 16 : index
        %swap3A_299 = tpu.vector_load %arg8[%swap3A_297, %swap3A_298] {strides = array<i32>} : memref<32x1024xf32, #tpu.memory_space<vmem>>, vector<1x16xf32>,
        %swap3A_300 = vector.shape_cast %swap3A_299 : vector<1x16xf32> to vector<16xf32>
        %swap3A_301 = vector.shape_cast %get3A_296 : vector<16xf32> to vector<1x16xf32>
        tpu.vector_store %arg8[%swap3A_297, %swap3A_298], %swap3A_301 {add = true, strides = array<i32>} : memref<32x1024xf32, #tpu.memory_space<vmem>>, vector<1x16xf32>,
        %get3A_302 = arith.index_cast %scan3A_285 : i32 to index
        %get3A_303 = arith.constant 32 : index
        %get3A_304 = tpu.vector_load %arg9[%get3A_302, %get3A_303] {strides = array<i32>} : memref<32x1024xf32, #tpu.memory_space<vmem>>, vector<1x16xf32>,
        %get3A_305 = vector.shape_cast %get3A_304 : vector<1x16xf32> to vector<16xf32>
        %swap3A_306 = arith.index_cast %scan3A_285 : i32 to index
        %swap3A_307 = arith.constant 32 : index
        %swap3A_308 = tpu.vector_load %arg8[%swap3A_306, %swap3A_307] {strides = array<i32>} : memref<32x1024xf32, #tpu.memory_space<vmem>>, vector<1x16xf32>,
        %swap3A_309 = vector.shape_cast %swap3A_308 : vector<1x16xf32> to vector<16xf32>
        %swap3A_310 = vector.shape_cast %get3A_305 : vector<16xf32> to vector<1x16xf32>
        tpu.vector_store %arg8[%swap3A_306, %swap3A_307], %swap3A_310 {add = true, strides = array<i32>} : memref<32x1024xf32, #tpu.memory_space<vmem>>, vector<1x16xf32>,
        %get3A_311 = arith.index_cast %scan3A_285 : i32 to index
        %get3A_312 = arith.constant 48 : index
        %get3A_313 = tpu.vector_load %arg9[%get3A_311, %get3A_312] {strides = array<i32>} : memref<32x1024xf32, #tpu.memory_space<vmem>>, vector<1x16xf32>,
        %get3A_314 = vector.shape_cast %get3A_313 : vector<1x16xf32> to vector<16xf32>
        %swap3A_315 = arith.index_cast %scan3A_285 : i32 to index
        %swap3A_316 = arith.constant 48 : index
        %swap3A_317 = tpu.vector_load %arg8[%swap3A_315, %swap3A_316] {strides = array<i32>} : memref<32x1024xf32, #tpu.memory_space<vmem>>, vector<1x16xf32>,
        %swap3A_318 = vector.shape_cast %swap3A_317 : vector<1x16xf32> to vector<16xf32>
        %swap3A_319 = vector.shape_cast %get3A_314 : vector<16xf32> to vector<1x16xf32>
        tpu.vector_store %arg8[%swap3A_315, %swap3A_316], %swap3A_319 {add = true, strides = array<i32>} : memref<32x1024xf32, #tpu.memory_space<vmem>>, vector<1x16xf32>,
        %get3A_320 = arith.index_cast %scan3A_285 : i32 to index
        %get3A_321 = arith.constant 64 : index
        %get3A_322 = tpu.vector_load %arg9[%get3A_320, %get3A_321] {strides = array<i32>} : memref<32x1024xf32, #tpu.memory_space<vmem>>, vector<1x16xf32>,
        %get3A_323 = vector.shape_cast %get3A_322 : vector<1x16xf32> to vector<16xf32>
        %swap3A_324 = arith.index_cast %scan3A_285 : i32 to index
        %swap3A_325 = arith.constant 64 : index
        %swap3A_326 = tpu.vector_load %arg8[%swap3A_324, %swap3A_325] {strides = array<i32>} : memref<32x1024xf32, #tpu.memory_space<vmem>>, vector<1x16xf32>,
        %swap3A_327 = vector.shape_cast %swap3A_326 : vector<1x16xf32> to vector<16xf32>
        %swap3A_328 = vector.shape_cast %get3A_323 : vector<16xf32> to vector<1x16xf32>
        tpu.vector_store %arg8[%swap3A_324, %swap3A_325], %swap3A_328 {add = true, strides = array<i32>} : memref<32x1024xf32, #tpu.memory_space<vmem>>, vector<1x16xf32>,
        %get3A_329 = arith.index_cast %scan3A_285 : i32 to index
        %get3A_330 = arith.constant 80 : index
        %get3A_331 = tpu.vector_load %arg9[%get3A_329, %get3A_330] {strides = array<i32>} : memref<32x1024xf32, #tpu.memory_space<vmem>>, vector<1x16xf32>,
        %get3A_332 = vector.shape_cast %get3A_331 : vector<1x16xf32> to vector<16xf32>
        %swap3A_333 = arith.index_cast %scan3A_285 : i32 to index
        %swap3A_334 = arith.constant 80 : index
        %swap3A_335 = tpu.vector_load %arg8[%swap3A_333, %swap3A_334] {strides = array<i32>} : memref<32x1024xf32, #tpu.memory_space<vmem>>, vector<1x16xf32>,
        %swap3A_336 = vector.shape_cast %swap3A_335 : vector<1x16xf32> to vector<16xf32>
        %swap3A_337 = vector.shape_cast %get3A_332 : vector<16xf32> to vector<1x16xf32>
        tpu.vector_store %arg8[%swap3A_333, %swap3A_334], %swap3A_337 {add = true, strides = array<i32>} : memref<32x1024xf32, #tpu.memory_space<vmem>>, vector<1x16xf32>,
        %get3A_338 = arith.index_cast %scan3A_285 : i32 to index
        %get3A_339 = arith.constant 96 : index
        %get3A_340 = tpu.vector_load %arg9[%get3A_338, %get3A_339] {strides = array<i32>} : memref<32x1024xf32, #tpu.memory_space<vmem>>, vector<1x16xf32>,
        %get3A_341 = vector.shape_cast %get3A_340 : vector<1x16xf32> to vector<16xf32>
        %swap3A_342 = arith.index_cast %scan3A_285 : i32 to index
        %swap3A_343 = arith.constant 96 : index
        %swap3A_344 = tpu.vector_load %arg8[%swap3A_342, %swap3A_343] {strides = array<i32>} : memref<32x1024xf32, #tpu.memory_space<vmem>>, vector<1x16xf32>,
        %swap3A_345 = vector.shape_cast %swap3A_344 : vector<1x16xf32> to vector<16xf32>
        %swap3A_346 = vector.shape_cast %get3A_341 : vector<16xf32> to vector<1x16xf32>
        tpu.vector_store %arg8[%swap3A_342, %swap3A_343], %swap3A_346 {add = true, strides = array<i32>} : memref<32x1024xf32, #tpu.memory_space<vmem>>, vector<1x16xf32>,
        %get3A_347 = arith.index_cast %scan3A_285 : i32 to index
        %get3A_348 = arith.constant 112 : index
        %get3A_349 = tpu.vector_load %arg9[%get3A_347, %get3A_348] {strides = array<i32>} : memref<32x1024xf32, #tpu.memory_space<vmem>>, vector<1x16xf32>,
        %get3A_350 = vector.shape_cast %get3A_349 : vector<1x16xf32> to vector<16xf32>
        %swap3A_351 = arith.index_cast %scan3A_285 : i32 to index
        %swap3A_352 = arith.constant 112 : index
        %swap3A_353 = tpu.vector_load %arg8[%swap3A_351, %swap3A_352] {strides = array<i32>} : memref<32x1024xf32, #tpu.memory_space<vmem>>, vector<1x16xf32>,
        %swap3A_354 = vector.shape_cast %swap3A_353 : vector<1x16xf32> to vector<16xf32>
        %swap3A_355 = vector.shape_cast %get3A_350 : vector<16xf32> to vector<1x16xf32>
        tpu.vector_store %arg8[%swap3A_351, %swap3A_352], %swap3A_355 {add = true, strides = array<i32>} : memref<32x1024xf32, #tpu.memory_space<vmem>>, vector<1x16xf32>,
        %get3A_356 = arith.index_cast %scan3A_285 : i32 to index
        %get3A_357 = arith.constant 128 : index
        %get3A_358 = tpu.vector_load %arg9[%get3A_356, %get3A_357] {strides = array<i32>} : memref<32x1024xf32, #tpu.memory_space<vmem>>, vector<1x16xf32>,
        %get3A_359 = vector.shape_cast %get3A_358 : vector<1x16xf32> to vector<16xf32>
        %swap3A_360 = arith.index_cast %scan3A_285 : i32 to index
        %swap3A_361 = arith.constant 128 : index
        %swap3A_362 = tpu.vector_load %arg8[%swap3A_360, %swap3A_361] {strides = array<i32>} : memref<32x1024xf32, #tpu.memory_space<vmem>>, vector<1x16xf32>,
        %swap3A_363 = vector.shape_cast %swap3A_362 : vector<1x16xf32> to vector<16xf32>
        %swap3A_364 = vector.shape_cast %get3A_359 : vector<16xf32> to vector<1x16xf32>
        tpu.vector_store %arg8[%swap3A_360, %swap3A_361], %swap3A_364 {add = true, strides = array<i32>} : memref<32x1024xf32, #tpu.memory_space<vmem>>, vector<1x16xf32>,
        %get3A_365 = arith.index_cast %scan3A_285 : i32 to index
        %get3A_366 = arith.constant 144 : index
        %get3A_367 = tpu.vector_load %arg9[%get3A_365, %get3A_366] {strides = array<i32>} : memref<32x1024xf32, #tpu.memory_space<vmem>>, vector<1x16xf32>,
        %get3A_368 = vector.shape_cast %get3A_367 : vector<1x16xf32> to vector<16xf32>
        %swap3A_369 = arith.index_cast %scan3A_285 : i32 to index
        %swap3A_370 = arith.constant 144 : index
        %swap3A_371 = tpu.vector_load %arg8[%swap3A_369, %swap3A_370] {strides = array<i32>} : memref<32x1024xf32, #tpu.memory_space<vmem>>, vector<1x16xf32>,
        %swap3A_372 = vector.shape_cast %swap3A_371 : vector<1x16xf32> to vector<16xf32>
        %swap3A_373 = vector.shape_cast %get3A_368 : vector<16xf32> to vector<1x16xf32>
        tpu.vector_store %arg8[%swap3A_369, %swap3A_370], %swap3A_373 {add = true, strides = array<i32>} : memref<32x1024xf32, #tpu.memory_space<vmem>>, vector<1x16xf32>,
        %get3A_374 = arith.index_cast %scan3A_285 : i32 to index
        %get3A_375 = arith.constant 160 : index
        %get3A_376 = tpu.vector_load %arg9[%get3A_374, %get3A_375] {strides = array<i32>} : memref<32x1024xf32, #tpu.memory_space<vmem>>, vector<1x16xf32>,
        %get3A_377 = vector.shape_cast %get3A_376 : vector<1x16xf32> to vector<16xf32>
        %swap3A_378 = arith.index_cast %scan3A_285 : i32 to index
        %swap3A_379 = arith.constant 160 : index
        %swap3A_380 = tpu.vector_load %arg8[%swap3A_378, %swap3A_379] {strides = array<i32>} : memref<32x1024xf32, #tpu.memory_space<vmem>>, vector<1x16xf32>,
        %swap3A_381 = vector.shape_cast %swap3A_380 : vector<1x16xf32> to vector<16xf32>
        %swap3A_382 = vector.shape_cast %get3A_377 : vector<16xf32> to vector<1x16xf32>
        tpu.vector_store %arg8[%swap3A_378, %swap3A_379], %swap3A_382 {add = true, strides = array<i32>} : memref<32x1024xf32, #tpu.memory_space<vmem>>, vector<1x16xf32>,
        %get3A_383 = arith.index_cast %scan3A_285 : i32 to index
        %get3A_384 = arith.constant 176 : index
        %get3A_385 = tpu.vector_load %arg9[%get3A_383, %get3A_384] {strides = array<i32>} : memref<32x1024xf32, #tpu.memory_space<vmem>>, vector<1x16xf32>,
        %get3A_386 = vector.shape_cast %get3A_385 : vector<1x16xf32> to vector<16xf32>
        %swap3A_387 = arith.index_cast %scan3A_285 : i32 to index
        %swap3A_388 = arith.constant 176 : index
        %swap3A_389 = tpu.vector_load %arg8[%swap3A_387, %swap3A_388] {strides = array<i32>} : memref<32x1024xf32, #tpu.memory_space<vmem>>, vector<1x16xf32>,
        %swap3A_390 = vector.shape_cast %swap3A_389 : vector<1x16xf32> to vector<16xf32>
        %swap3A_391 = vector.shape_cast %get3A_386 : vector<16xf32> to vector<1x16xf32>
        tpu.vector_store %arg8[%swap3A_387, %swap3A_388], %swap3A_391 {add = true, strides = array<i32>} : memref<32x1024xf32, #tpu.memory_space<vmem>>, vector<1x16xf32>,
        %get3A_392 = arith.index_cast %scan3A_285 : i32 to index
        %get3A_393 = arith.constant 192 : index
        %get3A_394 = tpu.vector_load %arg9[%get3A_392, %get3A_393] {strides = array<i32>} : memref<32x1024xf32, #tpu.memory_space<vmem>>, vector<1x16xf32>,
        %get3A_395 = vector.shape_cast %get3A_394 : vector<1x16xf32> to vector<16xf32>
        %swap3A_396 = arith.index_cast %scan3A_285 : i32 to index
        %swap3A_397 = arith.constant 192 : index
        %swap3A_398 = tpu.vector_load %arg8[%swap3A_396, %swap3A_397] {strides = array<i32>} : memref<32x1024xf32, #tpu.memory_space<vmem>>, vector<1x16xf32>,
        %swap3A_399 = vector.shape_cast %swap3A_398 : vector<1x16xf32> to vector<16xf32>
        %swap3A_400 = vector.shape_cast %get3A_395 : vector<16xf32> to vector<1x16xf32>
        tpu.vector_store %arg8[%swap3A_396, %swap3A_397], %swap3A_400 {add = true, strides = array<i32>} : memref<32x1024xf32, #tpu.memory_space<vmem>>, vector<1x16xf32>,
        %get3A_401 = arith.index_cast %scan3A_285 : i32 to index
        %get3A_402 = arith.constant 208 : index
        %get3A_403 = tpu.vector_load %arg9[%get3A_401, %get3A_402] {strides = array<i32>} : memref<32x1024xf32, #tpu.memory_space<vmem>>, vector<1x16xf32>,
        %get3A_404 = vector.shape_cast %get3A_403 : vector<1x16xf32> to vector<16xf32>
        %swap3A_405 = arith.index_cast %scan3A_285 : i32 to index
        %swap3A_406 = arith.constant 208 : index
        %swap3A_407 = tpu.vector_load %arg8[%swap3A_405, %swap3A_406] {strides = array<i32>} : memref<32x1024xf32, #tpu.memory_space<vmem>>, vector<1x16xf32>,
        %swap3A_408 = vector.shape_cast %swap3A_407 : vector<1x16xf32> to vector<16xf32>
        %swap3A_409 = vector.shape_cast %get3A_404 : vector<16xf32> to vector<1x16xf32>
        tpu.vector_store %arg8[%swap3A_405, %swap3A_406], %swap3A_409 {add = true, strides = array<i32>} : memref<32x1024xf32, #tpu.memory_space<vmem>>, vector<1x16xf32>,
        %get3A_410 = arith.index_cast %scan3A_285 : i32 to index
        %get3A_411 = arith.constant 224 : index
        %get3A_412 = tpu.vector_load %arg9[%get3A_410, %get3A_411] {strides = array<i32>} : memref<32x1024xf32, #tpu.memory_space<vmem>>, vector<1x16xf32>,
        %get3A_413 = vector.shape_cast %get3A_412 : vector<1x16xf32> to vector<16xf32>
        %swap3A_414 = arith.index_cast %scan3A_285 : i32 to index
        %swap3A_415 = arith.constant 224 : index
        %swap3A_416 = tpu.vector_load %arg8[%swap3A_414, %swap3A_415] {strides = array<i32>} : memref<32x1024xf32, #tpu.memory_space<vmem>>, vector<1x16xf32>,
        %swap3A_417 = vector.shape_cast %swap3A_416 : vector<1x16xf32> to vector<16xf32>
        %swap3A_418 = vector.shape_cast %get3A_413 : vector<16xf32> to vector<1x16xf32>
        tpu.vector_store %arg8[%swap3A_414, %swap3A_415], %swap3A_418 {add = true, strides = array<i32>} : memref<32x1024xf32, #tpu.memory_space<vmem>>, vector<1x16xf32>,
        %get3A_419 = arith.index_cast %scan3A_285 : i32 to index
        %get3A_420 = arith.constant 240 : index
        %get3A_421 = tpu.vector_load %arg9[%get3A_419, %get3A_420] {strides = array<i32>} : memref<32x1024xf32, #tpu.memory_space<vmem>>, vector<1x16xf32>,
        %get3A_422 = vector.shape_cast %get3A_421 : vector<1x16xf32> to vector<16xf32>
        %swap3A_423 = arith.index_cast %scan3A_285 : i32 to index
        %swap3A_424 = arith.constant 240 : index
        %swap3A_425 = tpu.vector_load %arg8[%swap3A_423, %swap3A_424] {strides = array<i32>} : memref<32x1024xf32, #tpu.memory_space<vmem>>, vector<1x16xf32>,
        %swap3A_426 = vector.shape_cast %swap3A_425 : vector<1x16xf32> to vector<16xf32>
        %swap3A_427 = vector.shape_cast %get3A_422 : vector<16xf32> to vector<1x16xf32>
        tpu.vector_store %arg8[%swap3A_423, %swap3A_424], %swap3A_427 {add = true, strides = array<i32>} : memref<32x1024xf32, #tpu.memory_space<vmem>>, vector<1x16xf32>,
        %get3A_428 = arith.index_cast %scan3A_285 : i32 to index
        %get3A_429 = arith.constant 256 : index
        %get3A_430 = tpu.vector_load %arg9[%get3A_428, %get3A_429] {strides = array<i32>} : memref<32x1024xf32, #tpu.memory_space<vmem>>, vector<1x16xf32>,
        %get3A_431 = vector.shape_cast %get3A_430 : vector<1x16xf32> to vector<16xf32>
        %swap3A_432 = arith.index_cast %scan3A_285 : i32 to index
        %swap3A_433 = arith.constant 256 : index
        %swap3A_434 = tpu.vector_load %arg8[%swap3A_432, %swap3A_433] {strides = array<i32>} : memref<32x1024xf32, #tpu.memory_space<vmem>>, vector<1x16xf32>,
        %swap3A_435 = vector.shape_cast %swap3A_434 : vector<1x16xf32> to vector<16xf32>
        %swap3A_436 = vector.shape_cast %get3A_431 : vector<16xf32> to vector<1x16xf32>
        tpu.vector_store %arg8[%swap3A_432, %swap3A_433], %swap3A_436 {add = true, strides = array<i32>} : memref<32x1024xf32, #tpu.memory_space<vmem>>, vector<1x16xf32>,
        %get3A_437 = arith.index_cast %scan3A_285 : i32 to index
        %get3A_438 = arith.constant 272 : index
        %get3A_439 = tpu.vector_load %arg9[%get3A_437, %get3A_438] {strides = array<i32>} : memref<32x1024xf32, #tpu.memory_space<vmem>>, vector<1x16xf32>,
        %get3A_440 = vector.shape_cast %get3A_439 : vector<1x16xf32> to vector<16xf32>
        %swap3A_441 = arith.index_cast %scan3A_285 : i32 to index
        %swap3A_442 = arith.constant 272 : index
        %swap3A_443 = tpu.vector_load %arg8[%swap3A_441, %swap3A_442] {strides = array<i32>} : memref<32x1024xf32, #tpu.memory_space<vmem>>, vector<1x16xf32>,
        %swap3A_444 = vector.shape_cast %swap3A_443 : vector<1x16xf32> to vector<16xf32>
        %swap3A_445 = vector.shape_cast %get3A_440 : vector<16xf32> to vector<1x16xf32>
        tpu.vector_store %arg8[%swap3A_441, %swap3A_442], %swap3A_445 {add = true, strides = array<i32>} : memref<32x1024xf32, #tpu.memory_space<vmem>>, vector<1x16xf32>,
        %get3A_446 = arith.index_cast %scan3A_285 : i32 to index
        %get3A_447 = arith.constant 288 : index
        %get3A_448 = tpu.vector_load %arg9[%get3A_446, %get3A_447] {strides = array<i32>} : memref<32x1024xf32, #tpu.memory_space<vmem>>, vector<1x16xf32>,
        %get3A_449 = vector.shape_cast %get3A_448 : vector<1x16xf32> to vector<16xf32>
        %swap3A_450 = arith.index_cast %scan3A_285 : i32 to index
        %swap3A_451 = arith.constant 288 : index
        %swap3A_452 = tpu.vector_load %arg8[%swap3A_450, %swap3A_451] {strides = array<i32>} : memref<32x1024xf32, #tpu.memory_space<vmem>>, vector<1x16xf32>,
        %swap3A_453 = vector.shape_cast %swap3A_452 : vector<1x16xf32> to vector<16xf32>
        %swap3A_454 = vector.shape_cast %get3A_449 : vector<16xf32> to vector<1x16xf32>
        tpu.vector_store %arg8[%swap3A_450, %swap3A_451], %swap3A_454 {add = true, strides = array<i32>} : memref<32x1024xf32, #tpu.memory_space<vmem>>, vector<1x16xf32>,
        %get3A_455 = arith.index_cast %scan3A_285 : i32 to index
        %get3A_456 = arith.constant 304 : index
        %get3A_457 = tpu.vector_load %arg9[%get3A_455, %get3A_456] {strides = array<i32>} : memref<32x1024xf32, #tpu.memory_space<vmem>>, vector<1x16xf32>,
        %get3A_458 = vector.shape_cast %get3A_457 : vector<1x16xf32> to vector<16xf32>
        %swap3A_459 = arith.index_cast %scan3A_285 : i32 to index
        %swap3A_460 = arith.constant 304 : index
        %swap3A_461 = tpu.vector_load %arg8[%swap3A_459, %swap3A_460] {strides = array<i32>} : memref<32x1024xf32, #tpu.memory_space<vmem>>, vector<1x16xf32>,
        %swap3A_462 = vector.shape_cast %swap3A_461 : vector<1x16xf32> to vector<16xf32>
        %swap3A_463 = vector.shape_cast %get3A_458 : vector<16xf32> to vector<1x16xf32>
        tpu.vector_store %arg8[%swap3A_459, %swap3A_460], %swap3A_463 {add = true, strides = array<i32>} : memref<32x1024xf32, #tpu.memory_space<vmem>>, vector<1x16xf32>,
        %get3A_464 = arith.index_cast %scan3A_285 : i32 to index
        %get3A_465 = arith.constant 320 : index
        %get3A_466 = tpu.vector_load %arg9[%get3A_464, %get3A_465] {strides = array<i32>} : memref<32x1024xf32, #tpu.memory_space<vmem>>, vector<1x16xf32>,
        %get3A_467 = vector.shape_cast %get3A_466 : vector<1x16xf32> to vector<16xf32>
        %swap3A_468 = arith.index_cast %scan3A_285 : i32 to index
        %swap3A_469 = arith.constant 320 : index
        %swap3A_470 = tpu.vector_load %arg8[%swap3A_468, %swap3A_469] {strides = array<i32>} : memref<32x1024xf32, #tpu.memory_space<vmem>>, vector<1x16xf32>,
        %swap3A_471 = vector.shape_cast %swap3A_470 : vector<1x16xf32> to vector<16xf32>
        %swap3A_472 = vector.shape_cast %get3A_467 : vector<16xf32> to vector<1x16xf32>
        tpu.vector_store %arg8[%swap3A_468, %swap3A_469], %swap3A_472 {add = true, strides = array<i32>} : memref<32x1024xf32, #tpu.memory_space<vmem>>, vector<1x16xf32>,
        %get3A_473 = arith.index_cast %scan3A_285 : i32 to index
        %get3A_474 = arith.constant 336 : index
        %get3A_475 = tpu.vector_load %arg9[%get3A_473, %get3A_474] {strides = array<i32>} : memref<32x1024xf32, #tpu.memory_space<vmem>>, vector<1x16xf32>,
        %get3A_476 = vector.shape_cast %get3A_475 : vector<1x16xf32> to vector<16xf32>
        %swap3A_477 = arith.index_cast %scan3A_285 : i32 to index
        %swap3A_478 = arith.constant 336 : index
        %swap3A_479 = tpu.vector_load %arg8[%swap3A_477, %swap3A_478] {strides = array<i32>} : memref<32x1024xf32, #tpu.memory_space<vmem>>, vector<1x16xf32>,
        %swap3A_480 = vector.shape_cast %swap3A_479 : vector<1x16xf32> to vector<16xf32>
        %swap3A_481 = vector.shape_cast %get3A_476 : vector<16xf32> to vector<1x16xf32>
        tpu.vector_store %arg8[%swap3A_477, %swap3A_478], %swap3A_481 {add = true, strides = array<i32>} : memref<32x1024xf32, #tpu.memory_space<vmem>>, vector<1x16xf32>,
        %get3A_482 = arith.index_cast %scan3A_285 : i32 to index
        %get3A_483 = arith.constant 352 : index
        %get3A_484 = tpu.vector_load %arg9[%get3A_482, %get3A_483] {strides = array<i32>} : memref<32x1024xf32, #tpu.memory_space<vmem>>, vector<1x16xf32>,
        %get3A_485 = vector.shape_cast %get3A_484 : vector<1x16xf32> to vector<16xf32>
        %swap3A_486 = arith.index_cast %scan3A_285 : i32 to index
        %swap3A_487 = arith.constant 352 : index
        %swap3A_488 = tpu.vector_load %arg8[%swap3A_486, %swap3A_487] {strides = array<i32>} : memref<32x1024xf32, #tpu.memory_space<vmem>>, vector<1x16xf32>,
        %swap3A_489 = vector.shape_cast %swap3A_488 : vector<1x16xf32> to vector<16xf32>
        %swap3A_490 = vector.shape_cast %get3A_485 : vector<16xf32> to vector<1x16xf32>
        tpu.vector_store %arg8[%swap3A_486, %swap3A_487], %swap3A_490 {add = true, strides = array<i32>} : memref<32x1024xf32, #tpu.memory_space<vmem>>, vector<1x16xf32>,
        %get3A_491 = arith.index_cast %scan3A_285 : i32 to index
        %get3A_492 = arith.constant 368 : index
        %get3A_493 = tpu.vector_load %arg9[%get3A_491, %get3A_492] {strides = array<i32>} : memref<32x1024xf32, #tpu.memory_space<vmem>>, vector<1x16xf32>,
        %get3A_494 = vector.shape_cast %get3A_493 : vector<1x16xf32> to vector<16xf32>
        %swap3A_495 = arith.index_cast %scan3A_285 : i32 to index
        %swap3A_496 = arith.constant 368 : index
        %swap3A_497 = tpu.vector_load %arg8[%swap3A_495, %swap3A_496] {strides = array<i32>} : memref<32x1024xf32, #tpu.memory_space<vmem>>, vector<1x16xf32>,
        %swap3A_498 = vector.shape_cast %swap3A_497 : vector<1x16xf32> to vector<16xf32>
        %swap3A_499 = vector.shape_cast %get3A_494 : vector<16xf32> to vector<1x16xf32>
        tpu.vector_store %arg8[%swap3A_495, %swap3A_496], %swap3A_499 {add = true, strides = array<i32>} : memref<32x1024xf32, #tpu.memory_space<vmem>>, vector<1x16xf32>,
        %get3A_500 = arith.index_cast %scan3A_285 : i32 to index
        %get3A_501 = arith.constant 384 : index
        %get3A_502 = tpu.vector_load %arg9[%get3A_500, %get3A_501] {strides = array<i32>} : memref<32x1024xf32, #tpu.memory_space<vmem>>, vector<1x16xf32>,
        %get3A_503 = vector.shape_cast %get3A_502 : vector<1x16xf32> to vector<16xf32>
        %swap3A_504 = arith.index_cast %scan3A_285 : i32 to index
        %swap3A_505 = arith.constant 384 : index
        %swap3A_506 = tpu.vector_load %arg8[%swap3A_504, %swap3A_505] {strides = array<i32>} : memref<32x1024xf32, #tpu.memory_space<vmem>>, vector<1x16xf32>,
        %swap3A_507 = vector.shape_cast %swap3A_506 : vector<1x16xf32> to vector<16xf32>
        %swap3A_508 = vector.shape_cast %get3A_503 : vector<16xf32> to vector<1x16xf32>
        tpu.vector_store %arg8[%swap3A_504, %swap3A_505], %swap3A_508 {add = true, strides = array<i32>} : memref<32x1024xf32, #tpu.memory_space<vmem>>, vector<1x16xf32>,
        %get3A_509 = arith.index_cast %scan3A_285 : i32 to index
        %get3A_510 = arith.constant 400 : index
        %get3A_511 = tpu.vector_load %arg9[%get3A_509, %get3A_510] {strides = array<i32>} : memref<32x1024xf32, #tpu.memory_space<vmem>>, vector<1x16xf32>,
        %get3A_512 = vector.shape_cast %get3A_511 : vector<1x16xf32> to vector<16xf32>
        %swap3A_513 = arith.index_cast %scan3A_285 : i32 to index
        %swap3A_514 = arith.constant 400 : index
        %swap3A_515 = tpu.vector_load %arg8[%swap3A_513, %swap3A_514] {strides = array<i32>} : memref<32x1024xf32, #tpu.memory_space<vmem>>, vector<1x16xf32>,
        %swap3A_516 = vector.shape_cast %swap3A_515 : vector<1x16xf32> to vector<16xf32>
        %swap3A_517 = vector.shape_cast %get3A_512 : vector<16xf32> to vector<1x16xf32>
        tpu.vector_store %arg8[%swap3A_513, %swap3A_514], %swap3A_517 {add = true, strides = array<i32>} : memref<32x1024xf32, #tpu.memory_space<vmem>>, vector<1x16xf32>,
        %get3A_518 = arith.index_cast %scan3A_285 : i32 to index
        %get3A_519 = arith.constant 416 : index
        %get3A_520 = tpu.vector_load %arg9[%get3A_518, %get3A_519] {strides = array<i32>} : memref<32x1024xf32, #tpu.memory_space<vmem>>, vector<1x16xf32>,
        %get3A_521 = vector.shape_cast %get3A_520 : vector<1x16xf32> to vector<16xf32>
        %swap3A_522 = arith.index_cast %scan3A_285 : i32 to index
        %swap3A_523 = arith.constant 416 : index
        %swap3A_524 = tpu.vector_load %arg8[%swap3A_522, %swap3A_523] {strides = array<i32>} : memref<32x1024xf32, #tpu.memory_space<vmem>>, vector<1x16xf32>,
        %swap3A_525 = vector.shape_cast %swap3A_524 : vector<1x16xf32> to vector<16xf32>
        %swap3A_526 = vector.shape_cast %get3A_521 : vector<16xf32> to vector<1x16xf32>
        tpu.vector_store %arg8[%swap3A_522, %swap3A_523], %swap3A_526 {add = true, strides = array<i32>} : memref<32x1024xf32, #tpu.memory_space<vmem>>, vector<1x16xf32>,
        %get3A_527 = arith.index_cast %scan3A_285 : i32 to index
        %get3A_528 = arith.constant 432 : index
        %get3A_529 = tpu.vector_load %arg9[%get3A_527, %get3A_528] {strides = array<i32>} : memref<32x1024xf32, #tpu.memory_space<vmem>>, vector<1x16xf32>,
        %get3A_530 = vector.shape_cast %get3A_529 : vector<1x16xf32> to vector<16xf32>
        %swap3A_531 = arith.index_cast %scan3A_285 : i32 to index
        %swap3A_532 = arith.constant 432 : index
        %swap3A_533 = tpu.vector_load %arg8[%swap3A_531, %swap3A_532] {strides = array<i32>} : memref<32x1024xf32, #tpu.memory_space<vmem>>, vector<1x16xf32>,
        %swap3A_534 = vector.shape_cast %swap3A_533 : vector<1x16xf32> to vector<16xf32>
        %swap3A_535 = vector.shape_cast %get3A_530 : vector<16xf32> to vector<1x16xf32>
        tpu.vector_store %arg8[%swap3A_531, %swap3A_532], %swap3A_535 {add = true, strides = array<i32>} : memref<32x1024xf32, #tpu.memory_space<vmem>>, vector<1x16xf32>,
        %get3A_536 = arith.index_cast %scan3A_285 : i32 to index
        %get3A_537 = arith.constant 448 : index
        %get3A_538 = tpu.vector_load %arg9[%get3A_536, %get3A_537] {strides = array<i32>} : memref<32x1024xf32, #tpu.memory_space<vmem>>, vector<1x16xf32>,
        %get3A_539 = vector.shape_cast %get3A_538 : vector<1x16xf32> to vector<16xf32>
        %swap3A_540 = arith.index_cast %scan3A_285 : i32 to index
        %swap3A_541 = arith.constant 448 : index
        %swap3A_542 = tpu.vector_load %arg8[%swap3A_540, %swap3A_541] {strides = array<i32>} : memref<32x1024xf32, #tpu.memory_space<vmem>>, vector<1x16xf32>,
        %swap3A_543 = vector.shape_cast %swap3A_542 : vector<1x16xf32> to vector<16xf32>
        %swap3A_544 = vector.shape_cast %get3A_539 : vector<16xf32> to vector<1x16xf32>
        tpu.vector_store %arg8[%swap3A_540, %swap3A_541], %swap3A_544 {add = true, strides = array<i32>} : memref<32x1024xf32, #tpu.memory_space<vmem>>, vector<1x16xf32>,
        %get3A_545 = arith.index_cast %scan3A_285 : i32 to index
        %get3A_546 = arith.constant 464 : index
        %get3A_547 = tpu.vector_load %arg9[%get3A_545, %get3A_546] {strides = array<i32>} : memref<32x1024xf32, #tpu.memory_space<vmem>>, vector<1x16xf32>,
        %get3A_548 = vector.shape_cast %get3A_547 : vector<1x16xf32> to vector<16xf32>
        %swap3A_549 = arith.index_cast %scan3A_285 : i32 to index
        %swap3A_550 = arith.constant 464 : index
        %swap3A_551 = tpu.vector_load %arg8[%swap3A_549, %swap3A_550] {strides = array<i32>} : memref<32x1024xf32, #tpu.memory_space<vmem>>, vector<1x16xf32>,
        %swap3A_552 = vector.shape_cast %swap3A_551 : vector<1x16xf32> to vector<16xf32>
        %swap3A_553 = vector.shape_cast %get3A_548 : vector<16xf32> to vector<1x16xf32>
        tpu.vector_store %arg8[%swap3A_549, %swap3A_550], %swap3A_553 {add = true, strides = array<i32>} : memref<32x1024xf32, #tpu.memory_space<vmem>>, vector<1x16xf32>,
        %get3A_554 = arith.index_cast %scan3A_285 : i32 to index
        %get3A_555 = arith.constant 480 : index
        %get3A_556 = tpu.vector_load %arg9[%get3A_554, %get3A_555] {strides = array<i32>} : memref<32x1024xf32, #tpu.memory_space<vmem>>, vector<1x16xf32>,
        %get3A_557 = vector.shape_cast %get3A_556 : vector<1x16xf32> to vector<16xf32>
        %swap3A_558 = arith.index_cast %scan3A_285 : i32 to index
        %swap3A_559 = arith.constant 480 : index
        %swap3A_560 = tpu.vector_load %arg8[%swap3A_558, %swap3A_559] {strides = array<i32>} : memref<32x1024xf32, #tpu.memory_space<vmem>>, vector<1x16xf32>,
        %swap3A_561 = vector.shape_cast %swap3A_560 : vector<1x16xf32> to vector<16xf32>
        %swap3A_562 = vector.shape_cast %get3A_557 : vector<16xf32> to vector<1x16xf32>
        tpu.vector_store %arg8[%swap3A_558, %swap3A_559], %swap3A_562 {add = true, strides = array<i32>} : memref<32x1024xf32, #tpu.memory_space<vmem>>, vector<1x16xf32>,
        %get3A_563 = arith.index_cast %scan3A_285 : i32 to index
        %get3A_564 = arith.constant 496 : index
        %get3A_565 = tpu.vector_load %arg9[%get3A_563, %get3A_564] {strides = array<i32>} : memref<32x1024xf32, #tpu.memory_space<vmem>>, vector<1x16xf32>,
        %get3A_566 = vector.shape_cast %get3A_565 : vector<1x16xf32> to vector<16xf32>
        %swap3A_567 = arith.index_cast %scan3A_285 : i32 to index
        %swap3A_568 = arith.constant 496 : index
        %swap3A_569 = tpu.vector_load %arg8[%swap3A_567, %swap3A_568] {strides = array<i32>} : memref<32x1024xf32, #tpu.memory_space<vmem>>, vector<1x16xf32>,
        %swap3A_570 = vector.shape_cast %swap3A_569 : vector<1x16xf32> to vector<16xf32>
        %swap3A_571 = vector.shape_cast %get3A_566 : vector<16xf32> to vector<1x16xf32>
        tpu.vector_store %arg8[%swap3A_567, %swap3A_568], %swap3A_571 {add = true, strides = array<i32>} : memref<32x1024xf32, #tpu.memory_space<vmem>>, vector<1x16xf32>,
        %get3A_572 = arith.index_cast %scan3A_285 : i32 to index
        %get3A_573 = arith.constant 512 : index
        %get3A_574 = tpu.vector_load %arg9[%get3A_572, %get3A_573] {strides = array<i32>} : memref<32x1024xf32, #tpu.memory_space<vmem>>, vector<1x16xf32>,
        %get3A_575 = vector.shape_cast %get3A_574 : vector<1x16xf32> to vector<16xf32>
        %swap3A_576 = arith.index_cast %scan3A_285 : i32 to index
        %swap3A_577 = arith.constant 512 : index
        %swap3A_578 = tpu.vector_load %arg8[%swap3A_576, %swap3A_577] {strides = array<i32>} : memref<32x1024xf32, #tpu.memory_space<vmem>>, vector<1x16xf32>,
        %swap3A_579 = vector.shape_cast %swap3A_578 : vector<1x16xf32> to vector<16xf32>
        %swap3A_580 = vector.shape_cast %get3A_575 : vector<16xf32> to vector<1x16xf32>
        tpu.vector_store %arg8[%swap3A_576, %swap3A_577], %swap3A_580 {add = true, strides = array<i32>} : memref<32x1024xf32, #tpu.memory_space<vmem>>, vector<1x16xf32>,
        %get3A_581 = arith.index_cast %scan3A_285 : i32 to index
        %get3A_582 = arith.constant 528 : index
        %get3A_583 = tpu.vector_load %arg9[%get3A_581, %get3A_582] {strides = array<i32>} : memref<32x1024xf32, #tpu.memory_space<vmem>>, vector<1x16xf32>,
        %get3A_584 = vector.shape_cast %get3A_583 : vector<1x16xf32> to vector<16xf32>
        %swap3A_585 = arith.index_cast %scan3A_285 : i32 to index
        %swap3A_586 = arith.constant 528 : index
        %swap3A_587 = tpu.vector_load %arg8[%swap3A_585, %swap3A_586] {strides = array<i32>} : memref<32x1024xf32, #tpu.memory_space<vmem>>, vector<1x16xf32>,
        %swap3A_588 = vector.shape_cast %swap3A_587 : vector<1x16xf32> to vector<16xf32>
        %swap3A_589 = vector.shape_cast %get3A_584 : vector<16xf32> to vector<1x16xf32>
        tpu.vector_store %arg8[%swap3A_585, %swap3A_586], %swap3A_589 {add = true, strides = array<i32>} : memref<32x1024xf32, #tpu.memory_space<vmem>>, vector<1x16xf32>,
        %get3A_590 = arith.index_cast %scan3A_285 : i32 to index
        %get3A_591 = arith.constant 544 : index
        %get3A_592 = tpu.vector_load %arg9[%get3A_590, %get3A_591] {strides = array<i32>} : memref<32x1024xf32, #tpu.memory_space<vmem>>, vector<1x16xf32>,
        %get3A_593 = vector.shape_cast %get3A_592 : vector<1x16xf32> to vector<16xf32>
        %swap3A_594 = arith.index_cast %scan3A_285 : i32 to index
        %swap3A_595 = arith.constant 544 : index
        %swap3A_596 = tpu.vector_load %arg8[%swap3A_594, %swap3A_595] {strides = array<i32>} : memref<32x1024xf32, #tpu.memory_space<vmem>>, vector<1x16xf32>,
        %swap3A_597 = vector.shape_cast %swap3A_596 : vector<1x16xf32> to vector<16xf32>
        %swap3A_598 = vector.shape_cast %get3A_593 : vector<16xf32> to vector<1x16xf32>
        tpu.vector_store %arg8[%swap3A_594, %swap3A_595], %swap3A_598 {add = true, strides = array<i32>} : memref<32x1024xf32, #tpu.memory_space<vmem>>, vector<1x16xf32>,
        %get3A_599 = arith.index_cast %scan3A_285 : i32 to index
        %get3A_600 = arith.constant 560 : index
        %get3A_601 = tpu.vector_load %arg9[%get3A_599, %get3A_600] {strides = array<i32>} : memref<32x1024xf32, #tpu.memory_space<vmem>>, vector<1x16xf32>,
        %get3A_602 = vector.shape_cast %get3A_601 : vector<1x16xf32> to vector<16xf32>
        %swap3A_603 = arith.index_cast %scan3A_285 : i32 to index
        %swap3A_604 = arith.constant 560 : index
        %swap3A_605 = tpu.vector_load %arg8[%swap3A_603, %swap3A_604] {strides = array<i32>} : memref<32x1024xf32, #tpu.memory_space<vmem>>, vector<1x16xf32>,
        %swap3A_606 = vector.shape_cast %swap3A_605 : vector<1x16xf32> to vector<16xf32>
        %swap3A_607 = vector.shape_cast %get3A_602 : vector<16xf32> to vector<1x16xf32>
        tpu.vector_store %arg8[%swap3A_603, %swap3A_604], %swap3A_607 {add = true, strides = array<i32>} : memref<32x1024xf32, #tpu.memory_space<vmem>>, vector<1x16xf32>,
        %get3A_608 = arith.index_cast %scan3A_285 : i32 to index
        %get3A_609 = arith.constant 576 : index
        %get3A_610 = tpu.vector_load %arg9[%get3A_608, %get3A_609] {strides = array<i32>} : memref<32x1024xf32, #tpu.memory_space<vmem>>, vector<1x16xf32>,
        %get3A_611 = vector.shape_cast %get3A_610 : vector<1x16xf32> to vector<16xf32>
        %swap3A_612 = arith.index_cast %scan3A_285 : i32 to index
        %swap3A_613 = arith.constant 576 : index
        %swap3A_614 = tpu.vector_load %arg8[%swap3A_612, %swap3A_613] {strides = array<i32>} : memref<32x1024xf32, #tpu.memory_space<vmem>>, vector<1x16xf32>,
        %swap3A_615 = vector.shape_cast %swap3A_614 : vector<1x16xf32> to vector<16xf32>
        %swap3A_616 = vector.shape_cast %get3A_611 : vector<16xf32> to vector<1x16xf32>
        tpu.vector_store %arg8[%swap3A_612, %swap3A_613], %swap3A_616 {add = true, strides = array<i32>} : memref<32x1024xf32, #tpu.memory_space<vmem>>, vector<1x16xf32>,
        %get3A_617 = arith.index_cast %scan3A_285 : i32 to index
        %get3A_618 = arith.constant 592 : index
        %get3A_619 = tpu.vector_load %arg9[%get3A_617, %get3A_618] {strides = array<i32>} : memref<32x1024xf32, #tpu.memory_space<vmem>>, vector<1x16xf32>,
        %get3A_620 = vector.shape_cast %get3A_619 : vector<1x16xf32> to vector<16xf32>
        %swap3A_621 = arith.index_cast %scan3A_285 : i32 to index
        %swap3A_622 = arith.constant 592 : index
        %swap3A_623 = tpu.vector_load %arg8[%swap3A_621, %swap3A_622] {strides = array<i32>} : memref<32x1024xf32, #tpu.memory_space<vmem>>, vector<1x16xf32>,
        %swap3A_624 = vector.shape_cast %swap3A_623 : vector<1x16xf32> to vector<16xf32>
        %swap3A_625 = vector.shape_cast %get3A_620 : vector<16xf32> to vector<1x16xf32>
        tpu.vector_store %arg8[%swap3A_621, %swap3A_622], %swap3A_625 {add = true, strides = array<i32>} : memref<32x1024xf32, #tpu.memory_space<vmem>>, vector<1x16xf32>,
        %get3A_626 = arith.index_cast %scan3A_285 : i32 to index
        %get3A_627 = arith.constant 608 : index
        %get3A_628 = tpu.vector_load %arg9[%get3A_626, %get3A_627] {strides = array<i32>} : memref<32x1024xf32, #tpu.memory_space<vmem>>, vector<1x16xf32>,
        %get3A_629 = vector.shape_cast %get3A_628 : vector<1x16xf32> to vector<16xf32>
        %swap3A_630 = arith.index_cast %scan3A_285 : i32 to index
        %swap3A_631 = arith.constant 608 : index
        %swap3A_632 = tpu.vector_load %arg8[%swap3A_630, %swap3A_631] {strides = array<i32>} : memref<32x1024xf32, #tpu.memory_space<vmem>>, vector<1x16xf32>,
        %swap3A_633 = vector.shape_cast %swap3A_632 : vector<1x16xf32> to vector<16xf32>
        %swap3A_634 = vector.shape_cast %get3A_629 : vector<16xf32> to vector<1x16xf32>
        tpu.vector_store %arg8[%swap3A_630, %swap3A_631], %swap3A_634 {add = true, strides = array<i32>} : memref<32x1024xf32, #tpu.memory_space<vmem>>, vector<1x16xf32>,
        %get3A_635 = arith.index_cast %scan3A_285 : i32 to index
        %get3A_636 = arith.constant 624 : index
        %get3A_637 = tpu.vector_load %arg9[%get3A_635, %get3A_636] {strides = array<i32>} : memref<32x1024xf32, #tpu.memory_space<vmem>>, vector<1x16xf32>,
        %get3A_638 = vector.shape_cast %get3A_637 : vector<1x16xf32> to vector<16xf32>
        %swap3A_639 = arith.index_cast %scan3A_285 : i32 to index
        %swap3A_640 = arith.constant 624 : index
        %swap3A_641 = tpu.vector_load %arg8[%swap3A_639, %swap3A_640] {strides = array<i32>} : memref<32x1024xf32, #tpu.memory_space<vmem>>, vector<1x16xf32>,
        %swap3A_642 = vector.shape_cast %swap3A_641 : vector<1x16xf32> to vector<16xf32>
        %swap3A_643 = vector.shape_cast %get3A_638 : vector<16xf32> to vector<1x16xf32>
        tpu.vector_store %arg8[%swap3A_639, %swap3A_640], %swap3A_643 {add = true, strides = array<i32>} : memref<32x1024xf32, #tpu.memory_space<vmem>>, vector<1x16xf32>,
        %get3A_644 = arith.index_cast %scan3A_285 : i32 to index
        %get3A_645 = arith.constant 640 : index
        %get3A_646 = tpu.vector_load %arg9[%get3A_644, %get3A_645] {strides = array<i32>} : memref<32x1024xf32, #tpu.memory_space<vmem>>, vector<1x16xf32>,
        %get3A_647 = vector.shape_cast %get3A_646 : vector<1x16xf32> to vector<16xf32>
        %swap3A_648 = arith.index_cast %scan3A_285 : i32 to index
        %swap3A_649 = arith.constant 640 : index
        %swap3A_650 = tpu.vector_load %arg8[%swap3A_648, %swap3A_649] {strides = array<i32>} : memref<32x1024xf32, #tpu.memory_space<vmem>>, vector<1x16xf32>,
        %swap3A_651 = vector.shape_cast %swap3A_650 : vector<1x16xf32> to vector<16xf32>
        %swap3A_652 = vector.shape_cast %get3A_647 : vector<16xf32> to vector<1x16xf32>
        tpu.vector_store %arg8[%swap3A_648, %swap3A_649], %swap3A_652 {add = true, strides = array<i32>} : memref<32x1024xf32, #tpu.memory_space<vmem>>, vector<1x16xf32>,
        %get3A_653 = arith.index_cast %scan3A_285 : i32 to index
        %get3A_654 = arith.constant 656 : index
        %get3A_655 = tpu.vector_load %arg9[%get3A_653, %get3A_654] {strides = array<i32>} : memref<32x1024xf32, #tpu.memory_space<vmem>>, vector<1x16xf32>,
        %get3A_656 = vector.shape_cast %get3A_655 : vector<1x16xf32> to vector<16xf32>
        %swap3A_657 = arith.index_cast %scan3A_285 : i32 to index
        %swap3A_658 = arith.constant 656 : index
        %swap3A_659 = tpu.vector_load %arg8[%swap3A_657, %swap3A_658] {strides = array<i32>} : memref<32x1024xf32, #tpu.memory_space<vmem>>, vector<1x16xf32>,
        %swap3A_660 = vector.shape_cast %swap3A_659 : vector<1x16xf32> to vector<16xf32>
        %swap3A_661 = vector.shape_cast %get3A_656 : vector<16xf32> to vector<1x16xf32>
        tpu.vector_store %arg8[%swap3A_657, %swap3A_658], %swap3A_661 {add = true, strides = array<i32>} : memref<32x1024xf32, #tpu.memory_space<vmem>>, vector<1x16xf32>,
        %get3A_662 = arith.index_cast %scan3A_285 : i32 to index
        %get3A_663 = arith.constant 672 : index
        %get3A_664 = tpu.vector_load %arg9[%get3A_662, %get3A_663] {strides = array<i32>} : memref<32x1024xf32, #tpu.memory_space<vmem>>, vector<1x16xf32>,
        %get3A_665 = vector.shape_cast %get3A_664 : vector<1x16xf32> to vector<16xf32>
        %swap3A_666 = arith.index_cast %scan3A_285 : i32 to index
        %swap3A_667 = arith.constant 672 : index
        %swap3A_668 = tpu.vector_load %arg8[%swap3A_666, %swap3A_667] {strides = array<i32>} : memref<32x1024xf32, #tpu.memory_space<vmem>>, vector<1x16xf32>,
        %swap3A_669 = vector.shape_cast %swap3A_668 : vector<1x16xf32> to vector<16xf32>
        %swap3A_670 = vector.shape_cast %get3A_665 : vector<16xf32> to vector<1x16xf32>
        tpu.vector_store %arg8[%swap3A_666, %swap3A_667], %swap3A_670 {add = true, strides = array<i32>} : memref<32x1024xf32, #tpu.memory_space<vmem>>, vector<1x16xf32>,
        %get3A_671 = arith.index_cast %scan3A_285 : i32 to index
        %get3A_672 = arith.constant 688 : index
        %get3A_673 = tpu.vector_load %arg9[%get3A_671, %get3A_672] {strides = array<i32>} : memref<32x1024xf32, #tpu.memory_space<vmem>>, vector<1x16xf32>,
        %get3A_674 = vector.shape_cast %get3A_673 : vector<1x16xf32> to vector<16xf32>
        %swap3A_675 = arith.index_cast %scan3A_285 : i32 to index
        %swap3A_676 = arith.constant 688 : index
        %swap3A_677 = tpu.vector_load %arg8[%swap3A_675, %swap3A_676] {strides = array<i32>} : memref<32x1024xf32, #tpu.memory_space<vmem>>, vector<1x16xf32>,
        %swap3A_678 = vector.shape_cast %swap3A_677 : vector<1x16xf32> to vector<16xf32>
        %swap3A_679 = vector.shape_cast %get3A_674 : vector<16xf32> to vector<1x16xf32>
        tpu.vector_store %arg8[%swap3A_675, %swap3A_676], %swap3A_679 {add = true, strides = array<i32>} : memref<32x1024xf32, #tpu.memory_space<vmem>>, vector<1x16xf32>,
        %get3A_680 = arith.index_cast %scan3A_285 : i32 to index
        %get3A_681 = arith.constant 704 : index
        %get3A_682 = tpu.vector_load %arg9[%get3A_680, %get3A_681] {strides = array<i32>} : memref<32x1024xf32, #tpu.memory_space<vmem>>, vector<1x16xf32>,
        %get3A_683 = vector.shape_cast %get3A_682 : vector<1x16xf32> to vector<16xf32>
        %swap3A_684 = arith.index_cast %scan3A_285 : i32 to index
        %swap3A_685 = arith.constant 704 : index
        %swap3A_686 = tpu.vector_load %arg8[%swap3A_684, %swap3A_685] {strides = array<i32>} : memref<32x1024xf32, #tpu.memory_space<vmem>>, vector<1x16xf32>,
        %swap3A_687 = vector.shape_cast %swap3A_686 : vector<1x16xf32> to vector<16xf32>
        %swap3A_688 = vector.shape_cast %get3A_683 : vector<16xf32> to vector<1x16xf32>
        tpu.vector_store %arg8[%swap3A_684, %swap3A_685], %swap3A_688 {add = true, strides = array<i32>} : memref<32x1024xf32, #tpu.memory_space<vmem>>, vector<1x16xf32>,
        %get3A_689 = arith.index_cast %scan3A_285 : i32 to index
        %get3A_690 = arith.constant 720 : index
        %get3A_691 = tpu.vector_load %arg9[%get3A_689, %get3A_690] {strides = array<i32>} : memref<32x1024xf32, #tpu.memory_space<vmem>>, vector<1x16xf32>,
        %get3A_692 = vector.shape_cast %get3A_691 : vector<1x16xf32> to vector<16xf32>
        %swap3A_693 = arith.index_cast %scan3A_285 : i32 to index
        %swap3A_694 = arith.constant 720 : index
        %swap3A_695 = tpu.vector_load %arg8[%swap3A_693, %swap3A_694] {strides = array<i32>} : memref<32x1024xf32, #tpu.memory_space<vmem>>, vector<1x16xf32>,
        %swap3A_696 = vector.shape_cast %swap3A_695 : vector<1x16xf32> to vector<16xf32>
        %swap3A_697 = vector.shape_cast %get3A_692 : vector<16xf32> to vector<1x16xf32>
        tpu.vector_store %arg8[%swap3A_693, %swap3A_694], %swap3A_697 {add = true, strides = array<i32>} : memref<32x1024xf32, #tpu.memory_space<vmem>>, vector<1x16xf32>,
        %get3A_698 = arith.index_cast %scan3A_285 : i32 to index
        %get3A_699 = arith.constant 736 : index
        %get3A_700 = tpu.vector_load %arg9[%get3A_698, %get3A_699] {strides = array<i32>} : memref<32x1024xf32, #tpu.memory_space<vmem>>, vector<1x16xf32>,
        %get3A_701 = vector.shape_cast %get3A_700 : vector<1x16xf32> to vector<16xf32>
        %swap3A_702 = arith.index_cast %scan3A_285 : i32 to index
        %swap3A_703 = arith.constant 736 : index
        %swap3A_704 = tpu.vector_load %arg8[%swap3A_702, %swap3A_703] {strides = array<i32>} : memref<32x1024xf32, #tpu.memory_space<vmem>>, vector<1x16xf32>,
        %swap3A_705 = vector.shape_cast %swap3A_704 : vector<1x16xf32> to vector<16xf32>
        %swap3A_706 = vector.shape_cast %get3A_701 : vector<16xf32> to vector<1x16xf32>
        tpu.vector_store %arg8[%swap3A_702, %swap3A_703], %swap3A_706 {add = true, strides = array<i32>} : memref<32x1024xf32, #tpu.memory_space<vmem>>, vector<1x16xf32>,
        %get3A_707 = arith.index_cast %scan3A_285 : i32 to index
        %get3A_708 = arith.constant 752 : index
        %get3A_709 = tpu.vector_load %arg9[%get3A_707, %get3A_708] {strides = array<i32>} : memref<32x1024xf32, #tpu.memory_space<vmem>>, vector<1x16xf32>,
        %get3A_710 = vector.shape_cast %get3A_709 : vector<1x16xf32> to vector<16xf32>
        %swap3A_711 = arith.index_cast %scan3A_285 : i32 to index
        %swap3A_712 = arith.constant 752 : index
        %swap3A_713 = tpu.vector_load %arg8[%swap3A_711, %swap3A_712] {strides = array<i32>} : memref<32x1024xf32, #tpu.memory_space<vmem>>, vector<1x16xf32>,
        %swap3A_714 = vector.shape_cast %swap3A_713 : vector<1x16xf32> to vector<16xf32>
        %swap3A_715 = vector.shape_cast %get3A_710 : vector<16xf32> to vector<1x16xf32>
        tpu.vector_store %arg8[%swap3A_711, %swap3A_712], %swap3A_715 {add = true, strides = array<i32>} : memref<32x1024xf32, #tpu.memory_space<vmem>>, vector<1x16xf32>,
        %get3A_716 = arith.index_cast %scan3A_285 : i32 to index
        %get3A_717 = arith.constant 768 : index
        %get3A_718 = tpu.vector_load %arg9[%get3A_716, %get3A_717] {strides = array<i32>} : memref<32x1024xf32, #tpu.memory_space<vmem>>, vector<1x16xf32>,
        %get3A_719 = vector.shape_cast %get3A_718 : vector<1x16xf32> to vector<16xf32>
        %swap3A_720 = arith.index_cast %scan3A_285 : i32 to index
        %swap3A_721 = arith.constant 768 : index
        %swap3A_722 = tpu.vector_load %arg8[%swap3A_720, %swap3A_721] {strides = array<i32>} : memref<32x1024xf32, #tpu.memory_space<vmem>>, vector<1x16xf32>,
        %swap3A_723 = vector.shape_cast %swap3A_722 : vector<1x16xf32> to vector<16xf32>
        %swap3A_724 = vector.shape_cast %get3A_719 : vector<16xf32> to vector<1x16xf32>
        tpu.vector_store %arg8[%swap3A_720, %swap3A_721], %swap3A_724 {add = true, strides = array<i32>} : memref<32x1024xf32, #tpu.memory_space<vmem>>, vector<1x16xf32>,
        %get3A_725 = arith.index_cast %scan3A_285 : i32 to index
        %get3A_726 = arith.constant 784 : index
        %get3A_727 = tpu.vector_load %arg9[%get3A_725, %get3A_726] {strides = array<i32>} : memref<32x1024xf32, #tpu.memory_space<vmem>>, vector<1x16xf32>,
        %get3A_728 = vector.shape_cast %get3A_727 : vector<1x16xf32> to vector<16xf32>
        %swap3A_729 = arith.index_cast %scan3A_285 : i32 to index
        %swap3A_730 = arith.constant 784 : index
        %swap3A_731 = tpu.vector_load %arg8[%swap3A_729, %swap3A_730] {strides = array<i32>} : memref<32x1024xf32, #tpu.memory_space<vmem>>, vector<1x16xf32>,
        %swap3A_732 = vector.shape_cast %swap3A_731 : vector<1x16xf32> to vector<16xf32>
        %swap3A_733 = vector.shape_cast %get3A_728 : vector<16xf32> to vector<1x16xf32>
        tpu.vector_store %arg8[%swap3A_729, %swap3A_730], %swap3A_733 {add = true, strides = array<i32>} : memref<32x1024xf32, #tpu.memory_space<vmem>>, vector<1x16xf32>,
        %get3A_734 = arith.index_cast %scan3A_285 : i32 to index
        %get3A_735 = arith.constant 800 : index
        %get3A_736 = tpu.vector_load %arg9[%get3A_734, %get3A_735] {strides = array<i32>} : memref<32x1024xf32, #tpu.memory_space<vmem>>, vector<1x16xf32>,
        %get3A_737 = vector.shape_cast %get3A_736 : vector<1x16xf32> to vector<16xf32>
        %swap3A_738 = arith.index_cast %scan3A_285 : i32 to index
        %swap3A_739 = arith.constant 800 : index
        %swap3A_740 = tpu.vector_load %arg8[%swap3A_738, %swap3A_739] {strides = array<i32>} : memref<32x1024xf32, #tpu.memory_space<vmem>>, vector<1x16xf32>,
        %swap3A_741 = vector.shape_cast %swap3A_740 : vector<1x16xf32> to vector<16xf32>
        %swap3A_742 = vector.shape_cast %get3A_737 : vector<16xf32> to vector<1x16xf32>
        tpu.vector_store %arg8[%swap3A_738, %swap3A_739], %swap3A_742 {add = true, strides = array<i32>} : memref<32x1024xf32, #tpu.memory_space<vmem>>, vector<1x16xf32>,
        %get3A_743 = arith.index_cast %scan3A_285 : i32 to index
        %get3A_744 = arith.constant 816 : index
        %get3A_745 = tpu.vector_load %arg9[%get3A_743, %get3A_744] {strides = array<i32>} : memref<32x1024xf32, #tpu.memory_space<vmem>>, vector<1x16xf32>,
        %get3A_746 = vector.shape_cast %get3A_745 : vector<1x16xf32> to vector<16xf32>
        %swap3A_747 = arith.index_cast %scan3A_285 : i32 to index
        %swap3A_748 = arith.constant 816 : index
        %swap3A_749 = tpu.vector_load %arg8[%swap3A_747, %swap3A_748] {strides = array<i32>} : memref<32x1024xf32, #tpu.memory_space<vmem>>, vector<1x16xf32>,
        %swap3A_750 = vector.shape_cast %swap3A_749 : vector<1x16xf32> to vector<16xf32>
        %swap3A_751 = vector.shape_cast %get3A_746 : vector<16xf32> to vector<1x16xf32>
        tpu.vector_store %arg8[%swap3A_747, %swap3A_748], %swap3A_751 {add = true, strides = array<i32>} : memref<32x1024xf32, #tpu.memory_space<vmem>>, vector<1x16xf32>,
        %get3A_752 = arith.index_cast %scan3A_285 : i32 to index
        %get3A_753 = arith.constant 832 : index
        %get3A_754 = tpu.vector_load %arg9[%get3A_752, %get3A_753] {strides = array<i32>} : memref<32x1024xf32, #tpu.memory_space<vmem>>, vector<1x16xf32>,
        %get3A_755 = vector.shape_cast %get3A_754 : vector<1x16xf32> to vector<16xf32>
        %swap3A_756 = arith.index_cast %scan3A_285 : i32 to index
        %swap3A_757 = arith.constant 832 : index
        %swap3A_758 = tpu.vector_load %arg8[%swap3A_756, %swap3A_757] {strides = array<i32>} : memref<32x1024xf32, #tpu.memory_space<vmem>>, vector<1x16xf32>,
        %swap3A_759 = vector.shape_cast %swap3A_758 : vector<1x16xf32> to vector<16xf32>
        %swap3A_760 = vector.shape_cast %get3A_755 : vector<16xf32> to vector<1x16xf32>
        tpu.vector_store %arg8[%swap3A_756, %swap3A_757], %swap3A_760 {add = true, strides = array<i32>} : memref<32x1024xf32, #tpu.memory_space<vmem>>, vector<1x16xf32>,
        %get3A_761 = arith.index_cast %scan3A_285 : i32 to index
        %get3A_762 = arith.constant 848 : index
        %get3A_763 = tpu.vector_load %arg9[%get3A_761, %get3A_762] {strides = array<i32>} : memref<32x1024xf32, #tpu.memory_space<vmem>>, vector<1x16xf32>,
        %get3A_764 = vector.shape_cast %get3A_763 : vector<1x16xf32> to vector<16xf32>
        %swap3A_765 = arith.index_cast %scan3A_285 : i32 to index
        %swap3A_766 = arith.constant 848 : index
        %swap3A_767 = tpu.vector_load %arg8[%swap3A_765, %swap3A_766] {strides = array<i32>} : memref<32x1024xf32, #tpu.memory_space<vmem>>, vector<1x16xf32>,
        %swap3A_768 = vector.shape_cast %swap3A_767 : vector<1x16xf32> to vector<16xf32>
        %swap3A_769 = vector.shape_cast %get3A_764 : vector<16xf32> to vector<1x16xf32>
        tpu.vector_store %arg8[%swap3A_765, %swap3A_766], %swap3A_769 {add = true, strides = array<i32>} : memref<32x1024xf32, #tpu.memory_space<vmem>>, vector<1x16xf32>,
        %get3A_770 = arith.index_cast %scan3A_285 : i32 to index
        %get3A_771 = arith.constant 864 : index
        %get3A_772 = tpu.vector_load %arg9[%get3A_770, %get3A_771] {strides = array<i32>} : memref<32x1024xf32, #tpu.memory_space<vmem>>, vector<1x16xf32>,
        %get3A_773 = vector.shape_cast %get3A_772 : vector<1x16xf32> to vector<16xf32>
        %swap3A_774 = arith.index_cast %scan3A_285 : i32 to index
        %swap3A_775 = arith.constant 864 : index
        %swap3A_776 = tpu.vector_load %arg8[%swap3A_774, %swap3A_775] {strides = array<i32>} : memref<32x1024xf32, #tpu.memory_space<vmem>>, vector<1x16xf32>,
        %swap3A_777 = vector.shape_cast %swap3A_776 : vector<1x16xf32> to vector<16xf32>
        %swap3A_778 = vector.shape_cast %get3A_773 : vector<16xf32> to vector<1x16xf32>
        tpu.vector_store %arg8[%swap3A_774, %swap3A_775], %swap3A_778 {add = true, strides = array<i32>} : memref<32x1024xf32, #tpu.memory_space<vmem>>, vector<1x16xf32>,
        %get3A_779 = arith.index_cast %scan3A_285 : i32 to index
        %get3A_780 = arith.constant 880 : index
        %get3A_781 = tpu.vector_load %arg9[%get3A_779, %get3A_780] {strides = array<i32>} : memref<32x1024xf32, #tpu.memory_space<vmem>>, vector<1x16xf32>,
        %get3A_782 = vector.shape_cast %get3A_781 : vector<1x16xf32> to vector<16xf32>
        %swap3A_783 = arith.index_cast %scan3A_285 : i32 to index
        %swap3A_784 = arith.constant 880 : index
        %swap3A_785 = tpu.vector_load %arg8[%swap3A_783, %swap3A_784] {strides = array<i32>} : memref<32x1024xf32, #tpu.memory_space<vmem>>, vector<1x16xf32>,
        %swap3A_786 = vector.shape_cast %swap3A_785 : vector<1x16xf32> to vector<16xf32>
        %swap3A_787 = vector.shape_cast %get3A_782 : vector<16xf32> to vector<1x16xf32>
        tpu.vector_store %arg8[%swap3A_783, %swap3A_784], %swap3A_787 {add = true, strides = array<i32>} : memref<32x1024xf32, #tpu.memory_space<vmem>>, vector<1x16xf32>,
        %get3A_788 = arith.index_cast %scan3A_285 : i32 to index
        %get3A_789 = arith.constant 896 : index
        %get3A_790 = tpu.vector_load %arg9[%get3A_788, %get3A_789] {strides = array<i32>} : memref<32x1024xf32, #tpu.memory_space<vmem>>, vector<1x16xf32>,
        %get3A_791 = vector.shape_cast %get3A_790 : vector<1x16xf32> to vector<16xf32>
        %swap3A_792 = arith.index_cast %scan3A_285 : i32 to index
        %swap3A_793 = arith.constant 896 : index
        %swap3A_794 = tpu.vector_load %arg8[%swap3A_792, %swap3A_793] {strides = array<i32>} : memref<32x1024xf32, #tpu.memory_space<vmem>>, vector<1x16xf32>,
        %swap3A_795 = vector.shape_cast %swap3A_794 : vector<1x16xf32> to vector<16xf32>
        %swap3A_796 = vector.shape_cast %get3A_791 : vector<16xf32> to vector<1x16xf32>
        tpu.vector_store %arg8[%swap3A_792, %swap3A_793], %swap3A_796 {add = true, strides = array<i32>} : memref<32x1024xf32, #tpu.memory_space<vmem>>, vector<1x16xf32>,
        %get3A_797 = arith.index_cast %scan3A_285 : i32 to index
        %get3A_798 = arith.constant 912 : index
        %get3A_799 = tpu.vector_load %arg9[%get3A_797, %get3A_798] {strides = array<i32>} : memref<32x1024xf32, #tpu.memory_space<vmem>>, vector<1x16xf32>,
        %get3A_800 = vector.shape_cast %get3A_799 : vector<1x16xf32> to vector<16xf32>
        %swap3A_801 = arith.index_cast %scan3A_285 : i32 to index
        %swap3A_802 = arith.constant 912 : index
        %swap3A_803 = tpu.vector_load %arg8[%swap3A_801, %swap3A_802] {strides = array<i32>} : memref<32x1024xf32, #tpu.memory_space<vmem>>, vector<1x16xf32>,
        %swap3A_804 = vector.shape_cast %swap3A_803 : vector<1x16xf32> to vector<16xf32>
        %swap3A_805 = vector.shape_cast %get3A_800 : vector<16xf32> to vector<1x16xf32>
        tpu.vector_store %arg8[%swap3A_801, %swap3A_802], %swap3A_805 {add = true, strides = array<i32>} : memref<32x1024xf32, #tpu.memory_space<vmem>>, vector<1x16xf32>,
        %get3A_806 = arith.index_cast %scan3A_285 : i32 to index
        %get3A_807 = arith.constant 928 : index
        %get3A_808 = tpu.vector_load %arg9[%get3A_806, %get3A_807] {strides = array<i32>} : memref<32x1024xf32, #tpu.memory_space<vmem>>, vector<1x16xf32>,
        %get3A_809 = vector.shape_cast %get3A_808 : vector<1x16xf32> to vector<16xf32>
        %swap3A_810 = arith.index_cast %scan3A_285 : i32 to index
        %swap3A_811 = arith.constant 928 : index
        %swap3A_812 = tpu.vector_load %arg8[%swap3A_810, %swap3A_811] {strides = array<i32>} : memref<32x1024xf32, #tpu.memory_space<vmem>>, vector<1x16xf32>,
        %swap3A_813 = vector.shape_cast %swap3A_812 : vector<1x16xf32> to vector<16xf32>
        %swap3A_814 = vector.shape_cast %get3A_809 : vector<16xf32> to vector<1x16xf32>
        tpu.vector_store %arg8[%swap3A_810, %swap3A_811], %swap3A_814 {add = true, strides = array<i32>} : memref<32x1024xf32, #tpu.memory_space<vmem>>, vector<1x16xf32>,
        %get3A_815 = arith.index_cast %scan3A_285 : i32 to index
        %get3A_816 = arith.constant 944 : index
        %get3A_817 = tpu.vector_load %arg9[%get3A_815, %get3A_816] {strides = array<i32>} : memref<32x1024xf32, #tpu.memory_space<vmem>>, vector<1x16xf32>,
        %get3A_818 = vector.shape_cast %get3A_817 : vector<1x16xf32> to vector<16xf32>
        %swap3A_819 = arith.index_cast %scan3A_285 : i32 to index
        %swap3A_820 = arith.constant 944 : index
        %swap3A_821 = tpu.vector_load %arg8[%swap3A_819, %swap3A_820] {strides = array<i32>} : memref<32x1024xf32, #tpu.memory_space<vmem>>, vector<1x16xf32>,
        %swap3A_822 = vector.shape_cast %swap3A_821 : vector<1x16xf32> to vector<16xf32>
        %swap3A_823 = vector.shape_cast %get3A_818 : vector<16xf32> to vector<1x16xf32>
        tpu.vector_store %arg8[%swap3A_819, %swap3A_820], %swap3A_823 {add = true, strides = array<i32>} : memref<32x1024xf32, #tpu.memory_space<vmem>>, vector<1x16xf32>,
        %get3A_824 = arith.index_cast %scan3A_285 : i32 to index
        %get3A_825 = arith.constant 960 : index
        %get3A_826 = tpu.vector_load %arg9[%get3A_824, %get3A_825] {strides = array<i32>} : memref<32x1024xf32, #tpu.memory_space<vmem>>, vector<1x16xf32>,
        %get3A_827 = vector.shape_cast %get3A_826 : vector<1x16xf32> to vector<16xf32>
        %swap3A_828 = arith.index_cast %scan3A_285 : i32 to index
        %swap3A_829 = arith.constant 960 : index
        %swap3A_830 = tpu.vector_load %arg8[%swap3A_828, %swap3A_829] {strides = array<i32>} : memref<32x1024xf32, #tpu.memory_space<vmem>>, vector<1x16xf32>,
        %swap3A_831 = vector.shape_cast %swap3A_830 : vector<1x16xf32> to vector<16xf32>
        %swap3A_832 = vector.shape_cast %get3A_827 : vector<16xf32> to vector<1x16xf32>
        tpu.vector_store %arg8[%swap3A_828, %swap3A_829], %swap3A_832 {add = true, strides = array<i32>} : memref<32x1024xf32, #tpu.memory_space<vmem>>, vector<1x16xf32>,
        %get3A_833 = arith.index_cast %scan3A_285 : i32 to index
        %get3A_834 = arith.constant 976 : index
        %get3A_835 = tpu.vector_load %arg9[%get3A_833, %get3A_834] {strides = array<i32>} : memref<32x1024xf32, #tpu.memory_space<vmem>>, vector<1x16xf32>,
        %get3A_836 = vector.shape_cast %get3A_835 : vector<1x16xf32> to vector<16xf32>
        %swap3A_837 = arith.index_cast %scan3A_285 : i32 to index
        %swap3A_838 = arith.constant 976 : index
        %swap3A_839 = tpu.vector_load %arg8[%swap3A_837, %swap3A_838] {strides = array<i32>} : memref<32x1024xf32, #tpu.memory_space<vmem>>, vector<1x16xf32>,
        %swap3A_840 = vector.shape_cast %swap3A_839 : vector<1x16xf32> to vector<16xf32>
        %swap3A_841 = vector.shape_cast %get3A_836 : vector<16xf32> to vector<1x16xf32>
        tpu.vector_store %arg8[%swap3A_837, %swap3A_838], %swap3A_841 {add = true, strides = array<i32>} : memref<32x1024xf32, #tpu.memory_space<vmem>>, vector<1x16xf32>,
        %get3A_842 = arith.index_cast %scan3A_285 : i32 to index
        %get3A_843 = arith.constant 992 : index
        %get3A_844 = tpu.vector_load %arg9[%get3A_842, %get3A_843] {strides = array<i32>} : memref<32x1024xf32, #tpu.memory_space<vmem>>, vector<1x16xf32>,
        %get3A_845 = vector.shape_cast %get3A_844 : vector<1x16xf32> to vector<16xf32>
        %swap3A_846 = arith.index_cast %scan3A_285 : i32 to index
        %swap3A_847 = arith.constant 992 : index
        %swap3A_848 = tpu.vector_load %arg8[%swap3A_846, %swap3A_847] {strides = array<i32>} : memref<32x1024xf32, #tpu.memory_space<vmem>>, vector<1x16xf32>,
        %swap3A_849 = vector.shape_cast %swap3A_848 : vector<1x16xf32> to vector<16xf32>
        %swap3A_850 = vector.shape_cast %get3A_845 : vector<16xf32> to vector<1x16xf32>
        tpu.vector_store %arg8[%swap3A_846, %swap3A_847], %swap3A_850 {add = true, strides = array<i32>} : memref<32x1024xf32, #tpu.memory_space<vmem>>, vector<1x16xf32>,
        %get3A_851 = arith.index_cast %scan3A_285 : i32 to index
        %get3A_852 = arith.constant 1008 : index
        %get3A_853 = tpu.vector_load %arg9[%get3A_851, %get3A_852] {strides = array<i32>} : memref<32x1024xf32, #tpu.memory_space<vmem>>, vector<1x16xf32>,
        %get3A_854 = vector.shape_cast %get3A_853 : vector<1x16xf32> to vector<16xf32>
        %swap3A_855 = arith.index_cast %scan3A_285 : i32 to index
        %swap3A_856 = arith.constant 1008 : index
        %swap3A_857 = tpu.vector_load %arg8[%swap3A_855, %swap3A_856] {strides = array<i32>} : memref<32x1024xf32, #tpu.memory_space<vmem>>, vector<1x16xf32>,
        %swap3A_858 = vector.shape_cast %swap3A_857 : vector<1x16xf32> to vector<16xf32>
        %swap3A_859 = vector.shape_cast %get3A_854 : vector<16xf32> to vector<1x16xf32>
        tpu.vector_store %arg8[%swap3A_855, %swap3A_856], %swap3A_859 {add = true, strides = array<i32>} : memref<32x1024xf32, #tpu.memory_space<vmem>>, vector<1x16xf32>,
      }
      %scan3A_275 = arith.constant 32 : i32
      %add3A_276 = arith.constant 1 : i32
      %add3A_277 = arith.addi %mul3A_222, %add3A_276 : i32
      %mul3A_278 = arith.constant 2048 : i32
      %mul3A_279 = arith.muli %add3A_277, %mul3A_278 : i32
      %add3A_280 = arith.addi %mul3A_279, %mul3A_112 : i32
      %dma_start3A_281 = arith.constant 0 : i32
      %dma_start3A_282 = tpu.memref_slice %arg5[%add3A_280, %dma_start3A_281] : memref<8192x1024xf32, #tpu.memory_space<hbm>> -> memref<32x1024xf32, #tpu.memory_space<hbm>>
      %dma_start3A_283 = arith.constant 0 : i32
      %dma_start3A_284 = tpu.memref_slice %arg5[%add3A_280, %dma_start3A_283] : memref<8192x1024xf32, #tpu.memory_space<hbm>> -> memref<32x1024xf32, #tpu.memory_space<hbm>>
      tpu.enqueue_dma source(%arg8 : memref<32x1024xf32, #tpu.memory_space<vmem>>) target(%dma_start3A_284 : memref<32x1024xf32, #tpu.memory_space<hbm>>) target_semaphore(%arg13 : memref<!tpu.dma_semaphore, #tpu.memory_space<semaphore_mem>>)
    }
    %scan3A_213 = arith.constant 2 : i32
    %dma_wait3A_214 = arith.constant 0 : i32
    %dma_wait3A_215 = arith.constant 0 : i32
    %dma_wait3A_216 = tpu.memref_slice %arg5[%dma_wait3A_214, %dma_wait3A_215] : memref<8192x1024xf32, #tpu.memory_space<hbm>> -> memref<32x1024xf32, #tpu.memory_space<hbm>>
    %dma_wait3A_217 = arith.constant 0 : i32
    %dma_wait3A_218 = arith.constant 0 : i32
    %dma_wait3A_219 = tpu.memref_slice %arg5[%dma_wait3A_217, %dma_wait3A_218] : memref<8192x1024xf32, #tpu.memory_space<hbm>> -> memref<32x1024xf32, #tpu.memory_space<hbm>>
    tpu.wait_dma2 semaphore(%arg13 : memref<!tpu.dma_semaphore, #tpu.memory_space<semaphore_mem>>) src(%arg8 : memref<32x1024xf32, #tpu.memory_space<vmem>>) dst(%dma_wait3A_219 : memref<32x1024xf32, #tpu.memory_space<hbm>>)
    return
  }
}

module attributes {stable_mosaic.version = 14 : i64} {
  func.func @_tc_body(%arg0: i32, %arg1: memref<2048x1xi32, #tpu.memory_space<vmem>>, %arg2: memref<128x1024xf32, #tpu.memory_space<vmem>>, %arg3: memref<2048x1024xf32, #tpu.memory_space<vmem>>, %arg4: memref<2048x1024xf32, #tpu.memory_space<vmem>>) attributes {dimension_semantics = [#tpu.dimension_semantics<arbitrary>], iteration_bounds = array<i64: 28>, scalar_prefetch = 0 : i64, scratch_operands = 0 : i64, tpu.core_type = #tpu.core_type<tc>, window_params = [{transform_indices = @transform_0, window_bounds = array<i64: 2048, 1>}, {pipeline_mode = #tpu.pipeline_mode<synchronous>, transform_indices = @transform_1, window_bounds = array<i64: 128, 1024>}, {pipeline_mode = #tpu.pipeline_mode<synchronous>, transform_indices = @transform_2, window_bounds = array<i64: 2048, 1024>}, {transform_indices = @transform_3, window_bounds = array<i64: 2048, 1024>}]} {
    %get3A = arith.constant 0 : index
    %get3A_0 = arith.constant 0 : index
    %get3A_1 = vector.load %arg1[%get3A, %get3A_0] : memref<2048x1xi32, #tpu.memory_space<vmem>>, vector<2048x1xi32>
    %iota3A = tpu.iota {dimensions = array<i32: 1>} : vector<2048x128xi32>
    %eq3A = vector.broadcast %get3A_1 : vector<2048x1xi32> to vector<2048x128xi32>
    %eq3A_2 = arith.cmpi eq, %iota3A, %eq3A : vector<2048x128xi32>
    %convert_element_type3A = arith.extui %eq3A_2 : vector<2048x128xi1> to vector<2048x128xi32>
    %convert_element_type3A_3 = arith.sitofp %convert_element_type3A : vector<2048x128xi32> to vector<2048x128xf32>
    %get3A_4 = arith.constant 0 : index
    %get3A_5 = arith.constant 0 : index
    %get3A_6 = vector.load %arg2[%get3A_4, %get3A_5] : memref<128x1024xf32, #tpu.memory_space<vmem>>, vector<128x1024xf32>
    %dot_general3A = arith.constant dense<0.000000e+00> : vector<2048x1024xf32>
    %dot_general3A_7 = tpu.matmul %convert_element_type3A_3, %get3A_6, %dot_general3A {dimension_numbers = #tpu.dot_dimension_numbers<[1], [0], [0], [1], [0, 0, 1, 1], [], []>, transpose_lhs_hint = false} : vector<2048x128xf32>, vector<128x1024xf32>, vector<2048x1024xf32> -> vector<2048x1024xf32>
    %get3A_8 = arith.constant 0 : index
    %get3A_9 = arith.constant 0 : index
    %get3A_10 = vector.load %arg3[%get3A_8, %get3A_9] : memref<2048x1024xf32, #tpu.memory_space<vmem>>, vector<2048x1024xf32>
    %add3A = arith.addf %dot_general3A_7, %get3A_10 : vector<2048x1024xf32>
    %swap3A = arith.constant 0 : index
    %swap3A_11 = arith.constant 0 : index
    %swap3A_12 = vector.load %arg4[%swap3A, %swap3A_11] : memref<2048x1024xf32, #tpu.memory_space<vmem>>, vector<2048x1024xf32>
    tpu.vector_store %arg4[%swap3A, %swap3A_11], %add3A {strides = array<i32>} : memref<2048x1024xf32, #tpu.memory_space<vmem>>, vector<2048x1024xf32>,
    return
  }
  func.func @transform_0(%arg0: i32) -> (i32, i32) {
    %c0_i32 = arith.constant 0 : i32
    %c0_i32_0 = arith.constant 0 : i32
    return %arg0, %c0_i32 : i32, i32
  }
  func.func @transform_1(%arg0: i32) -> (i32, i32) {
    %c0_i32 = arith.constant 0 : i32
    %c0_i32_0 = arith.constant 0 : i32
    %c0_i32_1 = arith.constant 0 : i32
    return %c0_i32, %c0_i32_0 : i32, i32
  }
  func.func @transform_2(%arg0: i32) -> (i32, i32) {
    %c0_i32 = arith.constant 0 : i32
    %c0_i32_0 = arith.constant 0 : i32
    %c0_i32_1 = arith.constant 0 : i32
    return %c0_i32, %c0_i32_0 : i32, i32
  }
  func.func @transform_3(%arg0: i32) -> (i32, i32) {
    %c0_i32 = arith.constant 0 : i32
    %c0_i32_0 = arith.constant 0 : i32
    return %arg0, %c0_i32 : i32, i32
  }
}

</mosaic_0001>

<sc_bundles>
// kernel: kernel.4.cloned.1.call-start
scs
__scs_entry_jumppad:
0x0: {  	(pc) =	sbr.rel $0x88, $3  }
0x1: {  	(tag) =	ssettag $0x0;
	lr =	simm.s32 $0x1  }
0x2: {  	[smem:$0x3F9F] =	sst lr;
	_ =	strace $0xD0000000  }
0x3: {  	_ = 	snop  }
0x4: {  	_ = 	snop  }
0x5: {  	_ = 	snop  }
0x6: {  	_ = 	snop  }
0x7: {  	_ = 	snop  }
__scs_overlays_trampoline_lowered:
0x8: {  	[smem:$0x3FAE] =	sst s0  }
0x9: {  	[smem:$0x3FAF] =	sst s1  }
0xa: {  	[smem:$0x3FB0] =	sst s2  }
0xb: {  	[smem:$0x3FB1] =	sst s3  }
0xc: {  	[smem:$0x3FB2] =	sst s4  }
0xd: {  	[smem:$0x3FB3] =	sst s5  }
0xe: {  	[smem:$0x3FB4] =	sst s6  }
0xf: {  	[smem:$0x3FB5] =	sst s7  }
0x10: {  	[smem:$0x3FB6] =	sst s8  }
0x11: {  	[smem:$0x3FB7] =	sst s9;
	s0 =	simm.s32 @!p0 $0x0  }
0x12: {  	s1 =	sld [smem:$0x3F9D];
	s0 =	simm.s32 @p0 $0x1  }
0x13: {  	[smem:$0x3FB8] =	sst s0;
	s0 =	simm.s32 @!p1 $0x0  }
0x14: {  	s2 =	sld [smem:$0x3F9C];
	s0 =	simm.s32 @p1 $0x1  }
0x15: {  	[smem:$0x3FB9] =	sst s0;
	s0 =	simm.s32 @!p2 $0x0  }
0x16: {  	s3 =	sld [smem:$0x3FDB];
	s0 =	simm.s32 @p2 $0x1  }
0x17: {  	s4 =	simm.s32 $0x1BF5;
	[smem:$0x3FBB] =	sst s0  }
0x18: {  	s0 =	sld [smem:$0x3F9E];
	_ =	swait.ge [sflag:s4], $0x0  }
0x19: {  	s7 =	sld [smem:$0x3F9F]  }
0x1a: {  	s8 =	sadd.s32 $0xFFFFE003, lr  }
0x1b: {  	s9 =	sadd.s32 $0xFFFFFEF7, lr;
	s5 =	simm.s32 $0xFFFFFFFF;
	p2 =	slt.u32 s8, $0xFFFFF086  }
0x1c: {  	p1 =	slt.u32 s9, $0xF7A;
	s5 =	simm.s32 @!p2 $0x0  }
0x1d: {  	s5 =	simm.s32 @p1 $0x1;
	p0 =	seq.s32 s7, s2  }
0x1e: {  	s7 =	smul.u32 @!p0 $0xF7A, s2;
	p2 =	seq.s32 @!p0 s5, $0x0  }
0x1f: {  	s9 =	smul.u32 $0xF7A, s1;
	s8 =	simm.s32 @!p0 $0x1BF5;
	p2 =	por !p2, p0  }
0x20: {  	[sflag:s8] =	ssyncset.s32 @!p0 $0xFFFFF086;
	s6 =	sadd.s32 @!p0 s3, s7;
	s7 =	simm.s32 @!p0 $0x108  }
0x21: {  	s3 =	sadd.s32 s3, s9;
	s6 =	sadd.s32 @!p0 $0x88, s6;
	s7 =	simm.s32 @p2 $0x1082  }
0x22: {  	[simem:s7], [sflag:s8] =	dma.local @!p0 [hbm:s6], $0xF7A  }
0x23: {  	s9 =	sor.u32 $0xD0000000, s2;
	s6 =	simm.s32 $0x108;
	_ =	swait.ge @!p0 [sflag:s8], $0x0  }
0x24: {  	s3 =	sadd.s32 $0x88, s3;
	s6 =	simm.s32 @!p1 $0x1082;
	[sflag:s4] =	ssyncset.s32 $0xFFFFF086  }
0x25: {  	[simem:s6], [sflag:s4] =	dma.local [hbm:s3], $0xF7A  }
0x26: {  	[smem:$0x3F9F] =	sst s1;
	(tag) =	ssettag s2;
	_ =	strace s9  }
0x27: {  	s1 =	sld [smem:$0x3FAF]  }
0x28: {  	s2 =	sld [smem:$0x3FB0]  }
0x29: {  	s4 =	sld [smem:$0x3FB2]  }
0x2a: {  	p0 =	seq.s32 s5, $0x0;
	s5 =	sld [smem:$0x3FB3]  }
0x2b: {  	s6 =	sld [smem:$0x3FB4]  }
0x2c: {  	s7 =	sld [smem:$0x3FB5]  }
0x2d: {  	s3 =	simm.s32 $0x108;
	s8 =	sld [smem:$0x3FB6]  }
0x2e: {  	s3 =	simm.s32 @!p0 $0x1082;
	s9 =	sld [smem:$0x3FB7]  }
0x2f: {  	lr =	sadd.s32 s0, s3;
	s0 =	sld [smem:$0x3FAE]  }
0x30: {  	s3 =	sld [smem:$0x3FB1]  }
0x31: {  	[smem:$0x3FBA] =	sst s10  }
0x32: {  	s10 =	sld [smem:$0x3FB8];
	_ =	sdelay $0x3  }
0x33: {  	p0 =	seq.s32 s10, $0x1;
	s10 =	sld [smem:$0x3FBA];
	_ =	sdelay $0x3  }
0x34: {  	[smem:$0x3FBA] =	sst s10  }
0x35: {  	s10 =	sld [smem:$0x3FB9];
	_ =	sdelay $0x3  }
0x36: {  	p1 =	seq.s32 s10, $0x1;
	s10 =	sld [smem:$0x3FBA];
	_ =	sdelay $0x3  }
0x37: {  	[smem:$0x3FBA] =	sst s10  }
0x38: {  	s10 =	sld [smem:$0x3FBB]  }
0x39: {  	_ = 	snop;
	(pc) =	sbr.ind lr, $3  }
0x3a: {  	_ = 	snop  }
0x3b: {  	_ = 	snop  }
0x3c: {  	p2 =	seq.s32 s10, $0x1;
	s10 =	sld [smem:$0x3FBA]  }
0x3d: {  	_ =	shalt  }
0x3e: {  	_ =	shalt  }
0x3f: {  	_ =	shalt  }
0x40: {  	_ =	shalt  }
0x41: {  	_ =	shalt  }
0x42: {  	_ =	shalt  }
0x43: {  	_ =	shalt  }
0x44: {  	_ =	shalt  }
0x45: {  	_ =	shalt  }
0x46: {  	_ =	shalt  }
0x47: {  	_ =	shalt  }
0x48: {  	_ =	shalt  }
0x49: {  	_ =	shalt  }
0x4a: {  	_ =	shalt  }
0x4b: {  	_ =	shalt  }
0x4c: {  	_ =	shalt  }
0x4d: {  	_ =	shalt  }
0x4e: {  	_ =	shalt  }
0x4f: {  	_ =	shalt  }
0x50: {  	_ =	shalt  }
0x51: {  	_ =	shalt  }
0x52: {  	_ =	shalt  }
0x53: {  	_ =	shalt  }
0x54: {  	_ =	shalt  }
0x55: {  	_ =	shalt  }
0x56: {  	_ =	shalt  }
0x57: {  	_ =	shalt  }
0x58: {  	_ =	shalt  }
0x59: {  	_ =	shalt  }
0x5a: {  	_ =	shalt  }
0x5b: {  	_ =	shalt  }
0x5c: {  	_ =	shalt  }
0x5d: {  	_ =	shalt  }
0x5e: {  	_ =	shalt  }
0x5f: {  	_ =	shalt  }
0x60: {  	_ =	shalt  }
0x61: {  	_ =	shalt  }
0x62: {  	_ =	shalt  }
0x63: {  	_ =	shalt  }
0x64: {  	_ =	shalt  }
0x65: {  	_ =	shalt  }
0x66: {  	_ =	shalt  }
0x67: {  	_ =	shalt  }
0x68: {  	_ =	shalt  }
0x69: {  	_ =	shalt  }
0x6a: {  	_ =	shalt  }
0x6b: {  	_ =	shalt  }
0x6c: {  	_ =	shalt  }
0x6d: {  	_ =	shalt  }
0x6e: {  	_ =	shalt  }
0x6f: {  	_ =	shalt  }
0x70: {  	_ =	shalt  }
0x71: {  	_ =	shalt  }
0x72: {  	_ =	shalt  }
0x73: {  	_ =	shalt  }
0x74: {  	_ =	shalt  }
0x75: {  	_ =	shalt  }
0x76: {  	_ =	shalt  }
0x77: {  	_ =	shalt  }
0x78: {  	_ =	shalt  }
0x79: {  	_ =	shalt  }
0x7a: {  	_ =	shalt  }
0x7b: {  	_ =	shalt  }
0x7c: {  	_ =	shalt  }
0x7d: {  	_ =	shalt  }
0x7e: {  	_ =	shalt  }
0x7f: {  	_ =	shalt  }
0x80: {  	_ =	shalt  }
0x81: {  	_ =	shalt  }
0x82: {  	_ =	shalt  }
0x83: {  	_ =	shalt  }
0x84: {  	_ =	shalt  }
0x85: {  	_ =	shalt  }
0x86: {  	_ =	shalt  }
0x87: {  	_ =	shalt  }
.Lfunc_end0:
.L_simem_size_0:
called_computation_lowered:
.L_overlay_start_0:
0x88: {  	s2 =	sld [smem:$0x3FD9]  }
0x89: {  	s3 =	sld [smem:$0x3FFE];
	_ =	sdelay $0x1  }
0x8a: {  	s1 =	srdreg.scid  }
0x8b: {  	s0 =	sand.u32 $0x1, s1  }
0x8c: {  	s17 =	sshll.u32 s0, $0xA;
	s2 =	sadd.s32 s3, s2  }
0x8d: {  	s2 =	sadd.s32 s2, s17  }
0x8e: {  	[smem:$0x3FC6] =	sst s2  }
0x8f: {  	_ = 	snop  }
0x90: {  	s2 =	sld [smem:$0x3FC8];
	(tm) =	ssettm $0x1  }
0x91: {  	s18 =	sld [smem:$0x3FFB];
	_ =	sdelay $0x3  }
0x92: {  	_ =	strace s18  }
0x93: {  	s3 =	sld [smem:$0x3FFC];
	_ =	sdelay $0x3  }
0x94: {  	_ =	strace s3  }
0x95: {  	s3 =	sld [smem:$0x3FFD];
	_ =	sdelay $0x3  }
0x96: {  	_ =	strace s3  }
0x97: {  	_ =	strace $0x8FFFFFFF  }
0x98: {  	s19 =	sld [smem:$0x3FDB];
	_ =	sdelay $0x1  }
0x99: {  	s4 =	simm.s32 $_scs_section_size  }
0x9a: {  	s5 =	simm.s32 $_size__tile_overlayer_lowered;
	s6 =	simm.s32 $_tile_overlayer_lowered  }
0x9b: {  	s22 =	simm.s32 $0x1BFF;
	s21 =	sshll.u32 s6, $0x1;
	s3 =	sadd.s32 s4, s19  }
0x9c: {  	s7 =	simm.s32 $0x0;
	s20 =	sshll.u32 s5, $0x1;
	s5 =	sadd.s32 s21, s3  }
0x9d: {  	[timem:s7], [sflag:s22] =	dma.local [hbm:s5], s20  }
0x9e: {  	_ =	swait.ge [sflag:s22], s20  }
0x9f: {  	s4 =	ssub.s32 $0x0, s20;
	[sflag:s22] =	ssyncset.done $0x0  }
0xa0: {  	[sflag:s22] =	ssyncadd.s32 s4;
	_ =	sdelay $0x1  }
0xa1: {  	s23 =	simm.s32 $0x1B8B  }
0xa2: {  	_ =	swait.ge [sflag:s23], $0x1  }
0xa3: {  	[sflag:s23] =	ssyncset.done $0x0  }
0xa4: {  	s25 =	simm.s32 $0x1B8E;
	s24 =	sld [smem:$0x3FFE];
	[sflag:s23] =	ssyncadd.s32 $0xFFFFFFFF  }
0xa5: {  	s26 =	simm.s32 $execute0_lowered;
	[smem:$0x3FD2] =	sst s25  }
0xa6: {  	s5 =	sshll.u32 s26, $0x1;
	_ =	strace $0x80000046;
	[dreg:$0x1] =	wrdreg $0xFFFFFFFF  }
0xa7: {  	s28 =	simm.s32 $_size_execute0_lowered;
	s3 =	sadd.s32 s3, s5;
	[dreg:$0x0] =	wrdreg $0x0  }
0xa8: {  	s5 =	sshll.u32 s28, $0x1;
	[dreg:$0x2] =	wrdreg s3  }
0xa9: {  	[dreg:$0x3] =	wrdreg s5  }
0xaa: {  	[dreg:$0x4] =	wrdreg $0xC0  }
0xab: {  	_ =	task [dreg:s7], $0x5FFFF  }
0xac: {  	[dreg:$0x1] =	wrdreg $0xFFFFFFFF  }
0xad: {  	[dreg:$0x0] =	wrdreg $0x60  }
0xae: {  	[dreg:$0x2] =	wrdreg s24  }
0xaf: {  	[dreg:$0x3] =	wrdreg s2  }
0xb0: {  	[dreg:$0x4] =	wrdreg $0x9  }
0xb1: {  	_ =	task.clear_ibuf [dreg:s7], $0x5FFFF;
	_ =	strace $0x90000046  }
0xb2: {  	s29 =	simm.s32 $0x9;
	_ =	strace $0x80000048  }
0xb3: {  	_ =	swait.ge [sflag:s29], $0x1  }
0xb4: {  	[sflag:s29] =	ssyncadd.s32 $0xFFFFFFFF  }
0xb5: {  	_ =	strace $0x90000048  }
0xb6: {  	_ =	sfence  }
0xb7: {  	s30 =	sld [smem:$0x0];
	_ =	sdelay $0x2  }
0xb8: {  	s31 =	sshll.u32 s1, $0xD;
	s1 =	sshrl.u32 s1, $0x2  }
0xb9: {  	s3 =	sand.u32 $0x4000, s31;
	s1 =	sadd.s32 s1, s30  }
0xba: {  	s0 =	sor.u32 s3, s0;
	s1 =	sshll.u32 s1, $0x11  }
0xbb: {  	s0 =	sor.u32 s1, s0  }
0xbc: {  	s0 =	sadd.s32 $0x8F2B, s0  }
0xbd: {  	[sflag:s0] =	ssyncadd.remote.s32 $0x1  }
0xbe: {  	_ =	sfence.sel $0xFFFF  }
0xbf: {  	[dreg:$0x0] =	wrdreg $0xFFFFFFFF;
	(pc) =	sbr.abs _section_cstart, $3  }
0xc0: {  	[dreg:$0x1] =	wrdreg $0xFFFFFFFF  }
0xc1: {  	_ =	task.clear_ibuf [dreg:s7], $0x2FFFF;
	_ =	strace $0x9FFFFFFF  }
0xc2: {  	(tm) =	ssettm $0x7FFFFFFF  }
0xc3: {  	_ =	shalt  }
tec
execute0_lowered:
.L_overlay_start_1:
0x0: {  	(tag) =	ssettag $0x1  }
0x1: {  	s0 =	rddreg [dreg:$0x0]  }
0x2: {  	s2 =	rddreg [dreg:$0x1];
	s1 =	srdreg.scid  }
0x3: {  	s4 =	stileid.u32;
	s3 =	simm.s32 $0x0;
	s14 =	simm.s32 $0x80  }
0x4: {  	s28 =	simm.s32 $0x8200;
	s15 =	simm.s32 $0xBA00;
	s16 =	simm.s32 $0xCA00  }
0x5: {  	s17 =	simm.s32 $0xDA00;
	s19 =	simm.s32 $0xF200;
	s1 =	sand.u32 $0x1, s1  }
0x6: {  	s4 =	sshll.u32 s4, $0x1;
	[smem:$0x7FF] =	sst s3;
	s6 =	sadd.s32 $0x2C00, s0  }
0x7: {  	s9 =	sadd.s32 $0x100, s2;
	s10 =	sadd.s32 $0x200, s2;
	s4 =	sor.u32 s1, s4  }
0x8: {  	s11 =	sadd.s32 $0x300, s2;
	s5 =	sshll.u32 s4, $0x2;
	s4 =	sshll.u32 s4, $0xC  }
0x9: {  	_ =	strace $0x80000047;
	s5 =	sadd.s32 s5, s0;
	s24 =	sadd.s32 s6, s4  }
0xa: {  	s1 =	ssub.s32 $0x2, s1;
	s20 =	sadd.s32 $0x2800, s5;
	[dreg:$0x7] =	wrdreg s24  }
0xb: {  	s7 =	sshrl.u32 s1, $0x1;
	s21 =	sadd.s32 $0x2900, s5;
	[dreg:$0x3] =	wrdreg s20  }
0xc: {  	s0 =	sadd.s32 $0x42C00, s0;
	s22 =	sadd.s32 $0x2A00, s5;
	[dreg:$0x4] =	wrdreg s21  }
0xd: {  	s1 =	ssub.s32 s1, s7;
	s23 =	sadd.s32 $0x2B00, s5;
	[dreg:$0x5] =	wrdreg s22  }
0xe: {  	s7 =	simm.s32 $0x2;
	s25 =	sadd.s32 $0x2880, s5;
	[dreg:$0x6] =	wrdreg s23  }
0xf: {  	s12 =	sadd.s32 s0, s4;
	s26 =	sadd.s32 $0x2980, s5;
	[dreg:$0x8] =	wrdreg s25  }
0x10: {  	s4 =	sor.u32 $0x20000, s4;
	s29 =	sadd.s32 $0x2A80, s5;
	[dreg:$0x9] =	wrdreg s26  }
0x11: {  	s5 =	sadd.s32 $0x2B80, s5;
	s31 =	smax.u32 s1, $0x1;
	[dreg:$0xa] =	wrdreg s29  }
0x12: {  	s1 =	simm.s32 $0xC200;
	[dreg:$0xb] =	wrdreg s5;
	s30 =	sadd.s32 s6, s4  }
0x13: {  	s18 =	sadd.s32 s0, s4;
	[dreg:$0xd] =	wrdreg s31;
	s26 =	simm.s32 $0x200  }
0x14: {  	v2 =	vlaneseq.u32;
	s0 =	simm.s32 $0xB200;
	s4 =	simm.s32 $0xD200;
	s20 =	simm.s32 $0xE200  }
0x15: {  	vm0 =	vmmov $0xffff;
	v1 =	vshrl.u32 v2, $0x3;
	s5 =	simm.s32 $0xEA00;
	s21 =	simm.s32 $0xFA00;
	s6 =	simm.s32 $0x1  }
0x16: {  	v0 =	vand.u32 $0x7, v2;
	v2 =	vor.u32 $0x8, v2;
	v1 =	vmul.u32 $0x8, v1;
	s22 =	simm.s32 $0x3;
	s23 =	simm.s32 $0x0;
	[dreg:$0xc] =	wrdreg s30  }
.LBB2_1:
0x17: {  	[dreg:$0xe] =	wrdreg s23  }
0x18: {  	s8 =	rddreg [dreg:$0x3]  }
0x19: {  	[tilespmem:s3], [sflag:$0x5] =	stream.linear.gather [hbm4b:s8+s3], $0x20, $0x38;
	[tilespmem:$0x18200] =	vst v63  }
0x1a: {  	s30 =	rddreg [dreg:$0x4]  }
0x1b: {  	[tilespmem:s14], [sflag:$0x5] =	stream.linear.gather [hbm4b:s30+s3], $0x20, $0x38;
	[tilespmem:$0x18200] =	vst v63  }
0x1c: {  	s31 =	rddreg [dreg:$0x5];
	s13 =	simm.s32 $0x100  }
0x1d: {  	[tilespmem:s13], [sflag:$0x5] =	stream.linear.gather [hbm4b:s31+s3], $0x20, $0x38;
	[tilespmem:$0x18200] =	vst v63  }
0x1e: {  	s23 =	simm.s32 $0x180;
	s13 =	rddreg [dreg:$0x6]  }
0x1f: {  	[tilespmem:s23], [sflag:$0x5] =	stream.linear.gather [hbm4b:s13+s3], $0x20, $0x38;
	[tilespmem:$0x18200] =	vst v63  }
0x20: {  	s24 =	rddreg [dreg:$0x7];
	s25 =	simm.s32 $0x10200;
	s29 =	simm.s32 $0x6  }
0x21: {  	[tilespmem:s25], [sflag:$0x6] =	stream.linear.gather [hbm4b:s24+s3], $0x8000, $0x38;
	[tilespmem:$0x18200] =	vst v63  }
0x22: {  	_ =	swait.ge [sflag:s29], $0x8000  }
0x23: {  	[sflag:s29] =	ssyncset.done $0x0  }
0x24: {  	s30 =	simm.s32 $0x5;
	[sflag:s29] =	ssyncadd.s32 $0xFFFF8000  }
0x25: {  	_ =	swait.ge [sflag:s30], $0x20  }
0x26: {  	[sflag:s30] =	ssyncset.done $0x0  }
0x27: {  	[sflag:s30] =	ssyncadd.s32 $0xFFFFFFE0  }
0x28: {  	_ =	swait.ge [sflag:s30], $0x20  }
0x29: {  	[sflag:s30] =	ssyncset.done $0x0  }
0x2a: {  	[sflag:s30] =	ssyncadd.s32 $0xFFFFFFE0  }
0x2b: {  	_ =	swait.ge [sflag:s30], $0x20  }
0x2c: {  	[sflag:s30] =	ssyncset.done $0x0  }
0x2d: {  	[sflag:s30] =	ssyncadd.s32 $0xFFFFFFE0  }
0x2e: {  	_ =	swait.ge [sflag:s30], $0x20  }
0x2f: {  	[sflag:s30] =	ssyncset.done $0x0  }
0x30: {  	[sflag:s30] =	ssyncadd.s32 $0xFFFFFFE0  }
0x31: {  	v3 =	vld [tilespmem:$0x0];
	_ =	sdelay $0x4  }
0x32: {  	v4 =	vshll.u32 v3, $0x3  }
0x33: {  	v3 =	vand.u32 $0x7, v3;
	v4 =	vand.u32 $0xFFFFFFC0, v4  }
0x34: {  	v3 =	vor.u32 v3, v4  }
0x35: {  	v4 =	vperm.xlane v3, v0;
	_ =	sdelay $0x1  }
0x36: {  	v4 =	vadd.s32 v1, v4;
	_ =	sdelay $0x4  }
0x37: {  	[tilespmem:s26], [sflag:$0x1] =	stream.indirect_vreg.gather [hbm4b:s2+s3], $0x80, v4, vm0, $0xb8;
	[tilespmem:$0x18200] =	vst v63  }
0x38: {  	s31 =	simm.s32 $0xA00;
	v3 =	vperm.xlane v3, v2  }
0x39: {  	[tilespmem:s31], [sflag:$0x1] =	stream.indirect_vreg.gather [hbm4b:s9+s3], $0x80, v4, vm0, $0xb8;
	[tilespmem:$0x18200] =	vst v63  }
0x3a: {  	s13 =	simm.s32 $0x1200;
	v3 =	vadd.s32 v1, v3  }
0x3b: {  	[tilespmem:s13], [sflag:$0x1] =	stream.indirect_vreg.gather [hbm4b:s10+s3], $0x80, v4, vm0, $0xb8;
	[tilespmem:$0x18200] =	vst v63  }
0x3c: {  	s23 =	simm.s32 $0x1A00  }
0x3d: {  	[tilespmem:s23], [sflag:$0x1] =	stream.indirect_vreg.gather [hbm4b:s11+s3], $0x80, v4, vm0, $0xb8;
	[tilespmem:$0x18200] =	vst v63  }
0x3e: {  	s24 =	simm.s32 $0x2200  }
0x3f: {  	[tilespmem:s24], [sflag:$0x1] =	stream.indirect_vreg.gather [hbm4b:s2+s3], $0x80, v3, vm0, $0xb8;
	[tilespmem:$0x18200] =	vst v63  }
0x40: {  	s25 =	simm.s32 $0x2A00  }
0x41: {  	[tilespmem:s25], [sflag:$0x1] =	stream.indirect_vreg.gather [hbm4b:s9+s3], $0x80, v3, vm0, $0xb8;
	[tilespmem:$0x18200] =	vst v63  }
0x42: {  	s29 =	simm.s32 $0x3200  }
0x43: {  	[tilespmem:s29], [sflag:$0x1] =	stream.indirect_vreg.gather [hbm4b:s10+s3], $0x80, v3, vm0, $0xb8;
	[tilespmem:$0x18200] =	vst v63  }
0x44: {  	s30 =	simm.s32 $0x3A00  }
0x45: {  	[tilespmem:s30], [sflag:$0x1] =	stream.indirect_vreg.gather [hbm4b:s11+s3], $0x80, v3, vm0, $0xb8;
	[tilespmem:$0x18200] =	vst v63  }
0x46: {  	v3 =	vld [tilespmem:$0x10];
	_ =	sdelay $0x4  }
0x47: {  	v63 =	vshll.u32 v3, $0x3  }
0x48: {  	v3 =	vand.u32 $0x7, v3;
	v4 =	vand.u32 $0xFFFFFFC0, v63  }
0x49: {  	v3 =	vor.u32 v3, v4  }
0x4a: {  	v4 =	vperm.xlane v3, v0;
	_ =	sdelay $0x1  }
0x4b: {  	v4 =	vadd.s32 v1, v4;
	_ =	sdelay $0x3  }
0x4c: {  	s31 =	simm.s32 $0x4200  }
0x4d: {  	[tilespmem:s31], [sflag:$0x1] =	stream.indirect_vreg.gather [hbm4b:s2+s3], $0x80, v4, vm0, $0xb8;
	[tilespmem:$0x18200] =	vst v63  }
0x4e: {  	s13 =	simm.s32 $0x4A00;
	v3 =	vperm.xlane v3, v2  }
0x4f: {  	[tilespmem:s13], [sflag:$0x1] =	stream.indirect_vreg.gather [hbm4b:s9+s3], $0x80, v4, vm0, $0xb8;
	[tilespmem:$0x18200] =	vst v63  }
0x50: {  	s23 =	simm.s32 $0x5200;
	v3 =	vadd.s32 v1, v3  }
0x51: {  	[tilespmem:s23], [sflag:$0x1] =	stream.indirect_vreg.gather [hbm4b:s10+s3], $0x80, v4, vm0, $0xb8;
	[tilespmem:$0x18200] =	vst v63  }
0x52: {  	s24 =	simm.s32 $0x5A00  }
0x53: {  	[tilespmem:s24], [sflag:$0x1] =	stream.indirect_vreg.gather [hbm4b:s11+s3], $0x80, v4, vm0, $0xb8;
	[tilespmem:$0x18200] =	vst v63  }
0x54: {  	s25 =	simm.s32 $0x6200  }
0x55: {  	[tilespmem:s25], [sflag:$0x1] =	stream.indirect_vreg.gather [hbm4b:s2+s3], $0x80, v3, vm0, $0xb8;
	[tilespmem:$0x18200] =	vst v63  }
0x56: {  	s29 =	simm.s32 $0x6A00  }
0x57: {  	[tilespmem:s29], [sflag:$0x1] =	stream.indirect_vreg.gather [hbm4b:s9+s3], $0x80, v3, vm0, $0xb8;
	[tilespmem:$0x18200] =	vst v63  }
0x58: {  	p2 =	por $0x1, $0x1;
	s30 =	simm.s32 $0x7200  }
0x59: {  	[tilespmem:s30], [sflag:$0x1] =	stream.indirect_vreg.gather [hbm4b:s10+s3], $0x80, v3, vm0, $0xb8;
	[tilespmem:$0x18200] =	vst v63  }
0x5a: {  	p1 =	por $0x0, $0x0;
	s31 =	simm.s32 $0x7A00;
	s23 =	simm.s32 $0x0  }
0x5b: {  	[tilespmem:s31], [sflag:$0x1] =	stream.indirect_vreg.gather [hbm4b:s11+s3], $0x80, v3, vm0, $0xb8;
	[tilespmem:$0x18200] =	vst v63  }
.LBB2_2:
0x5c: {  	s8 =	sshll.u32 s23, $0x1;
	s13 =	simm.s32 @p1 $0x4  }
0x5d: {  	_ =	swait.ge @p1 [sflag:s13], $0x8000;
	s24 =	sor.u32 $0x1, s8  }
0x5e: {  	[sflag:s13] =	ssyncset.done @p1 $0x0;
	s8 =	sshll.u32 s24, $0x7  }
0x5f: {  	[sflag:s13] =	ssyncadd.s32 @p1 $0xFFFF8000;
	s13 =	sand.u32 $0x3FFFFF80, s8  }
0x60: {  	v3 =	vld [tilespmem:s13+$0x0];
	_ =	sdelay $0x4  }
0x61: {  	v4 =	vshll.u32 v3, $0x3  }
0x62: {  	v3 =	vand.u32 $0x7, v3;
	v4 =	vand.u32 $0xFFFFFFC0, v4  }
0x63: {  	v3 =	vor.u32 v3, v4  }
0x64: {  	v4 =	vperm.xlane v3, v0;
	_ =	sdelay $0x1  }
0x65: {  	v4 =	vadd.s32 v1, v4;
	_ =	sdelay $0x3  }
0x66: {  	s8 =	simm.s32 $0x0  }
0x67: {  	[tilespmem:s28], [sflag:$0x2] =	stream.indirect_vreg.gather [hbm4b:s2+s8], $0x80, v4, vm0, $0xb8;
	[tilespmem:$0x18200] =	vst v63  }
0x68: {  	s25 =	simm.s32 $0x8A00;
	v3 =	vperm.xlane v3, v2  }
0x69: {  	[tilespmem:s25], [sflag:$0x2] =	stream.indirect_vreg.gather [hbm4b:s9+s8], $0x80, v4, vm0, $0xb8;
	[tilespmem:$0x18200] =	vst v63  }
0x6a: {  	s31 =	simm.s32 $0x9200;
	v3 =	vadd.s32 v1, v3  }
0x6b: {  	[tilespmem:s31], [sflag:$0x2] =	stream.indirect_vreg.gather [hbm4b:s10+s8], $0x80, v4, vm0, $0xb8;
	[tilespmem:$0x18200] =	vst v63  }
0x6c: {  	s31 =	simm.s32 $0x9A00  }
0x6d: {  	[tilespmem:s31], [sflag:$0x2] =	stream.indirect_vreg.gather [hbm4b:s11+s8], $0x80, v4, vm0, $0xb8;
	[tilespmem:$0x18200] =	vst v63  }
0x6e: {  	s31 =	simm.s32 $0xA200  }
0x6f: {  	[tilespmem:s31], [sflag:$0x2] =	stream.indirect_vreg.gather [hbm4b:s2+s8], $0x80, v3, vm0, $0xb8;
	[tilespmem:$0x18200] =	vst v63  }
0x70: {  	s31 =	simm.s32 $0xAA00  }
0x71: {  	[tilespmem:s31], [sflag:$0x2] =	stream.indirect_vreg.gather [hbm4b:s9+s8], $0x80, v3, vm0, $0xb8;
	[tilespmem:$0x18200] =	vst v63  }
0x72: {  	_ = 	snop  }
0x73: {  	[tilespmem:s0], [sflag:$0x2] =	stream.indirect_vreg.gather [hbm4b:s10+s8], $0x80, v3, vm0, $0xb8;
	[tilespmem:$0x18200] =	vst v63  }
0x74: {  	_ = 	snop  }
0x75: {  	[tilespmem:s15], [sflag:$0x2] =	stream.indirect_vreg.gather [hbm4b:s11+s8], $0x80, v3, vm0, $0xb8;
	[tilespmem:$0x18200] =	vst v63  }
0x76: {  	v3 =	vld [tilespmem:s13+$0x10];
	_ =	sdelay $0x4  }
0x77: {  	v63 =	vshll.u32 v3, $0x3  }
0x78: {  	v3 =	vand.u32 $0x7, v3;
	v4 =	vand.u32 $0xFFFFFFC0, v63  }
0x79: {  	v3 =	vor.u32 v3, v4  }
0x7a: {  	v4 =	vperm.xlane v3, v0;
	_ =	sdelay $0x1  }
0x7b: {  	v4 =	vadd.s32 v1, v4;
	_ =	sdelay $0x4  }
0x7c: {  	[tilespmem:s1], [sflag:$0x2] =	stream.indirect_vreg.gather [hbm4b:s2+s8], $0x80, v4, vm0, $0xb8;
	[tilespmem:$0x18200] =	vst v63  }
0x7d: {  	v3 =	vperm.xlane v3, v2  }
0x7e: {  	[tilespmem:s16], [sflag:$0x2] =	stream.indirect_vreg.gather [hbm4b:s9+s8], $0x80, v4, vm0, $0xb8;
	[tilespmem:$0x18200] =	vst v63  }
0x7f: {  	v3 =	vadd.s32 v1, v3  }
0x80: {  	[tilespmem:s4], [sflag:$0x2] =	stream.indirect_vreg.gather [hbm4b:s10+s8], $0x80, v4, vm0, $0xb8;
	[tilespmem:$0x18200] =	vst v63  }
0x81: {  	_ = 	snop  }
0x82: {  	[tilespmem:s17], [sflag:$0x2] =	stream.indirect_vreg.gather [hbm4b:s11+s8], $0x80, v4, vm0, $0xb8;
	[tilespmem:$0x18200] =	vst v63  }
0x83: {  	_ = 	snop  }
0x84: {  	[tilespmem:s20], [sflag:$0x2] =	stream.indirect_vreg.gather [hbm4b:s2+s8], $0x80, v3, vm0, $0xb8;
	[tilespmem:$0x18200] =	vst v63  }
0x85: {  	_ = 	snop  }
0x86: {  	[tilespmem:s5], [sflag:$0x2] =	stream.indirect_vreg.gather [hbm4b:s9+s8], $0x80, v3, vm0, $0xb8;
	[tilespmem:$0x18200] =	vst v63  }
0x87: {  	_ = 	snop  }
0x88: {  	[tilespmem:s19], [sflag:$0x2] =	stream.indirect_vreg.gather [hbm4b:s10+s8], $0x80, v3, vm0, $0xb8;
	[tilespmem:$0x18200] =	vst v63  }
0x89: {  	_ = 	snop  }
0x8a: {  	[tilespmem:s21], [sflag:$0x2] =	stream.indirect_vreg.gather [hbm4b:s11+s8], $0x80, v3, vm0, $0xb8;
	[tilespmem:$0x18200] =	vst v63  }
0x8b: {  	_ =	swait.ge [sflag:s6], $0x8000  }
0x8c: {  	p0 =	por p2, p2;
	s29 =	simm.s32 $0x0;
	[sflag:s6] =	ssyncset.done $0x0  }
0x8d: {  	s30 =	simm.s32 $0x0;
	s25 =	simm.s32 $0xFFFF8000;
	[sflag:s6] =	ssyncadd.s32 $0xFFFF8000  }
.LBB2_3:
0x8e: {  	s13 =	sadd.s32 $0x8000, s25  }
0x8f: {  	s31 =	sand.u32 $0x380, s30;
	s13 =	sand.u32 $0x6000, s13  }
0x90: {  	s13 =	sor.u32 s31, s13  }
0x91: {  	v3 =	vld [tilespmem:s13+$0x10200]  }
0x92: {  	v4 =	vld [tilespmem:s13+$0x10220]  }
0x93: {  	v5 =	vld [tilespmem:s13+$0x10230]  }
0x94: {  	v6 =	vld [tilespmem:s13+$0x10240]  }
0x95: {  	v7 =	vld [tilespmem:s13+$0x10250]  }
0x96: {  	v24 =	vld [tilespmem:s13+$0x10270]  }
0x97: {  	v25 =	vld [tilespmem:s13+$0x10600]  }
0x98: {  	v26 =	vld [tilespmem:s13+$0x10610]  }
0x99: {  	v27 =	vld [tilespmem:s13+$0x10620]  }
0x9a: {  	v28 =	vld [tilespmem:s13+$0x10640]  }
0x9b: {  	v29 =	vld [tilespmem:s13+$0x10650]  }
0x9c: {  	v30 =	vld [tilespmem:s13+$0x10660]  }
0x9d: {  	v31 =	vld [tilespmem:s13+$0x10670]  }
0x9e: {  	v32 =	vld [tilespmem:s13+$0x10A10]  }
0x9f: {  	v33 =	vld [tilespmem:s13+$0x10A20]  }
0xa0: {  	v34 =	vld [tilespmem:s13+$0x10A30]  }
0xa1: {  	v35 =	vld [tilespmem:s13+$0x10A40]  }
0xa2: {  	v36 =	vld [tilespmem:s13+$0x10A60]  }
0xa3: {  	v37 =	vld [tilespmem:s13+$0x10A70]  }
0xa4: {  	v38 =	vld [tilespmem:s13+$0x10E00]  }
0xa5: {  	v39 =	vld [tilespmem:s13+$0x10E10]  }
0xa6: {  	v40 =	vld [tilespmem:s13+$0x10E30]  }
0xa7: {  	v41 =	vld [tilespmem:s13+$0x10E40]  }
0xa8: {  	v42 =	vld [tilespmem:s13+$0x10E50]  }
0xa9: {  	v43 =	vld [tilespmem:s13+$0x10E60]  }
0xaa: {  	v44 =	vld [tilespmem:s13+$0x11200]  }
0xab: {  	v45 =	vld [tilespmem:s13+$0x11210]  }
0xac: {  	v46 =	vld [tilespmem:s13+$0x11220]  }
0xad: {  	v47 =	vld [tilespmem:s13+$0x11230]  }
0xae: {  	v48 =	vld [tilespmem:s13+$0x11250]  }
0xaf: {  	v49 =	vld [tilespmem:s13+$0x11260]  }
0xb0: {  	v50 =	vld [tilespmem:s13+$0x11270]  }
0xb1: {  	v51 =	vld [tilespmem:s13+$0x11600]  }
0xb2: {  	v52 =	vld [tilespmem:s13+$0x11620]  }
0xb3: {  	v53 =	vld [tilespmem:s13+$0x11630]  }
0xb4: {  	v54 =	vld [tilespmem:s13+$0x11640]  }
0xb5: {  	v55 =	vld [tilespmem:s13+$0x11650]  }
0xb6: {  	v56 =	vld [tilespmem:s13+$0x11670]  }
0xb7: {  	v57 =	vld [tilespmem:s13+$0x11A00]  }
0xb8: {  	v58 =	vld [tilespmem:s13+$0x11A10]  }
0xb9: {  	v59 =	vld [tilespmem:s13+$0x11A20]  }
0xba: {  	v60 =	vld [tilespmem:s13+$0x11A40]  }
0xbb: {  	v61 =	vld [tilespmem:s13+$0x11A50]  }
0xbc: {  	v62 =	vld [tilespmem:s13+$0x11A60]  }
0xbd: {  	v63 =	vld [tilespmem:s13+$0x11A70]  }
0xbe: {  	[tilespmem:s13+$0x200] =	vst.add.f32.msk $0xffff, v3  }
0xbf: {  	v3 =	vld [tilespmem:s13+$0x10210]  }
0xc0: {  	[tilespmem:s13+$0x220] =	vst.add.f32.msk $0xffff, v4  }
0xc1: {  	[tilespmem:s13+$0x230] =	vst.add.f32.msk $0xffff, v5  }
0xc2: {  	[tilespmem:s13+$0x240] =	vst.add.f32.msk $0xffff, v6  }
0xc3: {  	[tilespmem:s13+$0x250] =	vst.add.f32.msk $0xffff, v7  }
0xc4: {  	[tilespmem:s13+$0x210] =	vst.add.f32.msk $0xffff, v3  }
0xc5: {  	v3 =	vld [tilespmem:s13+$0x10260]  }
0xc6: {  	[tilespmem:s13+$0x270] =	vst.add.f32.msk $0xffff, v24  }
0xc7: {  	[tilespmem:s13+$0x600] =	vst.add.f32.msk $0xffff, v25  }
0xc8: {  	[tilespmem:s13+$0x610] =	vst.add.f32.msk $0xffff, v26  }
0xc9: {  	[tilespmem:s13+$0x620] =	vst.add.f32.msk $0xffff, v27  }
0xca: {  	[tilespmem:s13+$0x260] =	vst.add.f32.msk $0xffff, v3  }
0xcb: {  	v3 =	vld [tilespmem:s13+$0x10630]  }
0xcc: {  	[tilespmem:s13+$0x640] =	vst.add.f32.msk $0xffff, v28  }
0xcd: {  	[tilespmem:s13+$0x650] =	vst.add.f32.msk $0xffff, v29  }
0xce: {  	[tilespmem:s13+$0x660] =	vst.add.f32.msk $0xffff, v30  }
0xcf: {  	[tilespmem:s13+$0x670] =	vst.add.f32.msk $0xffff, v31  }
0xd0: {  	[tilespmem:s13+$0x630] =	vst.add.f32.msk $0xffff, v3  }
0xd1: {  	v3 =	vld [tilespmem:s13+$0x10A00]  }
0xd2: {  	[tilespmem:s13+$0xA10] =	vst.add.f32.msk $0xffff, v32  }
0xd3: {  	[tilespmem:s13+$0xA20] =	vst.add.f32.msk $0xffff, v33  }
0xd4: {  	[tilespmem:s13+$0xA30] =	vst.add.f32.msk $0xffff, v34  }
0xd5: {  	[tilespmem:s13+$0xA40] =	vst.add.f32.msk $0xffff, v35  }
0xd6: {  	[tilespmem:s13+$0xA00] =	vst.add.f32.msk $0xffff, v3  }
0xd7: {  	v3 =	vld [tilespmem:s13+$0x10A50]  }
0xd8: {  	[tilespmem:s13+$0xA60] =	vst.add.f32.msk $0xffff, v36  }
0xd9: {  	[tilespmem:s13+$0xA70] =	vst.add.f32.msk $0xffff, v37  }
0xda: {  	[tilespmem:s13+$0xE00] =	vst.add.f32.msk $0xffff, v38  }
0xdb: {  	[tilespmem:s13+$0xE10] =	vst.add.f32.msk $0xffff, v39  }
0xdc: {  	[tilespmem:s13+$0xA50] =	vst.add.f32.msk $0xffff, v3  }
0xdd: {  	v3 =	vld [tilespmem:s13+$0x10E20]  }
0xde: {  	[tilespmem:s13+$0xE30] =	vst.add.f32.msk $0xffff, v40  }
0xdf: {  	[tilespmem:s13+$0xE40] =	vst.add.f32.msk $0xffff, v41  }
0xe0: {  	[tilespmem:s13+$0xE50] =	vst.add.f32.msk $0xffff, v42  }
0xe1: {  	[tilespmem:s13+$0xE60] =	vst.add.f32.msk $0xffff, v43  }
0xe2: {  	[tilespmem:s13+$0xE20] =	vst.add.f32.msk $0xffff, v3  }
0xe3: {  	v3 =	vld [tilespmem:s13+$0x10E70]  }
0xe4: {  	[tilespmem:s13+$0x1200] =	vst.add.f32.msk $0xffff, v44  }
0xe5: {  	[tilespmem:s13+$0x1210] =	vst.add.f32.msk $0xffff, v45  }
0xe6: {  	[tilespmem:s13+$0x1220] =	vst.add.f32.msk $0xffff, v46  }
0xe7: {  	[tilespmem:s13+$0x1230] =	vst.add.f32.msk $0xffff, v47  }
0xe8: {  	[tilespmem:s13+$0xE70] =	vst.add.f32.msk $0xffff, v3  }
0xe9: {  	v3 =	vld [tilespmem:s13+$0x11240]  }
0xea: {  	[tilespmem:s13+$0x1250] =	vst.add.f32.msk $0xffff, v48  }
0xeb: {  	[tilespmem:s13+$0x1260] =	vst.add.f32.msk $0xffff, v49  }
0xec: {  	[tilespmem:s13+$0x1270] =	vst.add.f32.msk $0xffff, v50  }
0xed: {  	[tilespmem:s13+$0x1600] =	vst.add.f32.msk $0xffff, v51  }
0xee: {  	[tilespmem:s13+$0x1240] =	vst.add.f32.msk $0xffff, v3  }
0xef: {  	v3 =	vld [tilespmem:s13+$0x11610]  }
0xf0: {  	[tilespmem:s13+$0x1620] =	vst.add.f32.msk $0xffff, v52  }
0xf1: {  	[tilespmem:s13+$0x1630] =	vst.add.f32.msk $0xffff, v53  }
0xf2: {  	[tilespmem:s13+$0x1640] =	vst.add.f32.msk $0xffff, v54  }
0xf3: {  	[tilespmem:s13+$0x1650] =	vst.add.f32.msk $0xffff, v55  }
0xf4: {  	[tilespmem:s13+$0x1610] =	vst.add.f32.msk $0xffff, v3  }
0xf5: {  	v3 =	vld [tilespmem:s13+$0x11660]  }
0xf6: {  	[tilespmem:s13+$0x1670] =	vst.add.f32.msk $0xffff, v56  }
0xf7: {  	[tilespmem:s13+$0x1A00] =	vst.add.f32.msk $0xffff, v57  }
0xf8: {  	[tilespmem:s13+$0x1A10] =	vst.add.f32.msk $0xffff, v58  }
0xf9: {  	[tilespmem:s13+$0x1A20] =	vst.add.f32.msk $0xffff, v59  }
0xfa: {  	[tilespmem:s13+$0x1660] =	vst.add.f32.msk $0xffff, v3  }
0xfb: {  	v3 =	vld [tilespmem:s13+$0x11A30]  }
0xfc: {  	[tilespmem:s13+$0x1A40] =	vst.add.f32.msk $0xffff, v60  }
0xfd: {  	s31 =	sand.u32 $0x7, s8;
	[tilespmem:s13+$0x1A50] =	vst.add.f32.msk $0xffff, v61  }
0xfe: {  	s31 =	sshll.u32 s31, $0x7;
	[tilespmem:s13+$0x1A60] =	vst.add.f32.msk $0xffff, v62  }
0xff: {  	s31 =	sadd.s32 s31, s29;
	[tilespmem:s13+$0x1A70] =	vst.add.f32.msk $0xffff, v63  }
0x100: {  	[tilespmem:s13+$0x1A30] =	vst.add.f32.msk $0xffff, v3;
	s13 =	sor.u32 $0x1C00, s31  }
0x101: {  	v3 =	vld [tilespmem:s13+$0x10200];
	_ =	sdelay $0x4  }
0x102: {  	[tilespmem:s13+$0x200] =	vst.add.f32.msk $0xffff, v3;
	s13 =	sor.u32 $0x1C10, s31  }
0x103: {  	v3 =	vld [tilespmem:s13+$0x10200];
	_ =	sdelay $0x4  }
0x104: {  	[tilespmem:s13+$0x200] =	vst.add.f32.msk $0xffff, v3;
	s13 =	sor.u32 $0x1C20, s31  }
0x105: {  	v3 =	vld [tilespmem:s13+$0x10200];
	_ =	sdelay $0x4  }
0x106: {  	[tilespmem:s13+$0x200] =	vst.add.f32.msk $0xffff, v3;
	s13 =	sor.u32 $0x1C30, s31  }
0x107: {  	v3 =	vld [tilespmem:s13+$0x10200];
	_ =	sdelay $0x4  }
0x108: {  	[tilespmem:s13+$0x200] =	vst.add.f32.msk $0xffff, v3;
	s13 =	sor.u32 $0x1C40, s31  }
0x109: {  	v3 =	vld [tilespmem:s13+$0x10200];
	_ =	sdelay $0x4  }
0x10a: {  	[tilespmem:s13+$0x200] =	vst.add.f32.msk $0xffff, v3;
	s13 =	sor.u32 $0x1C50, s31  }
0x10b: {  	v3 =	vld [tilespmem:s13+$0x10200];
	_ =	sdelay $0x4  }
0x10c: {  	[tilespmem:s13+$0x200] =	vst.add.f32.msk $0xffff, v3;
	s13 =	sor.u32 $0x1C60, s31  }
0x10d: {  	v3 =	vld [tilespmem:s13+$0x10200];
	_ =	sdelay $0x4  }
0x10e: {  	s31 =	sor.u32 $0x1C70, s31;
	[tilespmem:s13+$0x200] =	vst.add.f32.msk $0xffff, v3  }
0x10f: {  	p2 =	sne.s32 s30, $0xF80;
	v3 =	vld [tilespmem:s31+$0x10200]  }
.Ltmp0:
0x110: {  	_ = 	snop;
	(pc) =	sbr.rel @p2 .LBB2_3-.Ltmp0, $3  }
0x111: {  	_ =	sdelay $0x1  }
0x112: {  	s25 =	sadd.s32 $0x400, s25  }
0x113: {  	s30 =	sadd.s32 $0x80, s30;
	s8 =	sadd.s32 $0x1, s8;
	s29 =	sadd.s32 $0x400, s29;
	[tilespmem:s31+$0x200] =	vst.add.f32.msk $0xffff, v3  }
0x114: {  	s8 =	sshll.u32 s23, $0x13  }
0x115: {  	s8 =	sadd.s32 s8, s12  }
0x116: {  	[hbm4b:s8+s3] =	stream.linear.scatter [tilespmem:s26], [sflag:$0x3], $0x8000, $0x38;
	[tilespmem:$0x18200] =	vst v63  }
0x117: {  	_ =	swait.ge [sflag:s22], $0x8000  }
0x118: {  	[sflag:s22] =	ssyncset.done $0x0  }
0x119: {  	[sflag:s22] =	ssyncadd.s32 $0xFFFF8000  }
0x11a: {  	v3 =	vld @!p1 [tilespmem:$0x100];
	_ =	sdelay $0x4  }
0x11b: {  	v4 =	vshll.u32 @!p1 v3, $0x3  }
0x11c: {  	v5 =	vlaneseq.u32 @!p1;
	v3 =	vand.u32 @!p1 $0x7, v3;
	v4 =	vand.u32 @!p1 $0xFFFFFFC0, v4  }
0x11d: {  	v6 =	vshrl.u32 @!p1 v5, $0x3;
	v3 =	vor.u32 @!p1 v3, v4;
	v4 =	vand.u32 @!p1 $0x7, v5  }
0x11e: {  	v6 =	vmul.u32 @!p1 $0x8, v6;
	v7 =	vperm.xlane @!p1 v3, v4;
	_ =	sdelay $0x1  }
0x11f: {  	v7 =	vadd.s32 @!p1 v6, v7;
	_ =	sdelay $0x3  }
0x120: {  	vm1 =	vmmov @!p1 $0xffff;
	s13 =	simm.s32 @!p1 $0x200;
	s8 =	simm.s32 @!p1 $0x0  }
0x121: {  	v5 =	vor.u32 @!p1 $0x8, v5;
	[tilespmem:s13], [sflag:$0x1] =	stream.indirect_vreg.gather @!p1 [hbm4b:s2+s8], $0x80, v7, vm1, $0xb8;
	[tilespmem:$0x18200] =	vst v63  }
0x122: {  	v3 =	vperm.xlane @!p1 v3, v5;
	s13 =	simm.s32 @!p1 $0xA00  }
0x123: {  	[tilespmem:s13], [sflag:$0x1] =	stream.indirect_vreg.gather @!p1 [hbm4b:s9+s8], $0x80, v7, vm1, $0xb8;
	[tilespmem:$0x18200] =	vst v63  }
0x124: {  	v3 =	vadd.s32 @!p1 v6, v3;
	s13 =	simm.s32 @!p1 $0x1200  }
0x125: {  	[tilespmem:s13], [sflag:$0x1] =	stream.indirect_vreg.gather @!p1 [hbm4b:s10+s8], $0x80, v7, vm1, $0xb8;
	[tilespmem:$0x18200] =	vst v63  }
0x126: {  	s13 =	simm.s32 @!p1 $0x1A00  }
0x127: {  	[tilespmem:s13], [sflag:$0x1] =	stream.indirect_vreg.gather @!p1 [hbm4b:s11+s8], $0x80, v7, vm1, $0xb8;
	[tilespmem:$0x18200] =	vst v63  }
0x128: {  	s13 =	simm.s32 @!p1 $0x2200  }
0x129: {  	[tilespmem:s13], [sflag:$0x1] =	stream.indirect_vreg.gather @!p1 [hbm4b:s2+s8], $0x80, v3, vm1, $0xb8;
	[tilespmem:$0x18200] =	vst v63  }
0x12a: {  	s13 =	simm.s32 @!p1 $0x2A00  }
0x12b: {  	[tilespmem:s13], [sflag:$0x1] =	stream.indirect_vreg.gather @!p1 [hbm4b:s9+s8], $0x80, v3, vm1, $0xb8;
	[tilespmem:$0x18200] =	vst v63  }
0x12c: {  	s13 =	simm.s32 @!p1 $0x3200  }
0x12d: {  	[tilespmem:s13], [sflag:$0x1] =	stream.indirect_vreg.gather @!p1 [hbm4b:s10+s8], $0x80, v3, vm1, $0xb8;
	[tilespmem:$0x18200] =	vst v63  }
0x12e: {  	s13 =	simm.s32 @!p1 $0x3A00  }
0x12f: {  	[tilespmem:s13], [sflag:$0x1] =	stream.indirect_vreg.gather @!p1 [hbm4b:s11+s8], $0x80, v3, vm1, $0xb8;
	[tilespmem:$0x18200] =	vst v63  }
0x130: {  	v3 =	vld @!p1 [tilespmem:$0x110];
	_ =	sdelay $0x4  }
0x131: {  	v7 =	vshll.u32 @!p1 v3, $0x3  }
0x132: {  	v3 =	vand.u32 @!p1 $0x7, v3;
	v7 =	vand.u32 @!p1 $0xFFFFFFC0, v7  }
0x133: {  	v3 =	vor.u32 @!p1 v3, v7  }
0x134: {  	v4 =	vperm.xlane @!p1 v3, v4;
	_ =	sdelay $0x1  }
0x135: {  	v4 =	vadd.s32 @!p1 v6, v4;
	_ =	sdelay $0x3  }
0x136: {  	s13 =	simm.s32 @!p1 $0x4200  }
0x137: {  	[tilespmem:s13], [sflag:$0x1] =	stream.indirect_vreg.gather @!p1 [hbm4b:s2+s8], $0x80, v4, vm1, $0xb8;
	[tilespmem:$0x18200] =	vst v63  }
0x138: {  	v3 =	vperm.xlane @!p1 v3, v5;
	s13 =	simm.s32 @!p1 $0x4A00  }
0x139: {  	[tilespmem:s13], [sflag:$0x1] =	stream.indirect_vreg.gather @!p1 [hbm4b:s9+s8], $0x80, v4, vm1, $0xb8;
	[tilespmem:$0x18200] =	vst v63  }
0x13a: {  	v3 =	vadd.s32 @!p1 v6, v3;
	s13 =	simm.s32 @!p1 $0x5200  }
0x13b: {  	[tilespmem:s13], [sflag:$0x1] =	stream.indirect_vreg.gather @!p1 [hbm4b:s10+s8], $0x80, v4, vm1, $0xb8;
	[tilespmem:$0x18200] =	vst v63  }
0x13c: {  	s13 =	simm.s32 @!p1 $0x5A00  }
0x13d: {  	[tilespmem:s13], [sflag:$0x1] =	stream.indirect_vreg.gather @!p1 [hbm4b:s11+s8], $0x80, v4, vm1, $0xb8;
	[tilespmem:$0x18200] =	vst v63  }
0x13e: {  	s13 =	simm.s32 @!p1 $0x6200  }
0x13f: {  	[tilespmem:s13], [sflag:$0x1] =	stream.indirect_vreg.gather @!p1 [hbm4b:s2+s8], $0x80, v3, vm1, $0xb8;
	[tilespmem:$0x18200] =	vst v63  }
0x140: {  	s13 =	simm.s32 @!p1 $0x6A00  }
0x141: {  	[tilespmem:s13], [sflag:$0x1] =	stream.indirect_vreg.gather @!p1 [hbm4b:s9+s8], $0x80, v3, vm1, $0xb8;
	[tilespmem:$0x18200] =	vst v63  }
0x142: {  	s13 =	simm.s32 @!p1 $0x7200  }
0x143: {  	[tilespmem:s13], [sflag:$0x1] =	stream.indirect_vreg.gather @!p1 [hbm4b:s10+s8], $0x80, v3, vm1, $0xb8;
	[tilespmem:$0x18200] =	vst v63  }
0x144: {  	s13 =	simm.s32 @!p1 $0x7A00  }
0x145: {  	[tilespmem:s13], [sflag:$0x1] =	stream.indirect_vreg.gather @!p1 [hbm4b:s11+s8], $0x80, v3, vm1, $0xb8;
	[tilespmem:$0x18200] =	vst v63  }
0x146: {  	_ =	swait.ge [sflag:s7], $0x8000  }
0x147: {  	s23 =	simm.s32 $0xFFFF8000;
	s25 =	simm.s32 $0x0;
	[sflag:s7] =	ssyncset.done $0x0  }
0x148: {  	s29 =	simm.s32 $0x0;
	s8 =	simm.s32 $0x0;
	[sflag:s7] =	ssyncadd.s32 $0xFFFF8000  }
.LBB2_5:
0x149: {  	s13 =	sadd.s32 $0x8000, s23  }
0x14a: {  	s30 =	sand.u32 $0x380, s29;
	s13 =	sand.u32 $0x6000, s13  }
0x14b: {  	s13 =	sor.u32 s30, s13  }
0x14c: {  	v3 =	vld [tilespmem:s13+$0x10200]  }
0x14d: {  	v4 =	vld [tilespmem:s13+$0x10220]  }
0x14e: {  	v5 =	vld [tilespmem:s13+$0x10230]  }
0x14f: {  	v6 =	vld [tilespmem:s13+$0x10240]  }
0x150: {  	v7 =	vld [tilespmem:s13+$0x10250]  }
0x151: {  	v24 =	vld [tilespmem:s13+$0x10270]  }
0x152: {  	v25 =	vld [tilespmem:s13+$0x10600]  }
0x153: {  	v26 =	vld [tilespmem:s13+$0x10610]  }
0x154: {  	v27 =	vld [tilespmem:s13+$0x10620]  }
0x155: {  	v28 =	vld [tilespmem:s13+$0x10640]  }
0x156: {  	v29 =	vld [tilespmem:s13+$0x10650]  }
0x157: {  	v30 =	vld [tilespmem:s13+$0x10660]  }
0x158: {  	v31 =	vld [tilespmem:s13+$0x10670]  }
0x159: {  	v32 =	vld [tilespmem:s13+$0x10A10]  }
0x15a: {  	v33 =	vld [tilespmem:s13+$0x10A20]  }
0x15b: {  	v34 =	vld [tilespmem:s13+$0x10A30]  }
0x15c: {  	v35 =	vld [tilespmem:s13+$0x10A40]  }
0x15d: {  	v36 =	vld [tilespmem:s13+$0x10A60]  }
0x15e: {  	v37 =	vld [tilespmem:s13+$0x10A70]  }
0x15f: {  	v38 =	vld [tilespmem:s13+$0x10E00]  }
0x160: {  	v39 =	vld [tilespmem:s13+$0x10E10]  }
0x161: {  	v40 =	vld [tilespmem:s13+$0x10E30]  }
0x162: {  	v41 =	vld [tilespmem:s13+$0x10E40]  }
0x163: {  	v42 =	vld [tilespmem:s13+$0x10E50]  }
0x164: {  	v43 =	vld [tilespmem:s13+$0x10E60]  }
0x165: {  	v44 =	vld [tilespmem:s13+$0x11200]  }
0x166: {  	v45 =	vld [tilespmem:s13+$0x11210]  }
0x167: {  	v46 =	vld [tilespmem:s13+$0x11220]  }
0x168: {  	v47 =	vld [tilespmem:s13+$0x11230]  }
0x169: {  	v48 =	vld [tilespmem:s13+$0x11250]  }
0x16a: {  	v49 =	vld [tilespmem:s13+$0x11260]  }
0x16b: {  	v50 =	vld [tilespmem:s13+$0x11270]  }
0x16c: {  	v51 =	vld [tilespmem:s13+$0x11600]  }
0x16d: {  	v52 =	vld [tilespmem:s13+$0x11620]  }
0x16e: {  	v53 =	vld [tilespmem:s13+$0x11630]  }
0x16f: {  	v54 =	vld [tilespmem:s13+$0x11640]  }
0x170: {  	v55 =	vld [tilespmem:s13+$0x11650]  }
0x171: {  	v56 =	vld [tilespmem:s13+$0x11670]  }
0x172: {  	v57 =	vld [tilespmem:s13+$0x11A00]  }
0x173: {  	v58 =	vld [tilespmem:s13+$0x11A10]  }
0x174: {  	v59 =	vld [tilespmem:s13+$0x11A20]  }
0x175: {  	v60 =	vld [tilespmem:s13+$0x11A40]  }
0x176: {  	v61 =	vld [tilespmem:s13+$0x11A50]  }
0x177: {  	v62 =	vld [tilespmem:s13+$0x11A60]  }
0x178: {  	v63 =	vld [tilespmem:s13+$0x11A70]  }
0x179: {  	[tilespmem:s13+$0x8200] =	vst.add.f32.msk $0xffff, v3  }
0x17a: {  	v3 =	vld [tilespmem:s13+$0x10210]  }
0x17b: {  	[tilespmem:s13+$0x8220] =	vst.add.f32.msk $0xffff, v4  }
0x17c: {  	[tilespmem:s13+$0x8230] =	vst.add.f32.msk $0xffff, v5  }
0x17d: {  	[tilespmem:s13+$0x8240] =	vst.add.f32.msk $0xffff, v6  }
0x17e: {  	[tilespmem:s13+$0x8250] =	vst.add.f32.msk $0xffff, v7  }
0x17f: {  	[tilespmem:s13+$0x8210] =	vst.add.f32.msk $0xffff, v3  }
0x180: {  	v3 =	vld [tilespmem:s13+$0x10260]  }
0x181: {  	[tilespmem:s13+$0x8270] =	vst.add.f32.msk $0xffff, v24  }
0x182: {  	[tilespmem:s13+$0x8600] =	vst.add.f32.msk $0xffff, v25  }
0x183: {  	[tilespmem:s13+$0x8610] =	vst.add.f32.msk $0xffff, v26  }
0x184: {  	[tilespmem:s13+$0x8620] =	vst.add.f32.msk $0xffff, v27  }
0x185: {  	[tilespmem:s13+$0x8260] =	vst.add.f32.msk $0xffff, v3  }
0x186: {  	v3 =	vld [tilespmem:s13+$0x10630]  }
0x187: {  	[tilespmem:s13+$0x8640] =	vst.add.f32.msk $0xffff, v28  }
0x188: {  	[tilespmem:s13+$0x8650] =	vst.add.f32.msk $0xffff, v29  }
0x189: {  	[tilespmem:s13+$0x8660] =	vst.add.f32.msk $0xffff, v30  }
0x18a: {  	[tilespmem:s13+$0x8670] =	vst.add.f32.msk $0xffff, v31  }
0x18b: {  	[tilespmem:s13+$0x8630] =	vst.add.f32.msk $0xffff, v3  }
0x18c: {  	v3 =	vld [tilespmem:s13+$0x10A00]  }
0x18d: {  	[tilespmem:s13+$0x8A10] =	vst.add.f32.msk $0xffff, v32  }
0x18e: {  	[tilespmem:s13+$0x8A20] =	vst.add.f32.msk $0xffff, v33  }
0x18f: {  	[tilespmem:s13+$0x8A30] =	vst.add.f32.msk $0xffff, v34  }
0x190: {  	[tilespmem:s13+$0x8A40] =	vst.add.f32.msk $0xffff, v35  }
0x191: {  	[tilespmem:s13+$0x8A00] =	vst.add.f32.msk $0xffff, v3  }
0x192: {  	v3 =	vld [tilespmem:s13+$0x10A50]  }
0x193: {  	[tilespmem:s13+$0x8A60] =	vst.add.f32.msk $0xffff, v36  }
0x194: {  	[tilespmem:s13+$0x8A70] =	vst.add.f32.msk $0xffff, v37  }
0x195: {  	[tilespmem:s13+$0x8E00] =	vst.add.f32.msk $0xffff, v38  }
0x196: {  	[tilespmem:s13+$0x8E10] =	vst.add.f32.msk $0xffff, v39  }
0x197: {  	[tilespmem:s13+$0x8A50] =	vst.add.f32.msk $0xffff, v3  }
0x198: {  	v3 =	vld [tilespmem:s13+$0x10E20]  }
0x199: {  	[tilespmem:s13+$0x8E30] =	vst.add.f32.msk $0xffff, v40  }
0x19a: {  	[tilespmem:s13+$0x8E40] =	vst.add.f32.msk $0xffff, v41  }
0x19b: {  	[tilespmem:s13+$0x8E50] =	vst.add.f32.msk $0xffff, v42  }
0x19c: {  	[tilespmem:s13+$0x8E60] =	vst.add.f32.msk $0xffff, v43  }
0x19d: {  	[tilespmem:s13+$0x8E20] =	vst.add.f32.msk $0xffff, v3  }
0x19e: {  	v3 =	vld [tilespmem:s13+$0x10E70]  }
0x19f: {  	[tilespmem:s13+$0x9200] =	vst.add.f32.msk $0xffff, v44  }
0x1a0: {  	[tilespmem:s13+$0x9210] =	vst.add.f32.msk $0xffff, v45  }
0x1a1: {  	[tilespmem:s13+$0x9220] =	vst.add.f32.msk $0xffff, v46  }
0x1a2: {  	[tilespmem:s13+$0x9230] =	vst.add.f32.msk $0xffff, v47  }
0x1a3: {  	[tilespmem:s13+$0x8E70] =	vst.add.f32.msk $0xffff, v3  }
0x1a4: {  	v3 =	vld [tilespmem:s13+$0x11240]  }
0x1a5: {  	[tilespmem:s13+$0x9250] =	vst.add.f32.msk $0xffff, v48  }
0x1a6: {  	[tilespmem:s13+$0x9260] =	vst.add.f32.msk $0xffff, v49  }
0x1a7: {  	[tilespmem:s13+$0x9270] =	vst.add.f32.msk $0xffff, v50  }
0x1a8: {  	[tilespmem:s13+$0x9600] =	vst.add.f32.msk $0xffff, v51  }
0x1a9: {  	[tilespmem:s13+$0x9240] =	vst.add.f32.msk $0xffff, v3  }
0x1aa: {  	v3 =	vld [tilespmem:s13+$0x11610]  }
0x1ab: {  	[tilespmem:s13+$0x9620] =	vst.add.f32.msk $0xffff, v52  }
0x1ac: {  	[tilespmem:s13+$0x9630] =	vst.add.f32.msk $0xffff, v53  }
0x1ad: {  	[tilespmem:s13+$0x9640] =	vst.add.f32.msk $0xffff, v54  }
0x1ae: {  	[tilespmem:s13+$0x9650] =	vst.add.f32.msk $0xffff, v55  }
0x1af: {  	[tilespmem:s13+$0x9610] =	vst.add.f32.msk $0xffff, v3  }
0x1b0: {  	v3 =	vld [tilespmem:s13+$0x11660]  }
0x1b1: {  	[tilespmem:s13+$0x9670] =	vst.add.f32.msk $0xffff, v56  }
0x1b2: {  	[tilespmem:s13+$0x9A00] =	vst.add.f32.msk $0xffff, v57  }
0x1b3: {  	[tilespmem:s13+$0x9A10] =	vst.add.f32.msk $0xffff, v58  }
0x1b4: {  	[tilespmem:s13+$0x9A20] =	vst.add.f32.msk $0xffff, v59  }
0x1b5: {  	[tilespmem:s13+$0x9660] =	vst.add.f32.msk $0xffff, v3  }
0x1b6: {  	v3 =	vld [tilespmem:s13+$0x11A30]  }
0x1b7: {  	[tilespmem:s13+$0x9A40] =	vst.add.f32.msk $0xffff, v60  }
0x1b8: {  	s31 =	sand.u32 $0x7, s8;
	[tilespmem:s13+$0x9A50] =	vst.add.f32.msk $0xffff, v61  }
0x1b9: {  	s30 =	sshll.u32 s31, $0x7;
	[tilespmem:s13+$0x9A60] =	vst.add.f32.msk $0xffff, v62  }
0x1ba: {  	s30 =	sadd.s32 s30, s25;
	[tilespmem:s13+$0x9A70] =	vst.add.f32.msk $0xffff, v63  }
0x1bb: {  	s31 =	sor.u32 $0x1C00, s30;
	[tilespmem:s13+$0x9A30] =	vst.add.f32.msk $0xffff, v3  }
0x1bc: {  	v3 =	vld [tilespmem:s31+$0x10200];
	_ =	sdelay $0x4  }
0x1bd: {  	[tilespmem:s31+$0x8200] =	vst.add.f32.msk $0xffff, v3;
	s31 =	sor.u32 $0x1C10, s30  }
0x1be: {  	v3 =	vld [tilespmem:s31+$0x10200];
	_ =	sdelay $0x4  }
0x1bf: {  	[tilespmem:s31+$0x8200] =	vst.add.f32.msk $0xffff, v3;
	s31 =	sor.u32 $0x1C20, s30  }
0x1c0: {  	v3 =	vld [tilespmem:s31+$0x10200];
	_ =	sdelay $0x4  }
0x1c1: {  	[tilespmem:s31+$0x8200] =	vst.add.f32.msk $0xffff, v3;
	s31 =	sor.u32 $0x1C30, s30  }
0x1c2: {  	v3 =	vld [tilespmem:s31+$0x10200];
	_ =	sdelay $0x4  }
0x1c3: {  	[tilespmem:s31+$0x8200] =	vst.add.f32.msk $0xffff, v3;
	s31 =	sor.u32 $0x1C40, s30  }
0x1c4: {  	v3 =	vld [tilespmem:s31+$0x10200];
	_ =	sdelay $0x4  }
0x1c5: {  	[tilespmem:s31+$0x8200] =	vst.add.f32.msk $0xffff, v3;
	s31 =	sor.u32 $0x1C50, s30  }
0x1c6: {  	v3 =	vld [tilespmem:s31+$0x10200];
	_ =	sdelay $0x4  }
0x1c7: {  	[tilespmem:s31+$0x8200] =	vst.add.f32.msk $0xffff, v3;
	s31 =	sor.u32 $0x1C60, s30  }
0x1c8: {  	v3 =	vld [tilespmem:s31+$0x10200];
	_ =	sdelay $0x4  }
0x1c9: {  	[tilespmem:s31+$0x8200] =	vst.add.f32.msk $0xffff, v3;
	s31 =	sor.u32 $0x1C70, s30  }
0x1ca: {  	p1 =	sne.s32 s29, $0xF80;
	v3 =	vld [tilespmem:s31+$0x10200]  }
.Ltmp1:
0x1cb: {  	_ = 	snop;
	(pc) =	sbr.rel @p1 .LBB2_5-.Ltmp1, $3  }
0x1cc: {  	_ =	sdelay $0x1  }
0x1cd: {  	s8 =	sadd.s32 $0x1, s8  }
0x1ce: {  	s23 =	sadd.s32 $0x400, s23;
	s29 =	sadd.s32 $0x80, s29;
	s25 =	sadd.s32 $0x400, s25;
	[tilespmem:s31+$0x8200] =	vst.add.f32.msk $0xffff, v3  }
.Ltmp2:
0x1cf: {  	(pc) =	sbr.rel @p0 .LBB2_2-.Ltmp2, $4  }
0x1d0: {  	_ = 	snop  }
0x1d1: {  	s8 =	sshll.u32 s24, $0x12;
	s23 =	simm.s32 $0x1  }
0x1d2: {  	p2 =	por $0x0, $0x0;
	p1 =	por $0x1, $0x1;
	s8 =	sadd.s32 s8, s12  }
0x1d3: {  	[hbm4b:s8+s3] =	stream.linear.scatter [tilespmem:s28], [sflag:$0x4], $0x8000, $0x38;
	[tilespmem:$0x18200] =	vst v63  }
0x1d4: {  	s8 =	simm.s32 $0x4  }
0x1d5: {  	_ =	swait.ge [sflag:s8], $0x8000  }
0x1d6: {  	[sflag:s8] =	ssyncset.done $0x0  }
0x1d7: {  	s24 =	simm.s32 $0x0;
	s29 =	rddreg [dreg:$0x8];
	[sflag:s8] =	ssyncadd.s32 $0xFFFF8000  }
0x1d8: {  	[tilespmem:s24], [sflag:$0x5] =	stream.linear.gather [hbm4b:s29+s24], $0x20, $0x38;
	[tilespmem:$0x18200] =	vst v63  }
0x1d9: {  	s30 =	rddreg [dreg:$0x9]  }
0x1da: {  	[tilespmem:s14], [sflag:$0x5] =	stream.linear.gather [hbm4b:s30+s24], $0x20, $0x38;
	[tilespmem:$0x18200] =	vst v63  }
0x1db: {  	s13 =	simm.s32 $0x100;
	s31 =	rddreg [dreg:$0xa]  }
0x1dc: {  	[tilespmem:s13], [sflag:$0x5] =	stream.linear.gather [hbm4b:s31+s24], $0x20, $0x38;
	[tilespmem:$0x18200] =	vst v63  }
0x1dd: {  	s14 =	simm.s32 $0x180;
	s13 =	rddreg [dreg:$0xb]  }
0x1de: {  	[tilespmem:s14], [sflag:$0x5] =	stream.linear.gather [hbm4b:s13+s24], $0x20, $0x38;
	[tilespmem:$0x18200] =	vst v63  }
0x1df: {  	s25 =	simm.s32 $0x10200;
	s23 =	rddreg [dreg:$0xc];
	s29 =	simm.s32 $0x6  }
0x1e0: {  	[tilespmem:s25], [sflag:$0x6] =	stream.linear.gather [hbm4b:s23+s24], $0x8000, $0x38;
	[tilespmem:$0x18200] =	vst v63  }
0x1e1: {  	_ =	swait.ge [sflag:s29], $0x8000  }
0x1e2: {  	[sflag:s29] =	ssyncset.done $0x0  }
0x1e3: {  	s30 =	simm.s32 $0x5;
	[sflag:s29] =	ssyncadd.s32 $0xFFFF8000  }
0x1e4: {  	_ =	swait.ge [sflag:s30], $0x20  }
0x1e5: {  	[sflag:s30] =	ssyncset.done $0x0  }
0x1e6: {  	[sflag:s30] =	ssyncadd.s32 $0xFFFFFFE0  }
0x1e7: {  	_ =	swait.ge [sflag:s30], $0x20  }
0x1e8: {  	[sflag:s30] =	ssyncset.done $0x0  }
0x1e9: {  	[sflag:s30] =	ssyncadd.s32 $0xFFFFFFE0  }
0x1ea: {  	_ =	swait.ge [sflag:s30], $0x20  }
0x1eb: {  	[sflag:s30] =	ssyncset.done $0x0  }
0x1ec: {  	[sflag:s30] =	ssyncadd.s32 $0xFFFFFFE0  }
0x1ed: {  	_ =	swait.ge [sflag:s30], $0x20  }
0x1ee: {  	[sflag:s30] =	ssyncset.done $0x0  }
0x1ef: {  	[sflag:s30] =	ssyncadd.s32 $0xFFFFFFE0  }
0x1f0: {  	v3 =	vld [tilespmem:$0x0];
	_ =	sdelay $0x4  }
0x1f1: {  	v4 =	vshll.u32 v3, $0x3  }
0x1f2: {  	v3 =	vand.u32 $0x7, v3;
	v4 =	vand.u32 $0xFFFFFFC0, v4  }
0x1f3: {  	v3 =	vor.u32 v3, v4  }
0x1f4: {  	v4 =	vperm.xlane v3, v0;
	_ =	sdelay $0x1  }
0x1f5: {  	v4 =	vadd.s32 v1, v4;
	_ =	sdelay $0x4  }
0x1f6: {  	[tilespmem:s26], [sflag:$0x1] =	stream.indirect_vreg.gather [hbm4b:s2+s24], $0x80, v4, vm0, $0xb8;
	[tilespmem:$0x18200] =	vst v63  }
0x1f7: {  	s31 =	simm.s32 $0xA00;
	v3 =	vperm.xlane v3, v2  }
0x1f8: {  	[tilespmem:s31], [sflag:$0x1] =	stream.indirect_vreg.gather [hbm4b:s9+s24], $0x80, v4, vm0, $0xb8;
	[tilespmem:$0x18200] =	vst v63  }
0x1f9: {  	s13 =	simm.s32 $0x1200;
	v3 =	vadd.s32 v1, v3  }
0x1fa: {  	[tilespmem:s13], [sflag:$0x1] =	stream.indirect_vreg.gather [hbm4b:s10+s24], $0x80, v4, vm0, $0xb8;
	[tilespmem:$0x18200] =	vst v63  }
0x1fb: {  	s14 =	simm.s32 $0x1A00  }
0x1fc: {  	[tilespmem:s14], [sflag:$0x1] =	stream.indirect_vreg.gather [hbm4b:s11+s24], $0x80, v4, vm0, $0xb8;
	[tilespmem:$0x18200] =	vst v63  }
0x1fd: {  	s23 =	simm.s32 $0x2200  }
0x1fe: {  	[tilespmem:s23], [sflag:$0x1] =	stream.indirect_vreg.gather [hbm4b:s2+s24], $0x80, v3, vm0, $0xb8;
	[tilespmem:$0x18200] =	vst v63  }
0x1ff: {  	s25 =	simm.s32 $0x2A00  }
0x200: {  	[tilespmem:s25], [sflag:$0x1] =	stream.indirect_vreg.gather [hbm4b:s9+s24], $0x80, v3, vm0, $0xb8;
	[tilespmem:$0x18200] =	vst v63  }
0x201: {  	s29 =	simm.s32 $0x3200  }
0x202: {  	[tilespmem:s29], [sflag:$0x1] =	stream.indirect_vreg.gather [hbm4b:s10+s24], $0x80, v3, vm0, $0xb8;
	[tilespmem:$0x18200] =	vst v63  }
0x203: {  	s30 =	simm.s32 $0x3A00  }
0x204: {  	[tilespmem:s30], [sflag:$0x1] =	stream.indirect_vreg.gather [hbm4b:s11+s24], $0x80, v3, vm0, $0xb8;
	[tilespmem:$0x18200] =	vst v63  }
0x205: {  	v3 =	vld [tilespmem:$0x10];
	_ =	sdelay $0x4  }
0x206: {  	v63 =	vshll.u32 v3, $0x3  }
0x207: {  	v3 =	vand.u32 $0x7, v3;
	v4 =	vand.u32 $0xFFFFFFC0, v63  }
0x208: {  	v3 =	vor.u32 v3, v4  }
0x209: {  	v4 =	vperm.xlane v3, v0;
	_ =	sdelay $0x1  }
0x20a: {  	v4 =	vadd.s32 v1, v4;
	_ =	sdelay $0x3  }
0x20b: {  	s31 =	simm.s32 $0x4200  }
0x20c: {  	[tilespmem:s31], [sflag:$0x1] =	stream.indirect_vreg.gather [hbm4b:s2+s24], $0x80, v4, vm0, $0xb8;
	[tilespmem:$0x18200] =	vst v63  }
0x20d: {  	s13 =	simm.s32 $0x4A00;
	v3 =	vperm.xlane v3, v2  }
0x20e: {  	[tilespmem:s13], [sflag:$0x1] =	stream.indirect_vreg.gather [hbm4b:s9+s24], $0x80, v4, vm0, $0xb8;
	[tilespmem:$0x18200] =	vst v63  }
0x20f: {  	s14 =	simm.s32 $0x5200;
	v3 =	vadd.s32 v1, v3  }
0x210: {  	[tilespmem:s14], [sflag:$0x1] =	stream.indirect_vreg.gather [hbm4b:s10+s24], $0x80, v4, vm0, $0xb8;
	[tilespmem:$0x18200] =	vst v63  }
0x211: {  	s23 =	simm.s32 $0x5A00  }
0x212: {  	[tilespmem:s23], [sflag:$0x1] =	stream.indirect_vreg.gather [hbm4b:s11+s24], $0x80, v4, vm0, $0xb8;
	[tilespmem:$0x18200] =	vst v63  }
0x213: {  	s25 =	simm.s32 $0x6200  }
0x214: {  	[tilespmem:s25], [sflag:$0x1] =	stream.indirect_vreg.gather [hbm4b:s2+s24], $0x80, v3, vm0, $0xb8;
	[tilespmem:$0x18200] =	vst v63  }
0x215: {  	s29 =	simm.s32 $0x6A00  }
0x216: {  	[tilespmem:s29], [sflag:$0x1] =	stream.indirect_vreg.gather [hbm4b:s9+s24], $0x80, v3, vm0, $0xb8;
	[tilespmem:$0x18200] =	vst v63  }
0x217: {  	p2 =	por $0x1, $0x1;
	s30 =	simm.s32 $0x7200  }
0x218: {  	[tilespmem:s30], [sflag:$0x1] =	stream.indirect_vreg.gather [hbm4b:s10+s24], $0x80, v3, vm0, $0xb8;
	[tilespmem:$0x18200] =	vst v63  }
0x219: {  	p1 =	por $0x0, $0x0;
	s8 =	simm.s32 $0x0;
	s31 =	simm.s32 $0x7A00  }
0x21a: {  	[tilespmem:s31], [sflag:$0x1] =	stream.indirect_vreg.gather [hbm4b:s11+s24], $0x80, v3, vm0, $0xb8;
	[tilespmem:$0x18200] =	vst v63  }
.LBB2_8:
0x21b: {  	s13 =	sshll.u32 s8, $0x1;
	s25 =	simm.s32 @p1 $0x4  }
0x21c: {  	_ =	swait.ge @p1 [sflag:s25], $0x8000;
	s23 =	sor.u32 $0x1, s13  }
0x21d: {  	[sflag:s25] =	ssyncset.done @p1 $0x0;
	s13 =	sshll.u32 s23, $0x7  }
0x21e: {  	[sflag:s25] =	ssyncadd.s32 @p1 $0xFFFF8000;
	s13 =	sand.u32 $0x3FFFFF80, s13  }
0x21f: {  	v3 =	vld [tilespmem:s13+$0x0];
	_ =	sdelay $0x4  }
0x220: {  	v4 =	vshll.u32 v3, $0x3  }
0x221: {  	v3 =	vand.u32 $0x7, v3;
	v4 =	vand.u32 $0xFFFFFFC0, v4  }
0x222: {  	v3 =	vor.u32 v3, v4  }
0x223: {  	v4 =	vperm.xlane v3, v0;
	_ =	sdelay $0x1  }
0x224: {  	v4 =	vadd.s32 v1, v4;
	_ =	sdelay $0x4  }
0x225: {  	[tilespmem:s28], [sflag:$0x2] =	stream.indirect_vreg.gather [hbm4b:s2+s24], $0x80, v4, vm0, $0xb8;
	[tilespmem:$0x18200] =	vst v63  }
0x226: {  	s14 =	simm.s32 $0x8A00;
	v3 =	vperm.xlane v3, v2  }
0x227: {  	[tilespmem:s14], [sflag:$0x2] =	stream.indirect_vreg.gather [hbm4b:s9+s24], $0x80, v4, vm0, $0xb8;
	[tilespmem:$0x18200] =	vst v63  }
0x228: {  	s25 =	simm.s32 $0x9200;
	v3 =	vadd.s32 v1, v3  }
0x229: {  	[tilespmem:s25], [sflag:$0x2] =	stream.indirect_vreg.gather [hbm4b:s10+s24], $0x80, v4, vm0, $0xb8;
	[tilespmem:$0x18200] =	vst v63  }
0x22a: {  	s31 =	simm.s32 $0x9A00  }
0x22b: {  	[tilespmem:s31], [sflag:$0x2] =	stream.indirect_vreg.gather [hbm4b:s11+s24], $0x80, v4, vm0, $0xb8;
	[tilespmem:$0x18200] =	vst v63  }
0x22c: {  	s25 =	simm.s32 $0xA200  }
0x22d: {  	[tilespmem:s25], [sflag:$0x2] =	stream.indirect_vreg.gather [hbm4b:s2+s24], $0x80, v3, vm0, $0xb8;
	[tilespmem:$0x18200] =	vst v63  }
0x22e: {  	s31 =	simm.s32 $0xAA00  }
0x22f: {  	[tilespmem:s31], [sflag:$0x2] =	stream.indirect_vreg.gather [hbm4b:s9+s24], $0x80, v3, vm0, $0xb8;
	[tilespmem:$0x18200] =	vst v63  }
0x230: {  	_ = 	snop  }
0x231: {  	[tilespmem:s0], [sflag:$0x2] =	stream.indirect_vreg.gather [hbm4b:s10+s24], $0x80, v3, vm0, $0xb8;
	[tilespmem:$0x18200] =	vst v63  }
0x232: {  	_ = 	snop  }
0x233: {  	[tilespmem:s15], [sflag:$0x2] =	stream.indirect_vreg.gather [hbm4b:s11+s24], $0x80, v3, vm0, $0xb8;
	[tilespmem:$0x18200] =	vst v63  }
0x234: {  	v3 =	vld [tilespmem:s13+$0x10];
	_ =	sdelay $0x4  }
0x235: {  	v63 =	vshll.u32 v3, $0x3  }
0x236: {  	v3 =	vand.u32 $0x7, v3;
	v4 =	vand.u32 $0xFFFFFFC0, v63  }
0x237: {  	v3 =	vor.u32 v3, v4  }
0x238: {  	v4 =	vperm.xlane v3, v0;
	_ =	sdelay $0x1  }
0x239: {  	v4 =	vadd.s32 v1, v4;
	_ =	sdelay $0x4  }
0x23a: {  	[tilespmem:s1], [sflag:$0x2] =	stream.indirect_vreg.gather [hbm4b:s2+s24], $0x80, v4, vm0, $0xb8;
	[tilespmem:$0x18200] =	vst v63  }
0x23b: {  	v3 =	vperm.xlane v3, v2  }
0x23c: {  	[tilespmem:s16], [sflag:$0x2] =	stream.indirect_vreg.gather [hbm4b:s9+s24], $0x80, v4, vm0, $0xb8;
	[tilespmem:$0x18200] =	vst v63  }
0x23d: {  	v3 =	vadd.s32 v1, v3  }
0x23e: {  	[tilespmem:s4], [sflag:$0x2] =	stream.indirect_vreg.gather [hbm4b:s10+s24], $0x80, v4, vm0, $0xb8;
	[tilespmem:$0x18200] =	vst v63  }
0x23f: {  	_ = 	snop  }
0x240: {  	[tilespmem:s17], [sflag:$0x2] =	stream.indirect_vreg.gather [hbm4b:s11+s24], $0x80, v4, vm0, $0xb8;
	[tilespmem:$0x18200] =	vst v63  }
0x241: {  	_ = 	snop  }
0x242: {  	[tilespmem:s20], [sflag:$0x2] =	stream.indirect_vreg.gather [hbm4b:s2+s24], $0x80, v3, vm0, $0xb8;
	[tilespmem:$0x18200] =	vst v63  }
0x243: {  	_ = 	snop  }
0x244: {  	[tilespmem:s5], [sflag:$0x2] =	stream.indirect_vreg.gather [hbm4b:s9+s24], $0x80, v3, vm0, $0xb8;
	[tilespmem:$0x18200] =	vst v63  }
0x245: {  	_ = 	snop  }
0x246: {  	[tilespmem:s19], [sflag:$0x2] =	stream.indirect_vreg.gather [hbm4b:s10+s24], $0x80, v3, vm0, $0xb8;
	[tilespmem:$0x18200] =	vst v63  }
0x247: {  	_ = 	snop  }
0x248: {  	[tilespmem:s21], [sflag:$0x2] =	stream.indirect_vreg.gather [hbm4b:s11+s24], $0x80, v3, vm0, $0xb8;
	[tilespmem:$0x18200] =	vst v63  }
0x249: {  	p0 =	por p2, p2;
	_ =	swait.ge [sflag:s6], $0x8000  }
0x24a: {  	s29 =	simm.s32 $0x0;
	s30 =	simm.s32 $0x0;
	[sflag:s6] =	ssyncset.done $0x0  }
0x24b: {  	s25 =	simm.s32 $0xFFFF8000;
	s13 =	simm.s32 $0x0;
	[sflag:s6] =	ssyncadd.s32 $0xFFFF8000  }
.LBB2_9:
0x24c: {  	s31 =	sadd.s32 $0x8000, s25  }
0x24d: {  	s14 =	sand.u32 $0x380, s13;
	s31 =	sand.u32 $0x6000, s31  }
0x24e: {  	s31 =	sor.u32 s14, s31  }
0x24f: {  	v3 =	vld [tilespmem:s31+$0x10200]  }
0x250: {  	v4 =	vld [tilespmem:s31+$0x10220]  }
0x251: {  	v5 =	vld [tilespmem:s31+$0x10230]  }
0x252: {  	v6 =	vld [tilespmem:s31+$0x10240]  }
0x253: {  	v7 =	vld [tilespmem:s31+$0x10250]  }
0x254: {  	v24 =	vld [tilespmem:s31+$0x10270]  }
0x255: {  	v25 =	vld [tilespmem:s31+$0x10600]  }
0x256: {  	v26 =	vld [tilespmem:s31+$0x10610]  }
0x257: {  	v27 =	vld [tilespmem:s31+$0x10620]  }
0x258: {  	v28 =	vld [tilespmem:s31+$0x10640]  }
0x259: {  	v29 =	vld [tilespmem:s31+$0x10650]  }
0x25a: {  	v30 =	vld [tilespmem:s31+$0x10660]  }
0x25b: {  	v31 =	vld [tilespmem:s31+$0x10670]  }
0x25c: {  	v32 =	vld [tilespmem:s31+$0x10A10]  }
0x25d: {  	v33 =	vld [tilespmem:s31+$0x10A20]  }
0x25e: {  	v34 =	vld [tilespmem:s31+$0x10A30]  }
0x25f: {  	v35 =	vld [tilespmem:s31+$0x10A40]  }
0x260: {  	v36 =	vld [tilespmem:s31+$0x10A60]  }
0x261: {  	v37 =	vld [tilespmem:s31+$0x10A70]  }
0x262: {  	v38 =	vld [tilespmem:s31+$0x10E00]  }
0x263: {  	v39 =	vld [tilespmem:s31+$0x10E10]  }
0x264: {  	v40 =	vld [tilespmem:s31+$0x10E30]  }
0x265: {  	v41 =	vld [tilespmem:s31+$0x10E40]  }
0x266: {  	v42 =	vld [tilespmem:s31+$0x10E50]  }
0x267: {  	v43 =	vld [tilespmem:s31+$0x10E60]  }
0x268: {  	v44 =	vld [tilespmem:s31+$0x11200]  }
0x269: {  	v45 =	vld [tilespmem:s31+$0x11210]  }
0x26a: {  	v46 =	vld [tilespmem:s31+$0x11220]  }
0x26b: {  	v47 =	vld [tilespmem:s31+$0x11230]  }
0x26c: {  	v48 =	vld [tilespmem:s31+$0x11250]  }
0x26d: {  	v49 =	vld [tilespmem:s31+$0x11260]  }
0x26e: {  	v50 =	vld [tilespmem:s31+$0x11270]  }
0x26f: {  	v51 =	vld [tilespmem:s31+$0x11600]  }
0x270: {  	v52 =	vld [tilespmem:s31+$0x11620]  }
0x271: {  	v53 =	vld [tilespmem:s31+$0x11630]  }
0x272: {  	v54 =	vld [tilespmem:s31+$0x11640]  }
0x273: {  	v55 =	vld [tilespmem:s31+$0x11650]  }
0x274: {  	v56 =	vld [tilespmem:s31+$0x11670]  }
0x275: {  	v57 =	vld [tilespmem:s31+$0x11A00]  }
0x276: {  	v58 =	vld [tilespmem:s31+$0x11A10]  }
0x277: {  	v59 =	vld [tilespmem:s31+$0x11A20]  }
0x278: {  	v60 =	vld [tilespmem:s31+$0x11A40]  }
0x279: {  	v61 =	vld [tilespmem:s31+$0x11A50]  }
0x27a: {  	v62 =	vld [tilespmem:s31+$0x11A60]  }
0x27b: {  	v63 =	vld [tilespmem:s31+$0x11A70]  }
0x27c: {  	[tilespmem:s31+$0x200] =	vst.add.f32.msk $0xffff, v3  }
0x27d: {  	v3 =	vld [tilespmem:s31+$0x10210]  }
0x27e: {  	[tilespmem:s31+$0x220] =	vst.add.f32.msk $0xffff, v4  }
0x27f: {  	[tilespmem:s31+$0x230] =	vst.add.f32.msk $0xffff, v5  }
0x280: {  	[tilespmem:s31+$0x240] =	vst.add.f32.msk $0xffff, v6  }
0x281: {  	[tilespmem:s31+$0x250] =	vst.add.f32.msk $0xffff, v7  }
0x282: {  	[tilespmem:s31+$0x210] =	vst.add.f32.msk $0xffff, v3  }
0x283: {  	v3 =	vld [tilespmem:s31+$0x10260]  }
0x284: {  	[tilespmem:s31+$0x270] =	vst.add.f32.msk $0xffff, v24  }
0x285: {  	[tilespmem:s31+$0x600] =	vst.add.f32.msk $0xffff, v25  }
0x286: {  	[tilespmem:s31+$0x610] =	vst.add.f32.msk $0xffff, v26  }
0x287: {  	[tilespmem:s31+$0x620] =	vst.add.f32.msk $0xffff, v27  }
0x288: {  	[tilespmem:s31+$0x260] =	vst.add.f32.msk $0xffff, v3  }
0x289: {  	v3 =	vld [tilespmem:s31+$0x10630]  }
0x28a: {  	[tilespmem:s31+$0x640] =	vst.add.f32.msk $0xffff, v28  }
0x28b: {  	[tilespmem:s31+$0x650] =	vst.add.f32.msk $0xffff, v29  }
0x28c: {  	[tilespmem:s31+$0x660] =	vst.add.f32.msk $0xffff, v30  }
0x28d: {  	[tilespmem:s31+$0x670] =	vst.add.f32.msk $0xffff, v31  }
0x28e: {  	[tilespmem:s31+$0x630] =	vst.add.f32.msk $0xffff, v3  }
0x28f: {  	v3 =	vld [tilespmem:s31+$0x10A00]  }
0x290: {  	[tilespmem:s31+$0xA10] =	vst.add.f32.msk $0xffff, v32  }
0x291: {  	[tilespmem:s31+$0xA20] =	vst.add.f32.msk $0xffff, v33  }
0x292: {  	[tilespmem:s31+$0xA30] =	vst.add.f32.msk $0xffff, v34  }
0x293: {  	[tilespmem:s31+$0xA40] =	vst.add.f32.msk $0xffff, v35  }
0x294: {  	[tilespmem:s31+$0xA00] =	vst.add.f32.msk $0xffff, v3  }
0x295: {  	v3 =	vld [tilespmem:s31+$0x10A50]  }
0x296: {  	[tilespmem:s31+$0xA60] =	vst.add.f32.msk $0xffff, v36  }
0x297: {  	[tilespmem:s31+$0xA70] =	vst.add.f32.msk $0xffff, v37  }
0x298: {  	[tilespmem:s31+$0xE00] =	vst.add.f32.msk $0xffff, v38  }
0x299: {  	[tilespmem:s31+$0xE10] =	vst.add.f32.msk $0xffff, v39  }
0x29a: {  	[tilespmem:s31+$0xA50] =	vst.add.f32.msk $0xffff, v3  }
0x29b: {  	v3 =	vld [tilespmem:s31+$0x10E20]  }
0x29c: {  	[tilespmem:s31+$0xE30] =	vst.add.f32.msk $0xffff, v40  }
0x29d: {  	[tilespmem:s31+$0xE40] =	vst.add.f32.msk $0xffff, v41  }
0x29e: {  	[tilespmem:s31+$0xE50] =	vst.add.f32.msk $0xffff, v42  }
0x29f: {  	[tilespmem:s31+$0xE60] =	vst.add.f32.msk $0xffff, v43  }
0x2a0: {  	[tilespmem:s31+$0xE20] =	vst.add.f32.msk $0xffff, v3  }
0x2a1: {  	v3 =	vld [tilespmem:s31+$0x10E70]  }
0x2a2: {  	[tilespmem:s31+$0x1200] =	vst.add.f32.msk $0xffff, v44  }
0x2a3: {  	[tilespmem:s31+$0x1210] =	vst.add.f32.msk $0xffff, v45  }
0x2a4: {  	[tilespmem:s31+$0x1220] =	vst.add.f32.msk $0xffff, v46  }
0x2a5: {  	[tilespmem:s31+$0x1230] =	vst.add.f32.msk $0xffff, v47  }
0x2a6: {  	[tilespmem:s31+$0xE70] =	vst.add.f32.msk $0xffff, v3  }
0x2a7: {  	v3 =	vld [tilespmem:s31+$0x11240]  }
0x2a8: {  	[tilespmem:s31+$0x1250] =	vst.add.f32.msk $0xffff, v48  }
0x2a9: {  	[tilespmem:s31+$0x1260] =	vst.add.f32.msk $0xffff, v49  }
0x2aa: {  	[tilespmem:s31+$0x1270] =	vst.add.f32.msk $0xffff, v50  }
0x2ab: {  	[tilespmem:s31+$0x1600] =	vst.add.f32.msk $0xffff, v51  }
0x2ac: {  	[tilespmem:s31+$0x1240] =	vst.add.f32.msk $0xffff, v3  }
0x2ad: {  	v3 =	vld [tilespmem:s31+$0x11610]  }
0x2ae: {  	[tilespmem:s31+$0x1620] =	vst.add.f32.msk $0xffff, v52  }
0x2af: {  	[tilespmem:s31+$0x1630] =	vst.add.f32.msk $0xffff, v53  }
0x2b0: {  	[tilespmem:s31+$0x1640] =	vst.add.f32.msk $0xffff, v54  }
0x2b1: {  	[tilespmem:s31+$0x1650] =	vst.add.f32.msk $0xffff, v55  }
0x2b2: {  	[tilespmem:s31+$0x1610] =	vst.add.f32.msk $0xffff, v3  }
0x2b3: {  	v3 =	vld [tilespmem:s31+$0x11660]  }
0x2b4: {  	[tilespmem:s31+$0x1670] =	vst.add.f32.msk $0xffff, v56  }
0x2b5: {  	[tilespmem:s31+$0x1A00] =	vst.add.f32.msk $0xffff, v57  }
0x2b6: {  	[tilespmem:s31+$0x1A10] =	vst.add.f32.msk $0xffff, v58  }
0x2b7: {  	[tilespmem:s31+$0x1A20] =	vst.add.f32.msk $0xffff, v59  }
0x2b8: {  	[tilespmem:s31+$0x1660] =	vst.add.f32.msk $0xffff, v3  }
0x2b9: {  	v3 =	vld [tilespmem:s31+$0x11A30]  }
0x2ba: {  	[tilespmem:s31+$0x1A40] =	vst.add.f32.msk $0xffff, v60  }
0x2bb: {  	s14 =	sand.u32 $0x7, s29;
	[tilespmem:s31+$0x1A50] =	vst.add.f32.msk $0xffff, v61  }
0x2bc: {  	s14 =	sshll.u32 s14, $0x7;
	[tilespmem:s31+$0x1A60] =	vst.add.f32.msk $0xffff, v62  }
0x2bd: {  	s14 =	sadd.s32 s14, s30;
	[tilespmem:s31+$0x1A70] =	vst.add.f32.msk $0xffff, v63  }
0x2be: {  	[tilespmem:s31+$0x1A30] =	vst.add.f32.msk $0xffff, v3;
	s31 =	sor.u32 $0x1C00, s14  }
0x2bf: {  	v3 =	vld [tilespmem:s31+$0x10200];
	_ =	sdelay $0x4  }
0x2c0: {  	[tilespmem:s31+$0x200] =	vst.add.f32.msk $0xffff, v3;
	s31 =	sor.u32 $0x1C10, s14  }
0x2c1: {  	v3 =	vld [tilespmem:s31+$0x10200];
	_ =	sdelay $0x4  }
0x2c2: {  	[tilespmem:s31+$0x200] =	vst.add.f32.msk $0xffff, v3;
	s31 =	sor.u32 $0x1C20, s14  }
0x2c3: {  	v3 =	vld [tilespmem:s31+$0x10200];
	_ =	sdelay $0x4  }
0x2c4: {  	[tilespmem:s31+$0x200] =	vst.add.f32.msk $0xffff, v3;
	s31 =	sor.u32 $0x1C30, s14  }
0x2c5: {  	v3 =	vld [tilespmem:s31+$0x10200];
	_ =	sdelay $0x4  }
0x2c6: {  	[tilespmem:s31+$0x200] =	vst.add.f32.msk $0xffff, v3;
	s31 =	sor.u32 $0x1C40, s14  }
0x2c7: {  	v3 =	vld [tilespmem:s31+$0x10200];
	_ =	sdelay $0x4  }
0x2c8: {  	[tilespmem:s31+$0x200] =	vst.add.f32.msk $0xffff, v3;
	s31 =	sor.u32 $0x1C50, s14  }
0x2c9: {  	v3 =	vld [tilespmem:s31+$0x10200];
	_ =	sdelay $0x4  }
0x2ca: {  	[tilespmem:s31+$0x200] =	vst.add.f32.msk $0xffff, v3;
	s31 =	sor.u32 $0x1C60, s14  }
0x2cb: {  	v3 =	vld [tilespmem:s31+$0x10200];
	_ =	sdelay $0x4  }
0x2cc: {  	s14 =	sor.u32 $0x1C70, s14;
	[tilespmem:s31+$0x200] =	vst.add.f32.msk $0xffff, v3  }
0x2cd: {  	p2 =	sne.s32 s13, $0xF80;
	v3 =	vld [tilespmem:s14+$0x10200]  }
.Ltmp3:
0x2ce: {  	_ = 	snop;
	(pc) =	sbr.rel @p2 .LBB2_9-.Ltmp3, $3  }
0x2cf: {  	_ =	sdelay $0x1  }
0x2d0: {  	s25 =	sadd.s32 $0x400, s25  }
0x2d1: {  	s13 =	sadd.s32 $0x80, s13;
	s29 =	sadd.s32 $0x1, s29;
	s30 =	sadd.s32 $0x400, s30;
	[tilespmem:s14+$0x200] =	vst.add.f32.msk $0xffff, v3  }
0x2d2: {  	s8 =	sshll.u32 s8, $0x13  }
0x2d3: {  	s8 =	sadd.s32 s8, s18  }
0x2d4: {  	[hbm4b:s8+s3] =	stream.linear.scatter [tilespmem:s26], [sflag:$0x3], $0x8000, $0x38;
	[tilespmem:$0x18200] =	vst v63  }
0x2d5: {  	_ =	swait.ge [sflag:s22], $0x8000  }
0x2d6: {  	[sflag:s22] =	ssyncset.done $0x0  }
0x2d7: {  	[sflag:s22] =	ssyncadd.s32 $0xFFFF8000  }
0x2d8: {  	v3 =	vld @!p1 [tilespmem:$0x100];
	_ =	sdelay $0x4  }
0x2d9: {  	v4 =	vshll.u32 @!p1 v3, $0x3  }
0x2da: {  	v5 =	vlaneseq.u32 @!p1;
	v3 =	vand.u32 @!p1 $0x7, v3;
	v4 =	vand.u32 @!p1 $0xFFFFFFC0, v4  }
0x2db: {  	v6 =	vshrl.u32 @!p1 v5, $0x3;
	v3 =	vor.u32 @!p1 v3, v4;
	v4 =	vand.u32 @!p1 $0x7, v5  }
0x2dc: {  	v6 =	vmul.u32 @!p1 $0x8, v6;
	v7 =	vperm.xlane @!p1 v3, v4;
	_ =	sdelay $0x1  }
0x2dd: {  	v7 =	vadd.s32 @!p1 v6, v7;
	_ =	sdelay $0x3  }
0x2de: {  	vm1 =	vmmov @!p1 $0xffff;
	s13 =	simm.s32 @!p1 $0x200;
	s8 =	simm.s32 @!p1 $0x0  }
0x2df: {  	v5 =	vor.u32 @!p1 $0x8, v5;
	[tilespmem:s13], [sflag:$0x1] =	stream.indirect_vreg.gather @!p1 [hbm4b:s2+s8], $0x80, v7, vm1, $0xb8;
	[tilespmem:$0x18200] =	vst v63  }
0x2e0: {  	v3 =	vperm.xlane @!p1 v3, v5;
	s13 =	simm.s32 @!p1 $0xA00  }
0x2e1: {  	[tilespmem:s13], [sflag:$0x1] =	stream.indirect_vreg.gather @!p1 [hbm4b:s9+s8], $0x80, v7, vm1, $0xb8;
	[tilespmem:$0x18200] =	vst v63  }
0x2e2: {  	v3 =	vadd.s32 @!p1 v6, v3;
	s13 =	simm.s32 @!p1 $0x1200  }
0x2e3: {  	[tilespmem:s13], [sflag:$0x1] =	stream.indirect_vreg.gather @!p1 [hbm4b:s10+s8], $0x80, v7, vm1, $0xb8;
	[tilespmem:$0x18200] =	vst v63  }
0x2e4: {  	s13 =	simm.s32 @!p1 $0x1A00  }
0x2e5: {  	[tilespmem:s13], [sflag:$0x1] =	stream.indirect_vreg.gather @!p1 [hbm4b:s11+s8], $0x80, v7, vm1, $0xb8;
	[tilespmem:$0x18200] =	vst v63  }
0x2e6: {  	s13 =	simm.s32 @!p1 $0x2200  }
0x2e7: {  	[tilespmem:s13], [sflag:$0x1] =	stream.indirect_vreg.gather @!p1 [hbm4b:s2+s8], $0x80, v3, vm1, $0xb8;
	[tilespmem:$0x18200] =	vst v63  }
0x2e8: {  	s13 =	simm.s32 @!p1 $0x2A00  }
0x2e9: {  	[tilespmem:s13], [sflag:$0x1] =	stream.indirect_vreg.gather @!p1 [hbm4b:s9+s8], $0x80, v3, vm1, $0xb8;
	[tilespmem:$0x18200] =	vst v63  }
0x2ea: {  	s13 =	simm.s32 @!p1 $0x3200  }
0x2eb: {  	[tilespmem:s13], [sflag:$0x1] =	stream.indirect_vreg.gather @!p1 [hbm4b:s10+s8], $0x80, v3, vm1, $0xb8;
	[tilespmem:$0x18200] =	vst v63  }
0x2ec: {  	s13 =	simm.s32 @!p1 $0x3A00  }
0x2ed: {  	[tilespmem:s13], [sflag:$0x1] =	stream.indirect_vreg.gather @!p1 [hbm4b:s11+s8], $0x80, v3, vm1, $0xb8;
	[tilespmem:$0x18200] =	vst v63  }
0x2ee: {  	v3 =	vld @!p1 [tilespmem:$0x110];
	_ =	sdelay $0x4  }
0x2ef: {  	v7 =	vshll.u32 @!p1 v3, $0x3  }
0x2f0: {  	v3 =	vand.u32 @!p1 $0x7, v3;
	v7 =	vand.u32 @!p1 $0xFFFFFFC0, v7  }
0x2f1: {  	v3 =	vor.u32 @!p1 v3, v7  }
0x2f2: {  	v4 =	vperm.xlane @!p1 v3, v4;
	_ =	sdelay $0x1  }
0x2f3: {  	v4 =	vadd.s32 @!p1 v6, v4;
	_ =	sdelay $0x3  }
0x2f4: {  	s13 =	simm.s32 @!p1 $0x4200  }
0x2f5: {  	[tilespmem:s13], [sflag:$0x1] =	stream.indirect_vreg.gather @!p1 [hbm4b:s2+s8], $0x80, v4, vm1, $0xb8;
	[tilespmem:$0x18200] =	vst v63  }
0x2f6: {  	v3 =	vperm.xlane @!p1 v3, v5;
	s13 =	simm.s32 @!p1 $0x4A00  }
0x2f7: {  	[tilespmem:s13], [sflag:$0x1] =	stream.indirect_vreg.gather @!p1 [hbm4b:s9+s8], $0x80, v4, vm1, $0xb8;
	[tilespmem:$0x18200] =	vst v63  }
0x2f8: {  	v3 =	vadd.s32 @!p1 v6, v3;
	s13 =	simm.s32 @!p1 $0x5200  }
0x2f9: {  	[tilespmem:s13], [sflag:$0x1] =	stream.indirect_vreg.gather @!p1 [hbm4b:s10+s8], $0x80, v4, vm1, $0xb8;
	[tilespmem:$0x18200] =	vst v63  }
0x2fa: {  	s13 =	simm.s32 @!p1 $0x5A00  }
0x2fb: {  	[tilespmem:s13], [sflag:$0x1] =	stream.indirect_vreg.gather @!p1 [hbm4b:s11+s8], $0x80, v4, vm1, $0xb8;
	[tilespmem:$0x18200] =	vst v63  }
0x2fc: {  	s13 =	simm.s32 @!p1 $0x6200  }
0x2fd: {  	[tilespmem:s13], [sflag:$0x1] =	stream.indirect_vreg.gather @!p1 [hbm4b:s2+s8], $0x80, v3, vm1, $0xb8;
	[tilespmem:$0x18200] =	vst v63  }
0x2fe: {  	s13 =	simm.s32 @!p1 $0x6A00  }
0x2ff: {  	[tilespmem:s13], [sflag:$0x1] =	stream.indirect_vreg.gather @!p1 [hbm4b:s9+s8], $0x80, v3, vm1, $0xb8;
	[tilespmem:$0x18200] =	vst v63  }
0x300: {  	s13 =	simm.s32 @!p1 $0x7200  }
0x301: {  	[tilespmem:s13], [sflag:$0x1] =	stream.indirect_vreg.gather @!p1 [hbm4b:s10+s8], $0x80, v3, vm1, $0xb8;
	[tilespmem:$0x18200] =	vst v63  }
0x302: {  	s13 =	simm.s32 @!p1 $0x7A00  }
0x303: {  	[tilespmem:s13], [sflag:$0x1] =	stream.indirect_vreg.gather @!p1 [hbm4b:s11+s8], $0x80, v3, vm1, $0xb8;
	[tilespmem:$0x18200] =	vst v63  }
0x304: {  	_ =	swait.ge [sflag:s7], $0x8000  }
0x305: {  	s25 =	simm.s32 $0xFFFF8000;
	s29 =	simm.s32 $0x0;
	[sflag:s7] =	ssyncset.done $0x0  }
0x306: {  	s8 =	simm.s32 $0x0;
	s13 =	simm.s32 $0x0;
	[sflag:s7] =	ssyncadd.s32 $0xFFFF8000  }
.LBB2_11:
0x307: {  	s14 =	sadd.s32 $0x8000, s25  }
0x308: {  	s30 =	sand.u32 $0x380, s13;
	s14 =	sand.u32 $0x6000, s14  }
0x309: {  	s30 =	sor.u32 s30, s14  }
0x30a: {  	v3 =	vld [tilespmem:s30+$0x10200]  }
0x30b: {  	v4 =	vld [tilespmem:s30+$0x10220]  }
0x30c: {  	v5 =	vld [tilespmem:s30+$0x10230]  }
0x30d: {  	v6 =	vld [tilespmem:s30+$0x10240]  }
0x30e: {  	v7 =	vld [tilespmem:s30+$0x10250]  }
0x30f: {  	v24 =	vld [tilespmem:s30+$0x10270]  }
0x310: {  	v25 =	vld [tilespmem:s30+$0x10600]  }
0x311: {  	v26 =	vld [tilespmem:s30+$0x10610]  }
0x312: {  	v27 =	vld [tilespmem:s30+$0x10620]  }
0x313: {  	v28 =	vld [tilespmem:s30+$0x10640]  }
0x314: {  	v29 =	vld [tilespmem:s30+$0x10650]  }
0x315: {  	v30 =	vld [tilespmem:s30+$0x10660]  }
0x316: {  	v31 =	vld [tilespmem:s30+$0x10670]  }
0x317: {  	v32 =	vld [tilespmem:s30+$0x10A10]  }
0x318: {  	v33 =	vld [tilespmem:s30+$0x10A20]  }
0x319: {  	v34 =	vld [tilespmem:s30+$0x10A30]  }
0x31a: {  	v35 =	vld [tilespmem:s30+$0x10A40]  }
0x31b: {  	v36 =	vld [tilespmem:s30+$0x10A60]  }
0x31c: {  	v37 =	vld [tilespmem:s30+$0x10A70]  }
0x31d: {  	v38 =	vld [tilespmem:s30+$0x10E00]  }
0x31e: {  	v39 =	vld [tilespmem:s30+$0x10E10]  }
0x31f: {  	v40 =	vld [tilespmem:s30+$0x10E30]  }
0x320: {  	v41 =	vld [tilespmem:s30+$0x10E40]  }
0x321: {  	v42 =	vld [tilespmem:s30+$0x10E50]  }
0x322: {  	v43 =	vld [tilespmem:s30+$0x10E60]  }
0x323: {  	v44 =	vld [tilespmem:s30+$0x11200]  }
0x324: {  	v45 =	vld [tilespmem:s30+$0x11210]  }
0x325: {  	v46 =	vld [tilespmem:s30+$0x11220]  }
0x326: {  	v47 =	vld [tilespmem:s30+$0x11230]  }
0x327: {  	v48 =	vld [tilespmem:s30+$0x11250]  }
0x328: {  	v49 =	vld [tilespmem:s30+$0x11260]  }
0x329: {  	v50 =	vld [tilespmem:s30+$0x11270]  }
0x32a: {  	v51 =	vld [tilespmem:s30+$0x11600]  }
0x32b: {  	v52 =	vld [tilespmem:s30+$0x11620]  }
0x32c: {  	v53 =	vld [tilespmem:s30+$0x11630]  }
0x32d: {  	v54 =	vld [tilespmem:s30+$0x11640]  }
0x32e: {  	v55 =	vld [tilespmem:s30+$0x11650]  }
0x32f: {  	v56 =	vld [tilespmem:s30+$0x11670]  }
0x330: {  	v57 =	vld [tilespmem:s30+$0x11A00]  }
0x331: {  	v58 =	vld [tilespmem:s30+$0x11A10]  }
0x332: {  	v59 =	vld [tilespmem:s30+$0x11A20]  }
0x333: {  	v60 =	vld [tilespmem:s30+$0x11A40]  }
0x334: {  	v61 =	vld [tilespmem:s30+$0x11A50]  }
0x335: {  	v62 =	vld [tilespmem:s30+$0x11A60]  }
0x336: {  	v63 =	vld [tilespmem:s30+$0x11A70]  }
0x337: {  	[tilespmem:s30+$0x8200] =	vst.add.f32.msk $0xffff, v3  }
0x338: {  	v3 =	vld [tilespmem:s30+$0x10210]  }
0x339: {  	[tilespmem:s30+$0x8220] =	vst.add.f32.msk $0xffff, v4  }
0x33a: {  	[tilespmem:s30+$0x8230] =	vst.add.f32.msk $0xffff, v5  }
0x33b: {  	[tilespmem:s30+$0x8240] =	vst.add.f32.msk $0xffff, v6  }
0x33c: {  	[tilespmem:s30+$0x8250] =	vst.add.f32.msk $0xffff, v7  }
0x33d: {  	[tilespmem:s30+$0x8210] =	vst.add.f32.msk $0xffff, v3  }
0x33e: {  	v3 =	vld [tilespmem:s30+$0x10260]  }
0x33f: {  	[tilespmem:s30+$0x8270] =	vst.add.f32.msk $0xffff, v24  }
0x340: {  	[tilespmem:s30+$0x8600] =	vst.add.f32.msk $0xffff, v25  }
0x341: {  	[tilespmem:s30+$0x8610] =	vst.add.f32.msk $0xffff, v26  }
0x342: {  	[tilespmem:s30+$0x8620] =	vst.add.f32.msk $0xffff, v27  }
0x343: {  	[tilespmem:s30+$0x8260] =	vst.add.f32.msk $0xffff, v3  }
0x344: {  	v3 =	vld [tilespmem:s30+$0x10630]  }
0x345: {  	[tilespmem:s30+$0x8640] =	vst.add.f32.msk $0xffff, v28  }
0x346: {  	[tilespmem:s30+$0x8650] =	vst.add.f32.msk $0xffff, v29  }
0x347: {  	[tilespmem:s30+$0x8660] =	vst.add.f32.msk $0xffff, v30  }
0x348: {  	[tilespmem:s30+$0x8670] =	vst.add.f32.msk $0xffff, v31  }
0x349: {  	[tilespmem:s30+$0x8630] =	vst.add.f32.msk $0xffff, v3  }
0x34a: {  	v3 =	vld [tilespmem:s30+$0x10A00]  }
0x34b: {  	[tilespmem:s30+$0x8A10] =	vst.add.f32.msk $0xffff, v32  }
0x34c: {  	[tilespmem:s30+$0x8A20] =	vst.add.f32.msk $0xffff, v33  }
0x34d: {  	[tilespmem:s30+$0x8A30] =	vst.add.f32.msk $0xffff, v34  }
0x34e: {  	[tilespmem:s30+$0x8A40] =	vst.add.f32.msk $0xffff, v35  }
0x34f: {  	[tilespmem:s30+$0x8A00] =	vst.add.f32.msk $0xffff, v3  }
0x350: {  	v3 =	vld [tilespmem:s30+$0x10A50]  }
0x351: {  	[tilespmem:s30+$0x8A60] =	vst.add.f32.msk $0xffff, v36  }
0x352: {  	[tilespmem:s30+$0x8A70] =	vst.add.f32.msk $0xffff, v37  }
0x353: {  	[tilespmem:s30+$0x8E00] =	vst.add.f32.msk $0xffff, v38  }
0x354: {  	[tilespmem:s30+$0x8E10] =	vst.add.f32.msk $0xffff, v39  }
0x355: {  	[tilespmem:s30+$0x8A50] =	vst.add.f32.msk $0xffff, v3  }
0x356: {  	v3 =	vld [tilespmem:s30+$0x10E20]  }
0x357: {  	[tilespmem:s30+$0x8E30] =	vst.add.f32.msk $0xffff, v40  }
0x358: {  	[tilespmem:s30+$0x8E40] =	vst.add.f32.msk $0xffff, v41  }
0x359: {  	[tilespmem:s30+$0x8E50] =	vst.add.f32.msk $0xffff, v42  }
0x35a: {  	[tilespmem:s30+$0x8E60] =	vst.add.f32.msk $0xffff, v43  }
0x35b: {  	[tilespmem:s30+$0x8E20] =	vst.add.f32.msk $0xffff, v3  }
0x35c: {  	v3 =	vld [tilespmem:s30+$0x10E70]  }
0x35d: {  	[tilespmem:s30+$0x9200] =	vst.add.f32.msk $0xffff, v44  }
0x35e: {  	[tilespmem:s30+$0x9210] =	vst.add.f32.msk $0xffff, v45  }
0x35f: {  	[tilespmem:s30+$0x9220] =	vst.add.f32.msk $0xffff, v46  }
0x360: {  	[tilespmem:s30+$0x9230] =	vst.add.f32.msk $0xffff, v47  }
0x361: {  	[tilespmem:s30+$0x8E70] =	vst.add.f32.msk $0xffff, v3  }
0x362: {  	v3 =	vld [tilespmem:s30+$0x11240]  }
0x363: {  	[tilespmem:s30+$0x9250] =	vst.add.f32.msk $0xffff, v48  }
0x364: {  	[tilespmem:s30+$0x9260] =	vst.add.f32.msk $0xffff, v49  }
0x365: {  	[tilespmem:s30+$0x9270] =	vst.add.f32.msk $0xffff, v50  }
0x366: {  	[tilespmem:s30+$0x9600] =	vst.add.f32.msk $0xffff, v51  }
0x367: {  	[tilespmem:s30+$0x9240] =	vst.add.f32.msk $0xffff, v3  }
0x368: {  	v3 =	vld [tilespmem:s30+$0x11610]  }
0x369: {  	[tilespmem:s30+$0x9620] =	vst.add.f32.msk $0xffff, v52  }
0x36a: {  	[tilespmem:s30+$0x9630] =	vst.add.f32.msk $0xffff, v53  }
0x36b: {  	[tilespmem:s30+$0x9640] =	vst.add.f32.msk $0xffff, v54  }
0x36c: {  	[tilespmem:s30+$0x9650] =	vst.add.f32.msk $0xffff, v55  }
0x36d: {  	[tilespmem:s30+$0x9610] =	vst.add.f32.msk $0xffff, v3  }
0x36e: {  	v3 =	vld [tilespmem:s30+$0x11660]  }
0x36f: {  	[tilespmem:s30+$0x9670] =	vst.add.f32.msk $0xffff, v56  }
0x370: {  	[tilespmem:s30+$0x9A00] =	vst.add.f32.msk $0xffff, v57  }
0x371: {  	[tilespmem:s30+$0x9A10] =	vst.add.f32.msk $0xffff, v58  }
0x372: {  	[tilespmem:s30+$0x9A20] =	vst.add.f32.msk $0xffff, v59  }
0x373: {  	[tilespmem:s30+$0x9660] =	vst.add.f32.msk $0xffff, v3  }
0x374: {  	v3 =	vld [tilespmem:s30+$0x11A30]  }
0x375: {  	[tilespmem:s30+$0x9A40] =	vst.add.f32.msk $0xffff, v60  }
0x376: {  	s31 =	sand.u32 $0x7, s8;
	[tilespmem:s30+$0x9A50] =	vst.add.f32.msk $0xffff, v61  }
0x377: {  	s14 =	sshll.u32 s31, $0x7;
	[tilespmem:s30+$0x9A60] =	vst.add.f32.msk $0xffff, v62  }
0x378: {  	s14 =	sadd.s32 s14, s29;
	[tilespmem:s30+$0x9A70] =	vst.add.f32.msk $0xffff, v63  }
0x379: {  	s31 =	sor.u32 $0x1C00, s14;
	[tilespmem:s30+$0x9A30] =	vst.add.f32.msk $0xffff, v3  }
0x37a: {  	v3 =	vld [tilespmem:s31+$0x10200];
	_ =	sdelay $0x4  }
0x37b: {  	[tilespmem:s31+$0x8200] =	vst.add.f32.msk $0xffff, v3;
	s31 =	sor.u32 $0x1C10, s14  }
0x37c: {  	v3 =	vld [tilespmem:s31+$0x10200];
	_ =	sdelay $0x4  }
0x37d: {  	[tilespmem:s31+$0x8200] =	vst.add.f32.msk $0xffff, v3;
	s31 =	sor.u32 $0x1C20, s14  }
0x37e: {  	v3 =	vld [tilespmem:s31+$0x10200];
	_ =	sdelay $0x4  }
0x37f: {  	[tilespmem:s31+$0x8200] =	vst.add.f32.msk $0xffff, v3;
	s31 =	sor.u32 $0x1C30, s14  }
0x380: {  	v3 =	vld [tilespmem:s31+$0x10200];
	_ =	sdelay $0x4  }
0x381: {  	[tilespmem:s31+$0x8200] =	vst.add.f32.msk $0xffff, v3;
	s31 =	sor.u32 $0x1C40, s14  }
0x382: {  	v3 =	vld [tilespmem:s31+$0x10200];
	_ =	sdelay $0x4  }
0x383: {  	[tilespmem:s31+$0x8200] =	vst.add.f32.msk $0xffff, v3;
	s31 =	sor.u32 $0x1C50, s14  }
0x384: {  	v3 =	vld [tilespmem:s31+$0x10200];
	_ =	sdelay $0x4  }
0x385: {  	[tilespmem:s31+$0x8200] =	vst.add.f32.msk $0xffff, v3;
	s31 =	sor.u32 $0x1C60, s14  }
0x386: {  	v3 =	vld [tilespmem:s31+$0x10200];
	_ =	sdelay $0x4  }
0x387: {  	s14 =	sor.u32 $0x1C70, s14;
	[tilespmem:s31+$0x8200] =	vst.add.f32.msk $0xffff, v3  }
0x388: {  	p1 =	sne.s32 s13, $0xF80;
	v3 =	vld [tilespmem:s14+$0x10200]  }
.Ltmp4:
0x389: {  	_ = 	snop;
	(pc) =	sbr.rel @p1 .LBB2_11-.Ltmp4, $3  }
0x38a: {  	_ =	sdelay $0x1  }
0x38b: {  	s8 =	sadd.s32 $0x1, s8  }
0x38c: {  	s25 =	sadd.s32 $0x400, s25;
	s13 =	sadd.s32 $0x80, s13;
	s29 =	sadd.s32 $0x400, s29;
	[tilespmem:s14+$0x8200] =	vst.add.f32.msk $0xffff, v3  }
.Ltmp5:
0x38d: {  	(pc) =	sbr.rel @p0 .LBB2_8-.Ltmp5, $4  }
0x38e: {  	s8 =	sshll.u32 s23, $0x12  }
0x38f: {  	s8 =	sadd.s32 s8, s18  }
0x390: {  	[hbm4b:s8+s3] =	stream.linear.scatter [tilespmem:s28], [sflag:$0x4], $0x8000, $0x38;
	[tilespmem:$0x18200] =	vst v63  }
0x391: {  	p2 =	por $0x0, $0x0;
	p1 =	por $0x1, $0x1;
	s8 =	simm.s32 $0x1  }
0x392: {  	s13 =	simm.s32 $0x4  }
0x393: {  	_ =	swait.ge [sflag:s13], $0x8000  }
0x394: {  	s23 =	rddreg [dreg:$0xe]  }
0x395: {  	s8 =	rddreg [dreg:$0xd];
	s23 =	sadd.s32 $0x1, s23  }
0x396: {  	p0 =	sne.s32 s23, s8  }
.Ltmp6:
0x397: {  	_ = 	snop;
	(pc) =	sbr.rel @p0 .LBB2_1-.Ltmp6, $3  }
0x398: {  	_ =	sdelay $0x1  }
0x399: {  	[sflag:s13] =	ssyncset.done $0x0  }
0x39a: {  	s14 =	simm.s32 $0x80;
	[sflag:s13] =	ssyncadd.s32 $0xFFFF8000  }
0x39b: {  	_ =	sfence.sel $0x180000  }
0x39c: {  	[bflag:$0x0] =	sbarrier.arrive $0xFFFF  }
0x39d: {  	_ =	strace $0x90000047  }
0x39e: {  	s0 =	stileid.u32;
	[bflag:$0x2] =	sbarrier.arrive $0xFFFF  }
0x39f: {  	p0 =	sne.s32 s0, $0x0;
	s0 =	rddreg [dreg:$0x2]  }
0x3a0: {  	s0 =	sadd.s32 @!p0 $0x100000, s0  }
0x3a1: {  	[sflag:s0] =	ssyncadd.tile.s32 @!p0 $0x1;
	_ =	shalt  }
.Lfunc_end2:
_tile_overlayer_lowered:
.L_overlay_start_2:
0x3a2: {  	(tag) =	ssettag $0x2  }
0x3a3: {  	s0 =	rddreg [dreg:$0x0];
	s2 =	stileid.u32  }
0x3a4: {  	s1 =	rddreg [dreg:$0x1];
	p0 =	sne.s32 s2, $0x0  }
0x3a5: {  	s3 =	rddreg [dreg:$0x2];
	[bflag:$0x3] =	sbarrier.arrive $0xFFFF;
	s2 =	simm.s32 @!p0 $0x1C06  }
0x3a6: {  	[timem:s3], [sflag:s2] =	dma.local @!p0 [hbm:s0], s1  }
0x3a7: {  	s0 =	simm.s32 @!p0 $0x6  }
0x3a8: {  	_ =	swait.ge @!p0 [sflag:s0], s1  }
0x3a9: {  	s1 =	ssub.s32 @!p0 $0x0, s1;
	[sflag:s0] =	ssyncset.done @!p0 $0x0  }
0x3aa: {  	[sflag:s0] =	ssyncadd.s32 @!p0 s1  }
0x3ab: {  	[bflag:$0x3] =	sbarrier.arrive $0xFFFF  }
0x3ac: {  	_ =	shalt  }

</sc_bundles>
